<compile_context>
chip_gen: v7x
topology: tpu7x:2x2x1
jax: 0.10.2.dev20260603
libtpu: 0.0.44.dev20260713+nightly
codegen_flags: <defaults>
</compile_context>

<pallas_src>
import jax
import jax.numpy as jnp
from jax import lax
from jax.experimental import pallas as pl
from jax.experimental.pallas import tpu as pltpu
from jax.experimental.pallas import tpu_sc as plsc

_NC = 2
_NS = 16
_NW = _NC * _NS

_B = 8
_H = 28
_HO = 14
_N = _H * _H
_M = _HO * _HO
_C = 16
_OROW = _M * _C
_STRIP = (_B * _M) // _NW


_NCH = (_M + 15) // 16


def _sc_body(mu_hbm, sig_hbm, muo_hbm, sigo_hbm, mub, wtab, murow, quad,
             outrow, semA, semB, semOA, semOB):
    cid = lax.axis_index("c")
    sid = lax.axis_index("s")
    wid = sid * _NC + cid
    b = wid // 4
    m1lo = (wid % 4) * _STRIP
    iota = lax.iota(jnp.int32, 16)

    def _nb(j):
        m1 = m1lo + j
        return (m1 // _HO) * (2 * _H) + 2 * (m1 % _HO)

    nb0 = _nb(0)
    pltpu.async_copy(sig_hbm.at[b, pl.ds(nb0, 2)],
                     quad.at[0, pl.ds(0, 2)], semA)
    pltpu.async_copy(sig_hbm.at[b, pl.ds(nb0 + _H, 2)],
                     quad.at[0, pl.ds(2, 2)], semA)

    def _mu_src(oy):
        return mu_hbm.at[pl.ds(b * (_H * _H * _C) + oy * (2 * _H * _C),
                               2 * _H * _C)]

    pltpu.async_copy(_mu_src(0), mub.at[0], semB)

    def build_oy(oy, _):
        @pl.when(oy + 1 < _HO)
        def _():
            pltpu.async_copy(_mu_src(oy + 1), mub.at[(oy + 1) % 2], semB)

        g = oy % 2
        pltpu.make_async_copy(_mu_src(0), mub.at[g], semB).wait()

        def build_ox(ox, _):
            m2 = oy * _HO + ox
            base = ox * (2 * _C)
            v00 = mub[g, pl.ds(base, 16)]
            v01 = mub[g, pl.ds(base + _C, 16)]
            v10 = mub[g, pl.ds(base + _H * _C, 16)]
            v11 = mub[g, pl.ds(base + _H * _C + _C, 16)]
            m = jnp.maximum(jnp.maximum(v00, v01), jnp.maximum(v10, v11))
            n00 = oy * (2 * _H) + 2 * ox
            n00v = jnp.full((16,), n00, jnp.int32)
            one = jnp.full((16,), 1, jnp.int32)
            hv = jnp.full((16,), _H, jnp.int32)
            i2 = jnp.where(
                v00 == m, n00v,
                jnp.where(v01 == m, n00v + one,
                          jnp.where(v10 == m, n00v + hv, n00v + hv + one)))
            plsc.store_scatter(
                wtab, [iota, jnp.full((16,), m2, jnp.int32)], i2)
            rel = m2 - m1lo

            @pl.when((rel >= 0) & (rel < _STRIP))
            def _():
                murow[pl.ds(rel * _C, 16)] = m

            return 0

        lax.fori_loop(0, _HO, build_ox, 0)
        return 0

    lax.fori_loop(0, _HO, build_oy, 0)
    pltpu.sync_copy(murow,
                    muo_hbm.at[pl.ds(b * _OROW + m1lo * _C, _STRIP * _C)])

    def _fire(j, sem):
        nb = _nb(j)
        h = j % 2
        pltpu.async_copy(sig_hbm.at[b, pl.ds(nb, 2)],
                         quad.at[h, pl.ds(0, 2)], sem)
        pltpu.async_copy(sig_hbm.at[b, pl.ds(nb + _H, 2)],
                         quad.at[h, pl.ds(2, 2)], sem)

    def _drain(j, sem):
        h = j % 2
        for k in range(2):
            pltpu.make_async_copy(sig_hbm.at[b, pl.ds(0, 2)],
                                  quad.at[h, pl.ds(2 * k, 2)], sem).wait()

    def pair(j, _):
        even = (j % 2) == 0
        h = j % 2

        @pl.when(j + 1 < _STRIP)
        def _():
            @pl.when(even)
            def _():
                _fire(j + 1, semB)

            @pl.when(jnp.logical_not(even))
            def _():
                _fire(j + 1, semA)

        @pl.when(even)
        def _():
            _drain(j, semA)

        @pl.when(jnp.logical_not(even))
        def _():
            _drain(j, semB)

        m1 = m1lo + j
        nb = _nb(j)
        i1 = plsc.load_gather(wtab, [iota, jnp.full((16,), m1, jnp.int32)])
        r = i1 - jnp.full((16,), nb, jnp.int32)
        dy = r // jnp.full((16,), _H, jnp.int32)
        dx = r & jnp.full((16,), 1, jnp.int32)
        qselv = dy + dy + dx

        @pl.when((j >= 2) & even)
        def _():
            pltpu.make_async_copy(outrow.at[0], sigo_hbm.at[b, 0],
                                  semOA).wait()

        @pl.when((j >= 2) & jnp.logical_not(even))
        def _():
            pltpu.make_async_copy(outrow.at[1], sigo_hbm.at[b, 0],
                                  semOB).wait()

        hvv = jnp.full((16,), h, jnp.int32)
        for c in range(_C):
            qvv = jnp.full((16,), qselv[c], jnp.int32)
            cvv = jnp.full((16,), c, jnp.int32)

            for k in range(_NCH):
                off = min(k * 16, _M - 16)
                i2v = wtab[c, pl.ds(off, 16)]
                val = plsc.load_gather(quad, [hvv, qvv, cvv, i2v])
                outrow[h, c, pl.ds(off, 16)] = val

        @pl.when(even)
        def _():
            pltpu.async_copy(outrow.at[0], sigo_hbm.at[b, m1], semOA)

        @pl.when(jnp.logical_not(even))
        def _():
            pltpu.async_copy(outrow.at[1], sigo_hbm.at[b, m1], semOB)

        return 0

    lax.fori_loop(0, _STRIP, pair, 0)
    pltpu.make_async_copy(outrow.at[0], sigo_hbm.at[b, 0], semOA).wait()
    pltpu.make_async_copy(outrow.at[1], sigo_hbm.at[b, 0], semOB).wait()


@jax.jit
def _vdp_pool(mu_r, sig_t):
    mesh = plsc.VectorSubcoreMesh(core_axis_name="c", subcore_axis_name="s",
                                  num_cores=_NC, num_subcores=_NS)
    return pl.kernel(
        _sc_body,
        out_type=(
            jax.ShapeDtypeStruct((_B * _M * _C,), jnp.float32),
            jax.ShapeDtypeStruct((_B, _M, _C, _M), jnp.float32),
        ),
        mesh=mesh,
        compiler_params=pltpu.CompilerParams(needs_layout_passes=False),
        scratch_types=[
            pltpu.VMEM((2, 2 * _H * _C), jnp.float32),
            pltpu.VMEM((_C, _M), jnp.int32),
            pltpu.VMEM((_STRIP * _C,), jnp.float32),
            pltpu.VMEM((2, 4, _C, _N), jnp.float32),
            pltpu.VMEM((2, _C, _M), jnp.float32),
            pltpu.SemaphoreType.DMA,
            pltpu.SemaphoreType.DMA,
            pltpu.SemaphoreType.DMA,
            pltpu.SemaphoreType.DMA,
        ],
    )(mu_r, sig_t)


def kernel(mu_in, Sigma_in):
    mu_r = mu_in.reshape(_B * _H * _H * _C)
    sig_t = jnp.transpose(Sigma_in, (0, 1, 3, 2))
    muo, sigo = _vdp_pool(mu_r, sig_t)
    mu_out = muo.reshape(_B, _HO, _HO, _C)
    Sigma_out = jnp.transpose(sigo, (0, 1, 3, 2))
    return mu_out, Sigma_out

# --- scband reference (transcript-rebuilt; emitter-appended) ---
"""Pipeline reference for scband-vdp-max-pooling-31997506355858 (READ-ONLY COPY).

The authoritative reference and input builder live on the scoring server;
editing this copy changes nothing except your own understanding.
"""

import jax, jax.numpy as jnp
import numpy as np


def setup_inputs(seed: int = 0) -> dict:
    key = jax.random.key(seed)
    k1, k2 = jax.random.split(key)
    mu_in = jax.random.normal(k1, (8, 28, 28, 16), dtype=jnp.float32)
    Sigma_in = jax.random.normal(k2, (8, 784, 784, 16), dtype=jnp.float32)
    return {"mu_in": mu_in, "Sigma_in": Sigma_in}


def _maxpool_with_spatial_argmax(mu, P):
    # mu: [B, H, W, C], pooling size/stride P, SAME padding with H,W divisible by P
    B, H, W, C = mu.shape
    Ho, Wo = H // P, W // P
    patches = mu.reshape(B, Ho, P, Wo, P, C).transpose(0, 1, 3, 2, 4, 5).reshape(B, Ho, Wo, P * P, C)
    mu_out = jnp.max(patches, axis=3)                      # [B, Ho, Wo, C]
    loc = jnp.argmax(patches, axis=3).astype(jnp.int32)    # [B, Ho, Wo, C], index in P*P patch
    dy = loc // P
    dx = loc % P
    oy = jnp.arange(Ho, dtype=jnp.int32)[None, :, None, None]
    ox = jnp.arange(Wo, dtype=jnp.int32)[None, None, :, None]
    y = oy * P + dy
    x = ox * P + dx
    # flattened spatial index y*W + x, matching the TF code's index = y_index*hw_in + x_index
    spatial = y * W + x                                     # [B, Ho, Wo, C]
    return mu_out, spatial


def reference(mu_in, Sigma_in):
    P = 2  # pooling_size == pooling_stride == 2, SAME padding
    B, H, W, C = mu_in.shape
    mu_out, spatial = _maxpool_with_spatial_argmax(mu_in, P)
    Ho, Wo = mu_out.shape[1], mu_out.shape[2]
    M = Ho * Wo
    # index: [B, C, M] flattened spatial argmax positions (TF: transpose [0,3,1,2] then reshape)
    idx = spatial.transpose(0, 3, 1, 2).reshape(B, C, M)
    # Sigma_in1 = transpose(Sigma_in, [0,3,1,2]) -> [B, C, N, N] with N = H*W
    Sigma1 = Sigma_in.transpose(0, 3, 1, 2)
    # gather rows (batch_dims=2, axis=2)
    g1 = jnp.take_along_axis(Sigma1, idx[:, :, :, None], axis=2)   # [B, C, M, N]
    # gather cols (batch_dims=2, axis=-1)
    Sigma_out = jnp.take_along_axis(g1, idx[:, :, None, :], axis=3)  # [B, C, M, M]
    Sigma_out = Sigma_out.transpose(0, 2, 3, 1)                      # [B, M, M, C]
    return mu_out, Sigma_out

if __name__ == "__main__":
    import jax
    _d = setup_inputs()
    print(jax.jit(kernel)(*tuple(_d.values())))

</pallas_src>

<mosaic_0001>
#map = affine_map<(d0, d1) -> (0)>
#map1 = affine_map<(d0, d1) -> (0, 0, 0, 0)>
module attributes {stable_mosaic.version = 14 : i64} {
  func.func @_sc_body(%arg0: i32, %arg1: i32, %arg2: memref<100352xf32, #tpu.memory_space<hbm>>, %arg3: memref<8x784x16x784xf32, #tpu.memory_space<hbm>>, %arg4: memref<25088xf32, #tpu.memory_space<hbm>>, %arg5: memref<8x196x16x196xf32, #tpu.memory_space<hbm>>, %arg6: memref<2x896xf32, #tpu.memory_space<vmem>>, %arg7: memref<16x196xi32, #tpu.memory_space<vmem>>, %arg8: memref<784xf32, #tpu.memory_space<vmem>>, %arg9: memref<2x4x16x784xf32, #tpu.memory_space<vmem>>, %arg10: memref<2x16x196xf32, #tpu.memory_space<vmem>>, %arg11: memref<!tpu.dma_semaphore, #tpu.memory_space<semaphore_mem>>, %arg12: memref<!tpu.dma_semaphore, #tpu.memory_space<semaphore_mem>>, %arg13: memref<!tpu.dma_semaphore, #tpu.memory_space<semaphore_mem>>, %arg14: memref<!tpu.dma_semaphore, #tpu.memory_space<semaphore_mem>>) attributes {dimension_semantics = [#tpu.dimension_semantics<core_parallel>, #tpu.dimension_semantics<subcore_parallel>], iteration_bounds = array<i64: 2, 16>, scalar_prefetch = 0 : i64, scratch_operands = 9 : i64, tpu.core_type = #tpu.core_type<sc_vector_subcore>, window_params = [{transform_indices = #map}, {transform_indices = #map1}, {transform_indices = #map}, {transform_indices = #map1}]} {
    %mul3A = arith.constant 2 : i32
    %mul3A_0 = arith.muli %arg1, %mul3A : i32
    %add3A = arith.addi %mul3A_0, %arg0 : i32
    %jit3A = arith.constant 4 : i32
    %div3A = arith.divsi %add3A, %jit3A : i32
    %sign3A = arith.constant 0 : i32
    %sign3A_1 = arith.cmpi sgt, %add3A, %sign3A : i32
    %sign3A_2 = arith.extui %sign3A_1 : i1 to i32
    %sign3A_3 = arith.constant 0 : i32
    %sign3A_4 = arith.cmpi slt, %add3A, %sign3A_3 : i32
    %sign3A_5 = arith.extui %sign3A_4 : i1 to i32
    %sign3A_6 = arith.subi %sign3A_2, %sign3A_5 : i32
    %sign3A_7 = arith.constant 0 : i32
    %sign3A_8 = arith.cmpi sgt, %jit3A, %sign3A_7 : i32
    %sign3A_9 = arith.extui %sign3A_8 : i1 to i32
    %sign3A_10 = arith.constant 0 : i32
    %sign3A_11 = arith.cmpi slt, %jit3A, %sign3A_10 : i32
    %sign3A_12 = arith.extui %sign3A_11 : i1 to i32
    %sign3A_13 = arith.subi %sign3A_9, %sign3A_12 : i32
    %ne3A = arith.cmpi ne, %sign3A_6, %sign3A_13 : i32
    %rem3A = arith.remsi %add3A, %jit3A : i32
    %ne3A_14 = arith.constant 0 : i32
    %ne3A_15 = arith.cmpi ne, %rem3A, %ne3A_14 : i32
    %and3A = arith.andi %ne3A, %ne3A_15 : i1
    %sub3A = arith.constant 1 : i32
    %sub3A_16 = arith.subi %div3A, %sub3A : i32
    %select_n3A = arith.select %and3A, %sub3A_16, %div3A : i32
    %jit3A_17 = arith.constant 4 : i32
    %eq3A = arith.constant 0 : i32
    %eq3A_18 = arith.cmpi eq, %jit3A_17, %eq3A : i32
    %jit3A_19 = arith.constant 1 : i32
    %select_n3A_20 = arith.select %eq3A_18, %jit3A_19, %jit3A_17 : i32
    %rem3A_21 = arith.remsi %add3A, %select_n3A_20 : i32
    %ne3A_22 = arith.constant 0 : i32
    %ne3A_23 = arith.cmpi ne, %rem3A_21, %ne3A_22 : i32
    %lt3A = arith.constant 0 : i32
    %lt3A_24 = arith.cmpi slt, %rem3A_21, %lt3A : i32
    %lt3A_25 = arith.constant 0 : i32
    %lt3A_26 = arith.cmpi slt, %select_n3A_20, %lt3A_25 : i32
    %ne3A_27 = arith.xori %lt3A_24, %lt3A_26 : i1
    %and3A_28 = arith.andi %ne3A_27, %ne3A_23 : i1
    %add3A_29 = arith.addi %rem3A_21, %select_n3A_20 : i32
    %select_n3A_30 = arith.select %and3A_28, %add3A_29, %rem3A_21 : i32
    %mul3A_31 = arith.constant 49 : i32
    %mul3A_32 = arith.muli %select_n3A_30, %mul3A_31 : i32
    %iota3A = tpu.iota {dimensions = array<i32: 0>} : vector<16xi32>
    %add3A_33 = arith.constant 0 : i32
    %add3A_34 = arith.addi %mul3A_32, %add3A_33 : i32
    %jit3A_35 = arith.constant 14 : i32
    %div3A_36 = arith.divsi %add3A_34, %jit3A_35 : i32
    %sign3A_37 = arith.constant 0 : i32
    %sign3A_38 = arith.cmpi sgt, %add3A_34, %sign3A_37 : i32
    %sign3A_39 = arith.extui %sign3A_38 : i1 to i32
    %sign3A_40 = arith.constant 0 : i32
    %sign3A_41 = arith.cmpi slt, %add3A_34, %sign3A_40 : i32
    %sign3A_42 = arith.extui %sign3A_41 : i1 to i32
    %sign3A_43 = arith.subi %sign3A_39, %sign3A_42 : i32
    %sign3A_44 = arith.constant 0 : i32
    %sign3A_45 = arith.cmpi sgt, %jit3A_35, %sign3A_44 : i32
    %sign3A_46 = arith.extui %sign3A_45 : i1 to i32
    %sign3A_47 = arith.constant 0 : i32
    %sign3A_48 = arith.cmpi slt, %jit3A_35, %sign3A_47 : i32
    %sign3A_49 = arith.extui %sign3A_48 : i1 to i32
    %sign3A_50 = arith.subi %sign3A_46, %sign3A_49 : i32
    %ne3A_51 = arith.cmpi ne, %sign3A_43, %sign3A_50 : i32
    %rem3A_52 = arith.remsi %add3A_34, %jit3A_35 : i32
    %ne3A_53 = arith.constant 0 : i32
    %ne3A_54 = arith.cmpi ne, %rem3A_52, %ne3A_53 : i32
    %and3A_55 = arith.andi %ne3A_51, %ne3A_54 : i1
    %sub3A_56 = arith.constant 1 : i32
    %sub3A_57 = arith.subi %div3A_36, %sub3A_56 : i32
    %select_n3A_58 = arith.select %and3A_55, %sub3A_57, %div3A_36 : i32
    %mul3A_59 = arith.constant 56 : i32
    %mul3A_60 = arith.muli %select_n3A_58, %mul3A_59 : i32
    %jit3A_61 = arith.constant 14 : i32
    %eq3A_62 = arith.constant 0 : i32
    %eq3A_63 = arith.cmpi eq, %jit3A_61, %eq3A_62 : i32
    %jit3A_64 = arith.constant 1 : i32
    %select_n3A_65 = arith.select %eq3A_63, %jit3A_64, %jit3A_61 : i32
    %rem3A_66 = arith.remsi %add3A_34, %select_n3A_65 : i32
    %ne3A_67 = arith.constant 0 : i32
    %ne3A_68 = arith.cmpi ne, %rem3A_66, %ne3A_67 : i32
    %lt3A_69 = arith.constant 0 : i32
    %lt3A_70 = arith.cmpi slt, %rem3A_66, %lt3A_69 : i32
    %lt3A_71 = arith.constant 0 : i32
    %lt3A_72 = arith.cmpi slt, %select_n3A_65, %lt3A_71 : i32
    %ne3A_73 = arith.xori %lt3A_70, %lt3A_72 : i1
    %and3A_74 = arith.andi %ne3A_73, %ne3A_68 : i1
    %add3A_75 = arith.addi %rem3A_66, %select_n3A_65 : i32
    %select_n3A_76 = arith.select %and3A_74, %add3A_75, %rem3A_66 : i32
    %mul3A_77 = arith.constant 2 : i32
    %mul3A_78 = arith.muli %mul3A_77, %select_n3A_76 : i32
    %add3A_79 = arith.addi %mul3A_60, %mul3A_78 : i32
    %dma_start3A = arith.constant 0 : i32
    %dma_start3A_80 = arith.constant 0 : i32
    %dma_start3A_81 = arith.constant 0 : i32
    %dma_start3A_82 = arith.constant 0 : i32
    %dma_start3A_83 = tpu.memref_slice %arg9[%dma_start3A, %dma_start3A_80, %dma_start3A_81, %dma_start3A_82] : memref<2x4x16x784xf32, #tpu.memory_space<vmem>> -> memref<1x2x16x784xf32, #tpu.memory_space<vmem>>
    %dma_start3A_84 = tpu.memref_squeeze %dma_start3A_83 : memref<1x2x16x784xf32, #tpu.memory_space<vmem>> -> memref<2x16x784xf32, #tpu.memory_space<vmem>>
    %dma_start3A_85 = arith.constant 0 : i32
    %dma_start3A_86 = arith.constant 0 : i32
    %dma_start3A_87 = tpu.memref_slice %arg3[%select_n3A, %add3A_79, %dma_start3A_85, %dma_start3A_86] : memref<8x784x16x784xf32, #tpu.memory_space<hbm>> -> memref<1x2x16x784xf32, #tpu.memory_space<hbm>>
    %dma_start3A_88 = tpu.memref_squeeze %dma_start3A_87 : memref<1x2x16x784xf32, #tpu.memory_space<hbm>> -> memref<2x16x784xf32, #tpu.memory_space<hbm>>
    %dma_start3A_89 = arith.constant 0 : i32
    %dma_start3A_90 = arith.constant 0 : i32
    %dma_start3A_91 = arith.constant 0 : i32
    %dma_start3A_92 = tpu.memref_slice %arg9[%dma_start3A, %dma_start3A_89, %dma_start3A_90, %dma_start3A_91] : memref<2x4x16x784xf32, #tpu.memory_space<vmem>> -> memref<1x2x16x784xf32, #tpu.memory_space<vmem>>
    %dma_start3A_93 = tpu.memref_squeeze %dma_start3A_92 : memref<1x2x16x784xf32, #tpu.memory_space<vmem>> -> memref<2x16x784xf32, #tpu.memory_space<vmem>>
    %dma_start3A_94 = arith.constant 0 : i32
    %dma_start3A_95 = arith.constant 0 : i32
    %dma_start3A_96 = tpu.memref_slice %arg3[%select_n3A, %add3A_79, %dma_start3A_94, %dma_start3A_95] : memref<8x784x16x784xf32, #tpu.memory_space<hbm>> -> memref<1x2x16x784xf32, #tpu.memory_space<hbm>>
    %dma_start3A_97 = tpu.memref_squeeze %dma_start3A_96 : memref<1x2x16x784xf32, #tpu.memory_space<hbm>> -> memref<2x16x784xf32, #tpu.memory_space<hbm>>
    tpu.enqueue_dma source(%dma_start3A_97 : memref<2x16x784xf32, #tpu.memory_space<hbm>>) target(%dma_start3A_93 : memref<2x16x784xf32, #tpu.memory_space<vmem>>) target_semaphore(%arg11 : memref<!tpu.dma_semaphore, #tpu.memory_space<semaphore_mem>>)
    %add3A_98 = arith.constant 28 : i32
    %add3A_99 = arith.addi %add3A_79, %add3A_98 : i32
    %dma_start3A_100 = arith.constant 0 : i32
    %dma_start3A_101 = arith.constant 2 : i32
    %dma_start3A_102 = arith.constant 0 : i32
    %dma_start3A_103 = arith.constant 0 : i32
    %dma_start3A_104 = tpu.memref_slice %arg9[%dma_start3A_100, %dma_start3A_101, %dma_start3A_102, %dma_start3A_103] : memref<2x4x16x784xf32, #tpu.memory_space<vmem>> -> memref<1x2x16x784xf32, #tpu.memory_space<vmem>>
    %dma_start3A_105 = tpu.memref_squeeze %dma_start3A_104 : memref<1x2x16x784xf32, #tpu.memory_space<vmem>> -> memref<2x16x784xf32, #tpu.memory_space<vmem>>
    %dma_start3A_106 = arith.constant 0 : i32
    %dma_start3A_107 = arith.constant 0 : i32
    %dma_start3A_108 = tpu.memref_slice %arg3[%select_n3A, %add3A_99, %dma_start3A_106, %dma_start3A_107] : memref<8x784x16x784xf32, #tpu.memory_space<hbm>> -> memref<1x2x16x784xf32, #tpu.memory_space<hbm>>
    %dma_start3A_109 = tpu.memref_squeeze %dma_start3A_108 : memref<1x2x16x784xf32, #tpu.memory_space<hbm>> -> memref<2x16x784xf32, #tpu.memory_space<hbm>>
    %dma_start3A_110 = arith.constant 2 : i32
    %dma_start3A_111 = arith.constant 0 : i32
    %dma_start3A_112 = arith.constant 0 : i32
    %dma_start3A_113 = tpu.memref_slice %arg9[%dma_start3A_100, %dma_start3A_110, %dma_start3A_111, %dma_start3A_112] : memref<2x4x16x784xf32, #tpu.memory_space<vmem>> -> memref<1x2x16x784xf32, #tpu.memory_space<vmem>>
    %dma_start3A_114 = tpu.memref_squeeze %dma_start3A_113 : memref<1x2x16x784xf32, #tpu.memory_space<vmem>> -> memref<2x16x784xf32, #tpu.memory_space<vmem>>
    %dma_start3A_115 = arith.constant 0 : i32
    %dma_start3A_116 = arith.constant 0 : i32
    %dma_start3A_117 = tpu.memref_slice %arg3[%select_n3A, %add3A_99, %dma_start3A_115, %dma_start3A_116] : memref<8x784x16x784xf32, #tpu.memory_space<hbm>> -> memref<1x2x16x784xf32, #tpu.memory_space<hbm>>
    %dma_start3A_118 = tpu.memref_squeeze %dma_start3A_117 : memref<1x2x16x784xf32, #tpu.memory_space<hbm>> -> memref<2x16x784xf32, #tpu.memory_space<hbm>>
    tpu.enqueue_dma source(%dma_start3A_118 : memref<2x16x784xf32, #tpu.memory_space<hbm>>) target(%dma_start3A_114 : memref<2x16x784xf32, #tpu.memory_space<vmem>>) target_semaphore(%arg11 : memref<!tpu.dma_semaphore, #tpu.memory_space<semaphore_mem>>)
    %mul3A_119 = arith.constant 12544 : i32
    %mul3A_120 = arith.muli %select_n3A, %mul3A_119 : i32
    %add3A_121 = arith.constant 0 : i32
    %add3A_122 = arith.addi %mul3A_120, %add3A_121 : i32
    %dma_start3A_123 = arith.constant 0 : i32
    %dma_start3A_124 = arith.constant 0 : i32
    %dma_start3A_125 = tpu.memref_slice %arg6[%dma_start3A_123, %dma_start3A_124] : memref<2x896xf32, #tpu.memory_space<vmem>> -> memref<1x896xf32, #tpu.memory_space<vmem>>
    %dma_start3A_126 = tpu.memref_squeeze %dma_start3A_125 : memref<1x896xf32, #tpu.memory_space<vmem>> -> memref<896xf32, #tpu.memory_space<vmem>>
    %dma_start3A_127 = tpu.memref_slice %arg2[%add3A_122] : memref<100352xf32, #tpu.memory_space<hbm>> -> memref<896xf32, #tpu.memory_space<hbm>>
    %dma_start3A_128 = arith.constant 0 : i32
    %dma_start3A_129 = tpu.memref_slice %arg6[%dma_start3A_123, %dma_start3A_128] : memref<2x896xf32, #tpu.memory_space<vmem>> -> memref<1x896xf32, #tpu.memory_space<vmem>>
    %dma_start3A_130 = tpu.memref_squeeze %dma_start3A_129 : memref<1x896xf32, #tpu.memory_space<vmem>> -> memref<896xf32, #tpu.memory_space<vmem>>
    %dma_start3A_131 = tpu.memref_slice %arg2[%add3A_122] : memref<100352xf32, #tpu.memory_space<hbm>> -> memref<896xf32, #tpu.memory_space<hbm>>
    tpu.enqueue_dma source(%dma_start3A_131 : memref<896xf32, #tpu.memory_space<hbm>>) target(%dma_start3A_130 : memref<896xf32, #tpu.memory_space<vmem>>) target_semaphore(%arg12 : memref<!tpu.dma_semaphore, #tpu.memory_space<semaphore_mem>>)
    %scan3A = arith.constant 0 : i32
    %scan3A_132 = arith.constant 0 : i32
    %scan3A_133 = arith.constant 14 : i32
    %scan3A_134 = arith.addi %scan3A_132, %scan3A_133 : i32
    %scan3A_135 = arith.constant 1 : i32
    %scan3A_136 = scf.for %scan3A_185 = %scan3A_132 to %scan3A_134 step %scan3A_135 iter_args(%scan3A_186 = %scan3A) -> (i32)  : i32 {
      %add3A_187 = arith.constant 1 : i32
      %add3A_188 = arith.addi %scan3A_185, %add3A_187 : i32
      %lt3A_189 = arith.constant 14 : i32
      %lt3A_190 = arith.cmpi slt, %add3A_188, %lt3A_189 : i32
      %convert_element_type3A = arith.extui %lt3A_190 : i1 to i32
      %cond3A = arith.constant 0 : i32
      %cond3A_191 = arith.cmpi ne, %convert_element_type3A, %cond3A : i32
      scf.if %cond3A_191 {
        %add3A_228 = arith.constant 1 : i32
        %add3A_229 = arith.addi %scan3A_185, %add3A_228 : i32
        %mul3A_230 = arith.constant 12544 : i32
        %mul3A_231 = arith.muli %select_n3A, %mul3A_230 : i32
        %mul3A_232 = arith.constant 896 : i32
        %mul3A_233 = arith.muli %add3A_229, %mul3A_232 : i32
        %add3A_234 = arith.addi %mul3A_231, %mul3A_233 : i32
        %add3A_235 = arith.constant 1 : i32
        %add3A_236 = arith.addi %scan3A_185, %add3A_235 : i32
        %jit3A_237 = arith.constant 2 : i32
        %eq3A_238 = arith.constant 0 : i32
        %eq3A_239 = arith.cmpi eq, %jit3A_237, %eq3A_238 : i32
        %jit3A_240 = arith.constant 1 : i32
        %select_n3A_241 = arith.select %eq3A_239, %jit3A_240, %jit3A_237 : i32
        %rem3A_242 = arith.remsi %add3A_236, %select_n3A_241 : i32
        %ne3A_243 = arith.constant 0 : i32
        %ne3A_244 = arith.cmpi ne, %rem3A_242, %ne3A_243 : i32
        %lt3A_245 = arith.constant 0 : i32
        %lt3A_246 = arith.cmpi slt, %rem3A_242, %lt3A_245 : i32
        %lt3A_247 = arith.constant 0 : i32
        %lt3A_248 = arith.cmpi slt, %select_n3A_241, %lt3A_247 : i32
        %ne3A_249 = arith.xori %lt3A_246, %lt3A_248 : i1
        %and3A_250 = arith.andi %ne3A_249, %ne3A_244 : i1
        %add3A_251 = arith.addi %rem3A_242, %select_n3A_241 : i32
        %select_n3A_252 = arith.select %and3A_250, %add3A_251, %rem3A_242 : i32
        %dma_start3A_253 = arith.constant 0 : i32
        %dma_start3A_254 = tpu.memref_slice %arg6[%select_n3A_252, %dma_start3A_253] : memref<2x896xf32, #tpu.memory_space<vmem>> -> memref<1x896xf32, #tpu.memory_space<vmem>>
        %dma_start3A_255 = tpu.memref_squeeze %dma_start3A_254 : memref<1x896xf32, #tpu.memory_space<vmem>> -> memref<896xf32, #tpu.memory_space<vmem>>
        %dma_start3A_256 = tpu.memref_slice %arg2[%add3A_234] : memref<100352xf32, #tpu.memory_space<hbm>> -> memref<896xf32, #tpu.memory_space<hbm>>
        %dma_start3A_257 = arith.constant 0 : i32
        %dma_start3A_258 = tpu.memref_slice %arg6[%select_n3A_252, %dma_start3A_257] : memref<2x896xf32, #tpu.memory_space<vmem>> -> memref<1x896xf32, #tpu.memory_space<vmem>>
        %dma_start3A_259 = tpu.memref_squeeze %dma_start3A_258 : memref<1x896xf32, #tpu.memory_space<vmem>> -> memref<896xf32, #tpu.memory_space<vmem>>
        %dma_start3A_260 = tpu.memref_slice %arg2[%add3A_234] : memref<100352xf32, #tpu.memory_space<hbm>> -> memref<896xf32, #tpu.memory_space<hbm>>
        tpu.enqueue_dma source(%dma_start3A_260 : memref<896xf32, #tpu.memory_space<hbm>>) target(%dma_start3A_259 : memref<896xf32, #tpu.memory_space<vmem>>) target_semaphore(%arg12 : memref<!tpu.dma_semaphore, #tpu.memory_space<semaphore_mem>>)
      } else {
      }
      %jit3A_192 = arith.constant 2 : i32
      %eq3A_193 = arith.constant 0 : i32
      %eq3A_194 = arith.cmpi eq, %jit3A_192, %eq3A_193 : i32
      %jit3A_195 = arith.constant 1 : i32
      %select_n3A_196 = arith.select %eq3A_194, %jit3A_195, %jit3A_192 : i32
      %rem3A_197 = arith.remsi %scan3A_185, %select_n3A_196 : i32
      %ne3A_198 = arith.constant 0 : i32
      %ne3A_199 = arith.cmpi ne, %rem3A_197, %ne3A_198 : i32
      %lt3A_200 = arith.constant 0 : i32
      %lt3A_201 = arith.cmpi slt, %rem3A_197, %lt3A_200 : i32
      %lt3A_202 = arith.constant 0 : i32
      %lt3A_203 = arith.cmpi slt, %select_n3A_196, %lt3A_202 : i32
      %ne3A_204 = arith.xori %lt3A_201, %lt3A_203 : i1
      %and3A_205 = arith.andi %ne3A_204, %ne3A_199 : i1
      %add3A_206 = arith.addi %rem3A_197, %select_n3A_196 : i32
      %select_n3A_207 = arith.select %and3A_205, %add3A_206, %rem3A_197 : i32
      %mul3A_208 = arith.constant 12544 : i32
      %mul3A_209 = arith.muli %select_n3A, %mul3A_208 : i32
      %add3A_210 = arith.constant 0 : i32
      %add3A_211 = arith.addi %mul3A_209, %add3A_210 : i32
      %dma_wait3A_212 = arith.constant 0 : i32
      %dma_wait3A_213 = tpu.memref_slice %arg6[%select_n3A_207, %dma_wait3A_212] : memref<2x896xf32, #tpu.memory_space<vmem>> -> memref<1x896xf32, #tpu.memory_space<vmem>>
      %dma_wait3A_214 = tpu.memref_squeeze %dma_wait3A_213 : memref<1x896xf32, #tpu.memory_space<vmem>> -> memref<896xf32, #tpu.memory_space<vmem>>
      %dma_wait3A_215 = tpu.memref_slice %arg2[%add3A_211] : memref<100352xf32, #tpu.memory_space<hbm>> -> memref<896xf32, #tpu.memory_space<hbm>>
      %dma_wait3A_216 = arith.constant 0 : i32
      %dma_wait3A_217 = tpu.memref_slice %arg6[%select_n3A_207, %dma_wait3A_216] : memref<2x896xf32, #tpu.memory_space<vmem>> -> memref<1x896xf32, #tpu.memory_space<vmem>>
      %dma_wait3A_218 = tpu.memref_squeeze %dma_wait3A_217 : memref<1x896xf32, #tpu.memory_space<vmem>> -> memref<896xf32, #tpu.memory_space<vmem>>
      %dma_wait3A_219 = tpu.memref_slice %arg2[%add3A_211] : memref<100352xf32, #tpu.memory_space<hbm>> -> memref<896xf32, #tpu.memory_space<hbm>>
      tpu.wait_dma2 semaphore(%arg12 : memref<!tpu.dma_semaphore, #tpu.memory_space<semaphore_mem>>) src(%dma_wait3A_219 : memref<896xf32, #tpu.memory_space<hbm>>) dst(%dma_wait3A_218 : memref<896xf32, #tpu.memory_space<vmem>>)
      %scan3A_220 = arith.constant 0 : i32
      %scan3A_221 = arith.constant 0 : i32
      %scan3A_222 = arith.constant 14 : i32
      %scan3A_223 = arith.addi %scan3A_221, %scan3A_222 : i32
      %scan3A_224 = arith.constant 1 : i32
      %scan3A_225 = scf.for %scan3A_228 = %scan3A_221 to %scan3A_223 step %scan3A_224 iter_args(%scan3A_229 = %scan3A_220) -> (i32)  : i32 {
        %mul3A_230 = arith.constant 14 : i32
        %mul3A_231 = arith.muli %scan3A_185, %mul3A_230 : i32
        %add3A_232 = arith.addi %mul3A_231, %scan3A_228 : i32
        %mul3A_233 = arith.constant 32 : i32
        %mul3A_234 = arith.muli %scan3A_228, %mul3A_233 : i32
        %get3A = arith.index_cast %select_n3A_207 : i32 to index
        %get3A_235 = arith.index_cast %mul3A_234 : i32 to index
        %get3A_236 = tpu.vector_load %arg6[%get3A, %get3A_235] {strides = array<i32>} : memref<2x896xf32, #tpu.memory_space<vmem>>, vector<16xf32>,
        %add3A_237 = arith.constant 16 : i32
        %add3A_238 = arith.addi %mul3A_234, %add3A_237 : i32
        %get3A_239 = arith.index_cast %select_n3A_207 : i32 to index
        %get3A_240 = arith.index_cast %add3A_238 : i32 to index
        %get3A_241 = tpu.vector_load %arg6[%get3A_239, %get3A_240] {strides = array<i32>} : memref<2x896xf32, #tpu.memory_space<vmem>>, vector<16xf32>,
        %add3A_242 = arith.constant 448 : i32
        %add3A_243 = arith.addi %mul3A_234, %add3A_242 : i32
        %get3A_244 = arith.index_cast %select_n3A_207 : i32 to index
        %get3A_245 = arith.index_cast %add3A_243 : i32 to index
        %get3A_246 = tpu.vector_load %arg6[%get3A_244, %get3A_245] {strides = array<i32>} : memref<2x896xf32, #tpu.memory_space<vmem>>, vector<16xf32>,
        %add3A_247 = arith.constant 448 : i32
        %add3A_248 = arith.addi %mul3A_234, %add3A_247 : i32
        %add3A_249 = arith.constant 16 : i32
        %add3A_250 = arith.addi %add3A_248, %add3A_249 : i32
        %get3A_251 = arith.index_cast %select_n3A_207 : i32 to index
        %get3A_252 = arith.index_cast %add3A_250 : i32 to index
        %get3A_253 = tpu.vector_load %arg6[%get3A_251, %get3A_252] {strides = array<i32>} : memref<2x896xf32, #tpu.memory_space<vmem>>, vector<16xf32>,
        %max3A = arith.maximumf %get3A_236, %get3A_241 : vector<16xf32>
        %max3A_254 = arith.maximumf %get3A_246, %get3A_253 : vector<16xf32>
        %max3A_255 = arith.maximumf %max3A, %max3A_254 : vector<16xf32>
        %mul3A_256 = arith.constant 56 : i32
        %mul3A_257 = arith.muli %scan3A_185, %mul3A_256 : i32
        %mul3A_258 = arith.constant 2 : i32
        %mul3A_259 = arith.muli %mul3A_258, %scan3A_228 : i32
        %add3A_260 = arith.addi %mul3A_257, %mul3A_259 : i32
        %broadcast_in_dim3A = vector.broadcast %add3A_260 : i32 to vector<16xi32>
        %broadcast_in_dim3A_261 = arith.constant 1 : i32
        %broadcast_in_dim3A_262 = vector.broadcast %broadcast_in_dim3A_261 : i32 to vector<16xi32>
        %broadcast_in_dim3A_263 = arith.constant 28 : i32
        %broadcast_in_dim3A_264 = vector.broadcast %broadcast_in_dim3A_263 : i32 to vector<16xi32>
        %eq3A_265 = arith.cmpf oeq, %get3A_236, %max3A_255 : vector<16xf32>
        %eq3A_266 = arith.cmpf oeq, %get3A_241, %max3A_255 : vector<16xf32>
        %add3A_267 = arith.addi %broadcast_in_dim3A, %broadcast_in_dim3A_262 : vector<16xi32>
        %eq3A_268 = arith.cmpf oeq, %get3A_246, %max3A_255 : vector<16xf32>
        %add3A_269 = arith.addi %broadcast_in_dim3A, %broadcast_in_dim3A_264 : vector<16xi32>
        %add3A_270 = arith.addi %broadcast_in_dim3A, %broadcast_in_dim3A_264 : vector<16xi32>
        %add3A_271 = arith.addi %add3A_270, %broadcast_in_dim3A_262 : vector<16xi32>
        %select_n3A_272 = arith.select %eq3A_268, %add3A_269, %add3A_271 : vector<16xi1>, vector<16xi32>
        %select_n3A_273 = arith.select %eq3A_266, %add3A_267, %select_n3A_272 : vector<16xi1>, vector<16xi32>
        %select_n3A_274 = arith.select %eq3A_265, %broadcast_in_dim3A, %select_n3A_273 : vector<16xi1>, vector<16xi32>
        %broadcast_in_dim3A_275 = vector.broadcast %add3A_232 : i32 to vector<16xi32>
        tpu.vector_store_idx %arg7[%iota3A, %broadcast_in_dim3A_275], %select_n3A_274 : memref<16x196xi32, #tpu.memory_space<vmem>>[vector<16xi32>, vector<16xi32>], vector<16xi32>,
        %sub3A_276 = arith.subi %add3A_232, %mul3A_32 : i32
        %ge3A = arith.constant 0 : i32
        %ge3A_277 = arith.cmpi sge, %sub3A_276, %ge3A : i32
        %lt3A_278 = arith.constant 49 : i32
        %lt3A_279 = arith.cmpi slt, %sub3A_276, %lt3A_278 : i32
        %and3A_280 = arith.andi %ge3A_277, %lt3A_279 : i1
        %convert_element_type3A_281 = arith.extui %and3A_280 : i1 to i32
        %cond3A_282 = arith.constant 0 : i32
        %cond3A_283 = arith.cmpi ne, %convert_element_type3A_281, %cond3A_282 : i32
        scf.if %cond3A_283 {
          %mul3A_285 = arith.constant 16 : i32
          %mul3A_286 = arith.muli %sub3A_276, %mul3A_285 : i32
          %swap3A = arith.index_cast %mul3A_286 : i32 to index
          %swap3A_287 = tpu.vector_load %arg8[%swap3A] {strides = array<i32>} : memref<784xf32, #tpu.memory_space<vmem>>, vector<16xf32>,
          tpu.vector_store %arg8[%swap3A], %max3A_255 {strides = array<i32>} : memref<784xf32, #tpu.memory_space<vmem>>, vector<16xf32>,
        } else {
        }
        %scan3A_284 = arith.constant 0 : i32
        scf.yield %scan3A_284 : i32
      }
      %scan3A_226 = arith.constant 14 : i32
      %scan3A_227 = arith.constant 0 : i32
      scf.yield %scan3A_227 : i32
    }
    %scan3A_137 = arith.constant 14 : i32
    %mul3A_138 = arith.constant 3136 : i32
    %mul3A_139 = arith.muli %select_n3A, %mul3A_138 : i32
    %mul3A_140 = arith.constant 16 : i32
    %mul3A_141 = arith.muli %mul3A_32, %mul3A_140 : i32
    %add3A_142 = arith.addi %mul3A_139, %mul3A_141 : i32
    "tpu.region"() ({
      %run_scoped3A = tpu.sem_alloc : memref<!tpu.dma_semaphore, #tpu.memory_space<semaphore_mem>>
      %dma_start3A_185 = tpu.memref_slice %arg4[%add3A_142] : memref<25088xf32, #tpu.memory_space<hbm>> -> memref<784xf32, #tpu.memory_space<hbm>>
      %dma_start3A_186 = tpu.memref_slice %arg4[%add3A_142] : memref<25088xf32, #tpu.memory_space<hbm>> -> memref<784xf32, #tpu.memory_space<hbm>>
      tpu.enqueue_dma source(%arg8 : memref<784xf32, #tpu.memory_space<vmem>>) target(%dma_start3A_186 : memref<784xf32, #tpu.memory_space<hbm>>) target_semaphore(%run_scoped3A : memref<!tpu.dma_semaphore, #tpu.memory_space<semaphore_mem>>)
      %dma_wait3A_187 = tpu.memref_slice %arg4[%add3A_142] : memref<25088xf32, #tpu.memory_space<hbm>> -> memref<784xf32, #tpu.memory_space<hbm>>
      %dma_wait3A_188 = tpu.memref_slice %arg4[%add3A_142] : memref<25088xf32, #tpu.memory_space<hbm>> -> memref<784xf32, #tpu.memory_space<hbm>>
      tpu.wait_dma2 semaphore(%run_scoped3A : memref<!tpu.dma_semaphore, #tpu.memory_space<semaphore_mem>>) src(%arg8 : memref<784xf32, #tpu.memory_space<vmem>>) dst(%dma_wait3A_188 : memref<784xf32, #tpu.memory_space<hbm>>)
      tpu.yield
    }) : () -> ()
    %scan3A_143 = arith.constant 0 : i32
    %scan3A_144 = arith.constant 0 : i32
    %scan3A_145 = arith.constant 49 : i32
    %scan3A_146 = arith.addi %scan3A_144, %scan3A_145 : i32
    %scan3A_147 = arith.constant 1 : i32
    %scan3A_148 = scf.for %scan3A_185 = %scan3A_144 to %scan3A_146 step %scan3A_147 iter_args(%scan3A_186 = %scan3A_143) -> (i32)  : i32 {
      %jit3A_187 = arith.constant 2 : i32
      %eq3A_188 = arith.constant 0 : i32
      %eq3A_189 = arith.cmpi eq, %jit3A_187, %eq3A_188 : i32
      %jit3A_190 = arith.constant 1 : i32
      %select_n3A_191 = arith.select %eq3A_189, %jit3A_190, %jit3A_187 : i32
      %rem3A_192 = arith.remsi %scan3A_185, %select_n3A_191 : i32
      %ne3A_193 = arith.constant 0 : i32
      %ne3A_194 = arith.cmpi ne, %rem3A_192, %ne3A_193 : i32
      %lt3A_195 = arith.constant 0 : i32
      %lt3A_196 = arith.cmpi slt, %rem3A_192, %lt3A_195 : i32
      %lt3A_197 = arith.constant 0 : i32
      %lt3A_198 = arith.cmpi slt, %select_n3A_191, %lt3A_197 : i32
      %ne3A_199 = arith.xori %lt3A_196, %lt3A_198 : i1
      %and3A_200 = arith.andi %ne3A_199, %ne3A_194 : i1
      %add3A_201 = arith.addi %rem3A_192, %select_n3A_191 : i32
      %select_n3A_202 = arith.select %and3A_200, %add3A_201, %rem3A_192 : i32
      %eq3A_203 = arith.constant 0 : i32
      %eq3A_204 = arith.cmpi eq, %select_n3A_202, %eq3A_203 : i32
      %jit3A_205 = arith.constant 2 : i32
      %eq3A_206 = arith.constant 0 : i32
      %eq3A_207 = arith.cmpi eq, %jit3A_205, %eq3A_206 : i32
      %jit3A_208 = arith.constant 1 : i32
      %select_n3A_209 = arith.select %eq3A_207, %jit3A_208, %jit3A_205 : i32
      %rem3A_210 = arith.remsi %scan3A_185, %select_n3A_209 : i32
      %ne3A_211 = arith.constant 0 : i32
      %ne3A_212 = arith.cmpi ne, %rem3A_210, %ne3A_211 : i32
      %lt3A_213 = arith.constant 0 : i32
      %lt3A_214 = arith.cmpi slt, %rem3A_210, %lt3A_213 : i32
      %lt3A_215 = arith.constant 0 : i32
      %lt3A_216 = arith.cmpi slt, %select_n3A_209, %lt3A_215 : i32
      %ne3A_217 = arith.xori %lt3A_214, %lt3A_216 : i1
      %and3A_218 = arith.andi %ne3A_217, %ne3A_212 : i1
      %add3A_219 = arith.addi %rem3A_210, %select_n3A_209 : i32
      %select_n3A_220 = arith.select %and3A_218, %add3A_219, %rem3A_210 : i32
      %add3A_221 = arith.constant 1 : i32
      %add3A_222 = arith.addi %scan3A_185, %add3A_221 : i32
      %lt3A_223 = arith.constant 49 : i32
      %lt3A_224 = arith.cmpi slt, %add3A_222, %lt3A_223 : i32
      %convert_element_type3A = arith.extui %lt3A_224 : i1 to i32
      %cond3A = arith.constant 0 : i32
      %cond3A_225 = arith.cmpi ne, %convert_element_type3A, %cond3A : i32
      scf.if %cond3A_225 {
        %convert_element_type3A_2497 = arith.extui %eq3A_204 : i1 to i32
        %cond3A_2498 = arith.constant 0 : i32
        %cond3A_2499 = arith.cmpi ne, %convert_element_type3A_2497, %cond3A_2498 : i32
        scf.if %cond3A_2499 {
          %add3A_2505 = arith.constant 1 : i32
          %add3A_2506 = arith.addi %scan3A_185, %add3A_2505 : i32
          %add3A_2507 = arith.addi %mul3A_32, %add3A_2506 : i32
          %jit3A_2508 = arith.constant 14 : i32
          %div3A_2509 = arith.divsi %add3A_2507, %jit3A_2508 : i32
          %sign3A_2510 = arith.constant 0 : i32
          %sign3A_2511 = arith.cmpi sgt, %add3A_2507, %sign3A_2510 : i32
          %sign3A_2512 = arith.extui %sign3A_2511 : i1 to i32
          %sign3A_2513 = arith.constant 0 : i32
          %sign3A_2514 = arith.cmpi slt, %add3A_2507, %sign3A_2513 : i32
          %sign3A_2515 = arith.extui %sign3A_2514 : i1 to i32
          %sign3A_2516 = arith.subi %sign3A_2512, %sign3A_2515 : i32
          %sign3A_2517 = arith.constant 0 : i32
          %sign3A_2518 = arith.cmpi sgt, %jit3A_2508, %sign3A_2517 : i32
          %sign3A_2519 = arith.extui %sign3A_2518 : i1 to i32
          %sign3A_2520 = arith.constant 0 : i32
          %sign3A_2521 = arith.cmpi slt, %jit3A_2508, %sign3A_2520 : i32
          %sign3A_2522 = arith.extui %sign3A_2521 : i1 to i32
          %sign3A_2523 = arith.subi %sign3A_2519, %sign3A_2522 : i32
          %ne3A_2524 = arith.cmpi ne, %sign3A_2516, %sign3A_2523 : i32
          %rem3A_2525 = arith.remsi %add3A_2507, %jit3A_2508 : i32
          %ne3A_2526 = arith.constant 0 : i32
          %ne3A_2527 = arith.cmpi ne, %rem3A_2525, %ne3A_2526 : i32
          %and3A_2528 = arith.andi %ne3A_2524, %ne3A_2527 : i1
          %sub3A_2529 = arith.constant 1 : i32
          %sub3A_2530 = arith.subi %div3A_2509, %sub3A_2529 : i32
          %select_n3A_2531 = arith.select %and3A_2528, %sub3A_2530, %div3A_2509 : i32
          %mul3A_2532 = arith.constant 56 : i32
          %mul3A_2533 = arith.muli %select_n3A_2531, %mul3A_2532 : i32
          %jit3A_2534 = arith.constant 14 : i32
          %eq3A_2535 = arith.constant 0 : i32
          %eq3A_2536 = arith.cmpi eq, %jit3A_2534, %eq3A_2535 : i32
          %jit3A_2537 = arith.constant 1 : i32
          %select_n3A_2538 = arith.select %eq3A_2536, %jit3A_2537, %jit3A_2534 : i32
          %rem3A_2539 = arith.remsi %add3A_2507, %select_n3A_2538 : i32
          %ne3A_2540 = arith.constant 0 : i32
          %ne3A_2541 = arith.cmpi ne, %rem3A_2539, %ne3A_2540 : i32
          %lt3A_2542 = arith.constant 0 : i32
          %lt3A_2543 = arith.cmpi slt, %rem3A_2539, %lt3A_2542 : i32
          %lt3A_2544 = arith.constant 0 : i32
          %lt3A_2545 = arith.cmpi slt, %select_n3A_2538, %lt3A_2544 : i32
          %ne3A_2546 = arith.xori %lt3A_2543, %lt3A_2545 : i1
          %and3A_2547 = arith.andi %ne3A_2546, %ne3A_2541 : i1
          %add3A_2548 = arith.addi %rem3A_2539, %select_n3A_2538 : i32
          %select_n3A_2549 = arith.select %and3A_2547, %add3A_2548, %rem3A_2539 : i32
          %mul3A_2550 = arith.constant 2 : i32
          %mul3A_2551 = arith.muli %mul3A_2550, %select_n3A_2549 : i32
          %add3A_2552 = arith.addi %mul3A_2533, %mul3A_2551 : i32
          %jit3A_2553 = arith.constant 2 : i32
          %eq3A_2554 = arith.constant 0 : i32
          %eq3A_2555 = arith.cmpi eq, %jit3A_2553, %eq3A_2554 : i32
          %jit3A_2556 = arith.constant 1 : i32
          %select_n3A_2557 = arith.select %eq3A_2555, %jit3A_2556, %jit3A_2553 : i32
          %rem3A_2558 = arith.remsi %add3A_2506, %select_n3A_2557 : i32
          %ne3A_2559 = arith.constant 0 : i32
          %ne3A_2560 = arith.cmpi ne, %rem3A_2558, %ne3A_2559 : i32
          %lt3A_2561 = arith.constant 0 : i32
          %lt3A_2562 = arith.cmpi slt, %rem3A_2558, %lt3A_2561 : i32
          %lt3A_2563 = arith.constant 0 : i32
          %lt3A_2564 = arith.cmpi slt, %select_n3A_2557, %lt3A_2563 : i32
          %ne3A_2565 = arith.xori %lt3A_2562, %lt3A_2564 : i1
          %and3A_2566 = arith.andi %ne3A_2565, %ne3A_2560 : i1
          %add3A_2567 = arith.addi %rem3A_2558, %select_n3A_2557 : i32
          %select_n3A_2568 = arith.select %and3A_2566, %add3A_2567, %rem3A_2558 : i32
          %dma_start3A_2569 = arith.constant 0 : i32
          %dma_start3A_2570 = arith.constant 0 : i32
          %dma_start3A_2571 = arith.constant 0 : i32
          %dma_start3A_2572 = tpu.memref_slice %arg9[%select_n3A_2568, %dma_start3A_2569, %dma_start3A_2570, %dma_start3A_2571] : memref<2x4x16x784xf32, #tpu.memory_space<vmem>> -> memref<1x2x16x784xf32, #tpu.memory_space<vmem>>
          %dma_start3A_2573 = tpu.memref_squeeze %dma_start3A_2572 : memref<1x2x16x784xf32, #tpu.memory_space<vmem>> -> memref<2x16x784xf32, #tpu.memory_space<vmem>>
          %dma_start3A_2574 = arith.constant 0 : i32
          %dma_start3A_2575 = arith.constant 0 : i32
          %dma_start3A_2576 = tpu.memref_slice %arg3[%select_n3A, %add3A_2552, %dma_start3A_2574, %dma_start3A_2575] : memref<8x784x16x784xf32, #tpu.memory_space<hbm>> -> memref<1x2x16x784xf32, #tpu.memory_space<hbm>>
          %dma_start3A_2577 = tpu.memref_squeeze %dma_start3A_2576 : memref<1x2x16x784xf32, #tpu.memory_space<hbm>> -> memref<2x16x784xf32, #tpu.memory_space<hbm>>
          %dma_start3A_2578 = arith.constant 0 : i32
          %dma_start3A_2579 = arith.constant 0 : i32
          %dma_start3A_2580 = arith.constant 0 : i32
          %dma_start3A_2581 = tpu.memref_slice %arg9[%select_n3A_2568, %dma_start3A_2578, %dma_start3A_2579, %dma_start3A_2580] : memref<2x4x16x784xf32, #tpu.memory_space<vmem>> -> memref<1x2x16x784xf32, #tpu.memory_space<vmem>>
          %dma_start3A_2582 = tpu.memref_squeeze %dma_start3A_2581 : memref<1x2x16x784xf32, #tpu.memory_space<vmem>> -> memref<2x16x784xf32, #tpu.memory_space<vmem>>
          %dma_start3A_2583 = arith.constant 0 : i32
          %dma_start3A_2584 = arith.constant 0 : i32
          %dma_start3A_2585 = tpu.memref_slice %arg3[%select_n3A, %add3A_2552, %dma_start3A_2583, %dma_start3A_2584] : memref<8x784x16x784xf32, #tpu.memory_space<hbm>> -> memref<1x2x16x784xf32, #tpu.memory_space<hbm>>
          %dma_start3A_2586 = tpu.memref_squeeze %dma_start3A_2585 : memref<1x2x16x784xf32, #tpu.memory_space<hbm>> -> memref<2x16x784xf32, #tpu.memory_space<hbm>>
          tpu.enqueue_dma source(%dma_start3A_2586 : memref<2x16x784xf32, #tpu.memory_space<hbm>>) target(%dma_start3A_2582 : memref<2x16x784xf32, #tpu.memory_space<vmem>>) target_semaphore(%arg12 : memref<!tpu.dma_semaphore, #tpu.memory_space<semaphore_mem>>)
          %add3A_2587 = arith.constant 28 : i32
          %add3A_2588 = arith.addi %add3A_2552, %add3A_2587 : i32
          %dma_start3A_2589 = arith.constant 2 : i32
          %dma_start3A_2590 = arith.constant 0 : i32
          %dma_start3A_2591 = arith.constant 0 : i32
          %dma_start3A_2592 = tpu.memref_slice %arg9[%select_n3A_2568, %dma_start3A_2589, %dma_start3A_2590, %dma_start3A_2591] : memref<2x4x16x784xf32, #tpu.memory_space<vmem>> -> memref<1x2x16x784xf32, #tpu.memory_space<vmem>>
          %dma_start3A_2593 = tpu.memref_squeeze %dma_start3A_2592 : memref<1x2x16x784xf32, #tpu.memory_space<vmem>> -> memref<2x16x784xf32, #tpu.memory_space<vmem>>
          %dma_start3A_2594 = arith.constant 0 : i32
          %dma_start3A_2595 = arith.constant 0 : i32
          %dma_start3A_2596 = tpu.memref_slice %arg3[%select_n3A, %add3A_2588, %dma_start3A_2594, %dma_start3A_2595] : memref<8x784x16x784xf32, #tpu.memory_space<hbm>> -> memref<1x2x16x784xf32, #tpu.memory_space<hbm>>
          %dma_start3A_2597 = tpu.memref_squeeze %dma_start3A_2596 : memref<1x2x16x784xf32, #tpu.memory_space<hbm>> -> memref<2x16x784xf32, #tpu.memory_space<hbm>>
          %dma_start3A_2598 = arith.constant 2 : i32
          %dma_start3A_2599 = arith.constant 0 : i32
          %dma_start3A_2600 = arith.constant 0 : i32
          %dma_start3A_2601 = tpu.memref_slice %arg9[%select_n3A_2568, %dma_start3A_2598, %dma_start3A_2599, %dma_start3A_2600] : memref<2x4x16x784xf32, #tpu.memory_space<vmem>> -> memref<1x2x16x784xf32, #tpu.memory_space<vmem>>
          %dma_start3A_2602 = tpu.memref_squeeze %dma_start3A_2601 : memref<1x2x16x784xf32, #tpu.memory_space<vmem>> -> memref<2x16x784xf32, #tpu.memory_space<vmem>>
          %dma_start3A_2603 = arith.constant 0 : i32
          %dma_start3A_2604 = arith.constant 0 : i32
          %dma_start3A_2605 = tpu.memref_slice %arg3[%select_n3A, %add3A_2588, %dma_start3A_2603, %dma_start3A_2604] : memref<8x784x16x784xf32, #tpu.memory_space<hbm>> -> memref<1x2x16x784xf32, #tpu.memory_space<hbm>>
          %dma_start3A_2606 = tpu.memref_squeeze %dma_start3A_2605 : memref<1x2x16x784xf32, #tpu.memory_space<hbm>> -> memref<2x16x784xf32, #tpu.memory_space<hbm>>
          tpu.enqueue_dma source(%dma_start3A_2606 : memref<2x16x784xf32, #tpu.memory_space<hbm>>) target(%dma_start3A_2602 : memref<2x16x784xf32, #tpu.memory_space<vmem>>) target_semaphore(%arg12 : memref<!tpu.dma_semaphore, #tpu.memory_space<semaphore_mem>>)
        } else {
        }
        %not3A_2500 = arith.constant true
        %not3A_2501 = arith.xori %eq3A_204, %not3A_2500 : i1
        %convert_element_type3A_2502 = arith.extui %not3A_2501 : i1 to i32
        %cond3A_2503 = arith.constant 0 : i32
        %cond3A_2504 = arith.cmpi ne, %convert_element_type3A_2502, %cond3A_2503 : i32
        scf.if %cond3A_2504 {
          %add3A_2505 = arith.constant 1 : i32
          %add3A_2506 = arith.addi %scan3A_185, %add3A_2505 : i32
          %add3A_2507 = arith.addi %mul3A_32, %add3A_2506 : i32
          %jit3A_2508 = arith.constant 14 : i32
          %div3A_2509 = arith.divsi %add3A_2507, %jit3A_2508 : i32
          %sign3A_2510 = arith.constant 0 : i32
          %sign3A_2511 = arith.cmpi sgt, %add3A_2507, %sign3A_2510 : i32
          %sign3A_2512 = arith.extui %sign3A_2511 : i1 to i32
          %sign3A_2513 = arith.constant 0 : i32
          %sign3A_2514 = arith.cmpi slt, %add3A_2507, %sign3A_2513 : i32
          %sign3A_2515 = arith.extui %sign3A_2514 : i1 to i32
          %sign3A_2516 = arith.subi %sign3A_2512, %sign3A_2515 : i32
          %sign3A_2517 = arith.constant 0 : i32
          %sign3A_2518 = arith.cmpi sgt, %jit3A_2508, %sign3A_2517 : i32
          %sign3A_2519 = arith.extui %sign3A_2518 : i1 to i32
          %sign3A_2520 = arith.constant 0 : i32
          %sign3A_2521 = arith.cmpi slt, %jit3A_2508, %sign3A_2520 : i32
          %sign3A_2522 = arith.extui %sign3A_2521 : i1 to i32
          %sign3A_2523 = arith.subi %sign3A_2519, %sign3A_2522 : i32
          %ne3A_2524 = arith.cmpi ne, %sign3A_2516, %sign3A_2523 : i32
          %rem3A_2525 = arith.remsi %add3A_2507, %jit3A_2508 : i32
          %ne3A_2526 = arith.constant 0 : i32
          %ne3A_2527 = arith.cmpi ne, %rem3A_2525, %ne3A_2526 : i32
          %and3A_2528 = arith.andi %ne3A_2524, %ne3A_2527 : i1
          %sub3A_2529 = arith.constant 1 : i32
          %sub3A_2530 = arith.subi %div3A_2509, %sub3A_2529 : i32
          %select_n3A_2531 = arith.select %and3A_2528, %sub3A_2530, %div3A_2509 : i32
          %mul3A_2532 = arith.constant 56 : i32
          %mul3A_2533 = arith.muli %select_n3A_2531, %mul3A_2532 : i32
          %jit3A_2534 = arith.constant 14 : i32
          %eq3A_2535 = arith.constant 0 : i32
          %eq3A_2536 = arith.cmpi eq, %jit3A_2534, %eq3A_2535 : i32
          %jit3A_2537 = arith.constant 1 : i32
          %select_n3A_2538 = arith.select %eq3A_2536, %jit3A_2537, %jit3A_2534 : i32
          %rem3A_2539 = arith.remsi %add3A_2507, %select_n3A_2538 : i32
          %ne3A_2540 = arith.constant 0 : i32
          %ne3A_2541 = arith.cmpi ne, %rem3A_2539, %ne3A_2540 : i32
          %lt3A_2542 = arith.constant 0 : i32
          %lt3A_2543 = arith.cmpi slt, %rem3A_2539, %lt3A_2542 : i32
          %lt3A_2544 = arith.constant 0 : i32
          %lt3A_2545 = arith.cmpi slt, %select_n3A_2538, %lt3A_2544 : i32
          %ne3A_2546 = arith.xori %lt3A_2543, %lt3A_2545 : i1
          %and3A_2547 = arith.andi %ne3A_2546, %ne3A_2541 : i1
          %add3A_2548 = arith.addi %rem3A_2539, %select_n3A_2538 : i32
          %select_n3A_2549 = arith.select %and3A_2547, %add3A_2548, %rem3A_2539 : i32
          %mul3A_2550 = arith.constant 2 : i32
          %mul3A_2551 = arith.muli %mul3A_2550, %select_n3A_2549 : i32
          %add3A_2552 = arith.addi %mul3A_2533, %mul3A_2551 : i32
          %jit3A_2553 = arith.constant 2 : i32
          %eq3A_2554 = arith.constant 0 : i32
          %eq3A_2555 = arith.cmpi eq, %jit3A_2553, %eq3A_2554 : i32
          %jit3A_2556 = arith.constant 1 : i32
          %select_n3A_2557 = arith.select %eq3A_2555, %jit3A_2556, %jit3A_2553 : i32
          %rem3A_2558 = arith.remsi %add3A_2506, %select_n3A_2557 : i32
          %ne3A_2559 = arith.constant 0 : i32
          %ne3A_2560 = arith.cmpi ne, %rem3A_2558, %ne3A_2559 : i32
          %lt3A_2561 = arith.constant 0 : i32
          %lt3A_2562 = arith.cmpi slt, %rem3A_2558, %lt3A_2561 : i32
          %lt3A_2563 = arith.constant 0 : i32
          %lt3A_2564 = arith.cmpi slt, %select_n3A_2557, %lt3A_2563 : i32
          %ne3A_2565 = arith.xori %lt3A_2562, %lt3A_2564 : i1
          %and3A_2566 = arith.andi %ne3A_2565, %ne3A_2560 : i1
          %add3A_2567 = arith.addi %rem3A_2558, %select_n3A_2557 : i32
          %select_n3A_2568 = arith.select %and3A_2566, %add3A_2567, %rem3A_2558 : i32
          %dma_start3A_2569 = arith.constant 0 : i32
          %dma_start3A_2570 = arith.constant 0 : i32
          %dma_start3A_2571 = arith.constant 0 : i32
          %dma_start3A_2572 = tpu.memref_slice %arg9[%select_n3A_2568, %dma_start3A_2569, %dma_start3A_2570, %dma_start3A_2571] : memref<2x4x16x784xf32, #tpu.memory_space<vmem>> -> memref<1x2x16x784xf32, #tpu.memory_space<vmem>>
          %dma_start3A_2573 = tpu.memref_squeeze %dma_start3A_2572 : memref<1x2x16x784xf32, #tpu.memory_space<vmem>> -> memref<2x16x784xf32, #tpu.memory_space<vmem>>
          %dma_start3A_2574 = arith.constant 0 : i32
          %dma_start3A_2575 = arith.constant 0 : i32
          %dma_start3A_2576 = tpu.memref_slice %arg3[%select_n3A, %add3A_2552, %dma_start3A_2574, %dma_start3A_2575] : memref<8x784x16x784xf32, #tpu.memory_space<hbm>> -> memref<1x2x16x784xf32, #tpu.memory_space<hbm>>
          %dma_start3A_2577 = tpu.memref_squeeze %dma_start3A_2576 : memref<1x2x16x784xf32, #tpu.memory_space<hbm>> -> memref<2x16x784xf32, #tpu.memory_space<hbm>>
          %dma_start3A_2578 = arith.constant 0 : i32
          %dma_start3A_2579 = arith.constant 0 : i32
          %dma_start3A_2580 = arith.constant 0 : i32
          %dma_start3A_2581 = tpu.memref_slice %arg9[%select_n3A_2568, %dma_start3A_2578, %dma_start3A_2579, %dma_start3A_2580] : memref<2x4x16x784xf32, #tpu.memory_space<vmem>> -> memref<1x2x16x784xf32, #tpu.memory_space<vmem>>
          %dma_start3A_2582 = tpu.memref_squeeze %dma_start3A_2581 : memref<1x2x16x784xf32, #tpu.memory_space<vmem>> -> memref<2x16x784xf32, #tpu.memory_space<vmem>>
          %dma_start3A_2583 = arith.constant 0 : i32
          %dma_start3A_2584 = arith.constant 0 : i32
          %dma_start3A_2585 = tpu.memref_slice %arg3[%select_n3A, %add3A_2552, %dma_start3A_2583, %dma_start3A_2584] : memref<8x784x16x784xf32, #tpu.memory_space<hbm>> -> memref<1x2x16x784xf32, #tpu.memory_space<hbm>>
          %dma_start3A_2586 = tpu.memref_squeeze %dma_start3A_2585 : memref<1x2x16x784xf32, #tpu.memory_space<hbm>> -> memref<2x16x784xf32, #tpu.memory_space<hbm>>
          tpu.enqueue_dma source(%dma_start3A_2586 : memref<2x16x784xf32, #tpu.memory_space<hbm>>) target(%dma_start3A_2582 : memref<2x16x784xf32, #tpu.memory_space<vmem>>) target_semaphore(%arg11 : memref<!tpu.dma_semaphore, #tpu.memory_space<semaphore_mem>>)
          %add3A_2587 = arith.constant 28 : i32
          %add3A_2588 = arith.addi %add3A_2552, %add3A_2587 : i32
          %dma_start3A_2589 = arith.constant 2 : i32
          %dma_start3A_2590 = arith.constant 0 : i32
          %dma_start3A_2591 = arith.constant 0 : i32
          %dma_start3A_2592 = tpu.memref_slice %arg9[%select_n3A_2568, %dma_start3A_2589, %dma_start3A_2590, %dma_start3A_2591] : memref<2x4x16x784xf32, #tpu.memory_space<vmem>> -> memref<1x2x16x784xf32, #tpu.memory_space<vmem>>
          %dma_start3A_2593 = tpu.memref_squeeze %dma_start3A_2592 : memref<1x2x16x784xf32, #tpu.memory_space<vmem>> -> memref<2x16x784xf32, #tpu.memory_space<vmem>>
          %dma_start3A_2594 = arith.constant 0 : i32
          %dma_start3A_2595 = arith.constant 0 : i32
          %dma_start3A_2596 = tpu.memref_slice %arg3[%select_n3A, %add3A_2588, %dma_start3A_2594, %dma_start3A_2595] : memref<8x784x16x784xf32, #tpu.memory_space<hbm>> -> memref<1x2x16x784xf32, #tpu.memory_space<hbm>>
          %dma_start3A_2597 = tpu.memref_squeeze %dma_start3A_2596 : memref<1x2x16x784xf32, #tpu.memory_space<hbm>> -> memref<2x16x784xf32, #tpu.memory_space<hbm>>
          %dma_start3A_2598 = arith.constant 2 : i32
          %dma_start3A_2599 = arith.constant 0 : i32
          %dma_start3A_2600 = arith.constant 0 : i32
          %dma_start3A_2601 = tpu.memref_slice %arg9[%select_n3A_2568, %dma_start3A_2598, %dma_start3A_2599, %dma_start3A_2600] : memref<2x4x16x784xf32, #tpu.memory_space<vmem>> -> memref<1x2x16x784xf32, #tpu.memory_space<vmem>>
          %dma_start3A_2602 = tpu.memref_squeeze %dma_start3A_2601 : memref<1x2x16x784xf32, #tpu.memory_space<vmem>> -> memref<2x16x784xf32, #tpu.memory_space<vmem>>
          %dma_start3A_2603 = arith.constant 0 : i32
          %dma_start3A_2604 = arith.constant 0 : i32
          %dma_start3A_2605 = tpu.memref_slice %arg3[%select_n3A, %add3A_2588, %dma_start3A_2603, %dma_start3A_2604] : memref<8x784x16x784xf32, #tpu.memory_space<hbm>> -> memref<1x2x16x784xf32, #tpu.memory_space<hbm>>
          %dma_start3A_2606 = tpu.memref_squeeze %dma_start3A_2605 : memref<1x2x16x784xf32, #tpu.memory_space<hbm>> -> memref<2x16x784xf32, #tpu.memory_space<hbm>>
          tpu.enqueue_dma source(%dma_start3A_2606 : memref<2x16x784xf32, #tpu.memory_space<hbm>>) target(%dma_start3A_2602 : memref<2x16x784xf32, #tpu.memory_space<vmem>>) target_semaphore(%arg11 : memref<!tpu.dma_semaphore, #tpu.memory_space<semaphore_mem>>)
        } else {
        }
      } else {
      }
      %convert_element_type3A_226 = arith.extui %eq3A_204 : i1 to i32
      %cond3A_227 = arith.constant 0 : i32
      %cond3A_228 = arith.cmpi ne, %convert_element_type3A_226, %cond3A_227 : i32
      scf.if %cond3A_228 {
        %jit3A_2497 = arith.constant 2 : i32
        %eq3A_2498 = arith.constant 0 : i32
        %eq3A_2499 = arith.cmpi eq, %jit3A_2497, %eq3A_2498 : i32
        %jit3A_2500 = arith.constant 1 : i32
        %select_n3A_2501 = arith.select %eq3A_2499, %jit3A_2500, %jit3A_2497 : i32
        %rem3A_2502 = arith.remsi %scan3A_185, %select_n3A_2501 : i32
        %ne3A_2503 = arith.constant 0 : i32
        %ne3A_2504 = arith.cmpi ne, %rem3A_2502, %ne3A_2503 : i32
        %lt3A_2505 = arith.constant 0 : i32
        %lt3A_2506 = arith.cmpi slt, %rem3A_2502, %lt3A_2505 : i32
        %lt3A_2507 = arith.constant 0 : i32
        %lt3A_2508 = arith.cmpi slt, %select_n3A_2501, %lt3A_2507 : i32
        %ne3A_2509 = arith.xori %lt3A_2506, %lt3A_2508 : i1
        %and3A_2510 = arith.andi %ne3A_2509, %ne3A_2504 : i1
        %add3A_2511 = arith.addi %rem3A_2502, %select_n3A_2501 : i32
        %select_n3A_2512 = arith.select %and3A_2510, %add3A_2511, %rem3A_2502 : i32
        %dma_wait3A_2513 = arith.constant 0 : i32
        %dma_wait3A_2514 = arith.constant 0 : i32
        %dma_wait3A_2515 = arith.constant 0 : i32
        %dma_wait3A_2516 = tpu.memref_slice %arg9[%select_n3A_2512, %dma_wait3A_2513, %dma_wait3A_2514, %dma_wait3A_2515] : memref<2x4x16x784xf32, #tpu.memory_space<vmem>> -> memref<1x2x16x784xf32, #tpu.memory_space<vmem>>
        %dma_wait3A_2517 = tpu.memref_squeeze %dma_wait3A_2516 : memref<1x2x16x784xf32, #tpu.memory_space<vmem>> -> memref<2x16x784xf32, #tpu.memory_space<vmem>>
        %dma_wait3A_2518 = arith.constant 0 : i32
        %dma_wait3A_2519 = arith.constant 0 : i32
        %dma_wait3A_2520 = arith.constant 0 : i32
        %dma_wait3A_2521 = tpu.memref_slice %arg3[%select_n3A, %dma_wait3A_2518, %dma_wait3A_2519, %dma_wait3A_2520] : memref<8x784x16x784xf32, #tpu.memory_space<hbm>> -> memref<1x2x16x784xf32, #tpu.memory_space<hbm>>
        %dma_wait3A_2522 = tpu.memref_squeeze %dma_wait3A_2521 : memref<1x2x16x784xf32, #tpu.memory_space<hbm>> -> memref<2x16x784xf32, #tpu.memory_space<hbm>>
        %dma_wait3A_2523 = arith.constant 0 : i32
        %dma_wait3A_2524 = arith.constant 0 : i32
        %dma_wait3A_2525 = arith.constant 0 : i32
        %dma_wait3A_2526 = tpu.memref_slice %arg9[%select_n3A_2512, %dma_wait3A_2523, %dma_wait3A_2524, %dma_wait3A_2525] : memref<2x4x16x784xf32, #tpu.memory_space<vmem>> -> memref<1x2x16x784xf32, #tpu.memory_space<vmem>>
        %dma_wait3A_2527 = tpu.memref_squeeze %dma_wait3A_2526 : memref<1x2x16x784xf32, #tpu.memory_space<vmem>> -> memref<2x16x784xf32, #tpu.memory_space<vmem>>
        %dma_wait3A_2528 = arith.constant 0 : i32
        %dma_wait3A_2529 = arith.constant 0 : i32
        %dma_wait3A_2530 = arith.constant 0 : i32
        %dma_wait3A_2531 = tpu.memref_slice %arg3[%select_n3A, %dma_wait3A_2528, %dma_wait3A_2529, %dma_wait3A_2530] : memref<8x784x16x784xf32, #tpu.memory_space<hbm>> -> memref<1x2x16x784xf32, #tpu.memory_space<hbm>>
        %dma_wait3A_2532 = tpu.memref_squeeze %dma_wait3A_2531 : memref<1x2x16x784xf32, #tpu.memory_space<hbm>> -> memref<2x16x784xf32, #tpu.memory_space<hbm>>
        tpu.wait_dma2 semaphore(%arg11 : memref<!tpu.dma_semaphore, #tpu.memory_space<semaphore_mem>>) src(%dma_wait3A_2532 : memref<2x16x784xf32, #tpu.memory_space<hbm>>) dst(%dma_wait3A_2527 : memref<2x16x784xf32, #tpu.memory_space<vmem>>)
        %dma_wait3A_2533 = arith.constant 2 : i32
        %dma_wait3A_2534 = arith.constant 0 : i32
        %dma_wait3A_2535 = arith.constant 0 : i32
        %dma_wait3A_2536 = tpu.memref_slice %arg9[%select_n3A_2512, %dma_wait3A_2533, %dma_wait3A_2534, %dma_wait3A_2535] : memref<2x4x16x784xf32, #tpu.memory_space<vmem>> -> memref<1x2x16x784xf32, #tpu.memory_space<vmem>>
        %dma_wait3A_2537 = tpu.memref_squeeze %dma_wait3A_2536 : memref<1x2x16x784xf32, #tpu.memory_space<vmem>> -> memref<2x16x784xf32, #tpu.memory_space<vmem>>
        %dma_wait3A_2538 = arith.constant 0 : i32
        %dma_wait3A_2539 = arith.constant 0 : i32
        %dma_wait3A_2540 = arith.constant 0 : i32
        %dma_wait3A_2541 = tpu.memref_slice %arg3[%select_n3A, %dma_wait3A_2538, %dma_wait3A_2539, %dma_wait3A_2540] : memref<8x784x16x784xf32, #tpu.memory_space<hbm>> -> memref<1x2x16x784xf32, #tpu.memory_space<hbm>>
        %dma_wait3A_2542 = tpu.memref_squeeze %dma_wait3A_2541 : memref<1x2x16x784xf32, #tpu.memory_space<hbm>> -> memref<2x16x784xf32, #tpu.memory_space<hbm>>
        %dma_wait3A_2543 = arith.constant 2 : i32
        %dma_wait3A_2544 = arith.constant 0 : i32
        %dma_wait3A_2545 = arith.constant 0 : i32
        %dma_wait3A_2546 = tpu.memref_slice %arg9[%select_n3A_2512, %dma_wait3A_2543, %dma_wait3A_2544, %dma_wait3A_2545] : memref<2x4x16x784xf32, #tpu.memory_space<vmem>> -> memref<1x2x16x784xf32, #tpu.memory_space<vmem>>
        %dma_wait3A_2547 = tpu.memref_squeeze %dma_wait3A_2546 : memref<1x2x16x784xf32, #tpu.memory_space<vmem>> -> memref<2x16x784xf32, #tpu.memory_space<vmem>>
        %dma_wait3A_2548 = arith.constant 0 : i32
        %dma_wait3A_2549 = arith.constant 0 : i32
        %dma_wait3A_2550 = arith.constant 0 : i32
        %dma_wait3A_2551 = tpu.memref_slice %arg3[%select_n3A, %dma_wait3A_2548, %dma_wait3A_2549, %dma_wait3A_2550] : memref<8x784x16x784xf32, #tpu.memory_space<hbm>> -> memref<1x2x16x784xf32, #tpu.memory_space<hbm>>
        %dma_wait3A_2552 = tpu.memref_squeeze %dma_wait3A_2551 : memref<1x2x16x784xf32, #tpu.memory_space<hbm>> -> memref<2x16x784xf32, #tpu.memory_space<hbm>>
        tpu.wait_dma2 semaphore(%arg11 : memref<!tpu.dma_semaphore, #tpu.memory_space<semaphore_mem>>) src(%dma_wait3A_2552 : memref<2x16x784xf32, #tpu.memory_space<hbm>>) dst(%dma_wait3A_2547 : memref<2x16x784xf32, #tpu.memory_space<vmem>>)
      } else {
      }
      %not3A = arith.constant true
      %not3A_229 = arith.xori %eq3A_204, %not3A : i1
      %convert_element_type3A_230 = arith.extui %not3A_229 : i1 to i32
      %cond3A_231 = arith.constant 0 : i32
      %cond3A_232 = arith.cmpi ne, %convert_element_type3A_230, %cond3A_231 : i32
      scf.if %cond3A_232 {
        %jit3A_2497 = arith.constant 2 : i32
        %eq3A_2498 = arith.constant 0 : i32
        %eq3A_2499 = arith.cmpi eq, %jit3A_2497, %eq3A_2498 : i32
        %jit3A_2500 = arith.constant 1 : i32
        %select_n3A_2501 = arith.select %eq3A_2499, %jit3A_2500, %jit3A_2497 : i32
        %rem3A_2502 = arith.remsi %scan3A_185, %select_n3A_2501 : i32
        %ne3A_2503 = arith.constant 0 : i32
        %ne3A_2504 = arith.cmpi ne, %rem3A_2502, %ne3A_2503 : i32
        %lt3A_2505 = arith.constant 0 : i32
        %lt3A_2506 = arith.cmpi slt, %rem3A_2502, %lt3A_2505 : i32
        %lt3A_2507 = arith.constant 0 : i32
        %lt3A_2508 = arith.cmpi slt, %select_n3A_2501, %lt3A_2507 : i32
        %ne3A_2509 = arith.xori %lt3A_2506, %lt3A_2508 : i1
        %and3A_2510 = arith.andi %ne3A_2509, %ne3A_2504 : i1
        %add3A_2511 = arith.addi %rem3A_2502, %select_n3A_2501 : i32
        %select_n3A_2512 = arith.select %and3A_2510, %add3A_2511, %rem3A_2502 : i32
        %dma_wait3A_2513 = arith.constant 0 : i32
        %dma_wait3A_2514 = arith.constant 0 : i32
        %dma_wait3A_2515 = arith.constant 0 : i32
        %dma_wait3A_2516 = tpu.memref_slice %arg9[%select_n3A_2512, %dma_wait3A_2513, %dma_wait3A_2514, %dma_wait3A_2515] : memref<2x4x16x784xf32, #tpu.memory_space<vmem>> -> memref<1x2x16x784xf32, #tpu.memory_space<vmem>>
        %dma_wait3A_2517 = tpu.memref_squeeze %dma_wait3A_2516 : memref<1x2x16x784xf32, #tpu.memory_space<vmem>> -> memref<2x16x784xf32, #tpu.memory_space<vmem>>
        %dma_wait3A_2518 = arith.constant 0 : i32
        %dma_wait3A_2519 = arith.constant 0 : i32
        %dma_wait3A_2520 = arith.constant 0 : i32
        %dma_wait3A_2521 = tpu.memref_slice %arg3[%select_n3A, %dma_wait3A_2518, %dma_wait3A_2519, %dma_wait3A_2520] : memref<8x784x16x784xf32, #tpu.memory_space<hbm>> -> memref<1x2x16x784xf32, #tpu.memory_space<hbm>>
        %dma_wait3A_2522 = tpu.memref_squeeze %dma_wait3A_2521 : memref<1x2x16x784xf32, #tpu.memory_space<hbm>> -> memref<2x16x784xf32, #tpu.memory_space<hbm>>
        %dma_wait3A_2523 = arith.constant 0 : i32
        %dma_wait3A_2524 = arith.constant 0 : i32
        %dma_wait3A_2525 = arith.constant 0 : i32
        %dma_wait3A_2526 = tpu.memref_slice %arg9[%select_n3A_2512, %dma_wait3A_2523, %dma_wait3A_2524, %dma_wait3A_2525] : memref<2x4x16x784xf32, #tpu.memory_space<vmem>> -> memref<1x2x16x784xf32, #tpu.memory_space<vmem>>
        %dma_wait3A_2527 = tpu.memref_squeeze %dma_wait3A_2526 : memref<1x2x16x784xf32, #tpu.memory_space<vmem>> -> memref<2x16x784xf32, #tpu.memory_space<vmem>>
        %dma_wait3A_2528 = arith.constant 0 : i32
        %dma_wait3A_2529 = arith.constant 0 : i32
        %dma_wait3A_2530 = arith.constant 0 : i32
        %dma_wait3A_2531 = tpu.memref_slice %arg3[%select_n3A, %dma_wait3A_2528, %dma_wait3A_2529, %dma_wait3A_2530] : memref<8x784x16x784xf32, #tpu.memory_space<hbm>> -> memref<1x2x16x784xf32, #tpu.memory_space<hbm>>
        %dma_wait3A_2532 = tpu.memref_squeeze %dma_wait3A_2531 : memref<1x2x16x784xf32, #tpu.memory_space<hbm>> -> memref<2x16x784xf32, #tpu.memory_space<hbm>>
        tpu.wait_dma2 semaphore(%arg12 : memref<!tpu.dma_semaphore, #tpu.memory_space<semaphore_mem>>) src(%dma_wait3A_2532 : memref<2x16x784xf32, #tpu.memory_space<hbm>>) dst(%dma_wait3A_2527 : memref<2x16x784xf32, #tpu.memory_space<vmem>>)
        %dma_wait3A_2533 = arith.constant 2 : i32
        %dma_wait3A_2534 = arith.constant 0 : i32
        %dma_wait3A_2535 = arith.constant 0 : i32
        %dma_wait3A_2536 = tpu.memref_slice %arg9[%select_n3A_2512, %dma_wait3A_2533, %dma_wait3A_2534, %dma_wait3A_2535] : memref<2x4x16x784xf32, #tpu.memory_space<vmem>> -> memref<1x2x16x784xf32, #tpu.memory_space<vmem>>
        %dma_wait3A_2537 = tpu.memref_squeeze %dma_wait3A_2536 : memref<1x2x16x784xf32, #tpu.memory_space<vmem>> -> memref<2x16x784xf32, #tpu.memory_space<vmem>>
        %dma_wait3A_2538 = arith.constant 0 : i32
        %dma_wait3A_2539 = arith.constant 0 : i32
        %dma_wait3A_2540 = arith.constant 0 : i32
        %dma_wait3A_2541 = tpu.memref_slice %arg3[%select_n3A, %dma_wait3A_2538, %dma_wait3A_2539, %dma_wait3A_2540] : memref<8x784x16x784xf32, #tpu.memory_space<hbm>> -> memref<1x2x16x784xf32, #tpu.memory_space<hbm>>
        %dma_wait3A_2542 = tpu.memref_squeeze %dma_wait3A_2541 : memref<1x2x16x784xf32, #tpu.memory_space<hbm>> -> memref<2x16x784xf32, #tpu.memory_space<hbm>>
        %dma_wait3A_2543 = arith.constant 2 : i32
        %dma_wait3A_2544 = arith.constant 0 : i32
        %dma_wait3A_2545 = arith.constant 0 : i32
        %dma_wait3A_2546 = tpu.memref_slice %arg9[%select_n3A_2512, %dma_wait3A_2543, %dma_wait3A_2544, %dma_wait3A_2545] : memref<2x4x16x784xf32, #tpu.memory_space<vmem>> -> memref<1x2x16x784xf32, #tpu.memory_space<vmem>>
        %dma_wait3A_2547 = tpu.memref_squeeze %dma_wait3A_2546 : memref<1x2x16x784xf32, #tpu.memory_space<vmem>> -> memref<2x16x784xf32, #tpu.memory_space<vmem>>
        %dma_wait3A_2548 = arith.constant 0 : i32
        %dma_wait3A_2549 = arith.constant 0 : i32
        %dma_wait3A_2550 = arith.constant 0 : i32
        %dma_wait3A_2551 = tpu.memref_slice %arg3[%select_n3A, %dma_wait3A_2548, %dma_wait3A_2549, %dma_wait3A_2550] : memref<8x784x16x784xf32, #tpu.memory_space<hbm>> -> memref<1x2x16x784xf32, #tpu.memory_space<hbm>>
        %dma_wait3A_2552 = tpu.memref_squeeze %dma_wait3A_2551 : memref<1x2x16x784xf32, #tpu.memory_space<hbm>> -> memref<2x16x784xf32, #tpu.memory_space<hbm>>
        tpu.wait_dma2 semaphore(%arg12 : memref<!tpu.dma_semaphore, #tpu.memory_space<semaphore_mem>>) src(%dma_wait3A_2552 : memref<2x16x784xf32, #tpu.memory_space<hbm>>) dst(%dma_wait3A_2547 : memref<2x16x784xf32, #tpu.memory_space<vmem>>)
      } else {
      }
      %add3A_233 = arith.addi %mul3A_32, %scan3A_185 : i32
      %add3A_234 = arith.addi %mul3A_32, %scan3A_185 : i32
      %jit3A_235 = arith.constant 14 : i32
      %div3A_236 = arith.divsi %add3A_234, %jit3A_235 : i32
      %sign3A_237 = arith.constant 0 : i32
      %sign3A_238 = arith.cmpi sgt, %add3A_234, %sign3A_237 : i32
      %sign3A_239 = arith.extui %sign3A_238 : i1 to i32
      %sign3A_240 = arith.constant 0 : i32
      %sign3A_241 = arith.cmpi slt, %add3A_234, %sign3A_240 : i32
      %sign3A_242 = arith.extui %sign3A_241 : i1 to i32
      %sign3A_243 = arith.subi %sign3A_239, %sign3A_242 : i32
      %sign3A_244 = arith.constant 0 : i32
      %sign3A_245 = arith.cmpi sgt, %jit3A_235, %sign3A_244 : i32
      %sign3A_246 = arith.extui %sign3A_245 : i1 to i32
      %sign3A_247 = arith.constant 0 : i32
      %sign3A_248 = arith.cmpi slt, %jit3A_235, %sign3A_247 : i32
      %sign3A_249 = arith.extui %sign3A_248 : i1 to i32
      %sign3A_250 = arith.subi %sign3A_246, %sign3A_249 : i32
      %ne3A_251 = arith.cmpi ne, %sign3A_243, %sign3A_250 : i32
      %rem3A_252 = arith.remsi %add3A_234, %jit3A_235 : i32
      %ne3A_253 = arith.constant 0 : i32
      %ne3A_254 = arith.cmpi ne, %rem3A_252, %ne3A_253 : i32
      %and3A_255 = arith.andi %ne3A_251, %ne3A_254 : i1
      %sub3A_256 = arith.constant 1 : i32
      %sub3A_257 = arith.subi %div3A_236, %sub3A_256 : i32
      %select_n3A_258 = arith.select %and3A_255, %sub3A_257, %div3A_236 : i32
      %mul3A_259 = arith.constant 56 : i32
      %mul3A_260 = arith.muli %select_n3A_258, %mul3A_259 : i32
      %jit3A_261 = arith.constant 14 : i32
      %eq3A_262 = arith.constant 0 : i32
      %eq3A_263 = arith.cmpi eq, %jit3A_261, %eq3A_262 : i32
      %jit3A_264 = arith.constant 1 : i32
      %select_n3A_265 = arith.select %eq3A_263, %jit3A_264, %jit3A_261 : i32
      %rem3A_266 = arith.remsi %add3A_234, %select_n3A_265 : i32
      %ne3A_267 = arith.constant 0 : i32
      %ne3A_268 = arith.cmpi ne, %rem3A_266, %ne3A_267 : i32
      %lt3A_269 = arith.constant 0 : i32
      %lt3A_270 = arith.cmpi slt, %rem3A_266, %lt3A_269 : i32
      %lt3A_271 = arith.constant 0 : i32
      %lt3A_272 = arith.cmpi slt, %select_n3A_265, %lt3A_271 : i32
      %ne3A_273 = arith.xori %lt3A_270, %lt3A_272 : i1
      %and3A_274 = arith.andi %ne3A_273, %ne3A_268 : i1
      %add3A_275 = arith.addi %rem3A_266, %select_n3A_265 : i32
      %select_n3A_276 = arith.select %and3A_274, %add3A_275, %rem3A_266 : i32
      %mul3A_277 = arith.constant 2 : i32
      %mul3A_278 = arith.muli %mul3A_277, %select_n3A_276 : i32
      %add3A_279 = arith.addi %mul3A_260, %mul3A_278 : i32
      %broadcast_in_dim3A = vector.broadcast %add3A_233 : i32 to vector<16xi32>
      %gather3A = tpu.vector_load_idx %arg7[%iota3A, %broadcast_in_dim3A] : memref<16x196xi32, #tpu.memory_space<vmem>>[vector<16xi32>, vector<16xi32>], vector<16xi32>,
      %broadcast_in_dim3A_280 = vector.broadcast %add3A_279 : i32 to vector<16xi32>
      %sub3A_281 = arith.subi %gather3A, %broadcast_in_dim3A_280 : vector<16xi32>
      %broadcast_in_dim3A_282 = arith.constant 28 : i32
      %broadcast_in_dim3A_283 = vector.broadcast %broadcast_in_dim3A_282 : i32 to vector<16xi32>
      %div3A_284 = arith.divsi %sub3A_281, %broadcast_in_dim3A_283 : vector<16xi32>
      %sign3A_285 = arith.constant 0 : i32
      %sign3A_286 = vector.broadcast %sign3A_285 : i32 to vector<16xi32>
      %sign3A_287 = arith.cmpi sgt, %sub3A_281, %sign3A_286 : vector<16xi32>
      %sign3A_288 = arith.extui %sign3A_287 : vector<16xi1> to vector<16xi32>
      %sign3A_289 = arith.constant 0 : i32
      %sign3A_290 = vector.broadcast %sign3A_289 : i32 to vector<16xi32>
      %sign3A_291 = arith.cmpi slt, %sub3A_281, %sign3A_290 : vector<16xi32>
      %sign3A_292 = arith.extui %sign3A_291 : vector<16xi1> to vector<16xi32>
      %sign3A_293 = arith.subi %sign3A_288, %sign3A_292 : vector<16xi32>
      %sign3A_294 = arith.constant 0 : i32
      %sign3A_295 = vector.broadcast %sign3A_294 : i32 to vector<16xi32>
      %sign3A_296 = arith.cmpi sgt, %broadcast_in_dim3A_283, %sign3A_295 : vector<16xi32>
      %sign3A_297 = arith.extui %sign3A_296 : vector<16xi1> to vector<16xi32>
      %sign3A_298 = arith.constant 0 : i32
      %sign3A_299 = vector.broadcast %sign3A_298 : i32 to vector<16xi32>
      %sign3A_300 = arith.cmpi slt, %broadcast_in_dim3A_283, %sign3A_299 : vector<16xi32>
      %sign3A_301 = arith.extui %sign3A_300 : vector<16xi1> to vector<16xi32>
      %sign3A_302 = arith.subi %sign3A_297, %sign3A_301 : vector<16xi32>
      %ne3A_303 = arith.cmpi ne, %sign3A_293, %sign3A_302 : vector<16xi32>
      %rem3A_304 = arith.remsi %sub3A_281, %broadcast_in_dim3A_283 : vector<16xi32>
      %ne3A_305 = arith.constant 0 : i32
      %ne3A_306 = vector.broadcast %ne3A_305 : i32 to vector<16xi32>
      %ne3A_307 = arith.cmpi ne, %rem3A_304, %ne3A_306 : vector<16xi32>
      %and3A_308 = arith.andi %ne3A_303, %ne3A_307 : vector<16xi1>
      %sub3A_309 = arith.constant 1 : i32
      %sub3A_310 = vector.broadcast %sub3A_309 : i32 to vector<16xi32>
      %sub3A_311 = arith.subi %div3A_284, %sub3A_310 : vector<16xi32>
      %select_n3A_312 = arith.select %and3A_308, %sub3A_311, %div3A_284 : vector<16xi1>, vector<16xi32>
      %broadcast_in_dim3A_313 = arith.constant 1 : i32
      %broadcast_in_dim3A_314 = vector.broadcast %broadcast_in_dim3A_313 : i32 to vector<16xi32>
      %and3A_315 = arith.andi %sub3A_281, %broadcast_in_dim3A_314 : vector<16xi32>
      %add3A_316 = arith.addi %select_n3A_312, %select_n3A_312 : vector<16xi32>
      %add3A_317 = arith.addi %add3A_316, %and3A_315 : vector<16xi32>
      %ge3A = arith.constant 2 : i32
      %ge3A_318 = arith.cmpi sge, %scan3A_185, %ge3A : i32
      %and3A_319 = arith.andi %ge3A_318, %eq3A_204 : i1
      %convert_element_type3A_320 = arith.extui %and3A_319 : i1 to i32
      %cond3A_321 = arith.constant 0 : i32
      %cond3A_322 = arith.cmpi ne, %convert_element_type3A_320, %cond3A_321 : i32
      scf.if %cond3A_322 {
        %dma_wait3A_2497 = arith.constant 0 : i32
        %dma_wait3A_2498 = arith.constant 0 : i32
        %dma_wait3A_2499 = arith.constant 0 : i32
        %dma_wait3A_2500 = arith.constant 0 : i32
        %dma_wait3A_2501 = tpu.memref_slice %arg10[%dma_wait3A_2497, %dma_wait3A_2499, %dma_wait3A_2500] : memref<2x16x196xf32, #tpu.memory_space<vmem>> -> memref<1x16x196xf32, #tpu.memory_space<vmem>>
        %dma_wait3A_2502 = tpu.memref_squeeze %dma_wait3A_2501 : memref<1x16x196xf32, #tpu.memory_space<vmem>> -> memref<16x196xf32, #tpu.memory_space<vmem>>
        %dma_wait3A_2503 = arith.constant 0 : i32
        %dma_wait3A_2504 = arith.constant 0 : i32
        %dma_wait3A_2505 = tpu.memref_slice %arg5[%select_n3A, %dma_wait3A_2498, %dma_wait3A_2503, %dma_wait3A_2504] : memref<8x196x16x196xf32, #tpu.memory_space<hbm>> -> memref<1x1x16x196xf32, #tpu.memory_space<hbm>>
        %dma_wait3A_2506 = tpu.memref_squeeze %dma_wait3A_2505 : memref<1x1x16x196xf32, #tpu.memory_space<hbm>> -> memref<16x196xf32, #tpu.memory_space<hbm>>
        %dma_wait3A_2507 = arith.constant 0 : i32
        %dma_wait3A_2508 = arith.constant 0 : i32
        %dma_wait3A_2509 = tpu.memref_slice %arg5[%select_n3A, %dma_wait3A_2498, %dma_wait3A_2507, %dma_wait3A_2508] : memref<8x196x16x196xf32, #tpu.memory_space<hbm>> -> memref<1x1x16x196xf32, #tpu.memory_space<hbm>>
        %dma_wait3A_2510 = tpu.memref_squeeze %dma_wait3A_2509 : memref<1x1x16x196xf32, #tpu.memory_space<hbm>> -> memref<16x196xf32, #tpu.memory_space<hbm>>
        %dma_wait3A_2511 = arith.constant 0 : i32
        %dma_wait3A_2512 = arith.constant 0 : i32
        %dma_wait3A_2513 = tpu.memref_slice %arg10[%dma_wait3A_2497, %dma_wait3A_2511, %dma_wait3A_2512] : memref<2x16x196xf32, #tpu.memory_space<vmem>> -> memref<1x16x196xf32, #tpu.memory_space<vmem>>
        %dma_wait3A_2514 = tpu.memref_squeeze %dma_wait3A_2513 : memref<1x16x196xf32, #tpu.memory_space<vmem>> -> memref<16x196xf32, #tpu.memory_space<vmem>>
        tpu.wait_dma2 semaphore(%arg13 : memref<!tpu.dma_semaphore, #tpu.memory_space<semaphore_mem>>) src(%dma_wait3A_2514 : memref<16x196xf32, #tpu.memory_space<vmem>>) dst(%dma_wait3A_2510 : memref<16x196xf32, #tpu.memory_space<hbm>>)
      } else {
      }
      %ge3A_323 = arith.constant 2 : i32
      %ge3A_324 = arith.cmpi sge, %scan3A_185, %ge3A_323 : i32
      %not3A_325 = arith.constant true
      %not3A_326 = arith.xori %eq3A_204, %not3A_325 : i1
      %and3A_327 = arith.andi %ge3A_324, %not3A_326 : i1
      %convert_element_type3A_328 = arith.extui %and3A_327 : i1 to i32
      %cond3A_329 = arith.constant 0 : i32
      %cond3A_330 = arith.cmpi ne, %convert_element_type3A_328, %cond3A_329 : i32
      scf.if %cond3A_330 {
        %dma_wait3A_2497 = arith.constant 1 : i32
        %dma_wait3A_2498 = arith.constant 0 : i32
        %dma_wait3A_2499 = arith.constant 0 : i32
        %dma_wait3A_2500 = arith.constant 0 : i32
        %dma_wait3A_2501 = tpu.memref_slice %arg10[%dma_wait3A_2497, %dma_wait3A_2499, %dma_wait3A_2500] : memref<2x16x196xf32, #tpu.memory_space<vmem>> -> memref<1x16x196xf32, #tpu.memory_space<vmem>>
        %dma_wait3A_2502 = tpu.memref_squeeze %dma_wait3A_2501 : memref<1x16x196xf32, #tpu.memory_space<vmem>> -> memref<16x196xf32, #tpu.memory_space<vmem>>
        %dma_wait3A_2503 = arith.constant 0 : i32
        %dma_wait3A_2504 = arith.constant 0 : i32
        %dma_wait3A_2505 = tpu.memref_slice %arg5[%select_n3A, %dma_wait3A_2498, %dma_wait3A_2503, %dma_wait3A_2504] : memref<8x196x16x196xf32, #tpu.memory_space<hbm>> -> memref<1x1x16x196xf32, #tpu.memory_space<hbm>>
        %dma_wait3A_2506 = tpu.memref_squeeze %dma_wait3A_2505 : memref<1x1x16x196xf32, #tpu.memory_space<hbm>> -> memref<16x196xf32, #tpu.memory_space<hbm>>
        %dma_wait3A_2507 = arith.constant 0 : i32
        %dma_wait3A_2508 = arith.constant 0 : i32
        %dma_wait3A_2509 = tpu.memref_slice %arg5[%select_n3A, %dma_wait3A_2498, %dma_wait3A_2507, %dma_wait3A_2508] : memref<8x196x16x196xf32, #tpu.memory_space<hbm>> -> memref<1x1x16x196xf32, #tpu.memory_space<hbm>>
        %dma_wait3A_2510 = tpu.memref_squeeze %dma_wait3A_2509 : memref<1x1x16x196xf32, #tpu.memory_space<hbm>> -> memref<16x196xf32, #tpu.memory_space<hbm>>
        %dma_wait3A_2511 = arith.constant 0 : i32
        %dma_wait3A_2512 = arith.constant 0 : i32
        %dma_wait3A_2513 = tpu.memref_slice %arg10[%dma_wait3A_2497, %dma_wait3A_2511, %dma_wait3A_2512] : memref<2x16x196xf32, #tpu.memory_space<vmem>> -> memref<1x16x196xf32, #tpu.memory_space<vmem>>
        %dma_wait3A_2514 = tpu.memref_squeeze %dma_wait3A_2513 : memref<1x16x196xf32, #tpu.memory_space<vmem>> -> memref<16x196xf32, #tpu.memory_space<vmem>>
        tpu.wait_dma2 semaphore(%arg14 : memref<!tpu.dma_semaphore, #tpu.memory_space<semaphore_mem>>) src(%dma_wait3A_2514 : memref<16x196xf32, #tpu.memory_space<vmem>>) dst(%dma_wait3A_2510 : memref<16x196xf32, #tpu.memory_space<hbm>>)
      } else {
      }
      %broadcast_in_dim3A_331 = vector.broadcast %select_n3A_220 : i32 to vector<16xi32>
      %slice3A = vector.extract_strided_slice %add3A_317 {offsets = [0], sizes = [1], strides = [1]} : vector<16xi32> to vector<1xi32>
      %squeeze3A = vector.extract %slice3A[0] : i32 from vector<1xi32>
      %broadcast_in_dim3A_332 = vector.broadcast %squeeze3A : i32 to vector<16xi32>
      %broadcast_in_dim3A_333 = arith.constant 0 : i32
      %broadcast_in_dim3A_334 = vector.broadcast %broadcast_in_dim3A_333 : i32 to vector<16xi32>
      %get3A = arith.constant 0 : i32
      %get3A_335 = arith.index_cast %get3A : i32 to index
      %get3A_336 = arith.constant 0 : index
      %get3A_337 = tpu.vector_load %arg7[%get3A_335, %get3A_336] {strides = array<i32>} : memref<16x196xi32, #tpu.memory_space<vmem>>, vector<16xi32>,
      %gather3A_338 = tpu.vector_load_idx %arg9[%broadcast_in_dim3A_331, %broadcast_in_dim3A_332, %broadcast_in_dim3A_334, %get3A_337] : memref<2x4x16x784xf32, #tpu.memory_space<vmem>>[vector<16xi32>, vector<16xi32>, vector<16xi32>, vector<16xi32>], vector<16xf32>,
      %swap3A = arith.constant 0 : i32
      %swap3A_339 = arith.index_cast %select_n3A_220 : i32 to index
      %swap3A_340 = arith.index_cast %swap3A : i32 to index
      %swap3A_341 = arith.constant 0 : index
      %swap3A_342 = tpu.vector_load %arg10[%swap3A_339, %swap3A_340, %swap3A_341] {strides = array<i32>} : memref<2x16x196xf32, #tpu.memory_space<vmem>>, vector<16xf32>,
      tpu.vector_store %arg10[%swap3A_339, %swap3A_340, %swap3A_341], %gather3A_338 {strides = array<i32>} : memref<2x16x196xf32, #tpu.memory_space<vmem>>, vector<16xf32>,
      %get3A_343 = arith.constant 0 : i32
      %get3A_344 = arith.index_cast %get3A_343 : i32 to index
      %get3A_345 = arith.constant 16 : index
      %get3A_346 = tpu.vector_load %arg7[%get3A_344, %get3A_345] {strides = array<i32>} : memref<16x196xi32, #tpu.memory_space<vmem>>, vector<16xi32>,
      %gather3A_347 = tpu.vector_load_idx %arg9[%broadcast_in_dim3A_331, %broadcast_in_dim3A_332, %broadcast_in_dim3A_334, %get3A_346] : memref<2x4x16x784xf32, #tpu.memory_space<vmem>>[vector<16xi32>, vector<16xi32>, vector<16xi32>, vector<16xi32>], vector<16xf32>,
      %swap3A_348 = arith.constant 0 : i32
      %swap3A_349 = arith.index_cast %select_n3A_220 : i32 to index
      %swap3A_350 = arith.index_cast %swap3A_348 : i32 to index
      %swap3A_351 = arith.constant 16 : index
      %swap3A_352 = tpu.vector_load %arg10[%swap3A_349, %swap3A_350, %swap3A_351] {strides = array<i32>} : memref<2x16x196xf32, #tpu.memory_space<vmem>>, vector<16xf32>,
      tpu.vector_store %arg10[%swap3A_349, %swap3A_350, %swap3A_351], %gather3A_347 {strides = array<i32>} : memref<2x16x196xf32, #tpu.memory_space<vmem>>, vector<16xf32>,
      %get3A_353 = arith.constant 0 : i32
      %get3A_354 = arith.index_cast %get3A_353 : i32 to index
      %get3A_355 = arith.constant 32 : index
      %get3A_356 = tpu.vector_load %arg7[%get3A_354, %get3A_355] {strides = array<i32>} : memref<16x196xi32, #tpu.memory_space<vmem>>, vector<16xi32>,
      %gather3A_357 = tpu.vector_load_idx %arg9[%broadcast_in_dim3A_331, %broadcast_in_dim3A_332, %broadcast_in_dim3A_334, %get3A_356] : memref<2x4x16x784xf32, #tpu.memory_space<vmem>>[vector<16xi32>, vector<16xi32>, vector<16xi32>, vector<16xi32>], vector<16xf32>,
      %swap3A_358 = arith.constant 0 : i32
      %swap3A_359 = arith.index_cast %select_n3A_220 : i32 to index
      %swap3A_360 = arith.index_cast %swap3A_358 : i32 to index
      %swap3A_361 = arith.constant 32 : index
      %swap3A_362 = tpu.vector_load %arg10[%swap3A_359, %swap3A_360, %swap3A_361] {strides = array<i32>} : memref<2x16x196xf32, #tpu.memory_space<vmem>>, vector<16xf32>,
      tpu.vector_store %arg10[%swap3A_359, %swap3A_360, %swap3A_361], %gather3A_357 {strides = array<i32>} : memref<2x16x196xf32, #tpu.memory_space<vmem>>, vector<16xf32>,
      %get3A_363 = arith.constant 0 : i32
      %get3A_364 = arith.index_cast %get3A_363 : i32 to index
      %get3A_365 = arith.constant 48 : index
      %get3A_366 = tpu.vector_load %arg7[%get3A_364, %get3A_365] {strides = array<i32>} : memref<16x196xi32, #tpu.memory_space<vmem>>, vector<16xi32>,
      %gather3A_367 = tpu.vector_load_idx %arg9[%broadcast_in_dim3A_331, %broadcast_in_dim3A_332, %broadcast_in_dim3A_334, %get3A_366] : memref<2x4x16x784xf32, #tpu.memory_space<vmem>>[vector<16xi32>, vector<16xi32>, vector<16xi32>, vector<16xi32>], vector<16xf32>,
      %swap3A_368 = arith.constant 0 : i32
      %swap3A_369 = arith.index_cast %select_n3A_220 : i32 to index
      %swap3A_370 = arith.index_cast %swap3A_368 : i32 to index
      %swap3A_371 = arith.constant 48 : index
      %swap3A_372 = tpu.vector_load %arg10[%swap3A_369, %swap3A_370, %swap3A_371] {strides = array<i32>} : memref<2x16x196xf32, #tpu.memory_space<vmem>>, vector<16xf32>,
      tpu.vector_store %arg10[%swap3A_369, %swap3A_370, %swap3A_371], %gather3A_367 {strides = array<i32>} : memref<2x16x196xf32, #tpu.memory_space<vmem>>, vector<16xf32>,
      %get3A_373 = arith.constant 0 : i32
      %get3A_374 = arith.index_cast %get3A_373 : i32 to index
      %get3A_375 = arith.constant 64 : index
      %get3A_376 = tpu.vector_load %arg7[%get3A_374, %get3A_375] {strides = array<i32>} : memref<16x196xi32, #tpu.memory_space<vmem>>, vector<16xi32>,
      %gather3A_377 = tpu.vector_load_idx %arg9[%broadcast_in_dim3A_331, %broadcast_in_dim3A_332, %broadcast_in_dim3A_334, %get3A_376] : memref<2x4x16x784xf32, #tpu.memory_space<vmem>>[vector<16xi32>, vector<16xi32>, vector<16xi32>, vector<16xi32>], vector<16xf32>,
      %swap3A_378 = arith.constant 0 : i32
      %swap3A_379 = arith.index_cast %select_n3A_220 : i32 to index
      %swap3A_380 = arith.index_cast %swap3A_378 : i32 to index
      %swap3A_381 = arith.constant 64 : index
      %swap3A_382 = tpu.vector_load %arg10[%swap3A_379, %swap3A_380, %swap3A_381] {strides = array<i32>} : memref<2x16x196xf32, #tpu.memory_space<vmem>>, vector<16xf32>,
      tpu.vector_store %arg10[%swap3A_379, %swap3A_380, %swap3A_381], %gather3A_377 {strides = array<i32>} : memref<2x16x196xf32, #tpu.memory_space<vmem>>, vector<16xf32>,
      %get3A_383 = arith.constant 0 : i32
      %get3A_384 = arith.index_cast %get3A_383 : i32 to index
      %get3A_385 = arith.constant 80 : index
      %get3A_386 = tpu.vector_load %arg7[%get3A_384, %get3A_385] {strides = array<i32>} : memref<16x196xi32, #tpu.memory_space<vmem>>, vector<16xi32>,
      %gather3A_387 = tpu.vector_load_idx %arg9[%broadcast_in_dim3A_331, %broadcast_in_dim3A_332, %broadcast_in_dim3A_334, %get3A_386] : memref<2x4x16x784xf32, #tpu.memory_space<vmem>>[vector<16xi32>, vector<16xi32>, vector<16xi32>, vector<16xi32>], vector<16xf32>,
      %swap3A_388 = arith.constant 0 : i32
      %swap3A_389 = arith.index_cast %select_n3A_220 : i32 to index
      %swap3A_390 = arith.index_cast %swap3A_388 : i32 to index
      %swap3A_391 = arith.constant 80 : index
      %swap3A_392 = tpu.vector_load %arg10[%swap3A_389, %swap3A_390, %swap3A_391] {strides = array<i32>} : memref<2x16x196xf32, #tpu.memory_space<vmem>>, vector<16xf32>,
      tpu.vector_store %arg10[%swap3A_389, %swap3A_390, %swap3A_391], %gather3A_387 {strides = array<i32>} : memref<2x16x196xf32, #tpu.memory_space<vmem>>, vector<16xf32>,
      %get3A_393 = arith.constant 0 : i32
      %get3A_394 = arith.index_cast %get3A_393 : i32 to index
      %get3A_395 = arith.constant 96 : index
      %get3A_396 = tpu.vector_load %arg7[%get3A_394, %get3A_395] {strides = array<i32>} : memref<16x196xi32, #tpu.memory_space<vmem>>, vector<16xi32>,
      %gather3A_397 = tpu.vector_load_idx %arg9[%broadcast_in_dim3A_331, %broadcast_in_dim3A_332, %broadcast_in_dim3A_334, %get3A_396] : memref<2x4x16x784xf32, #tpu.memory_space<vmem>>[vector<16xi32>, vector<16xi32>, vector<16xi32>, vector<16xi32>], vector<16xf32>,
      %swap3A_398 = arith.constant 0 : i32
      %swap3A_399 = arith.index_cast %select_n3A_220 : i32 to index
      %swap3A_400 = arith.index_cast %swap3A_398 : i32 to index
      %swap3A_401 = arith.constant 96 : index
      %swap3A_402 = tpu.vector_load %arg10[%swap3A_399, %swap3A_400, %swap3A_401] {strides = array<i32>} : memref<2x16x196xf32, #tpu.memory_space<vmem>>, vector<16xf32>,
      tpu.vector_store %arg10[%swap3A_399, %swap3A_400, %swap3A_401], %gather3A_397 {strides = array<i32>} : memref<2x16x196xf32, #tpu.memory_space<vmem>>, vector<16xf32>,
      %get3A_403 = arith.constant 0 : i32
      %get3A_404 = arith.index_cast %get3A_403 : i32 to index
      %get3A_405 = arith.constant 112 : index
      %get3A_406 = tpu.vector_load %arg7[%get3A_404, %get3A_405] {strides = array<i32>} : memref<16x196xi32, #tpu.memory_space<vmem>>, vector<16xi32>,
      %gather3A_407 = tpu.vector_load_idx %arg9[%broadcast_in_dim3A_331, %broadcast_in_dim3A_332, %broadcast_in_dim3A_334, %get3A_406] : memref<2x4x16x784xf32, #tpu.memory_space<vmem>>[vector<16xi32>, vector<16xi32>, vector<16xi32>, vector<16xi32>], vector<16xf32>,
      %swap3A_408 = arith.constant 0 : i32
      %swap3A_409 = arith.index_cast %select_n3A_220 : i32 to index
      %swap3A_410 = arith.index_cast %swap3A_408 : i32 to index
      %swap3A_411 = arith.constant 112 : index
      %swap3A_412 = tpu.vector_load %arg10[%swap3A_409, %swap3A_410, %swap3A_411] {strides = array<i32>} : memref<2x16x196xf32, #tpu.memory_space<vmem>>, vector<16xf32>,
      tpu.vector_store %arg10[%swap3A_409, %swap3A_410, %swap3A_411], %gather3A_407 {strides = array<i32>} : memref<2x16x196xf32, #tpu.memory_space<vmem>>, vector<16xf32>,
      %get3A_413 = arith.constant 0 : i32
      %get3A_414 = arith.index_cast %get3A_413 : i32 to index
      %get3A_415 = arith.constant 128 : index
      %get3A_416 = tpu.vector_load %arg7[%get3A_414, %get3A_415] {strides = array<i32>} : memref<16x196xi32, #tpu.memory_space<vmem>>, vector<16xi32>,
      %gather3A_417 = tpu.vector_load_idx %arg9[%broadcast_in_dim3A_331, %broadcast_in_dim3A_332, %broadcast_in_dim3A_334, %get3A_416] : memref<2x4x16x784xf32, #tpu.memory_space<vmem>>[vector<16xi32>, vector<16xi32>, vector<16xi32>, vector<16xi32>], vector<16xf32>,
      %swap3A_418 = arith.constant 0 : i32
      %swap3A_419 = arith.index_cast %select_n3A_220 : i32 to index
      %swap3A_420 = arith.index_cast %swap3A_418 : i32 to index
      %swap3A_421 = arith.constant 128 : index
      %swap3A_422 = tpu.vector_load %arg10[%swap3A_419, %swap3A_420, %swap3A_421] {strides = array<i32>} : memref<2x16x196xf32, #tpu.memory_space<vmem>>, vector<16xf32>,
      tpu.vector_store %arg10[%swap3A_419, %swap3A_420, %swap3A_421], %gather3A_417 {strides = array<i32>} : memref<2x16x196xf32, #tpu.memory_space<vmem>>, vector<16xf32>,
      %get3A_423 = arith.constant 0 : i32
      %get3A_424 = arith.index_cast %get3A_423 : i32 to index
      %get3A_425 = arith.constant 144 : index
      %get3A_426 = tpu.vector_load %arg7[%get3A_424, %get3A_425] {strides = array<i32>} : memref<16x196xi32, #tpu.memory_space<vmem>>, vector<16xi32>,
      %gather3A_427 = tpu.vector_load_idx %arg9[%broadcast_in_dim3A_331, %broadcast_in_dim3A_332, %broadcast_in_dim3A_334, %get3A_426] : memref<2x4x16x784xf32, #tpu.memory_space<vmem>>[vector<16xi32>, vector<16xi32>, vector<16xi32>, vector<16xi32>], vector<16xf32>,
      %swap3A_428 = arith.constant 0 : i32
      %swap3A_429 = arith.index_cast %select_n3A_220 : i32 to index
      %swap3A_430 = arith.index_cast %swap3A_428 : i32 to index
      %swap3A_431 = arith.constant 144 : index
      %swap3A_432 = tpu.vector_load %arg10[%swap3A_429, %swap3A_430, %swap3A_431] {strides = array<i32>} : memref<2x16x196xf32, #tpu.memory_space<vmem>>, vector<16xf32>,
      tpu.vector_store %arg10[%swap3A_429, %swap3A_430, %swap3A_431], %gather3A_427 {strides = array<i32>} : memref<2x16x196xf32, #tpu.memory_space<vmem>>, vector<16xf32>,
      %get3A_433 = arith.constant 0 : i32
      %get3A_434 = arith.index_cast %get3A_433 : i32 to index
      %get3A_435 = arith.constant 160 : index
      %get3A_436 = tpu.vector_load %arg7[%get3A_434, %get3A_435] {strides = array<i32>} : memref<16x196xi32, #tpu.memory_space<vmem>>, vector<16xi32>,
      %gather3A_437 = tpu.vector_load_idx %arg9[%broadcast_in_dim3A_331, %broadcast_in_dim3A_332, %broadcast_in_dim3A_334, %get3A_436] : memref<2x4x16x784xf32, #tpu.memory_space<vmem>>[vector<16xi32>, vector<16xi32>, vector<16xi32>, vector<16xi32>], vector<16xf32>,
      %swap3A_438 = arith.constant 0 : i32
      %swap3A_439 = arith.index_cast %select_n3A_220 : i32 to index
      %swap3A_440 = arith.index_cast %swap3A_438 : i32 to index
      %swap3A_441 = arith.constant 160 : index
      %swap3A_442 = tpu.vector_load %arg10[%swap3A_439, %swap3A_440, %swap3A_441] {strides = array<i32>} : memref<2x16x196xf32, #tpu.memory_space<vmem>>, vector<16xf32>,
      tpu.vector_store %arg10[%swap3A_439, %swap3A_440, %swap3A_441], %gather3A_437 {strides = array<i32>} : memref<2x16x196xf32, #tpu.memory_space<vmem>>, vector<16xf32>,
      %get3A_443 = arith.constant 0 : i32
      %get3A_444 = arith.index_cast %get3A_443 : i32 to index
      %get3A_445 = arith.constant 176 : index
      %get3A_446 = tpu.vector_load %arg7[%get3A_444, %get3A_445] {strides = array<i32>} : memref<16x196xi32, #tpu.memory_space<vmem>>, vector<16xi32>,
      %gather3A_447 = tpu.vector_load_idx %arg9[%broadcast_in_dim3A_331, %broadcast_in_dim3A_332, %broadcast_in_dim3A_334, %get3A_446] : memref<2x4x16x784xf32, #tpu.memory_space<vmem>>[vector<16xi32>, vector<16xi32>, vector<16xi32>, vector<16xi32>], vector<16xf32>,
      %swap3A_448 = arith.constant 0 : i32
      %swap3A_449 = arith.index_cast %select_n3A_220 : i32 to index
      %swap3A_450 = arith.index_cast %swap3A_448 : i32 to index
      %swap3A_451 = arith.constant 176 : index
      %swap3A_452 = tpu.vector_load %arg10[%swap3A_449, %swap3A_450, %swap3A_451] {strides = array<i32>} : memref<2x16x196xf32, #tpu.memory_space<vmem>>, vector<16xf32>,
      tpu.vector_store %arg10[%swap3A_449, %swap3A_450, %swap3A_451], %gather3A_447 {strides = array<i32>} : memref<2x16x196xf32, #tpu.memory_space<vmem>>, vector<16xf32>,
      %get3A_453 = arith.constant 0 : i32
      %get3A_454 = arith.index_cast %get3A_453 : i32 to index
      %get3A_455 = arith.constant 180 : index
      %get3A_456 = tpu.vector_load %arg7[%get3A_454, %get3A_455] {strides = array<i32>} : memref<16x196xi32, #tpu.memory_space<vmem>>, vector<16xi32>,
      %gather3A_457 = tpu.vector_load_idx %arg9[%broadcast_in_dim3A_331, %broadcast_in_dim3A_332, %broadcast_in_dim3A_334, %get3A_456] : memref<2x4x16x784xf32, #tpu.memory_space<vmem>>[vector<16xi32>, vector<16xi32>, vector<16xi32>, vector<16xi32>], vector<16xf32>,
      %swap3A_458 = arith.constant 0 : i32
      %swap3A_459 = arith.index_cast %select_n3A_220 : i32 to index
      %swap3A_460 = arith.index_cast %swap3A_458 : i32 to index
      %swap3A_461 = arith.constant 180 : index
      %swap3A_462 = tpu.vector_load %arg10[%swap3A_459, %swap3A_460, %swap3A_461] {strides = array<i32>} : memref<2x16x196xf32, #tpu.memory_space<vmem>>, vector<16xf32>,
      tpu.vector_store %arg10[%swap3A_459, %swap3A_460, %swap3A_461], %gather3A_457 {strides = array<i32>} : memref<2x16x196xf32, #tpu.memory_space<vmem>>, vector<16xf32>,
      %slice3A_463 = vector.extract_strided_slice %add3A_317 {offsets = [1], sizes = [1], strides = [1]} : vector<16xi32> to vector<1xi32>
      %squeeze3A_464 = vector.extract %slice3A_463[0] : i32 from vector<1xi32>
      %broadcast_in_dim3A_465 = vector.broadcast %squeeze3A_464 : i32 to vector<16xi32>
      %broadcast_in_dim3A_466 = arith.constant 1 : i32
      %broadcast_in_dim3A_467 = vector.broadcast %broadcast_in_dim3A_466 : i32 to vector<16xi32>
      %get3A_468 = arith.constant 1 : i32
      %get3A_469 = arith.index_cast %get3A_468 : i32 to index
      %get3A_470 = arith.constant 0 : index
      %get3A_471 = tpu.vector_load %arg7[%get3A_469, %get3A_470] {strides = array<i32>} : memref<16x196xi32, #tpu.memory_space<vmem>>, vector<16xi32>,
      %gather3A_472 = tpu.vector_load_idx %arg9[%broadcast_in_dim3A_331, %broadcast_in_dim3A_465, %broadcast_in_dim3A_467, %get3A_471] : memref<2x4x16x784xf32, #tpu.memory_space<vmem>>[vector<16xi32>, vector<16xi32>, vector<16xi32>, vector<16xi32>], vector<16xf32>,
      %swap3A_473 = arith.constant 1 : i32
      %swap3A_474 = arith.index_cast %select_n3A_220 : i32 to index
      %swap3A_475 = arith.index_cast %swap3A_473 : i32 to index
      %swap3A_476 = arith.constant 0 : index
      %swap3A_477 = tpu.vector_load %arg10[%swap3A_474, %swap3A_475, %swap3A_476] {strides = array<i32>} : memref<2x16x196xf32, #tpu.memory_space<vmem>>, vector<16xf32>,
      tpu.vector_store %arg10[%swap3A_474, %swap3A_475, %swap3A_476], %gather3A_472 {strides = array<i32>} : memref<2x16x196xf32, #tpu.memory_space<vmem>>, vector<16xf32>,
      %get3A_478 = arith.constant 1 : i32
      %get3A_479 = arith.index_cast %get3A_478 : i32 to index
      %get3A_480 = arith.constant 16 : index
      %get3A_481 = tpu.vector_load %arg7[%get3A_479, %get3A_480] {strides = array<i32>} : memref<16x196xi32, #tpu.memory_space<vmem>>, vector<16xi32>,
      %gather3A_482 = tpu.vector_load_idx %arg9[%broadcast_in_dim3A_331, %broadcast_in_dim3A_465, %broadcast_in_dim3A_467, %get3A_481] : memref<2x4x16x784xf32, #tpu.memory_space<vmem>>[vector<16xi32>, vector<16xi32>, vector<16xi32>, vector<16xi32>], vector<16xf32>,
      %swap3A_483 = arith.constant 1 : i32
      %swap3A_484 = arith.index_cast %select_n3A_220 : i32 to index
      %swap3A_485 = arith.index_cast %swap3A_483 : i32 to index
      %swap3A_486 = arith.constant 16 : index
      %swap3A_487 = tpu.vector_load %arg10[%swap3A_484, %swap3A_485, %swap3A_486] {strides = array<i32>} : memref<2x16x196xf32, #tpu.memory_space<vmem>>, vector<16xf32>,
      tpu.vector_store %arg10[%swap3A_484, %swap3A_485, %swap3A_486], %gather3A_482 {strides = array<i32>} : memref<2x16x196xf32, #tpu.memory_space<vmem>>, vector<16xf32>,
      %get3A_488 = arith.constant 1 : i32
      %get3A_489 = arith.index_cast %get3A_488 : i32 to index
      %get3A_490 = arith.constant 32 : index
      %get3A_491 = tpu.vector_load %arg7[%get3A_489, %get3A_490] {strides = array<i32>} : memref<16x196xi32, #tpu.memory_space<vmem>>, vector<16xi32>,
      %gather3A_492 = tpu.vector_load_idx %arg9[%broadcast_in_dim3A_331, %broadcast_in_dim3A_465, %broadcast_in_dim3A_467, %get3A_491] : memref<2x4x16x784xf32, #tpu.memory_space<vmem>>[vector<16xi32>, vector<16xi32>, vector<16xi32>, vector<16xi32>], vector<16xf32>,
      %swap3A_493 = arith.constant 1 : i32
      %swap3A_494 = arith.index_cast %select_n3A_220 : i32 to index
      %swap3A_495 = arith.index_cast %swap3A_493 : i32 to index
      %swap3A_496 = arith.constant 32 : index
      %swap3A_497 = tpu.vector_load %arg10[%swap3A_494, %swap3A_495, %swap3A_496] {strides = array<i32>} : memref<2x16x196xf32, #tpu.memory_space<vmem>>, vector<16xf32>,
      tpu.vector_store %arg10[%swap3A_494, %swap3A_495, %swap3A_496], %gather3A_492 {strides = array<i32>} : memref<2x16x196xf32, #tpu.memory_space<vmem>>, vector<16xf32>,
      %get3A_498 = arith.constant 1 : i32
      %get3A_499 = arith.index_cast %get3A_498 : i32 to index
      %get3A_500 = arith.constant 48 : index
      %get3A_501 = tpu.vector_load %arg7[%get3A_499, %get3A_500] {strides = array<i32>} : memref<16x196xi32, #tpu.memory_space<vmem>>, vector<16xi32>,
      %gather3A_502 = tpu.vector_load_idx %arg9[%broadcast_in_dim3A_331, %broadcast_in_dim3A_465, %broadcast_in_dim3A_467, %get3A_501] : memref<2x4x16x784xf32, #tpu.memory_space<vmem>>[vector<16xi32>, vector<16xi32>, vector<16xi32>, vector<16xi32>], vector<16xf32>,
      %swap3A_503 = arith.constant 1 : i32
      %swap3A_504 = arith.index_cast %select_n3A_220 : i32 to index
      %swap3A_505 = arith.index_cast %swap3A_503 : i32 to index
      %swap3A_506 = arith.constant 48 : index
      %swap3A_507 = tpu.vector_load %arg10[%swap3A_504, %swap3A_505, %swap3A_506] {strides = array<i32>} : memref<2x16x196xf32, #tpu.memory_space<vmem>>, vector<16xf32>,
      tpu.vector_store %arg10[%swap3A_504, %swap3A_505, %swap3A_506], %gather3A_502 {strides = array<i32>} : memref<2x16x196xf32, #tpu.memory_space<vmem>>, vector<16xf32>,
      %get3A_508 = arith.constant 1 : i32
      %get3A_509 = arith.index_cast %get3A_508 : i32 to index
      %get3A_510 = arith.constant 64 : index
      %get3A_511 = tpu.vector_load %arg7[%get3A_509, %get3A_510] {strides = array<i32>} : memref<16x196xi32, #tpu.memory_space<vmem>>, vector<16xi32>,
      %gather3A_512 = tpu.vector_load_idx %arg9[%broadcast_in_dim3A_331, %broadcast_in_dim3A_465, %broadcast_in_dim3A_467, %get3A_511] : memref<2x4x16x784xf32, #tpu.memory_space<vmem>>[vector<16xi32>, vector<16xi32>, vector<16xi32>, vector<16xi32>], vector<16xf32>,
      %swap3A_513 = arith.constant 1 : i32
      %swap3A_514 = arith.index_cast %select_n3A_220 : i32 to index
      %swap3A_515 = arith.index_cast %swap3A_513 : i32 to index
      %swap3A_516 = arith.constant 64 : index
      %swap3A_517 = tpu.vector_load %arg10[%swap3A_514, %swap3A_515, %swap3A_516] {strides = array<i32>} : memref<2x16x196xf32, #tpu.memory_space<vmem>>, vector<16xf32>,
      tpu.vector_store %arg10[%swap3A_514, %swap3A_515, %swap3A_516], %gather3A_512 {strides = array<i32>} : memref<2x16x196xf32, #tpu.memory_space<vmem>>, vector<16xf32>,
      %get3A_518 = arith.constant 1 : i32
      %get3A_519 = arith.index_cast %get3A_518 : i32 to index
      %get3A_520 = arith.constant 80 : index
      %get3A_521 = tpu.vector_load %arg7[%get3A_519, %get3A_520] {strides = array<i32>} : memref<16x196xi32, #tpu.memory_space<vmem>>, vector<16xi32>,
      %gather3A_522 = tpu.vector_load_idx %arg9[%broadcast_in_dim3A_331, %broadcast_in_dim3A_465, %broadcast_in_dim3A_467, %get3A_521] : memref<2x4x16x784xf32, #tpu.memory_space<vmem>>[vector<16xi32>, vector<16xi32>, vector<16xi32>, vector<16xi32>], vector<16xf32>,
      %swap3A_523 = arith.constant 1 : i32
      %swap3A_524 = arith.index_cast %select_n3A_220 : i32 to index
      %swap3A_525 = arith.index_cast %swap3A_523 : i32 to index
      %swap3A_526 = arith.constant 80 : index
      %swap3A_527 = tpu.vector_load %arg10[%swap3A_524, %swap3A_525, %swap3A_526] {strides = array<i32>} : memref<2x16x196xf32, #tpu.memory_space<vmem>>, vector<16xf32>,
      tpu.vector_store %arg10[%swap3A_524, %swap3A_525, %swap3A_526], %gather3A_522 {strides = array<i32>} : memref<2x16x196xf32, #tpu.memory_space<vmem>>, vector<16xf32>,
      %get3A_528 = arith.constant 1 : i32
      %get3A_529 = arith.index_cast %get3A_528 : i32 to index
      %get3A_530 = arith.constant 96 : index
      %get3A_531 = tpu.vector_load %arg7[%get3A_529, %get3A_530] {strides = array<i32>} : memref<16x196xi32, #tpu.memory_space<vmem>>, vector<16xi32>,
      %gather3A_532 = tpu.vector_load_idx %arg9[%broadcast_in_dim3A_331, %broadcast_in_dim3A_465, %broadcast_in_dim3A_467, %get3A_531] : memref<2x4x16x784xf32, #tpu.memory_space<vmem>>[vector<16xi32>, vector<16xi32>, vector<16xi32>, vector<16xi32>], vector<16xf32>,
      %swap3A_533 = arith.constant 1 : i32
      %swap3A_534 = arith.index_cast %select_n3A_220 : i32 to index
      %swap3A_535 = arith.index_cast %swap3A_533 : i32 to index
      %swap3A_536 = arith.constant 96 : index
      %swap3A_537 = tpu.vector_load %arg10[%swap3A_534, %swap3A_535, %swap3A_536] {strides = array<i32>} : memref<2x16x196xf32, #tpu.memory_space<vmem>>, vector<16xf32>,
      tpu.vector_store %arg10[%swap3A_534, %swap3A_535, %swap3A_536], %gather3A_532 {strides = array<i32>} : memref<2x16x196xf32, #tpu.memory_space<vmem>>, vector<16xf32>,
      %get3A_538 = arith.constant 1 : i32
      %get3A_539 = arith.index_cast %get3A_538 : i32 to index
      %get3A_540 = arith.constant 112 : index
      %get3A_541 = tpu.vector_load %arg7[%get3A_539, %get3A_540] {strides = array<i32>} : memref<16x196xi32, #tpu.memory_space<vmem>>, vector<16xi32>,
      %gather3A_542 = tpu.vector_load_idx %arg9[%broadcast_in_dim3A_331, %broadcast_in_dim3A_465, %broadcast_in_dim3A_467, %get3A_541] : memref<2x4x16x784xf32, #tpu.memory_space<vmem>>[vector<16xi32>, vector<16xi32>, vector<16xi32>, vector<16xi32>], vector<16xf32>,
      %swap3A_543 = arith.constant 1 : i32
      %swap3A_544 = arith.index_cast %select_n3A_220 : i32 to index
      %swap3A_545 = arith.index_cast %swap3A_543 : i32 to index
      %swap3A_546 = arith.constant 112 : index
      %swap3A_547 = tpu.vector_load %arg10[%swap3A_544, %swap3A_545, %swap3A_546] {strides = array<i32>} : memref<2x16x196xf32, #tpu.memory_space<vmem>>, vector<16xf32>,
      tpu.vector_store %arg10[%swap3A_544, %swap3A_545, %swap3A_546], %gather3A_542 {strides = array<i32>} : memref<2x16x196xf32, #tpu.memory_space<vmem>>, vector<16xf32>,
      %get3A_548 = arith.constant 1 : i32
      %get3A_549 = arith.index_cast %get3A_548 : i32 to index
      %get3A_550 = arith.constant 128 : index
      %get3A_551 = tpu.vector_load %arg7[%get3A_549, %get3A_550] {strides = array<i32>} : memref<16x196xi32, #tpu.memory_space<vmem>>, vector<16xi32>,
      %gather3A_552 = tpu.vector_load_idx %arg9[%broadcast_in_dim3A_331, %broadcast_in_dim3A_465, %broadcast_in_dim3A_467, %get3A_551] : memref<2x4x16x784xf32, #tpu.memory_space<vmem>>[vector<16xi32>, vector<16xi32>, vector<16xi32>, vector<16xi32>], vector<16xf32>,
      %swap3A_553 = arith.constant 1 : i32
      %swap3A_554 = arith.index_cast %select_n3A_220 : i32 to index
      %swap3A_555 = arith.index_cast %swap3A_553 : i32 to index
      %swap3A_556 = arith.constant 128 : index
      %swap3A_557 = tpu.vector_load %arg10[%swap3A_554, %swap3A_555, %swap3A_556] {strides = array<i32>} : memref<2x16x196xf32, #tpu.memory_space<vmem>>, vector<16xf32>,
      tpu.vector_store %arg10[%swap3A_554, %swap3A_555, %swap3A_556], %gather3A_552 {strides = array<i32>} : memref<2x16x196xf32, #tpu.memory_space<vmem>>, vector<16xf32>,
      %get3A_558 = arith.constant 1 : i32
      %get3A_559 = arith.index_cast %get3A_558 : i32 to index
      %get3A_560 = arith.constant 144 : index
      %get3A_561 = tpu.vector_load %arg7[%get3A_559, %get3A_560] {strides = array<i32>} : memref<16x196xi32, #tpu.memory_space<vmem>>, vector<16xi32>,
      %gather3A_562 = tpu.vector_load_idx %arg9[%broadcast_in_dim3A_331, %broadcast_in_dim3A_465, %broadcast_in_dim3A_467, %get3A_561] : memref<2x4x16x784xf32, #tpu.memory_space<vmem>>[vector<16xi32>, vector<16xi32>, vector<16xi32>, vector<16xi32>], vector<16xf32>,
      %swap3A_563 = arith.constant 1 : i32
      %swap3A_564 = arith.index_cast %select_n3A_220 : i32 to index
      %swap3A_565 = arith.index_cast %swap3A_563 : i32 to index
      %swap3A_566 = arith.constant 144 : index
      %swap3A_567 = tpu.vector_load %arg10[%swap3A_564, %swap3A_565, %swap3A_566] {strides = array<i32>} : memref<2x16x196xf32, #tpu.memory_space<vmem>>, vector<16xf32>,
      tpu.vector_store %arg10[%swap3A_564, %swap3A_565, %swap3A_566], %gather3A_562 {strides = array<i32>} : memref<2x16x196xf32, #tpu.memory_space<vmem>>, vector<16xf32>,
      %get3A_568 = arith.constant 1 : i32
      %get3A_569 = arith.index_cast %get3A_568 : i32 to index
      %get3A_570 = arith.constant 160 : index
      %get3A_571 = tpu.vector_load %arg7[%get3A_569, %get3A_570] {strides = array<i32>} : memref<16x196xi32, #tpu.memory_space<vmem>>, vector<16xi32>,
      %gather3A_572 = tpu.vector_load_idx %arg9[%broadcast_in_dim3A_331, %broadcast_in_dim3A_465, %broadcast_in_dim3A_467, %get3A_571] : memref<2x4x16x784xf32, #tpu.memory_space<vmem>>[vector<16xi32>, vector<16xi32>, vector<16xi32>, vector<16xi32>], vector<16xf32>,
      %swap3A_573 = arith.constant 1 : i32
      %swap3A_574 = arith.index_cast %select_n3A_220 : i32 to index
      %swap3A_575 = arith.index_cast %swap3A_573 : i32 to index
      %swap3A_576 = arith.constant 160 : index
      %swap3A_577 = tpu.vector_load %arg10[%swap3A_574, %swap3A_575, %swap3A_576] {strides = array<i32>} : memref<2x16x196xf32, #tpu.memory_space<vmem>>, vector<16xf32>,
      tpu.vector_store %arg10[%swap3A_574, %swap3A_575, %swap3A_576], %gather3A_572 {strides = array<i32>} : memref<2x16x196xf32, #tpu.memory_space<vmem>>, vector<16xf32>,
      %get3A_578 = arith.constant 1 : i32
      %get3A_579 = arith.index_cast %get3A_578 : i32 to index
      %get3A_580 = arith.constant 176 : index
      %get3A_581 = tpu.vector_load %arg7[%get3A_579, %get3A_580] {strides = array<i32>} : memref<16x196xi32, #tpu.memory_space<vmem>>, vector<16xi32>,
      %gather3A_582 = tpu.vector_load_idx %arg9[%broadcast_in_dim3A_331, %broadcast_in_dim3A_465, %broadcast_in_dim3A_467, %get3A_581] : memref<2x4x16x784xf32, #tpu.memory_space<vmem>>[vector<16xi32>, vector<16xi32>, vector<16xi32>, vector<16xi32>], vector<16xf32>,
      %swap3A_583 = arith.constant 1 : i32
      %swap3A_584 = arith.index_cast %select_n3A_220 : i32 to index
      %swap3A_585 = arith.index_cast %swap3A_583 : i32 to index
      %swap3A_586 = arith.constant 176 : index
      %swap3A_587 = tpu.vector_load %arg10[%swap3A_584, %swap3A_585, %swap3A_586] {strides = array<i32>} : memref<2x16x196xf32, #tpu.memory_space<vmem>>, vector<16xf32>,
      tpu.vector_store %arg10[%swap3A_584, %swap3A_585, %swap3A_586], %gather3A_582 {strides = array<i32>} : memref<2x16x196xf32, #tpu.memory_space<vmem>>, vector<16xf32>,
      %get3A_588 = arith.constant 1 : i32
      %get3A_589 = arith.index_cast %get3A_588 : i32 to index
      %get3A_590 = arith.constant 180 : index
      %get3A_591 = tpu.vector_load %arg7[%get3A_589, %get3A_590] {strides = array<i32>} : memref<16x196xi32, #tpu.memory_space<vmem>>, vector<16xi32>,
      %gather3A_592 = tpu.vector_load_idx %arg9[%broadcast_in_dim3A_331, %broadcast_in_dim3A_465, %broadcast_in_dim3A_467, %get3A_591] : memref<2x4x16x784xf32, #tpu.memory_space<vmem>>[vector<16xi32>, vector<16xi32>, vector<16xi32>, vector<16xi32>], vector<16xf32>,
      %swap3A_593 = arith.constant 1 : i32
      %swap3A_594 = arith.index_cast %select_n3A_220 : i32 to index
      %swap3A_595 = arith.index_cast %swap3A_593 : i32 to index
      %swap3A_596 = arith.constant 180 : index
      %swap3A_597 = tpu.vector_load %arg10[%swap3A_594, %swap3A_595, %swap3A_596] {strides = array<i32>} : memref<2x16x196xf32, #tpu.memory_space<vmem>>, vector<16xf32>,
      tpu.vector_store %arg10[%swap3A_594, %swap3A_595, %swap3A_596], %gather3A_592 {strides = array<i32>} : memref<2x16x196xf32, #tpu.memory_space<vmem>>, vector<16xf32>,
      %slice3A_598 = vector.extract_strided_slice %add3A_317 {offsets = [2], sizes = [1], strides = [1]} : vector<16xi32> to vector<1xi32>
      %squeeze3A_599 = vector.extract %slice3A_598[0] : i32 from vector<1xi32>
      %broadcast_in_dim3A_600 = vector.broadcast %squeeze3A_599 : i32 to vector<16xi32>
      %broadcast_in_dim3A_601 = arith.constant 2 : i32
      %broadcast_in_dim3A_602 = vector.broadcast %broadcast_in_dim3A_601 : i32 to vector<16xi32>
      %get3A_603 = arith.constant 2 : i32
      %get3A_604 = arith.index_cast %get3A_603 : i32 to index
      %get3A_605 = arith.constant 0 : index
      %get3A_606 = tpu.vector_load %arg7[%get3A_604, %get3A_605] {strides = array<i32>} : memref<16x196xi32, #tpu.memory_space<vmem>>, vector<16xi32>,
      %gather3A_607 = tpu.vector_load_idx %arg9[%broadcast_in_dim3A_331, %broadcast_in_dim3A_600, %broadcast_in_dim3A_602, %get3A_606] : memref<2x4x16x784xf32, #tpu.memory_space<vmem>>[vector<16xi32>, vector<16xi32>, vector<16xi32>, vector<16xi32>], vector<16xf32>,
      %swap3A_608 = arith.constant 2 : i32
      %swap3A_609 = arith.index_cast %select_n3A_220 : i32 to index
      %swap3A_610 = arith.index_cast %swap3A_608 : i32 to index
      %swap3A_611 = arith.constant 0 : index
      %swap3A_612 = tpu.vector_load %arg10[%swap3A_609, %swap3A_610, %swap3A_611] {strides = array<i32>} : memref<2x16x196xf32, #tpu.memory_space<vmem>>, vector<16xf32>,
      tpu.vector_store %arg10[%swap3A_609, %swap3A_610, %swap3A_611], %gather3A_607 {strides = array<i32>} : memref<2x16x196xf32, #tpu.memory_space<vmem>>, vector<16xf32>,
      %get3A_613 = arith.constant 2 : i32
      %get3A_614 = arith.index_cast %get3A_613 : i32 to index
      %get3A_615 = arith.constant 16 : index
      %get3A_616 = tpu.vector_load %arg7[%get3A_614, %get3A_615] {strides = array<i32>} : memref<16x196xi32, #tpu.memory_space<vmem>>, vector<16xi32>,
      %gather3A_617 = tpu.vector_load_idx %arg9[%broadcast_in_dim3A_331, %broadcast_in_dim3A_600, %broadcast_in_dim3A_602, %get3A_616] : memref<2x4x16x784xf32, #tpu.memory_space<vmem>>[vector<16xi32>, vector<16xi32>, vector<16xi32>, vector<16xi32>], vector<16xf32>,
      %swap3A_618 = arith.constant 2 : i32
      %swap3A_619 = arith.index_cast %select_n3A_220 : i32 to index
      %swap3A_620 = arith.index_cast %swap3A_618 : i32 to index
      %swap3A_621 = arith.constant 16 : index
      %swap3A_622 = tpu.vector_load %arg10[%swap3A_619, %swap3A_620, %swap3A_621] {strides = array<i32>} : memref<2x16x196xf32, #tpu.memory_space<vmem>>, vector<16xf32>,
      tpu.vector_store %arg10[%swap3A_619, %swap3A_620, %swap3A_621], %gather3A_617 {strides = array<i32>} : memref<2x16x196xf32, #tpu.memory_space<vmem>>, vector<16xf32>,
      %get3A_623 = arith.constant 2 : i32
      %get3A_624 = arith.index_cast %get3A_623 : i32 to index
      %get3A_625 = arith.constant 32 : index
      %get3A_626 = tpu.vector_load %arg7[%get3A_624, %get3A_625] {strides = array<i32>} : memref<16x196xi32, #tpu.memory_space<vmem>>, vector<16xi32>,
      %gather3A_627 = tpu.vector_load_idx %arg9[%broadcast_in_dim3A_331, %broadcast_in_dim3A_600, %broadcast_in_dim3A_602, %get3A_626] : memref<2x4x16x784xf32, #tpu.memory_space<vmem>>[vector<16xi32>, vector<16xi32>, vector<16xi32>, vector<16xi32>], vector<16xf32>,
      %swap3A_628 = arith.constant 2 : i32
      %swap3A_629 = arith.index_cast %select_n3A_220 : i32 to index
      %swap3A_630 = arith.index_cast %swap3A_628 : i32 to index
      %swap3A_631 = arith.constant 32 : index
      %swap3A_632 = tpu.vector_load %arg10[%swap3A_629, %swap3A_630, %swap3A_631] {strides = array<i32>} : memref<2x16x196xf32, #tpu.memory_space<vmem>>, vector<16xf32>,
      tpu.vector_store %arg10[%swap3A_629, %swap3A_630, %swap3A_631], %gather3A_627 {strides = array<i32>} : memref<2x16x196xf32, #tpu.memory_space<vmem>>, vector<16xf32>,
      %get3A_633 = arith.constant 2 : i32
      %get3A_634 = arith.index_cast %get3A_633 : i32 to index
      %get3A_635 = arith.constant 48 : index
      %get3A_636 = tpu.vector_load %arg7[%get3A_634, %get3A_635] {strides = array<i32>} : memref<16x196xi32, #tpu.memory_space<vmem>>, vector<16xi32>,
      %gather3A_637 = tpu.vector_load_idx %arg9[%broadcast_in_dim3A_331, %broadcast_in_dim3A_600, %broadcast_in_dim3A_602, %get3A_636] : memref<2x4x16x784xf32, #tpu.memory_space<vmem>>[vector<16xi32>, vector<16xi32>, vector<16xi32>, vector<16xi32>], vector<16xf32>,
      %swap3A_638 = arith.constant 2 : i32
      %swap3A_639 = arith.index_cast %select_n3A_220 : i32 to index
      %swap3A_640 = arith.index_cast %swap3A_638 : i32 to index
      %swap3A_641 = arith.constant 48 : index
      %swap3A_642 = tpu.vector_load %arg10[%swap3A_639, %swap3A_640, %swap3A_641] {strides = array<i32>} : memref<2x16x196xf32, #tpu.memory_space<vmem>>, vector<16xf32>,
      tpu.vector_store %arg10[%swap3A_639, %swap3A_640, %swap3A_641], %gather3A_637 {strides = array<i32>} : memref<2x16x196xf32, #tpu.memory_space<vmem>>, vector<16xf32>,
      %get3A_643 = arith.constant 2 : i32
      %get3A_644 = arith.index_cast %get3A_643 : i32 to index
      %get3A_645 = arith.constant 64 : index
      %get3A_646 = tpu.vector_load %arg7[%get3A_644, %get3A_645] {strides = array<i32>} : memref<16x196xi32, #tpu.memory_space<vmem>>, vector<16xi32>,
      %gather3A_647 = tpu.vector_load_idx %arg9[%broadcast_in_dim3A_331, %broadcast_in_dim3A_600, %broadcast_in_dim3A_602, %get3A_646] : memref<2x4x16x784xf32, #tpu.memory_space<vmem>>[vector<16xi32>, vector<16xi32>, vector<16xi32>, vector<16xi32>], vector<16xf32>,
      %swap3A_648 = arith.constant 2 : i32
      %swap3A_649 = arith.index_cast %select_n3A_220 : i32 to index
      %swap3A_650 = arith.index_cast %swap3A_648 : i32 to index
      %swap3A_651 = arith.constant 64 : index
      %swap3A_652 = tpu.vector_load %arg10[%swap3A_649, %swap3A_650, %swap3A_651] {strides = array<i32>} : memref<2x16x196xf32, #tpu.memory_space<vmem>>, vector<16xf32>,
      tpu.vector_store %arg10[%swap3A_649, %swap3A_650, %swap3A_651], %gather3A_647 {strides = array<i32>} : memref<2x16x196xf32, #tpu.memory_space<vmem>>, vector<16xf32>,
      %get3A_653 = arith.constant 2 : i32
      %get3A_654 = arith.index_cast %get3A_653 : i32 to index
      %get3A_655 = arith.constant 80 : index
      %get3A_656 = tpu.vector_load %arg7[%get3A_654, %get3A_655] {strides = array<i32>} : memref<16x196xi32, #tpu.memory_space<vmem>>, vector<16xi32>,
      %gather3A_657 = tpu.vector_load_idx %arg9[%broadcast_in_dim3A_331, %broadcast_in_dim3A_600, %broadcast_in_dim3A_602, %get3A_656] : memref<2x4x16x784xf32, #tpu.memory_space<vmem>>[vector<16xi32>, vector<16xi32>, vector<16xi32>, vector<16xi32>], vector<16xf32>,
      %swap3A_658 = arith.constant 2 : i32
      %swap3A_659 = arith.index_cast %select_n3A_220 : i32 to index
      %swap3A_660 = arith.index_cast %swap3A_658 : i32 to index
      %swap3A_661 = arith.constant 80 : index
      %swap3A_662 = tpu.vector_load %arg10[%swap3A_659, %swap3A_660, %swap3A_661] {strides = array<i32>} : memref<2x16x196xf32, #tpu.memory_space<vmem>>, vector<16xf32>,
      tpu.vector_store %arg10[%swap3A_659, %swap3A_660, %swap3A_661], %gather3A_657 {strides = array<i32>} : memref<2x16x196xf32, #tpu.memory_space<vmem>>, vector<16xf32>,
      %get3A_663 = arith.constant 2 : i32
      %get3A_664 = arith.index_cast %get3A_663 : i32 to index
      %get3A_665 = arith.constant 96 : index
      %get3A_666 = tpu.vector_load %arg7[%get3A_664, %get3A_665] {strides = array<i32>} : memref<16x196xi32, #tpu.memory_space<vmem>>, vector<16xi32>,
      %gather3A_667 = tpu.vector_load_idx %arg9[%broadcast_in_dim3A_331, %broadcast_in_dim3A_600, %broadcast_in_dim3A_602, %get3A_666] : memref<2x4x16x784xf32, #tpu.memory_space<vmem>>[vector<16xi32>, vector<16xi32>, vector<16xi32>, vector<16xi32>], vector<16xf32>,
      %swap3A_668 = arith.constant 2 : i32
      %swap3A_669 = arith.index_cast %select_n3A_220 : i32 to index
      %swap3A_670 = arith.index_cast %swap3A_668 : i32 to index
      %swap3A_671 = arith.constant 96 : index
      %swap3A_672 = tpu.vector_load %arg10[%swap3A_669, %swap3A_670, %swap3A_671] {strides = array<i32>} : memref<2x16x196xf32, #tpu.memory_space<vmem>>, vector<16xf32>,
      tpu.vector_store %arg10[%swap3A_669, %swap3A_670, %swap3A_671], %gather3A_667 {strides = array<i32>} : memref<2x16x196xf32, #tpu.memory_space<vmem>>, vector<16xf32>,
      %get3A_673 = arith.constant 2 : i32
      %get3A_674 = arith.index_cast %get3A_673 : i32 to index
      %get3A_675 = arith.constant 112 : index
      %get3A_676 = tpu.vector_load %arg7[%get3A_674, %get3A_675] {strides = array<i32>} : memref<16x196xi32, #tpu.memory_space<vmem>>, vector<16xi32>,
      %gather3A_677 = tpu.vector_load_idx %arg9[%broadcast_in_dim3A_331, %broadcast_in_dim3A_600, %broadcast_in_dim3A_602, %get3A_676] : memref<2x4x16x784xf32, #tpu.memory_space<vmem>>[vector<16xi32>, vector<16xi32>, vector<16xi32>, vector<16xi32>], vector<16xf32>,
      %swap3A_678 = arith.constant 2 : i32
      %swap3A_679 = arith.index_cast %select_n3A_220 : i32 to index
      %swap3A_680 = arith.index_cast %swap3A_678 : i32 to index
      %swap3A_681 = arith.constant 112 : index
      %swap3A_682 = tpu.vector_load %arg10[%swap3A_679, %swap3A_680, %swap3A_681] {strides = array<i32>} : memref<2x16x196xf32, #tpu.memory_space<vmem>>, vector<16xf32>,
      tpu.vector_store %arg10[%swap3A_679, %swap3A_680, %swap3A_681], %gather3A_677 {strides = array<i32>} : memref<2x16x196xf32, #tpu.memory_space<vmem>>, vector<16xf32>,
      %get3A_683 = arith.constant 2 : i32
      %get3A_684 = arith.index_cast %get3A_683 : i32 to index
      %get3A_685 = arith.constant 128 : index
      %get3A_686 = tpu.vector_load %arg7[%get3A_684, %get3A_685] {strides = array<i32>} : memref<16x196xi32, #tpu.memory_space<vmem>>, vector<16xi32>,
      %gather3A_687 = tpu.vector_load_idx %arg9[%broadcast_in_dim3A_331, %broadcast_in_dim3A_600, %broadcast_in_dim3A_602, %get3A_686] : memref<2x4x16x784xf32, #tpu.memory_space<vmem>>[vector<16xi32>, vector<16xi32>, vector<16xi32>, vector<16xi32>], vector<16xf32>,
      %swap3A_688 = arith.constant 2 : i32
      %swap3A_689 = arith.index_cast %select_n3A_220 : i32 to index
      %swap3A_690 = arith.index_cast %swap3A_688 : i32 to index
      %swap3A_691 = arith.constant 128 : index
      %swap3A_692 = tpu.vector_load %arg10[%swap3A_689, %swap3A_690, %swap3A_691] {strides = array<i32>} : memref<2x16x196xf32, #tpu.memory_space<vmem>>, vector<16xf32>,
      tpu.vector_store %arg10[%swap3A_689, %swap3A_690, %swap3A_691], %gather3A_687 {strides = array<i32>} : memref<2x16x196xf32, #tpu.memory_space<vmem>>, vector<16xf32>,
      %get3A_693 = arith.constant 2 : i32
      %get3A_694 = arith.index_cast %get3A_693 : i32 to index
      %get3A_695 = arith.constant 144 : index
      %get3A_696 = tpu.vector_load %arg7[%get3A_694, %get3A_695] {strides = array<i32>} : memref<16x196xi32, #tpu.memory_space<vmem>>, vector<16xi32>,
      %gather3A_697 = tpu.vector_load_idx %arg9[%broadcast_in_dim3A_331, %broadcast_in_dim3A_600, %broadcast_in_dim3A_602, %get3A_696] : memref<2x4x16x784xf32, #tpu.memory_space<vmem>>[vector<16xi32>, vector<16xi32>, vector<16xi32>, vector<16xi32>], vector<16xf32>,
      %swap3A_698 = arith.constant 2 : i32
      %swap3A_699 = arith.index_cast %select_n3A_220 : i32 to index
      %swap3A_700 = arith.index_cast %swap3A_698 : i32 to index
      %swap3A_701 = arith.constant 144 : index
      %swap3A_702 = tpu.vector_load %arg10[%swap3A_699, %swap3A_700, %swap3A_701] {strides = array<i32>} : memref<2x16x196xf32, #tpu.memory_space<vmem>>, vector<16xf32>,
      tpu.vector_store %arg10[%swap3A_699, %swap3A_700, %swap3A_701], %gather3A_697 {strides = array<i32>} : memref<2x16x196xf32, #tpu.memory_space<vmem>>, vector<16xf32>,
      %get3A_703 = arith.constant 2 : i32
      %get3A_704 = arith.index_cast %get3A_703 : i32 to index
      %get3A_705 = arith.constant 160 : index
      %get3A_706 = tpu.vector_load %arg7[%get3A_704, %get3A_705] {strides = array<i32>} : memref<16x196xi32, #tpu.memory_space<vmem>>, vector<16xi32>,
      %gather3A_707 = tpu.vector_load_idx %arg9[%broadcast_in_dim3A_331, %broadcast_in_dim3A_600, %broadcast_in_dim3A_602, %get3A_706] : memref<2x4x16x784xf32, #tpu.memory_space<vmem>>[vector<16xi32>, vector<16xi32>, vector<16xi32>, vector<16xi32>], vector<16xf32>,
      %swap3A_708 = arith.constant 2 : i32
      %swap3A_709 = arith.index_cast %select_n3A_220 : i32 to index
      %swap3A_710 = arith.index_cast %swap3A_708 : i32 to index
      %swap3A_711 = arith.constant 160 : index
      %swap3A_712 = tpu.vector_load %arg10[%swap3A_709, %swap3A_710, %swap3A_711] {strides = array<i32>} : memref<2x16x196xf32, #tpu.memory_space<vmem>>, vector<16xf32>,
      tpu.vector_store %arg10[%swap3A_709, %swap3A_710, %swap3A_711], %gather3A_707 {strides = array<i32>} : memref<2x16x196xf32, #tpu.memory_space<vmem>>, vector<16xf32>,
      %get3A_713 = arith.constant 2 : i32
      %get3A_714 = arith.index_cast %get3A_713 : i32 to index
      %get3A_715 = arith.constant 176 : index
      %get3A_716 = tpu.vector_load %arg7[%get3A_714, %get3A_715] {strides = array<i32>} : memref<16x196xi32, #tpu.memory_space<vmem>>, vector<16xi32>,
      %gather3A_717 = tpu.vector_load_idx %arg9[%broadcast_in_dim3A_331, %broadcast_in_dim3A_600, %broadcast_in_dim3A_602, %get3A_716] : memref<2x4x16x784xf32, #tpu.memory_space<vmem>>[vector<16xi32>, vector<16xi32>, vector<16xi32>, vector<16xi32>], vector<16xf32>,
      %swap3A_718 = arith.constant 2 : i32
      %swap3A_719 = arith.index_cast %select_n3A_220 : i32 to index
      %swap3A_720 = arith.index_cast %swap3A_718 : i32 to index
      %swap3A_721 = arith.constant 176 : index
      %swap3A_722 = tpu.vector_load %arg10[%swap3A_719, %swap3A_720, %swap3A_721] {strides = array<i32>} : memref<2x16x196xf32, #tpu.memory_space<vmem>>, vector<16xf32>,
      tpu.vector_store %arg10[%swap3A_719, %swap3A_720, %swap3A_721], %gather3A_717 {strides = array<i32>} : memref<2x16x196xf32, #tpu.memory_space<vmem>>, vector<16xf32>,
      %get3A_723 = arith.constant 2 : i32
      %get3A_724 = arith.index_cast %get3A_723 : i32 to index
      %get3A_725 = arith.constant 180 : index
      %get3A_726 = tpu.vector_load %arg7[%get3A_724, %get3A_725] {strides = array<i32>} : memref<16x196xi32, #tpu.memory_space<vmem>>, vector<16xi32>,
      %gather3A_727 = tpu.vector_load_idx %arg9[%broadcast_in_dim3A_331, %broadcast_in_dim3A_600, %broadcast_in_dim3A_602, %get3A_726] : memref<2x4x16x784xf32, #tpu.memory_space<vmem>>[vector<16xi32>, vector<16xi32>, vector<16xi32>, vector<16xi32>], vector<16xf32>,
      %swap3A_728 = arith.constant 2 : i32
      %swap3A_729 = arith.index_cast %select_n3A_220 : i32 to index
      %swap3A_730 = arith.index_cast %swap3A_728 : i32 to index
      %swap3A_731 = arith.constant 180 : index
      %swap3A_732 = tpu.vector_load %arg10[%swap3A_729, %swap3A_730, %swap3A_731] {strides = array<i32>} : memref<2x16x196xf32, #tpu.memory_space<vmem>>, vector<16xf32>,
      tpu.vector_store %arg10[%swap3A_729, %swap3A_730, %swap3A_731], %gather3A_727 {strides = array<i32>} : memref<2x16x196xf32, #tpu.memory_space<vmem>>, vector<16xf32>,
      %slice3A_733 = vector.extract_strided_slice %add3A_317 {offsets = [3], sizes = [1], strides = [1]} : vector<16xi32> to vector<1xi32>
      %squeeze3A_734 = vector.extract %slice3A_733[0] : i32 from vector<1xi32>
      %broadcast_in_dim3A_735 = vector.broadcast %squeeze3A_734 : i32 to vector<16xi32>
      %broadcast_in_dim3A_736 = arith.constant 3 : i32
      %broadcast_in_dim3A_737 = vector.broadcast %broadcast_in_dim3A_736 : i32 to vector<16xi32>
      %get3A_738 = arith.constant 3 : i32
      %get3A_739 = arith.index_cast %get3A_738 : i32 to index
      %get3A_740 = arith.constant 0 : index
      %get3A_741 = tpu.vector_load %arg7[%get3A_739, %get3A_740] {strides = array<i32>} : memref<16x196xi32, #tpu.memory_space<vmem>>, vector<16xi32>,
      %gather3A_742 = tpu.vector_load_idx %arg9[%broadcast_in_dim3A_331, %broadcast_in_dim3A_735, %broadcast_in_dim3A_737, %get3A_741] : memref<2x4x16x784xf32, #tpu.memory_space<vmem>>[vector<16xi32>, vector<16xi32>, vector<16xi32>, vector<16xi32>], vector<16xf32>,
      %swap3A_743 = arith.constant 3 : i32
      %swap3A_744 = arith.index_cast %select_n3A_220 : i32 to index
      %swap3A_745 = arith.index_cast %swap3A_743 : i32 to index
      %swap3A_746 = arith.constant 0 : index
      %swap3A_747 = tpu.vector_load %arg10[%swap3A_744, %swap3A_745, %swap3A_746] {strides = array<i32>} : memref<2x16x196xf32, #tpu.memory_space<vmem>>, vector<16xf32>,
      tpu.vector_store %arg10[%swap3A_744, %swap3A_745, %swap3A_746], %gather3A_742 {strides = array<i32>} : memref<2x16x196xf32, #tpu.memory_space<vmem>>, vector<16xf32>,
      %get3A_748 = arith.constant 3 : i32
      %get3A_749 = arith.index_cast %get3A_748 : i32 to index
      %get3A_750 = arith.constant 16 : index
      %get3A_751 = tpu.vector_load %arg7[%get3A_749, %get3A_750] {strides = array<i32>} : memref<16x196xi32, #tpu.memory_space<vmem>>, vector<16xi32>,
      %gather3A_752 = tpu.vector_load_idx %arg9[%broadcast_in_dim3A_331, %broadcast_in_dim3A_735, %broadcast_in_dim3A_737, %get3A_751] : memref<2x4x16x784xf32, #tpu.memory_space<vmem>>[vector<16xi32>, vector<16xi32>, vector<16xi32>, vector<16xi32>], vector<16xf32>,
      %swap3A_753 = arith.constant 3 : i32
      %swap3A_754 = arith.index_cast %select_n3A_220 : i32 to index
      %swap3A_755 = arith.index_cast %swap3A_753 : i32 to index
      %swap3A_756 = arith.constant 16 : index
      %swap3A_757 = tpu.vector_load %arg10[%swap3A_754, %swap3A_755, %swap3A_756] {strides = array<i32>} : memref<2x16x196xf32, #tpu.memory_space<vmem>>, vector<16xf32>,
      tpu.vector_store %arg10[%swap3A_754, %swap3A_755, %swap3A_756], %gather3A_752 {strides = array<i32>} : memref<2x16x196xf32, #tpu.memory_space<vmem>>, vector<16xf32>,
      %get3A_758 = arith.constant 3 : i32
      %get3A_759 = arith.index_cast %get3A_758 : i32 to index
      %get3A_760 = arith.constant 32 : index
      %get3A_761 = tpu.vector_load %arg7[%get3A_759, %get3A_760] {strides = array<i32>} : memref<16x196xi32, #tpu.memory_space<vmem>>, vector<16xi32>,
      %gather3A_762 = tpu.vector_load_idx %arg9[%broadcast_in_dim3A_331, %broadcast_in_dim3A_735, %broadcast_in_dim3A_737, %get3A_761] : memref<2x4x16x784xf32, #tpu.memory_space<vmem>>[vector<16xi32>, vector<16xi32>, vector<16xi32>, vector<16xi32>], vector<16xf32>,
      %swap3A_763 = arith.constant 3 : i32
      %swap3A_764 = arith.index_cast %select_n3A_220 : i32 to index
      %swap3A_765 = arith.index_cast %swap3A_763 : i32 to index
      %swap3A_766 = arith.constant 32 : index
      %swap3A_767 = tpu.vector_load %arg10[%swap3A_764, %swap3A_765, %swap3A_766] {strides = array<i32>} : memref<2x16x196xf32, #tpu.memory_space<vmem>>, vector<16xf32>,
      tpu.vector_store %arg10[%swap3A_764, %swap3A_765, %swap3A_766], %gather3A_762 {strides = array<i32>} : memref<2x16x196xf32, #tpu.memory_space<vmem>>, vector<16xf32>,
      %get3A_768 = arith.constant 3 : i32
      %get3A_769 = arith.index_cast %get3A_768 : i32 to index
      %get3A_770 = arith.constant 48 : index
      %get3A_771 = tpu.vector_load %arg7[%get3A_769, %get3A_770] {strides = array<i32>} : memref<16x196xi32, #tpu.memory_space<vmem>>, vector<16xi32>,
      %gather3A_772 = tpu.vector_load_idx %arg9[%broadcast_in_dim3A_331, %broadcast_in_dim3A_735, %broadcast_in_dim3A_737, %get3A_771] : memref<2x4x16x784xf32, #tpu.memory_space<vmem>>[vector<16xi32>, vector<16xi32>, vector<16xi32>, vector<16xi32>], vector<16xf32>,
      %swap3A_773 = arith.constant 3 : i32
      %swap3A_774 = arith.index_cast %select_n3A_220 : i32 to index
      %swap3A_775 = arith.index_cast %swap3A_773 : i32 to index
      %swap3A_776 = arith.constant 48 : index
      %swap3A_777 = tpu.vector_load %arg10[%swap3A_774, %swap3A_775, %swap3A_776] {strides = array<i32>} : memref<2x16x196xf32, #tpu.memory_space<vmem>>, vector<16xf32>,
      tpu.vector_store %arg10[%swap3A_774, %swap3A_775, %swap3A_776], %gather3A_772 {strides = array<i32>} : memref<2x16x196xf32, #tpu.memory_space<vmem>>, vector<16xf32>,
      %get3A_778 = arith.constant 3 : i32
      %get3A_779 = arith.index_cast %get3A_778 : i32 to index
      %get3A_780 = arith.constant 64 : index
      %get3A_781 = tpu.vector_load %arg7[%get3A_779, %get3A_780] {strides = array<i32>} : memref<16x196xi32, #tpu.memory_space<vmem>>, vector<16xi32>,
      %gather3A_782 = tpu.vector_load_idx %arg9[%broadcast_in_dim3A_331, %broadcast_in_dim3A_735, %broadcast_in_dim3A_737, %get3A_781] : memref<2x4x16x784xf32, #tpu.memory_space<vmem>>[vector<16xi32>, vector<16xi32>, vector<16xi32>, vector<16xi32>], vector<16xf32>,
      %swap3A_783 = arith.constant 3 : i32
      %swap3A_784 = arith.index_cast %select_n3A_220 : i32 to index
      %swap3A_785 = arith.index_cast %swap3A_783 : i32 to index
      %swap3A_786 = arith.constant 64 : index
      %swap3A_787 = tpu.vector_load %arg10[%swap3A_784, %swap3A_785, %swap3A_786] {strides = array<i32>} : memref<2x16x196xf32, #tpu.memory_space<vmem>>, vector<16xf32>,
      tpu.vector_store %arg10[%swap3A_784, %swap3A_785, %swap3A_786], %gather3A_782 {strides = array<i32>} : memref<2x16x196xf32, #tpu.memory_space<vmem>>, vector<16xf32>,
      %get3A_788 = arith.constant 3 : i32
      %get3A_789 = arith.index_cast %get3A_788 : i32 to index
      %get3A_790 = arith.constant 80 : index
      %get3A_791 = tpu.vector_load %arg7[%get3A_789, %get3A_790] {strides = array<i32>} : memref<16x196xi32, #tpu.memory_space<vmem>>, vector<16xi32>,
      %gather3A_792 = tpu.vector_load_idx %arg9[%broadcast_in_dim3A_331, %broadcast_in_dim3A_735, %broadcast_in_dim3A_737, %get3A_791] : memref<2x4x16x784xf32, #tpu.memory_space<vmem>>[vector<16xi32>, vector<16xi32>, vector<16xi32>, vector<16xi32>], vector<16xf32>,
      %swap3A_793 = arith.constant 3 : i32
      %swap3A_794 = arith.index_cast %select_n3A_220 : i32 to index
      %swap3A_795 = arith.index_cast %swap3A_793 : i32 to index
      %swap3A_796 = arith.constant 80 : index
      %swap3A_797 = tpu.vector_load %arg10[%swap3A_794, %swap3A_795, %swap3A_796] {strides = array<i32>} : memref<2x16x196xf32, #tpu.memory_space<vmem>>, vector<16xf32>,
      tpu.vector_store %arg10[%swap3A_794, %swap3A_795, %swap3A_796], %gather3A_792 {strides = array<i32>} : memref<2x16x196xf32, #tpu.memory_space<vmem>>, vector<16xf32>,
      %get3A_798 = arith.constant 3 : i32
      %get3A_799 = arith.index_cast %get3A_798 : i32 to index
      %get3A_800 = arith.constant 96 : index
      %get3A_801 = tpu.vector_load %arg7[%get3A_799, %get3A_800] {strides = array<i32>} : memref<16x196xi32, #tpu.memory_space<vmem>>, vector<16xi32>,
      %gather3A_802 = tpu.vector_load_idx %arg9[%broadcast_in_dim3A_331, %broadcast_in_dim3A_735, %broadcast_in_dim3A_737, %get3A_801] : memref<2x4x16x784xf32, #tpu.memory_space<vmem>>[vector<16xi32>, vector<16xi32>, vector<16xi32>, vector<16xi32>], vector<16xf32>,
      %swap3A_803 = arith.constant 3 : i32
      %swap3A_804 = arith.index_cast %select_n3A_220 : i32 to index
      %swap3A_805 = arith.index_cast %swap3A_803 : i32 to index
      %swap3A_806 = arith.constant 96 : index
      %swap3A_807 = tpu.vector_load %arg10[%swap3A_804, %swap3A_805, %swap3A_806] {strides = array<i32>} : memref<2x16x196xf32, #tpu.memory_space<vmem>>, vector<16xf32>,
      tpu.vector_store %arg10[%swap3A_804, %swap3A_805, %swap3A_806], %gather3A_802 {strides = array<i32>} : memref<2x16x196xf32, #tpu.memory_space<vmem>>, vector<16xf32>,
      %get3A_808 = arith.constant 3 : i32
      %get3A_809 = arith.index_cast %get3A_808 : i32 to index
      %get3A_810 = arith.constant 112 : index
      %get3A_811 = tpu.vector_load %arg7[%get3A_809, %get3A_810] {strides = array<i32>} : memref<16x196xi32, #tpu.memory_space<vmem>>, vector<16xi32>,
      %gather3A_812 = tpu.vector_load_idx %arg9[%broadcast_in_dim3A_331, %broadcast_in_dim3A_735, %broadcast_in_dim3A_737, %get3A_811] : memref<2x4x16x784xf32, #tpu.memory_space<vmem>>[vector<16xi32>, vector<16xi32>, vector<16xi32>, vector<16xi32>], vector<16xf32>,
      %swap3A_813 = arith.constant 3 : i32
      %swap3A_814 = arith.index_cast %select_n3A_220 : i32 to index
      %swap3A_815 = arith.index_cast %swap3A_813 : i32 to index
      %swap3A_816 = arith.constant 112 : index
      %swap3A_817 = tpu.vector_load %arg10[%swap3A_814, %swap3A_815, %swap3A_816] {strides = array<i32>} : memref<2x16x196xf32, #tpu.memory_space<vmem>>, vector<16xf32>,
      tpu.vector_store %arg10[%swap3A_814, %swap3A_815, %swap3A_816], %gather3A_812 {strides = array<i32>} : memref<2x16x196xf32, #tpu.memory_space<vmem>>, vector<16xf32>,
      %get3A_818 = arith.constant 3 : i32
      %get3A_819 = arith.index_cast %get3A_818 : i32 to index
      %get3A_820 = arith.constant 128 : index
      %get3A_821 = tpu.vector_load %arg7[%get3A_819, %get3A_820] {strides = array<i32>} : memref<16x196xi32, #tpu.memory_space<vmem>>, vector<16xi32>,
      %gather3A_822 = tpu.vector_load_idx %arg9[%broadcast_in_dim3A_331, %broadcast_in_dim3A_735, %broadcast_in_dim3A_737, %get3A_821] : memref<2x4x16x784xf32, #tpu.memory_space<vmem>>[vector<16xi32>, vector<16xi32>, vector<16xi32>, vector<16xi32>], vector<16xf32>,
      %swap3A_823 = arith.constant 3 : i32
      %swap3A_824 = arith.index_cast %select_n3A_220 : i32 to index
      %swap3A_825 = arith.index_cast %swap3A_823 : i32 to index
      %swap3A_826 = arith.constant 128 : index
      %swap3A_827 = tpu.vector_load %arg10[%swap3A_824, %swap3A_825, %swap3A_826] {strides = array<i32>} : memref<2x16x196xf32, #tpu.memory_space<vmem>>, vector<16xf32>,
      tpu.vector_store %arg10[%swap3A_824, %swap3A_825, %swap3A_826], %gather3A_822 {strides = array<i32>} : memref<2x16x196xf32, #tpu.memory_space<vmem>>, vector<16xf32>,
      %get3A_828 = arith.constant 3 : i32
      %get3A_829 = arith.index_cast %get3A_828 : i32 to index
      %get3A_830 = arith.constant 144 : index
      %get3A_831 = tpu.vector_load %arg7[%get3A_829, %get3A_830] {strides = array<i32>} : memref<16x196xi32, #tpu.memory_space<vmem>>, vector<16xi32>,
      %gather3A_832 = tpu.vector_load_idx %arg9[%broadcast_in_dim3A_331, %broadcast_in_dim3A_735, %broadcast_in_dim3A_737, %get3A_831] : memref<2x4x16x784xf32, #tpu.memory_space<vmem>>[vector<16xi32>, vector<16xi32>, vector<16xi32>, vector<16xi32>], vector<16xf32>,
      %swap3A_833 = arith.constant 3 : i32
      %swap3A_834 = arith.index_cast %select_n3A_220 : i32 to index
      %swap3A_835 = arith.index_cast %swap3A_833 : i32 to index
      %swap3A_836 = arith.constant 144 : index
      %swap3A_837 = tpu.vector_load %arg10[%swap3A_834, %swap3A_835, %swap3A_836] {strides = array<i32>} : memref<2x16x196xf32, #tpu.memory_space<vmem>>, vector<16xf32>,
      tpu.vector_store %arg10[%swap3A_834, %swap3A_835, %swap3A_836], %gather3A_832 {strides = array<i32>} : memref<2x16x196xf32, #tpu.memory_space<vmem>>, vector<16xf32>,
      %get3A_838 = arith.constant 3 : i32
      %get3A_839 = arith.index_cast %get3A_838 : i32 to index
      %get3A_840 = arith.constant 160 : index
      %get3A_841 = tpu.vector_load %arg7[%get3A_839, %get3A_840] {strides = array<i32>} : memref<16x196xi32, #tpu.memory_space<vmem>>, vector<16xi32>,
      %gather3A_842 = tpu.vector_load_idx %arg9[%broadcast_in_dim3A_331, %broadcast_in_dim3A_735, %broadcast_in_dim3A_737, %get3A_841] : memref<2x4x16x784xf32, #tpu.memory_space<vmem>>[vector<16xi32>, vector<16xi32>, vector<16xi32>, vector<16xi32>], vector<16xf32>,
      %swap3A_843 = arith.constant 3 : i32
      %swap3A_844 = arith.index_cast %select_n3A_220 : i32 to index
      %swap3A_845 = arith.index_cast %swap3A_843 : i32 to index
      %swap3A_846 = arith.constant 160 : index
      %swap3A_847 = tpu.vector_load %arg10[%swap3A_844, %swap3A_845, %swap3A_846] {strides = array<i32>} : memref<2x16x196xf32, #tpu.memory_space<vmem>>, vector<16xf32>,
      tpu.vector_store %arg10[%swap3A_844, %swap3A_845, %swap3A_846], %gather3A_842 {strides = array<i32>} : memref<2x16x196xf32, #tpu.memory_space<vmem>>, vector<16xf32>,
      %get3A_848 = arith.constant 3 : i32
      %get3A_849 = arith.index_cast %get3A_848 : i32 to index
      %get3A_850 = arith.constant 176 : index
      %get3A_851 = tpu.vector_load %arg7[%get3A_849, %get3A_850] {strides = array<i32>} : memref<16x196xi32, #tpu.memory_space<vmem>>, vector<16xi32>,
      %gather3A_852 = tpu.vector_load_idx %arg9[%broadcast_in_dim3A_331, %broadcast_in_dim3A_735, %broadcast_in_dim3A_737, %get3A_851] : memref<2x4x16x784xf32, #tpu.memory_space<vmem>>[vector<16xi32>, vector<16xi32>, vector<16xi32>, vector<16xi32>], vector<16xf32>,
      %swap3A_853 = arith.constant 3 : i32
      %swap3A_854 = arith.index_cast %select_n3A_220 : i32 to index
      %swap3A_855 = arith.index_cast %swap3A_853 : i32 to index
      %swap3A_856 = arith.constant 176 : index
      %swap3A_857 = tpu.vector_load %arg10[%swap3A_854, %swap3A_855, %swap3A_856] {strides = array<i32>} : memref<2x16x196xf32, #tpu.memory_space<vmem>>, vector<16xf32>,
      tpu.vector_store %arg10[%swap3A_854, %swap3A_855, %swap3A_856], %gather3A_852 {strides = array<i32>} : memref<2x16x196xf32, #tpu.memory_space<vmem>>, vector<16xf32>,
      %get3A_858 = arith.constant 3 : i32
      %get3A_859 = arith.index_cast %get3A_858 : i32 to index
      %get3A_860 = arith.constant 180 : index
      %get3A_861 = tpu.vector_load %arg7[%get3A_859, %get3A_860] {strides = array<i32>} : memref<16x196xi32, #tpu.memory_space<vmem>>, vector<16xi32>,
      %gather3A_862 = tpu.vector_load_idx %arg9[%broadcast_in_dim3A_331, %broadcast_in_dim3A_735, %broadcast_in_dim3A_737, %get3A_861] : memref<2x4x16x784xf32, #tpu.memory_space<vmem>>[vector<16xi32>, vector<16xi32>, vector<16xi32>, vector<16xi32>], vector<16xf32>,
      %swap3A_863 = arith.constant 3 : i32
      %swap3A_864 = arith.index_cast %select_n3A_220 : i32 to index
      %swap3A_865 = arith.index_cast %swap3A_863 : i32 to index
      %swap3A_866 = arith.constant 180 : index
      %swap3A_867 = tpu.vector_load %arg10[%swap3A_864, %swap3A_865, %swap3A_866] {strides = array<i32>} : memref<2x16x196xf32, #tpu.memory_space<vmem>>, vector<16xf32>,
      tpu.vector_store %arg10[%swap3A_864, %swap3A_865, %swap3A_866], %gather3A_862 {strides = array<i32>} : memref<2x16x196xf32, #tpu.memory_space<vmem>>, vector<16xf32>,
      %slice3A_868 = vector.extract_strided_slice %add3A_317 {offsets = [4], sizes = [1], strides = [1]} : vector<16xi32> to vector<1xi32>
      %squeeze3A_869 = vector.extract %slice3A_868[0] : i32 from vector<1xi32>
      %broadcast_in_dim3A_870 = vector.broadcast %squeeze3A_869 : i32 to vector<16xi32>
      %broadcast_in_dim3A_871 = arith.constant 4 : i32
      %broadcast_in_dim3A_872 = vector.broadcast %broadcast_in_dim3A_871 : i32 to vector<16xi32>
      %get3A_873 = arith.constant 4 : i32
      %get3A_874 = arith.index_cast %get3A_873 : i32 to index
      %get3A_875 = arith.constant 0 : index
      %get3A_876 = tpu.vector_load %arg7[%get3A_874, %get3A_875] {strides = array<i32>} : memref<16x196xi32, #tpu.memory_space<vmem>>, vector<16xi32>,
      %gather3A_877 = tpu.vector_load_idx %arg9[%broadcast_in_dim3A_331, %broadcast_in_dim3A_870, %broadcast_in_dim3A_872, %get3A_876] : memref<2x4x16x784xf32, #tpu.memory_space<vmem>>[vector<16xi32>, vector<16xi32>, vector<16xi32>, vector<16xi32>], vector<16xf32>,
      %swap3A_878 = arith.constant 4 : i32
      %swap3A_879 = arith.index_cast %select_n3A_220 : i32 to index
      %swap3A_880 = arith.index_cast %swap3A_878 : i32 to index
      %swap3A_881 = arith.constant 0 : index
      %swap3A_882 = tpu.vector_load %arg10[%swap3A_879, %swap3A_880, %swap3A_881] {strides = array<i32>} : memref<2x16x196xf32, #tpu.memory_space<vmem>>, vector<16xf32>,
      tpu.vector_store %arg10[%swap3A_879, %swap3A_880, %swap3A_881], %gather3A_877 {strides = array<i32>} : memref<2x16x196xf32, #tpu.memory_space<vmem>>, vector<16xf32>,
      %get3A_883 = arith.constant 4 : i32
      %get3A_884 = arith.index_cast %get3A_883 : i32 to index
      %get3A_885 = arith.constant 16 : index
      %get3A_886 = tpu.vector_load %arg7[%get3A_884, %get3A_885] {strides = array<i32>} : memref<16x196xi32, #tpu.memory_space<vmem>>, vector<16xi32>,
      %gather3A_887 = tpu.vector_load_idx %arg9[%broadcast_in_dim3A_331, %broadcast_in_dim3A_870, %broadcast_in_dim3A_872, %get3A_886] : memref<2x4x16x784xf32, #tpu.memory_space<vmem>>[vector<16xi32>, vector<16xi32>, vector<16xi32>, vector<16xi32>], vector<16xf32>,
      %swap3A_888 = arith.constant 4 : i32
      %swap3A_889 = arith.index_cast %select_n3A_220 : i32 to index
      %swap3A_890 = arith.index_cast %swap3A_888 : i32 to index
      %swap3A_891 = arith.constant 16 : index
      %swap3A_892 = tpu.vector_load %arg10[%swap3A_889, %swap3A_890, %swap3A_891] {strides = array<i32>} : memref<2x16x196xf32, #tpu.memory_space<vmem>>, vector<16xf32>,
      tpu.vector_store %arg10[%swap3A_889, %swap3A_890, %swap3A_891], %gather3A_887 {strides = array<i32>} : memref<2x16x196xf32, #tpu.memory_space<vmem>>, vector<16xf32>,
      %get3A_893 = arith.constant 4 : i32
      %get3A_894 = arith.index_cast %get3A_893 : i32 to index
      %get3A_895 = arith.constant 32 : index
      %get3A_896 = tpu.vector_load %arg7[%get3A_894, %get3A_895] {strides = array<i32>} : memref<16x196xi32, #tpu.memory_space<vmem>>, vector<16xi32>,
      %gather3A_897 = tpu.vector_load_idx %arg9[%broadcast_in_dim3A_331, %broadcast_in_dim3A_870, %broadcast_in_dim3A_872, %get3A_896] : memref<2x4x16x784xf32, #tpu.memory_space<vmem>>[vector<16xi32>, vector<16xi32>, vector<16xi32>, vector<16xi32>], vector<16xf32>,
      %swap3A_898 = arith.constant 4 : i32
      %swap3A_899 = arith.index_cast %select_n3A_220 : i32 to index
      %swap3A_900 = arith.index_cast %swap3A_898 : i32 to index
      %swap3A_901 = arith.constant 32 : index
      %swap3A_902 = tpu.vector_load %arg10[%swap3A_899, %swap3A_900, %swap3A_901] {strides = array<i32>} : memref<2x16x196xf32, #tpu.memory_space<vmem>>, vector<16xf32>,
      tpu.vector_store %arg10[%swap3A_899, %swap3A_900, %swap3A_901], %gather3A_897 {strides = array<i32>} : memref<2x16x196xf32, #tpu.memory_space<vmem>>, vector<16xf32>,
      %get3A_903 = arith.constant 4 : i32
      %get3A_904 = arith.index_cast %get3A_903 : i32 to index
      %get3A_905 = arith.constant 48 : index
      %get3A_906 = tpu.vector_load %arg7[%get3A_904, %get3A_905] {strides = array<i32>} : memref<16x196xi32, #tpu.memory_space<vmem>>, vector<16xi32>,
      %gather3A_907 = tpu.vector_load_idx %arg9[%broadcast_in_dim3A_331, %broadcast_in_dim3A_870, %broadcast_in_dim3A_872, %get3A_906] : memref<2x4x16x784xf32, #tpu.memory_space<vmem>>[vector<16xi32>, vector<16xi32>, vector<16xi32>, vector<16xi32>], vector<16xf32>,
      %swap3A_908 = arith.constant 4 : i32
      %swap3A_909 = arith.index_cast %select_n3A_220 : i32 to index
      %swap3A_910 = arith.index_cast %swap3A_908 : i32 to index
      %swap3A_911 = arith.constant 48 : index
      %swap3A_912 = tpu.vector_load %arg10[%swap3A_909, %swap3A_910, %swap3A_911] {strides = array<i32>} : memref<2x16x196xf32, #tpu.memory_space<vmem>>, vector<16xf32>,
      tpu.vector_store %arg10[%swap3A_909, %swap3A_910, %swap3A_911], %gather3A_907 {strides = array<i32>} : memref<2x16x196xf32, #tpu.memory_space<vmem>>, vector<16xf32>,
      %get3A_913 = arith.constant 4 : i32
      %get3A_914 = arith.index_cast %get3A_913 : i32 to index
      %get3A_915 = arith.constant 64 : index
      %get3A_916 = tpu.vector_load %arg7[%get3A_914, %get3A_915] {strides = array<i32>} : memref<16x196xi32, #tpu.memory_space<vmem>>, vector<16xi32>,
      %gather3A_917 = tpu.vector_load_idx %arg9[%broadcast_in_dim3A_331, %broadcast_in_dim3A_870, %broadcast_in_dim3A_872, %get3A_916] : memref<2x4x16x784xf32, #tpu.memory_space<vmem>>[vector<16xi32>, vector<16xi32>, vector<16xi32>, vector<16xi32>], vector<16xf32>,
      %swap3A_918 = arith.constant 4 : i32
      %swap3A_919 = arith.index_cast %select_n3A_220 : i32 to index
      %swap3A_920 = arith.index_cast %swap3A_918 : i32 to index
      %swap3A_921 = arith.constant 64 : index
      %swap3A_922 = tpu.vector_load %arg10[%swap3A_919, %swap3A_920, %swap3A_921] {strides = array<i32>} : memref<2x16x196xf32, #tpu.memory_space<vmem>>, vector<16xf32>,
      tpu.vector_store %arg10[%swap3A_919, %swap3A_920, %swap3A_921], %gather3A_917 {strides = array<i32>} : memref<2x16x196xf32, #tpu.memory_space<vmem>>, vector<16xf32>,
      %get3A_923 = arith.constant 4 : i32
      %get3A_924 = arith.index_cast %get3A_923 : i32 to index
      %get3A_925 = arith.constant 80 : index
      %get3A_926 = tpu.vector_load %arg7[%get3A_924, %get3A_925] {strides = array<i32>} : memref<16x196xi32, #tpu.memory_space<vmem>>, vector<16xi32>,
      %gather3A_927 = tpu.vector_load_idx %arg9[%broadcast_in_dim3A_331, %broadcast_in_dim3A_870, %broadcast_in_dim3A_872, %get3A_926] : memref<2x4x16x784xf32, #tpu.memory_space<vmem>>[vector<16xi32>, vector<16xi32>, vector<16xi32>, vector<16xi32>], vector<16xf32>,
      %swap3A_928 = arith.constant 4 : i32
      %swap3A_929 = arith.index_cast %select_n3A_220 : i32 to index
      %swap3A_930 = arith.index_cast %swap3A_928 : i32 to index
      %swap3A_931 = arith.constant 80 : index
      %swap3A_932 = tpu.vector_load %arg10[%swap3A_929, %swap3A_930, %swap3A_931] {strides = array<i32>} : memref<2x16x196xf32, #tpu.memory_space<vmem>>, vector<16xf32>,
      tpu.vector_store %arg10[%swap3A_929, %swap3A_930, %swap3A_931], %gather3A_927 {strides = array<i32>} : memref<2x16x196xf32, #tpu.memory_space<vmem>>, vector<16xf32>,
      %get3A_933 = arith.constant 4 : i32
      %get3A_934 = arith.index_cast %get3A_933 : i32 to index
      %get3A_935 = arith.constant 96 : index
      %get3A_936 = tpu.vector_load %arg7[%get3A_934, %get3A_935] {strides = array<i32>} : memref<16x196xi32, #tpu.memory_space<vmem>>, vector<16xi32>,
      %gather3A_937 = tpu.vector_load_idx %arg9[%broadcast_in_dim3A_331, %broadcast_in_dim3A_870, %broadcast_in_dim3A_872, %get3A_936] : memref<2x4x16x784xf32, #tpu.memory_space<vmem>>[vector<16xi32>, vector<16xi32>, vector<16xi32>, vector<16xi32>], vector<16xf32>,
      %swap3A_938 = arith.constant 4 : i32
      %swap3A_939 = arith.index_cast %select_n3A_220 : i32 to index
      %swap3A_940 = arith.index_cast %swap3A_938 : i32 to index
      %swap3A_941 = arith.constant 96 : index
      %swap3A_942 = tpu.vector_load %arg10[%swap3A_939, %swap3A_940, %swap3A_941] {strides = array<i32>} : memref<2x16x196xf32, #tpu.memory_space<vmem>>, vector<16xf32>,
      tpu.vector_store %arg10[%swap3A_939, %swap3A_940, %swap3A_941], %gather3A_937 {strides = array<i32>} : memref<2x16x196xf32, #tpu.memory_space<vmem>>, vector<16xf32>,
      %get3A_943 = arith.constant 4 : i32
      %get3A_944 = arith.index_cast %get3A_943 : i32 to index
      %get3A_945 = arith.constant 112 : index
      %get3A_946 = tpu.vector_load %arg7[%get3A_944, %get3A_945] {strides = array<i32>} : memref<16x196xi32, #tpu.memory_space<vmem>>, vector<16xi32>,
      %gather3A_947 = tpu.vector_load_idx %arg9[%broadcast_in_dim3A_331, %broadcast_in_dim3A_870, %broadcast_in_dim3A_872, %get3A_946] : memref<2x4x16x784xf32, #tpu.memory_space<vmem>>[vector<16xi32>, vector<16xi32>, vector<16xi32>, vector<16xi32>], vector<16xf32>,
      %swap3A_948 = arith.constant 4 : i32
      %swap3A_949 = arith.index_cast %select_n3A_220 : i32 to index
      %swap3A_950 = arith.index_cast %swap3A_948 : i32 to index
      %swap3A_951 = arith.constant 112 : index
      %swap3A_952 = tpu.vector_load %arg10[%swap3A_949, %swap3A_950, %swap3A_951] {strides = array<i32>} : memref<2x16x196xf32, #tpu.memory_space<vmem>>, vector<16xf32>,
      tpu.vector_store %arg10[%swap3A_949, %swap3A_950, %swap3A_951], %gather3A_947 {strides = array<i32>} : memref<2x16x196xf32, #tpu.memory_space<vmem>>, vector<16xf32>,
      %get3A_953 = arith.constant 4 : i32
      %get3A_954 = arith.index_cast %get3A_953 : i32 to index
      %get3A_955 = arith.constant 128 : index
      %get3A_956 = tpu.vector_load %arg7[%get3A_954, %get3A_955] {strides = array<i32>} : memref<16x196xi32, #tpu.memory_space<vmem>>, vector<16xi32>,
      %gather3A_957 = tpu.vector_load_idx %arg9[%broadcast_in_dim3A_331, %broadcast_in_dim3A_870, %broadcast_in_dim3A_872, %get3A_956] : memref<2x4x16x784xf32, #tpu.memory_space<vmem>>[vector<16xi32>, vector<16xi32>, vector<16xi32>, vector<16xi32>], vector<16xf32>,
      %swap3A_958 = arith.constant 4 : i32
      %swap3A_959 = arith.index_cast %select_n3A_220 : i32 to index
      %swap3A_960 = arith.index_cast %swap3A_958 : i32 to index
      %swap3A_961 = arith.constant 128 : index
      %swap3A_962 = tpu.vector_load %arg10[%swap3A_959, %swap3A_960, %swap3A_961] {strides = array<i32>} : memref<2x16x196xf32, #tpu.memory_space<vmem>>, vector<16xf32>,
      tpu.vector_store %arg10[%swap3A_959, %swap3A_960, %swap3A_961], %gather3A_957 {strides = array<i32>} : memref<2x16x196xf32, #tpu.memory_space<vmem>>, vector<16xf32>,
      %get3A_963 = arith.constant 4 : i32
      %get3A_964 = arith.index_cast %get3A_963 : i32 to index
      %get3A_965 = arith.constant 144 : index
      %get3A_966 = tpu.vector_load %arg7[%get3A_964, %get3A_965] {strides = array<i32>} : memref<16x196xi32, #tpu.memory_space<vmem>>, vector<16xi32>,
      %gather3A_967 = tpu.vector_load_idx %arg9[%broadcast_in_dim3A_331, %broadcast_in_dim3A_870, %broadcast_in_dim3A_872, %get3A_966] : memref<2x4x16x784xf32, #tpu.memory_space<vmem>>[vector<16xi32>, vector<16xi32>, vector<16xi32>, vector<16xi32>], vector<16xf32>,
      %swap3A_968 = arith.constant 4 : i32
      %swap3A_969 = arith.index_cast %select_n3A_220 : i32 to index
      %swap3A_970 = arith.index_cast %swap3A_968 : i32 to index
      %swap3A_971 = arith.constant 144 : index
      %swap3A_972 = tpu.vector_load %arg10[%swap3A_969, %swap3A_970, %swap3A_971] {strides = array<i32>} : memref<2x16x196xf32, #tpu.memory_space<vmem>>, vector<16xf32>,
      tpu.vector_store %arg10[%swap3A_969, %swap3A_970, %swap3A_971], %gather3A_967 {strides = array<i32>} : memref<2x16x196xf32, #tpu.memory_space<vmem>>, vector<16xf32>,
      %get3A_973 = arith.constant 4 : i32
      %get3A_974 = arith.index_cast %get3A_973 : i32 to index
      %get3A_975 = arith.constant 160 : index
      %get3A_976 = tpu.vector_load %arg7[%get3A_974, %get3A_975] {strides = array<i32>} : memref<16x196xi32, #tpu.memory_space<vmem>>, vector<16xi32>,
      %gather3A_977 = tpu.vector_load_idx %arg9[%broadcast_in_dim3A_331, %broadcast_in_dim3A_870, %broadcast_in_dim3A_872, %get3A_976] : memref<2x4x16x784xf32, #tpu.memory_space<vmem>>[vector<16xi32>, vector<16xi32>, vector<16xi32>, vector<16xi32>], vector<16xf32>,
      %swap3A_978 = arith.constant 4 : i32
      %swap3A_979 = arith.index_cast %select_n3A_220 : i32 to index
      %swap3A_980 = arith.index_cast %swap3A_978 : i32 to index
      %swap3A_981 = arith.constant 160 : index
      %swap3A_982 = tpu.vector_load %arg10[%swap3A_979, %swap3A_980, %swap3A_981] {strides = array<i32>} : memref<2x16x196xf32, #tpu.memory_space<vmem>>, vector<16xf32>,
      tpu.vector_store %arg10[%swap3A_979, %swap3A_980, %swap3A_981], %gather3A_977 {strides = array<i32>} : memref<2x16x196xf32, #tpu.memory_space<vmem>>, vector<16xf32>,
      %get3A_983 = arith.constant 4 : i32
      %get3A_984 = arith.index_cast %get3A_983 : i32 to index
      %get3A_985 = arith.constant 176 : index
      %get3A_986 = tpu.vector_load %arg7[%get3A_984, %get3A_985] {strides = array<i32>} : memref<16x196xi32, #tpu.memory_space<vmem>>, vector<16xi32>,
      %gather3A_987 = tpu.vector_load_idx %arg9[%broadcast_in_dim3A_331, %broadcast_in_dim3A_870, %broadcast_in_dim3A_872, %get3A_986] : memref<2x4x16x784xf32, #tpu.memory_space<vmem>>[vector<16xi32>, vector<16xi32>, vector<16xi32>, vector<16xi32>], vector<16xf32>,
      %swap3A_988 = arith.constant 4 : i32
      %swap3A_989 = arith.index_cast %select_n3A_220 : i32 to index
      %swap3A_990 = arith.index_cast %swap3A_988 : i32 to index
      %swap3A_991 = arith.constant 176 : index
      %swap3A_992 = tpu.vector_load %arg10[%swap3A_989, %swap3A_990, %swap3A_991] {strides = array<i32>} : memref<2x16x196xf32, #tpu.memory_space<vmem>>, vector<16xf32>,
      tpu.vector_store %arg10[%swap3A_989, %swap3A_990, %swap3A_991], %gather3A_987 {strides = array<i32>} : memref<2x16x196xf32, #tpu.memory_space<vmem>>, vector<16xf32>,
      %get3A_993 = arith.constant 4 : i32
      %get3A_994 = arith.index_cast %get3A_993 : i32 to index
      %get3A_995 = arith.constant 180 : index
      %get3A_996 = tpu.vector_load %arg7[%get3A_994, %get3A_995] {strides = array<i32>} : memref<16x196xi32, #tpu.memory_space<vmem>>, vector<16xi32>,
      %gather3A_997 = tpu.vector_load_idx %arg9[%broadcast_in_dim3A_331, %broadcast_in_dim3A_870, %broadcast_in_dim3A_872, %get3A_996] : memref<2x4x16x784xf32, #tpu.memory_space<vmem>>[vector<16xi32>, vector<16xi32>, vector<16xi32>, vector<16xi32>], vector<16xf32>,
      %swap3A_998 = arith.constant 4 : i32
      %swap3A_999 = arith.index_cast %select_n3A_220 : i32 to index
      %swap3A_1000 = arith.index_cast %swap3A_998 : i32 to index
      %swap3A_1001 = arith.constant 180 : index
      %swap3A_1002 = tpu.vector_load %arg10[%swap3A_999, %swap3A_1000, %swap3A_1001] {strides = array<i32>} : memref<2x16x196xf32, #tpu.memory_space<vmem>>, vector<16xf32>,
      tpu.vector_store %arg10[%swap3A_999, %swap3A_1000, %swap3A_1001], %gather3A_997 {strides = array<i32>} : memref<2x16x196xf32, #tpu.memory_space<vmem>>, vector<16xf32>,
      %slice3A_1003 = vector.extract_strided_slice %add3A_317 {offsets = [5], sizes = [1], strides = [1]} : vector<16xi32> to vector<1xi32>
      %squeeze3A_1004 = vector.extract %slice3A_1003[0] : i32 from vector<1xi32>
      %broadcast_in_dim3A_1005 = vector.broadcast %squeeze3A_1004 : i32 to vector<16xi32>
      %broadcast_in_dim3A_1006 = arith.constant 5 : i32
      %broadcast_in_dim3A_1007 = vector.broadcast %broadcast_in_dim3A_1006 : i32 to vector<16xi32>
      %get3A_1008 = arith.constant 5 : i32
      %get3A_1009 = arith.index_cast %get3A_1008 : i32 to index
      %get3A_1010 = arith.constant 0 : index
      %get3A_1011 = tpu.vector_load %arg7[%get3A_1009, %get3A_1010] {strides = array<i32>} : memref<16x196xi32, #tpu.memory_space<vmem>>, vector<16xi32>,
      %gather3A_1012 = tpu.vector_load_idx %arg9[%broadcast_in_dim3A_331, %broadcast_in_dim3A_1005, %broadcast_in_dim3A_1007, %get3A_1011] : memref<2x4x16x784xf32, #tpu.memory_space<vmem>>[vector<16xi32>, vector<16xi32>, vector<16xi32>, vector<16xi32>], vector<16xf32>,
      %swap3A_1013 = arith.constant 5 : i32
      %swap3A_1014 = arith.index_cast %select_n3A_220 : i32 to index
      %swap3A_1015 = arith.index_cast %swap3A_1013 : i32 to index
      %swap3A_1016 = arith.constant 0 : index
      %swap3A_1017 = tpu.vector_load %arg10[%swap3A_1014, %swap3A_1015, %swap3A_1016] {strides = array<i32>} : memref<2x16x196xf32, #tpu.memory_space<vmem>>, vector<16xf32>,
      tpu.vector_store %arg10[%swap3A_1014, %swap3A_1015, %swap3A_1016], %gather3A_1012 {strides = array<i32>} : memref<2x16x196xf32, #tpu.memory_space<vmem>>, vector<16xf32>,
      %get3A_1018 = arith.constant 5 : i32
      %get3A_1019 = arith.index_cast %get3A_1018 : i32 to index
      %get3A_1020 = arith.constant 16 : index
      %get3A_1021 = tpu.vector_load %arg7[%get3A_1019, %get3A_1020] {strides = array<i32>} : memref<16x196xi32, #tpu.memory_space<vmem>>, vector<16xi32>,
      %gather3A_1022 = tpu.vector_load_idx %arg9[%broadcast_in_dim3A_331, %broadcast_in_dim3A_1005, %broadcast_in_dim3A_1007, %get3A_1021] : memref<2x4x16x784xf32, #tpu.memory_space<vmem>>[vector<16xi32>, vector<16xi32>, vector<16xi32>, vector<16xi32>], vector<16xf32>,
      %swap3A_1023 = arith.constant 5 : i32
      %swap3A_1024 = arith.index_cast %select_n3A_220 : i32 to index
      %swap3A_1025 = arith.index_cast %swap3A_1023 : i32 to index
      %swap3A_1026 = arith.constant 16 : index
      %swap3A_1027 = tpu.vector_load %arg10[%swap3A_1024, %swap3A_1025, %swap3A_1026] {strides = array<i32>} : memref<2x16x196xf32, #tpu.memory_space<vmem>>, vector<16xf32>,
      tpu.vector_store %arg10[%swap3A_1024, %swap3A_1025, %swap3A_1026], %gather3A_1022 {strides = array<i32>} : memref<2x16x196xf32, #tpu.memory_space<vmem>>, vector<16xf32>,
      %get3A_1028 = arith.constant 5 : i32
      %get3A_1029 = arith.index_cast %get3A_1028 : i32 to index
      %get3A_1030 = arith.constant 32 : index
      %get3A_1031 = tpu.vector_load %arg7[%get3A_1029, %get3A_1030] {strides = array<i32>} : memref<16x196xi32, #tpu.memory_space<vmem>>, vector<16xi32>,
      %gather3A_1032 = tpu.vector_load_idx %arg9[%broadcast_in_dim3A_331, %broadcast_in_dim3A_1005, %broadcast_in_dim3A_1007, %get3A_1031] : memref<2x4x16x784xf32, #tpu.memory_space<vmem>>[vector<16xi32>, vector<16xi32>, vector<16xi32>, vector<16xi32>], vector<16xf32>,
      %swap3A_1033 = arith.constant 5 : i32
      %swap3A_1034 = arith.index_cast %select_n3A_220 : i32 to index
      %swap3A_1035 = arith.index_cast %swap3A_1033 : i32 to index
      %swap3A_1036 = arith.constant 32 : index
      %swap3A_1037 = tpu.vector_load %arg10[%swap3A_1034, %swap3A_1035, %swap3A_1036] {strides = array<i32>} : memref<2x16x196xf32, #tpu.memory_space<vmem>>, vector<16xf32>,
      tpu.vector_store %arg10[%swap3A_1034, %swap3A_1035, %swap3A_1036], %gather3A_1032 {strides = array<i32>} : memref<2x16x196xf32, #tpu.memory_space<vmem>>, vector<16xf32>,
      %get3A_1038 = arith.constant 5 : i32
      %get3A_1039 = arith.index_cast %get3A_1038 : i32 to index
      %get3A_1040 = arith.constant 48 : index
      %get3A_1041 = tpu.vector_load %arg7[%get3A_1039, %get3A_1040] {strides = array<i32>} : memref<16x196xi32, #tpu.memory_space<vmem>>, vector<16xi32>,
      %gather3A_1042 = tpu.vector_load_idx %arg9[%broadcast_in_dim3A_331, %broadcast_in_dim3A_1005, %broadcast_in_dim3A_1007, %get3A_1041] : memref<2x4x16x784xf32, #tpu.memory_space<vmem>>[vector<16xi32>, vector<16xi32>, vector<16xi32>, vector<16xi32>], vector<16xf32>,
      %swap3A_1043 = arith.constant 5 : i32
      %swap3A_1044 = arith.index_cast %select_n3A_220 : i32 to index
      %swap3A_1045 = arith.index_cast %swap3A_1043 : i32 to index
      %swap3A_1046 = arith.constant 48 : index
      %swap3A_1047 = tpu.vector_load %arg10[%swap3A_1044, %swap3A_1045, %swap3A_1046] {strides = array<i32>} : memref<2x16x196xf32, #tpu.memory_space<vmem>>, vector<16xf32>,
      tpu.vector_store %arg10[%swap3A_1044, %swap3A_1045, %swap3A_1046], %gather3A_1042 {strides = array<i32>} : memref<2x16x196xf32, #tpu.memory_space<vmem>>, vector<16xf32>,
      %get3A_1048 = arith.constant 5 : i32
      %get3A_1049 = arith.index_cast %get3A_1048 : i32 to index
      %get3A_1050 = arith.constant 64 : index
      %get3A_1051 = tpu.vector_load %arg7[%get3A_1049, %get3A_1050] {strides = array<i32>} : memref<16x196xi32, #tpu.memory_space<vmem>>, vector<16xi32>,
      %gather3A_1052 = tpu.vector_load_idx %arg9[%broadcast_in_dim3A_331, %broadcast_in_dim3A_1005, %broadcast_in_dim3A_1007, %get3A_1051] : memref<2x4x16x784xf32, #tpu.memory_space<vmem>>[vector<16xi32>, vector<16xi32>, vector<16xi32>, vector<16xi32>], vector<16xf32>,
      %swap3A_1053 = arith.constant 5 : i32
      %swap3A_1054 = arith.index_cast %select_n3A_220 : i32 to index
      %swap3A_1055 = arith.index_cast %swap3A_1053 : i32 to index
      %swap3A_1056 = arith.constant 64 : index
      %swap3A_1057 = tpu.vector_load %arg10[%swap3A_1054, %swap3A_1055, %swap3A_1056] {strides = array<i32>} : memref<2x16x196xf32, #tpu.memory_space<vmem>>, vector<16xf32>,
      tpu.vector_store %arg10[%swap3A_1054, %swap3A_1055, %swap3A_1056], %gather3A_1052 {strides = array<i32>} : memref<2x16x196xf32, #tpu.memory_space<vmem>>, vector<16xf32>,
      %get3A_1058 = arith.constant 5 : i32
      %get3A_1059 = arith.index_cast %get3A_1058 : i32 to index
      %get3A_1060 = arith.constant 80 : index
      %get3A_1061 = tpu.vector_load %arg7[%get3A_1059, %get3A_1060] {strides = array<i32>} : memref<16x196xi32, #tpu.memory_space<vmem>>, vector<16xi32>,
      %gather3A_1062 = tpu.vector_load_idx %arg9[%broadcast_in_dim3A_331, %broadcast_in_dim3A_1005, %broadcast_in_dim3A_1007, %get3A_1061] : memref<2x4x16x784xf32, #tpu.memory_space<vmem>>[vector<16xi32>, vector<16xi32>, vector<16xi32>, vector<16xi32>], vector<16xf32>,
      %swap3A_1063 = arith.constant 5 : i32
      %swap3A_1064 = arith.index_cast %select_n3A_220 : i32 to index
      %swap3A_1065 = arith.index_cast %swap3A_1063 : i32 to index
      %swap3A_1066 = arith.constant 80 : index
      %swap3A_1067 = tpu.vector_load %arg10[%swap3A_1064, %swap3A_1065, %swap3A_1066] {strides = array<i32>} : memref<2x16x196xf32, #tpu.memory_space<vmem>>, vector<16xf32>,
      tpu.vector_store %arg10[%swap3A_1064, %swap3A_1065, %swap3A_1066], %gather3A_1062 {strides = array<i32>} : memref<2x16x196xf32, #tpu.memory_space<vmem>>, vector<16xf32>,
      %get3A_1068 = arith.constant 5 : i32
      %get3A_1069 = arith.index_cast %get3A_1068 : i32 to index
      %get3A_1070 = arith.constant 96 : index
      %get3A_1071 = tpu.vector_load %arg7[%get3A_1069, %get3A_1070] {strides = array<i32>} : memref<16x196xi32, #tpu.memory_space<vmem>>, vector<16xi32>,
      %gather3A_1072 = tpu.vector_load_idx %arg9[%broadcast_in_dim3A_331, %broadcast_in_dim3A_1005, %broadcast_in_dim3A_1007, %get3A_1071] : memref<2x4x16x784xf32, #tpu.memory_space<vmem>>[vector<16xi32>, vector<16xi32>, vector<16xi32>, vector<16xi32>], vector<16xf32>,
      %swap3A_1073 = arith.constant 5 : i32
      %swap3A_1074 = arith.index_cast %select_n3A_220 : i32 to index
      %swap3A_1075 = arith.index_cast %swap3A_1073 : i32 to index
      %swap3A_1076 = arith.constant 96 : index
      %swap3A_1077 = tpu.vector_load %arg10[%swap3A_1074, %swap3A_1075, %swap3A_1076] {strides = array<i32>} : memref<2x16x196xf32, #tpu.memory_space<vmem>>, vector<16xf32>,
      tpu.vector_store %arg10[%swap3A_1074, %swap3A_1075, %swap3A_1076], %gather3A_1072 {strides = array<i32>} : memref<2x16x196xf32, #tpu.memory_space<vmem>>, vector<16xf32>,
      %get3A_1078 = arith.constant 5 : i32
      %get3A_1079 = arith.index_cast %get3A_1078 : i32 to index
      %get3A_1080 = arith.constant 112 : index
      %get3A_1081 = tpu.vector_load %arg7[%get3A_1079, %get3A_1080] {strides = array<i32>} : memref<16x196xi32, #tpu.memory_space<vmem>>, vector<16xi32>,
      %gather3A_1082 = tpu.vector_load_idx %arg9[%broadcast_in_dim3A_331, %broadcast_in_dim3A_1005, %broadcast_in_dim3A_1007, %get3A_1081] : memref<2x4x16x784xf32, #tpu.memory_space<vmem>>[vector<16xi32>, vector<16xi32>, vector<16xi32>, vector<16xi32>], vector<16xf32>,
      %swap3A_1083 = arith.constant 5 : i32
      %swap3A_1084 = arith.index_cast %select_n3A_220 : i32 to index
      %swap3A_1085 = arith.index_cast %swap3A_1083 : i32 to index
      %swap3A_1086 = arith.constant 112 : index
      %swap3A_1087 = tpu.vector_load %arg10[%swap3A_1084, %swap3A_1085, %swap3A_1086] {strides = array<i32>} : memref<2x16x196xf32, #tpu.memory_space<vmem>>, vector<16xf32>,
      tpu.vector_store %arg10[%swap3A_1084, %swap3A_1085, %swap3A_1086], %gather3A_1082 {strides = array<i32>} : memref<2x16x196xf32, #tpu.memory_space<vmem>>, vector<16xf32>,
      %get3A_1088 = arith.constant 5 : i32
      %get3A_1089 = arith.index_cast %get3A_1088 : i32 to index
      %get3A_1090 = arith.constant 128 : index
      %get3A_1091 = tpu.vector_load %arg7[%get3A_1089, %get3A_1090] {strides = array<i32>} : memref<16x196xi32, #tpu.memory_space<vmem>>, vector<16xi32>,
      %gather3A_1092 = tpu.vector_load_idx %arg9[%broadcast_in_dim3A_331, %broadcast_in_dim3A_1005, %broadcast_in_dim3A_1007, %get3A_1091] : memref<2x4x16x784xf32, #tpu.memory_space<vmem>>[vector<16xi32>, vector<16xi32>, vector<16xi32>, vector<16xi32>], vector<16xf32>,
      %swap3A_1093 = arith.constant 5 : i32
      %swap3A_1094 = arith.index_cast %select_n3A_220 : i32 to index
      %swap3A_1095 = arith.index_cast %swap3A_1093 : i32 to index
      %swap3A_1096 = arith.constant 128 : index
      %swap3A_1097 = tpu.vector_load %arg10[%swap3A_1094, %swap3A_1095, %swap3A_1096] {strides = array<i32>} : memref<2x16x196xf32, #tpu.memory_space<vmem>>, vector<16xf32>,
      tpu.vector_store %arg10[%swap3A_1094, %swap3A_1095, %swap3A_1096], %gather3A_1092 {strides = array<i32>} : memref<2x16x196xf32, #tpu.memory_space<vmem>>, vector<16xf32>,
      %get3A_1098 = arith.constant 5 : i32
      %get3A_1099 = arith.index_cast %get3A_1098 : i32 to index
      %get3A_1100 = arith.constant 144 : index
      %get3A_1101 = tpu.vector_load %arg7[%get3A_1099, %get3A_1100] {strides = array<i32>} : memref<16x196xi32, #tpu.memory_space<vmem>>, vector<16xi32>,
      %gather3A_1102 = tpu.vector_load_idx %arg9[%broadcast_in_dim3A_331, %broadcast_in_dim3A_1005, %broadcast_in_dim3A_1007, %get3A_1101] : memref<2x4x16x784xf32, #tpu.memory_space<vmem>>[vector<16xi32>, vector<16xi32>, vector<16xi32>, vector<16xi32>], vector<16xf32>,
      %swap3A_1103 = arith.constant 5 : i32
      %swap3A_1104 = arith.index_cast %select_n3A_220 : i32 to index
      %swap3A_1105 = arith.index_cast %swap3A_1103 : i32 to index
      %swap3A_1106 = arith.constant 144 : index
      %swap3A_1107 = tpu.vector_load %arg10[%swap3A_1104, %swap3A_1105, %swap3A_1106] {strides = array<i32>} : memref<2x16x196xf32, #tpu.memory_space<vmem>>, vector<16xf32>,
      tpu.vector_store %arg10[%swap3A_1104, %swap3A_1105, %swap3A_1106], %gather3A_1102 {strides = array<i32>} : memref<2x16x196xf32, #tpu.memory_space<vmem>>, vector<16xf32>,
      %get3A_1108 = arith.constant 5 : i32
      %get3A_1109 = arith.index_cast %get3A_1108 : i32 to index
      %get3A_1110 = arith.constant 160 : index
      %get3A_1111 = tpu.vector_load %arg7[%get3A_1109, %get3A_1110] {strides = array<i32>} : memref<16x196xi32, #tpu.memory_space<vmem>>, vector<16xi32>,
      %gather3A_1112 = tpu.vector_load_idx %arg9[%broadcast_in_dim3A_331, %broadcast_in_dim3A_1005, %broadcast_in_dim3A_1007, %get3A_1111] : memref<2x4x16x784xf32, #tpu.memory_space<vmem>>[vector<16xi32>, vector<16xi32>, vector<16xi32>, vector<16xi32>], vector<16xf32>,
      %swap3A_1113 = arith.constant 5 : i32
      %swap3A_1114 = arith.index_cast %select_n3A_220 : i32 to index
      %swap3A_1115 = arith.index_cast %swap3A_1113 : i32 to index
      %swap3A_1116 = arith.constant 160 : index
      %swap3A_1117 = tpu.vector_load %arg10[%swap3A_1114, %swap3A_1115, %swap3A_1116] {strides = array<i32>} : memref<2x16x196xf32, #tpu.memory_space<vmem>>, vector<16xf32>,
      tpu.vector_store %arg10[%swap3A_1114, %swap3A_1115, %swap3A_1116], %gather3A_1112 {strides = array<i32>} : memref<2x16x196xf32, #tpu.memory_space<vmem>>, vector<16xf32>,
      %get3A_1118 = arith.constant 5 : i32
      %get3A_1119 = arith.index_cast %get3A_1118 : i32 to index
      %get3A_1120 = arith.constant 176 : index
      %get3A_1121 = tpu.vector_load %arg7[%get3A_1119, %get3A_1120] {strides = array<i32>} : memref<16x196xi32, #tpu.memory_space<vmem>>, vector<16xi32>,
      %gather3A_1122 = tpu.vector_load_idx %arg9[%broadcast_in_dim3A_331, %broadcast_in_dim3A_1005, %broadcast_in_dim3A_1007, %get3A_1121] : memref<2x4x16x784xf32, #tpu.memory_space<vmem>>[vector<16xi32>, vector<16xi32>, vector<16xi32>, vector<16xi32>], vector<16xf32>,
      %swap3A_1123 = arith.constant 5 : i32
      %swap3A_1124 = arith.index_cast %select_n3A_220 : i32 to index
      %swap3A_1125 = arith.index_cast %swap3A_1123 : i32 to index
      %swap3A_1126 = arith.constant 176 : index
      %swap3A_1127 = tpu.vector_load %arg10[%swap3A_1124, %swap3A_1125, %swap3A_1126] {strides = array<i32>} : memref<2x16x196xf32, #tpu.memory_space<vmem>>, vector<16xf32>,
      tpu.vector_store %arg10[%swap3A_1124, %swap3A_1125, %swap3A_1126], %gather3A_1122 {strides = array<i32>} : memref<2x16x196xf32, #tpu.memory_space<vmem>>, vector<16xf32>,
      %get3A_1128 = arith.constant 5 : i32
      %get3A_1129 = arith.index_cast %get3A_1128 : i32 to index
      %get3A_1130 = arith.constant 180 : index
      %get3A_1131 = tpu.vector_load %arg7[%get3A_1129, %get3A_1130] {strides = array<i32>} : memref<16x196xi32, #tpu.memory_space<vmem>>, vector<16xi32>,
      %gather3A_1132 = tpu.vector_load_idx %arg9[%broadcast_in_dim3A_331, %broadcast_in_dim3A_1005, %broadcast_in_dim3A_1007, %get3A_1131] : memref<2x4x16x784xf32, #tpu.memory_space<vmem>>[vector<16xi32>, vector<16xi32>, vector<16xi32>, vector<16xi32>], vector<16xf32>,
      %swap3A_1133 = arith.constant 5 : i32
      %swap3A_1134 = arith.index_cast %select_n3A_220 : i32 to index
      %swap3A_1135 = arith.index_cast %swap3A_1133 : i32 to index
      %swap3A_1136 = arith.constant 180 : index
      %swap3A_1137 = tpu.vector_load %arg10[%swap3A_1134, %swap3A_1135, %swap3A_1136] {strides = array<i32>} : memref<2x16x196xf32, #tpu.memory_space<vmem>>, vector<16xf32>,
      tpu.vector_store %arg10[%swap3A_1134, %swap3A_1135, %swap3A_1136], %gather3A_1132 {strides = array<i32>} : memref<2x16x196xf32, #tpu.memory_space<vmem>>, vector<16xf32>,
      %slice3A_1138 = vector.extract_strided_slice %add3A_317 {offsets = [6], sizes = [1], strides = [1]} : vector<16xi32> to vector<1xi32>
      %squeeze3A_1139 = vector.extract %slice3A_1138[0] : i32 from vector<1xi32>
      %broadcast_in_dim3A_1140 = vector.broadcast %squeeze3A_1139 : i32 to vector<16xi32>
      %broadcast_in_dim3A_1141 = arith.constant 6 : i32
      %broadcast_in_dim3A_1142 = vector.broadcast %broadcast_in_dim3A_1141 : i32 to vector<16xi32>
      %get3A_1143 = arith.constant 6 : i32
      %get3A_1144 = arith.index_cast %get3A_1143 : i32 to index
      %get3A_1145 = arith.constant 0 : index
      %get3A_1146 = tpu.vector_load %arg7[%get3A_1144, %get3A_1145] {strides = array<i32>} : memref<16x196xi32, #tpu.memory_space<vmem>>, vector<16xi32>,
      %gather3A_1147 = tpu.vector_load_idx %arg9[%broadcast_in_dim3A_331, %broadcast_in_dim3A_1140, %broadcast_in_dim3A_1142, %get3A_1146] : memref<2x4x16x784xf32, #tpu.memory_space<vmem>>[vector<16xi32>, vector<16xi32>, vector<16xi32>, vector<16xi32>], vector<16xf32>,
      %swap3A_1148 = arith.constant 6 : i32
      %swap3A_1149 = arith.index_cast %select_n3A_220 : i32 to index
      %swap3A_1150 = arith.index_cast %swap3A_1148 : i32 to index
      %swap3A_1151 = arith.constant 0 : index
      %swap3A_1152 = tpu.vector_load %arg10[%swap3A_1149, %swap3A_1150, %swap3A_1151] {strides = array<i32>} : memref<2x16x196xf32, #tpu.memory_space<vmem>>, vector<16xf32>,
      tpu.vector_store %arg10[%swap3A_1149, %swap3A_1150, %swap3A_1151], %gather3A_1147 {strides = array<i32>} : memref<2x16x196xf32, #tpu.memory_space<vmem>>, vector<16xf32>,
      %get3A_1153 = arith.constant 6 : i32
      %get3A_1154 = arith.index_cast %get3A_1153 : i32 to index
      %get3A_1155 = arith.constant 16 : index
      %get3A_1156 = tpu.vector_load %arg7[%get3A_1154, %get3A_1155] {strides = array<i32>} : memref<16x196xi32, #tpu.memory_space<vmem>>, vector<16xi32>,
      %gather3A_1157 = tpu.vector_load_idx %arg9[%broadcast_in_dim3A_331, %broadcast_in_dim3A_1140, %broadcast_in_dim3A_1142, %get3A_1156] : memref<2x4x16x784xf32, #tpu.memory_space<vmem>>[vector<16xi32>, vector<16xi32>, vector<16xi32>, vector<16xi32>], vector<16xf32>,
      %swap3A_1158 = arith.constant 6 : i32
      %swap3A_1159 = arith.index_cast %select_n3A_220 : i32 to index
      %swap3A_1160 = arith.index_cast %swap3A_1158 : i32 to index
      %swap3A_1161 = arith.constant 16 : index
      %swap3A_1162 = tpu.vector_load %arg10[%swap3A_1159, %swap3A_1160, %swap3A_1161] {strides = array<i32>} : memref<2x16x196xf32, #tpu.memory_space<vmem>>, vector<16xf32>,
      tpu.vector_store %arg10[%swap3A_1159, %swap3A_1160, %swap3A_1161], %gather3A_1157 {strides = array<i32>} : memref<2x16x196xf32, #tpu.memory_space<vmem>>, vector<16xf32>,
      %get3A_1163 = arith.constant 6 : i32
      %get3A_1164 = arith.index_cast %get3A_1163 : i32 to index
      %get3A_1165 = arith.constant 32 : index
      %get3A_1166 = tpu.vector_load %arg7[%get3A_1164, %get3A_1165] {strides = array<i32>} : memref<16x196xi32, #tpu.memory_space<vmem>>, vector<16xi32>,
      %gather3A_1167 = tpu.vector_load_idx %arg9[%broadcast_in_dim3A_331, %broadcast_in_dim3A_1140, %broadcast_in_dim3A_1142, %get3A_1166] : memref<2x4x16x784xf32, #tpu.memory_space<vmem>>[vector<16xi32>, vector<16xi32>, vector<16xi32>, vector<16xi32>], vector<16xf32>,
      %swap3A_1168 = arith.constant 6 : i32
      %swap3A_1169 = arith.index_cast %select_n3A_220 : i32 to index
      %swap3A_1170 = arith.index_cast %swap3A_1168 : i32 to index
      %swap3A_1171 = arith.constant 32 : index
      %swap3A_1172 = tpu.vector_load %arg10[%swap3A_1169, %swap3A_1170, %swap3A_1171] {strides = array<i32>} : memref<2x16x196xf32, #tpu.memory_space<vmem>>, vector<16xf32>,
      tpu.vector_store %arg10[%swap3A_1169, %swap3A_1170, %swap3A_1171], %gather3A_1167 {strides = array<i32>} : memref<2x16x196xf32, #tpu.memory_space<vmem>>, vector<16xf32>,
      %get3A_1173 = arith.constant 6 : i32
      %get3A_1174 = arith.index_cast %get3A_1173 : i32 to index
      %get3A_1175 = arith.constant 48 : index
      %get3A_1176 = tpu.vector_load %arg7[%get3A_1174, %get3A_1175] {strides = array<i32>} : memref<16x196xi32, #tpu.memory_space<vmem>>, vector<16xi32>,
      %gather3A_1177 = tpu.vector_load_idx %arg9[%broadcast_in_dim3A_331, %broadcast_in_dim3A_1140, %broadcast_in_dim3A_1142, %get3A_1176] : memref<2x4x16x784xf32, #tpu.memory_space<vmem>>[vector<16xi32>, vector<16xi32>, vector<16xi32>, vector<16xi32>], vector<16xf32>,
      %swap3A_1178 = arith.constant 6 : i32
      %swap3A_1179 = arith.index_cast %select_n3A_220 : i32 to index
      %swap3A_1180 = arith.index_cast %swap3A_1178 : i32 to index
      %swap3A_1181 = arith.constant 48 : index
      %swap3A_1182 = tpu.vector_load %arg10[%swap3A_1179, %swap3A_1180, %swap3A_1181] {strides = array<i32>} : memref<2x16x196xf32, #tpu.memory_space<vmem>>, vector<16xf32>,
      tpu.vector_store %arg10[%swap3A_1179, %swap3A_1180, %swap3A_1181], %gather3A_1177 {strides = array<i32>} : memref<2x16x196xf32, #tpu.memory_space<vmem>>, vector<16xf32>,
      %get3A_1183 = arith.constant 6 : i32
      %get3A_1184 = arith.index_cast %get3A_1183 : i32 to index
      %get3A_1185 = arith.constant 64 : index
      %get3A_1186 = tpu.vector_load %arg7[%get3A_1184, %get3A_1185] {strides = array<i32>} : memref<16x196xi32, #tpu.memory_space<vmem>>, vector<16xi32>,
      %gather3A_1187 = tpu.vector_load_idx %arg9[%broadcast_in_dim3A_331, %broadcast_in_dim3A_1140, %broadcast_in_dim3A_1142, %get3A_1186] : memref<2x4x16x784xf32, #tpu.memory_space<vmem>>[vector<16xi32>, vector<16xi32>, vector<16xi32>, vector<16xi32>], vector<16xf32>,
      %swap3A_1188 = arith.constant 6 : i32
      %swap3A_1189 = arith.index_cast %select_n3A_220 : i32 to index
      %swap3A_1190 = arith.index_cast %swap3A_1188 : i32 to index
      %swap3A_1191 = arith.constant 64 : index
      %swap3A_1192 = tpu.vector_load %arg10[%swap3A_1189, %swap3A_1190, %swap3A_1191] {strides = array<i32>} : memref<2x16x196xf32, #tpu.memory_space<vmem>>, vector<16xf32>,
      tpu.vector_store %arg10[%swap3A_1189, %swap3A_1190, %swap3A_1191], %gather3A_1187 {strides = array<i32>} : memref<2x16x196xf32, #tpu.memory_space<vmem>>, vector<16xf32>,
      %get3A_1193 = arith.constant 6 : i32
      %get3A_1194 = arith.index_cast %get3A_1193 : i32 to index
      %get3A_1195 = arith.constant 80 : index
      %get3A_1196 = tpu.vector_load %arg7[%get3A_1194, %get3A_1195] {strides = array<i32>} : memref<16x196xi32, #tpu.memory_space<vmem>>, vector<16xi32>,
      %gather3A_1197 = tpu.vector_load_idx %arg9[%broadcast_in_dim3A_331, %broadcast_in_dim3A_1140, %broadcast_in_dim3A_1142, %get3A_1196] : memref<2x4x16x784xf32, #tpu.memory_space<vmem>>[vector<16xi32>, vector<16xi32>, vector<16xi32>, vector<16xi32>], vector<16xf32>,
      %swap3A_1198 = arith.constant 6 : i32
      %swap3A_1199 = arith.index_cast %select_n3A_220 : i32 to index
      %swap3A_1200 = arith.index_cast %swap3A_1198 : i32 to index
      %swap3A_1201 = arith.constant 80 : index
      %swap3A_1202 = tpu.vector_load %arg10[%swap3A_1199, %swap3A_1200, %swap3A_1201] {strides = array<i32>} : memref<2x16x196xf32, #tpu.memory_space<vmem>>, vector<16xf32>,
      tpu.vector_store %arg10[%swap3A_1199, %swap3A_1200, %swap3A_1201], %gather3A_1197 {strides = array<i32>} : memref<2x16x196xf32, #tpu.memory_space<vmem>>, vector<16xf32>,
      %get3A_1203 = arith.constant 6 : i32
      %get3A_1204 = arith.index_cast %get3A_1203 : i32 to index
      %get3A_1205 = arith.constant 96 : index
      %get3A_1206 = tpu.vector_load %arg7[%get3A_1204, %get3A_1205] {strides = array<i32>} : memref<16x196xi32, #tpu.memory_space<vmem>>, vector<16xi32>,
      %gather3A_1207 = tpu.vector_load_idx %arg9[%broadcast_in_dim3A_331, %broadcast_in_dim3A_1140, %broadcast_in_dim3A_1142, %get3A_1206] : memref<2x4x16x784xf32, #tpu.memory_space<vmem>>[vector<16xi32>, vector<16xi32>, vector<16xi32>, vector<16xi32>], vector<16xf32>,
      %swap3A_1208 = arith.constant 6 : i32
      %swap3A_1209 = arith.index_cast %select_n3A_220 : i32 to index
      %swap3A_1210 = arith.index_cast %swap3A_1208 : i32 to index
      %swap3A_1211 = arith.constant 96 : index
      %swap3A_1212 = tpu.vector_load %arg10[%swap3A_1209, %swap3A_1210, %swap3A_1211] {strides = array<i32>} : memref<2x16x196xf32, #tpu.memory_space<vmem>>, vector<16xf32>,
      tpu.vector_store %arg10[%swap3A_1209, %swap3A_1210, %swap3A_1211], %gather3A_1207 {strides = array<i32>} : memref<2x16x196xf32, #tpu.memory_space<vmem>>, vector<16xf32>,
      %get3A_1213 = arith.constant 6 : i32
      %get3A_1214 = arith.index_cast %get3A_1213 : i32 to index
      %get3A_1215 = arith.constant 112 : index
      %get3A_1216 = tpu.vector_load %arg7[%get3A_1214, %get3A_1215] {strides = array<i32>} : memref<16x196xi32, #tpu.memory_space<vmem>>, vector<16xi32>,
      %gather3A_1217 = tpu.vector_load_idx %arg9[%broadcast_in_dim3A_331, %broadcast_in_dim3A_1140, %broadcast_in_dim3A_1142, %get3A_1216] : memref<2x4x16x784xf32, #tpu.memory_space<vmem>>[vector<16xi32>, vector<16xi32>, vector<16xi32>, vector<16xi32>], vector<16xf32>,
      %swap3A_1218 = arith.constant 6 : i32
      %swap3A_1219 = arith.index_cast %select_n3A_220 : i32 to index
      %swap3A_1220 = arith.index_cast %swap3A_1218 : i32 to index
      %swap3A_1221 = arith.constant 112 : index
      %swap3A_1222 = tpu.vector_load %arg10[%swap3A_1219, %swap3A_1220, %swap3A_1221] {strides = array<i32>} : memref<2x16x196xf32, #tpu.memory_space<vmem>>, vector<16xf32>,
      tpu.vector_store %arg10[%swap3A_1219, %swap3A_1220, %swap3A_1221], %gather3A_1217 {strides = array<i32>} : memref<2x16x196xf32, #tpu.memory_space<vmem>>, vector<16xf32>,
      %get3A_1223 = arith.constant 6 : i32
      %get3A_1224 = arith.index_cast %get3A_1223 : i32 to index
      %get3A_1225 = arith.constant 128 : index
      %get3A_1226 = tpu.vector_load %arg7[%get3A_1224, %get3A_1225] {strides = array<i32>} : memref<16x196xi32, #tpu.memory_space<vmem>>, vector<16xi32>,
      %gather3A_1227 = tpu.vector_load_idx %arg9[%broadcast_in_dim3A_331, %broadcast_in_dim3A_1140, %broadcast_in_dim3A_1142, %get3A_1226] : memref<2x4x16x784xf32, #tpu.memory_space<vmem>>[vector<16xi32>, vector<16xi32>, vector<16xi32>, vector<16xi32>], vector<16xf32>,
      %swap3A_1228 = arith.constant 6 : i32
      %swap3A_1229 = arith.index_cast %select_n3A_220 : i32 to index
      %swap3A_1230 = arith.index_cast %swap3A_1228 : i32 to index
      %swap3A_1231 = arith.constant 128 : index
      %swap3A_1232 = tpu.vector_load %arg10[%swap3A_1229, %swap3A_1230, %swap3A_1231] {strides = array<i32>} : memref<2x16x196xf32, #tpu.memory_space<vmem>>, vector<16xf32>,
      tpu.vector_store %arg10[%swap3A_1229, %swap3A_1230, %swap3A_1231], %gather3A_1227 {strides = array<i32>} : memref<2x16x196xf32, #tpu.memory_space<vmem>>, vector<16xf32>,
      %get3A_1233 = arith.constant 6 : i32
      %get3A_1234 = arith.index_cast %get3A_1233 : i32 to index
      %get3A_1235 = arith.constant 144 : index
      %get3A_1236 = tpu.vector_load %arg7[%get3A_1234, %get3A_1235] {strides = array<i32>} : memref<16x196xi32, #tpu.memory_space<vmem>>, vector<16xi32>,
      %gather3A_1237 = tpu.vector_load_idx %arg9[%broadcast_in_dim3A_331, %broadcast_in_dim3A_1140, %broadcast_in_dim3A_1142, %get3A_1236] : memref<2x4x16x784xf32, #tpu.memory_space<vmem>>[vector<16xi32>, vector<16xi32>, vector<16xi32>, vector<16xi32>], vector<16xf32>,
      %swap3A_1238 = arith.constant 6 : i32
      %swap3A_1239 = arith.index_cast %select_n3A_220 : i32 to index
      %swap3A_1240 = arith.index_cast %swap3A_1238 : i32 to index
      %swap3A_1241 = arith.constant 144 : index
      %swap3A_1242 = tpu.vector_load %arg10[%swap3A_1239, %swap3A_1240, %swap3A_1241] {strides = array<i32>} : memref<2x16x196xf32, #tpu.memory_space<vmem>>, vector<16xf32>,
      tpu.vector_store %arg10[%swap3A_1239, %swap3A_1240, %swap3A_1241], %gather3A_1237 {strides = array<i32>} : memref<2x16x196xf32, #tpu.memory_space<vmem>>, vector<16xf32>,
      %get3A_1243 = arith.constant 6 : i32
      %get3A_1244 = arith.index_cast %get3A_1243 : i32 to index
      %get3A_1245 = arith.constant 160 : index
      %get3A_1246 = tpu.vector_load %arg7[%get3A_1244, %get3A_1245] {strides = array<i32>} : memref<16x196xi32, #tpu.memory_space<vmem>>, vector<16xi32>,
      %gather3A_1247 = tpu.vector_load_idx %arg9[%broadcast_in_dim3A_331, %broadcast_in_dim3A_1140, %broadcast_in_dim3A_1142, %get3A_1246] : memref<2x4x16x784xf32, #tpu.memory_space<vmem>>[vector<16xi32>, vector<16xi32>, vector<16xi32>, vector<16xi32>], vector<16xf32>,
      %swap3A_1248 = arith.constant 6 : i32
      %swap3A_1249 = arith.index_cast %select_n3A_220 : i32 to index
      %swap3A_1250 = arith.index_cast %swap3A_1248 : i32 to index
      %swap3A_1251 = arith.constant 160 : index
      %swap3A_1252 = tpu.vector_load %arg10[%swap3A_1249, %swap3A_1250, %swap3A_1251] {strides = array<i32>} : memref<2x16x196xf32, #tpu.memory_space<vmem>>, vector<16xf32>,
      tpu.vector_store %arg10[%swap3A_1249, %swap3A_1250, %swap3A_1251], %gather3A_1247 {strides = array<i32>} : memref<2x16x196xf32, #tpu.memory_space<vmem>>, vector<16xf32>,
      %get3A_1253 = arith.constant 6 : i32
      %get3A_1254 = arith.index_cast %get3A_1253 : i32 to index
      %get3A_1255 = arith.constant 176 : index
      %get3A_1256 = tpu.vector_load %arg7[%get3A_1254, %get3A_1255] {strides = array<i32>} : memref<16x196xi32, #tpu.memory_space<vmem>>, vector<16xi32>,
      %gather3A_1257 = tpu.vector_load_idx %arg9[%broadcast_in_dim3A_331, %broadcast_in_dim3A_1140, %broadcast_in_dim3A_1142, %get3A_1256] : memref<2x4x16x784xf32, #tpu.memory_space<vmem>>[vector<16xi32>, vector<16xi32>, vector<16xi32>, vector<16xi32>], vector<16xf32>,
      %swap3A_1258 = arith.constant 6 : i32
      %swap3A_1259 = arith.index_cast %select_n3A_220 : i32 to index
      %swap3A_1260 = arith.index_cast %swap3A_1258 : i32 to index
      %swap3A_1261 = arith.constant 176 : index
      %swap3A_1262 = tpu.vector_load %arg10[%swap3A_1259, %swap3A_1260, %swap3A_1261] {strides = array<i32>} : memref<2x16x196xf32, #tpu.memory_space<vmem>>, vector<16xf32>,
      tpu.vector_store %arg10[%swap3A_1259, %swap3A_1260, %swap3A_1261], %gather3A_1257 {strides = array<i32>} : memref<2x16x196xf32, #tpu.memory_space<vmem>>, vector<16xf32>,
      %get3A_1263 = arith.constant 6 : i32
      %get3A_1264 = arith.index_cast %get3A_1263 : i32 to index
      %get3A_1265 = arith.constant 180 : index
      %get3A_1266 = tpu.vector_load %arg7[%get3A_1264, %get3A_1265] {strides = array<i32>} : memref<16x196xi32, #tpu.memory_space<vmem>>, vector<16xi32>,
      %gather3A_1267 = tpu.vector_load_idx %arg9[%broadcast_in_dim3A_331, %broadcast_in_dim3A_1140, %broadcast_in_dim3A_1142, %get3A_1266] : memref<2x4x16x784xf32, #tpu.memory_space<vmem>>[vector<16xi32>, vector<16xi32>, vector<16xi32>, vector<16xi32>], vector<16xf32>,
      %swap3A_1268 = arith.constant 6 : i32
      %swap3A_1269 = arith.index_cast %select_n3A_220 : i32 to index
      %swap3A_1270 = arith.index_cast %swap3A_1268 : i32 to index
      %swap3A_1271 = arith.constant 180 : index
      %swap3A_1272 = tpu.vector_load %arg10[%swap3A_1269, %swap3A_1270, %swap3A_1271] {strides = array<i32>} : memref<2x16x196xf32, #tpu.memory_space<vmem>>, vector<16xf32>,
      tpu.vector_store %arg10[%swap3A_1269, %swap3A_1270, %swap3A_1271], %gather3A_1267 {strides = array<i32>} : memref<2x16x196xf32, #tpu.memory_space<vmem>>, vector<16xf32>,
      %slice3A_1273 = vector.extract_strided_slice %add3A_317 {offsets = [7], sizes = [1], strides = [1]} : vector<16xi32> to vector<1xi32>
      %squeeze3A_1274 = vector.extract %slice3A_1273[0] : i32 from vector<1xi32>
      %broadcast_in_dim3A_1275 = vector.broadcast %squeeze3A_1274 : i32 to vector<16xi32>
      %broadcast_in_dim3A_1276 = arith.constant 7 : i32
      %broadcast_in_dim3A_1277 = vector.broadcast %broadcast_in_dim3A_1276 : i32 to vector<16xi32>
      %get3A_1278 = arith.constant 7 : i32
      %get3A_1279 = arith.index_cast %get3A_1278 : i32 to index
      %get3A_1280 = arith.constant 0 : index
      %get3A_1281 = tpu.vector_load %arg7[%get3A_1279, %get3A_1280] {strides = array<i32>} : memref<16x196xi32, #tpu.memory_space<vmem>>, vector<16xi32>,
      %gather3A_1282 = tpu.vector_load_idx %arg9[%broadcast_in_dim3A_331, %broadcast_in_dim3A_1275, %broadcast_in_dim3A_1277, %get3A_1281] : memref<2x4x16x784xf32, #tpu.memory_space<vmem>>[vector<16xi32>, vector<16xi32>, vector<16xi32>, vector<16xi32>], vector<16xf32>,
      %swap3A_1283 = arith.constant 7 : i32
      %swap3A_1284 = arith.index_cast %select_n3A_220 : i32 to index
      %swap3A_1285 = arith.index_cast %swap3A_1283 : i32 to index
      %swap3A_1286 = arith.constant 0 : index
      %swap3A_1287 = tpu.vector_load %arg10[%swap3A_1284, %swap3A_1285, %swap3A_1286] {strides = array<i32>} : memref<2x16x196xf32, #tpu.memory_space<vmem>>, vector<16xf32>,
      tpu.vector_store %arg10[%swap3A_1284, %swap3A_1285, %swap3A_1286], %gather3A_1282 {strides = array<i32>} : memref<2x16x196xf32, #tpu.memory_space<vmem>>, vector<16xf32>,
      %get3A_1288 = arith.constant 7 : i32
      %get3A_1289 = arith.index_cast %get3A_1288 : i32 to index
      %get3A_1290 = arith.constant 16 : index
      %get3A_1291 = tpu.vector_load %arg7[%get3A_1289, %get3A_1290] {strides = array<i32>} : memref<16x196xi32, #tpu.memory_space<vmem>>, vector<16xi32>,
      %gather3A_1292 = tpu.vector_load_idx %arg9[%broadcast_in_dim3A_331, %broadcast_in_dim3A_1275, %broadcast_in_dim3A_1277, %get3A_1291] : memref<2x4x16x784xf32, #tpu.memory_space<vmem>>[vector<16xi32>, vector<16xi32>, vector<16xi32>, vector<16xi32>], vector<16xf32>,
      %swap3A_1293 = arith.constant 7 : i32
      %swap3A_1294 = arith.index_cast %select_n3A_220 : i32 to index
      %swap3A_1295 = arith.index_cast %swap3A_1293 : i32 to index
      %swap3A_1296 = arith.constant 16 : index
      %swap3A_1297 = tpu.vector_load %arg10[%swap3A_1294, %swap3A_1295, %swap3A_1296] {strides = array<i32>} : memref<2x16x196xf32, #tpu.memory_space<vmem>>, vector<16xf32>,
      tpu.vector_store %arg10[%swap3A_1294, %swap3A_1295, %swap3A_1296], %gather3A_1292 {strides = array<i32>} : memref<2x16x196xf32, #tpu.memory_space<vmem>>, vector<16xf32>,
      %get3A_1298 = arith.constant 7 : i32
      %get3A_1299 = arith.index_cast %get3A_1298 : i32 to index
      %get3A_1300 = arith.constant 32 : index
      %get3A_1301 = tpu.vector_load %arg7[%get3A_1299, %get3A_1300] {strides = array<i32>} : memref<16x196xi32, #tpu.memory_space<vmem>>, vector<16xi32>,
      %gather3A_1302 = tpu.vector_load_idx %arg9[%broadcast_in_dim3A_331, %broadcast_in_dim3A_1275, %broadcast_in_dim3A_1277, %get3A_1301] : memref<2x4x16x784xf32, #tpu.memory_space<vmem>>[vector<16xi32>, vector<16xi32>, vector<16xi32>, vector<16xi32>], vector<16xf32>,
      %swap3A_1303 = arith.constant 7 : i32
      %swap3A_1304 = arith.index_cast %select_n3A_220 : i32 to index
      %swap3A_1305 = arith.index_cast %swap3A_1303 : i32 to index
      %swap3A_1306 = arith.constant 32 : index
      %swap3A_1307 = tpu.vector_load %arg10[%swap3A_1304, %swap3A_1305, %swap3A_1306] {strides = array<i32>} : memref<2x16x196xf32, #tpu.memory_space<vmem>>, vector<16xf32>,
      tpu.vector_store %arg10[%swap3A_1304, %swap3A_1305, %swap3A_1306], %gather3A_1302 {strides = array<i32>} : memref<2x16x196xf32, #tpu.memory_space<vmem>>, vector<16xf32>,
      %get3A_1308 = arith.constant 7 : i32
      %get3A_1309 = arith.index_cast %get3A_1308 : i32 to index
      %get3A_1310 = arith.constant 48 : index
      %get3A_1311 = tpu.vector_load %arg7[%get3A_1309, %get3A_1310] {strides = array<i32>} : memref<16x196xi32, #tpu.memory_space<vmem>>, vector<16xi32>,
      %gather3A_1312 = tpu.vector_load_idx %arg9[%broadcast_in_dim3A_331, %broadcast_in_dim3A_1275, %broadcast_in_dim3A_1277, %get3A_1311] : memref<2x4x16x784xf32, #tpu.memory_space<vmem>>[vector<16xi32>, vector<16xi32>, vector<16xi32>, vector<16xi32>], vector<16xf32>,
      %swap3A_1313 = arith.constant 7 : i32
      %swap3A_1314 = arith.index_cast %select_n3A_220 : i32 to index
      %swap3A_1315 = arith.index_cast %swap3A_1313 : i32 to index
      %swap3A_1316 = arith.constant 48 : index
      %swap3A_1317 = tpu.vector_load %arg10[%swap3A_1314, %swap3A_1315, %swap3A_1316] {strides = array<i32>} : memref<2x16x196xf32, #tpu.memory_space<vmem>>, vector<16xf32>,
      tpu.vector_store %arg10[%swap3A_1314, %swap3A_1315, %swap3A_1316], %gather3A_1312 {strides = array<i32>} : memref<2x16x196xf32, #tpu.memory_space<vmem>>, vector<16xf32>,
      %get3A_1318 = arith.constant 7 : i32
      %get3A_1319 = arith.index_cast %get3A_1318 : i32 to index
      %get3A_1320 = arith.constant 64 : index
      %get3A_1321 = tpu.vector_load %arg7[%get3A_1319, %get3A_1320] {strides = array<i32>} : memref<16x196xi32, #tpu.memory_space<vmem>>, vector<16xi32>,
      %gather3A_1322 = tpu.vector_load_idx %arg9[%broadcast_in_dim3A_331, %broadcast_in_dim3A_1275, %broadcast_in_dim3A_1277, %get3A_1321] : memref<2x4x16x784xf32, #tpu.memory_space<vmem>>[vector<16xi32>, vector<16xi32>, vector<16xi32>, vector<16xi32>], vector<16xf32>,
      %swap3A_1323 = arith.constant 7 : i32
      %swap3A_1324 = arith.index_cast %select_n3A_220 : i32 to index
      %swap3A_1325 = arith.index_cast %swap3A_1323 : i32 to index
      %swap3A_1326 = arith.constant 64 : index
      %swap3A_1327 = tpu.vector_load %arg10[%swap3A_1324, %swap3A_1325, %swap3A_1326] {strides = array<i32>} : memref<2x16x196xf32, #tpu.memory_space<vmem>>, vector<16xf32>,
      tpu.vector_store %arg10[%swap3A_1324, %swap3A_1325, %swap3A_1326], %gather3A_1322 {strides = array<i32>} : memref<2x16x196xf32, #tpu.memory_space<vmem>>, vector<16xf32>,
      %get3A_1328 = arith.constant 7 : i32
      %get3A_1329 = arith.index_cast %get3A_1328 : i32 to index
      %get3A_1330 = arith.constant 80 : index
      %get3A_1331 = tpu.vector_load %arg7[%get3A_1329, %get3A_1330] {strides = array<i32>} : memref<16x196xi32, #tpu.memory_space<vmem>>, vector<16xi32>,
      %gather3A_1332 = tpu.vector_load_idx %arg9[%broadcast_in_dim3A_331, %broadcast_in_dim3A_1275, %broadcast_in_dim3A_1277, %get3A_1331] : memref<2x4x16x784xf32, #tpu.memory_space<vmem>>[vector<16xi32>, vector<16xi32>, vector<16xi32>, vector<16xi32>], vector<16xf32>,
      %swap3A_1333 = arith.constant 7 : i32
      %swap3A_1334 = arith.index_cast %select_n3A_220 : i32 to index
      %swap3A_1335 = arith.index_cast %swap3A_1333 : i32 to index
      %swap3A_1336 = arith.constant 80 : index
      %swap3A_1337 = tpu.vector_load %arg10[%swap3A_1334, %swap3A_1335, %swap3A_1336] {strides = array<i32>} : memref<2x16x196xf32, #tpu.memory_space<vmem>>, vector<16xf32>,
      tpu.vector_store %arg10[%swap3A_1334, %swap3A_1335, %swap3A_1336], %gather3A_1332 {strides = array<i32>} : memref<2x16x196xf32, #tpu.memory_space<vmem>>, vector<16xf32>,
      %get3A_1338 = arith.constant 7 : i32
      %get3A_1339 = arith.index_cast %get3A_1338 : i32 to index
      %get3A_1340 = arith.constant 96 : index
      %get3A_1341 = tpu.vector_load %arg7[%get3A_1339, %get3A_1340] {strides = array<i32>} : memref<16x196xi32, #tpu.memory_space<vmem>>, vector<16xi32>,
      %gather3A_1342 = tpu.vector_load_idx %arg9[%broadcast_in_dim3A_331, %broadcast_in_dim3A_1275, %broadcast_in_dim3A_1277, %get3A_1341] : memref<2x4x16x784xf32, #tpu.memory_space<vmem>>[vector<16xi32>, vector<16xi32>, vector<16xi32>, vector<16xi32>], vector<16xf32>,
      %swap3A_1343 = arith.constant 7 : i32
      %swap3A_1344 = arith.index_cast %select_n3A_220 : i32 to index
      %swap3A_1345 = arith.index_cast %swap3A_1343 : i32 to index
      %swap3A_1346 = arith.constant 96 : index
      %swap3A_1347 = tpu.vector_load %arg10[%swap3A_1344, %swap3A_1345, %swap3A_1346] {strides = array<i32>} : memref<2x16x196xf32, #tpu.memory_space<vmem>>, vector<16xf32>,
      tpu.vector_store %arg10[%swap3A_1344, %swap3A_1345, %swap3A_1346], %gather3A_1342 {strides = array<i32>} : memref<2x16x196xf32, #tpu.memory_space<vmem>>, vector<16xf32>,
      %get3A_1348 = arith.constant 7 : i32
      %get3A_1349 = arith.index_cast %get3A_1348 : i32 to index
      %get3A_1350 = arith.constant 112 : index
      %get3A_1351 = tpu.vector_load %arg7[%get3A_1349, %get3A_1350] {strides = array<i32>} : memref<16x196xi32, #tpu.memory_space<vmem>>, vector<16xi32>,
      %gather3A_1352 = tpu.vector_load_idx %arg9[%broadcast_in_dim3A_331, %broadcast_in_dim3A_1275, %broadcast_in_dim3A_1277, %get3A_1351] : memref<2x4x16x784xf32, #tpu.memory_space<vmem>>[vector<16xi32>, vector<16xi32>, vector<16xi32>, vector<16xi32>], vector<16xf32>,
      %swap3A_1353 = arith.constant 7 : i32
      %swap3A_1354 = arith.index_cast %select_n3A_220 : i32 to index
      %swap3A_1355 = arith.index_cast %swap3A_1353 : i32 to index
      %swap3A_1356 = arith.constant 112 : index
      %swap3A_1357 = tpu.vector_load %arg10[%swap3A_1354, %swap3A_1355, %swap3A_1356] {strides = array<i32>} : memref<2x16x196xf32, #tpu.memory_space<vmem>>, vector<16xf32>,
      tpu.vector_store %arg10[%swap3A_1354, %swap3A_1355, %swap3A_1356], %gather3A_1352 {strides = array<i32>} : memref<2x16x196xf32, #tpu.memory_space<vmem>>, vector<16xf32>,
      %get3A_1358 = arith.constant 7 : i32
      %get3A_1359 = arith.index_cast %get3A_1358 : i32 to index
      %get3A_1360 = arith.constant 128 : index
      %get3A_1361 = tpu.vector_load %arg7[%get3A_1359, %get3A_1360] {strides = array<i32>} : memref<16x196xi32, #tpu.memory_space<vmem>>, vector<16xi32>,
      %gather3A_1362 = tpu.vector_load_idx %arg9[%broadcast_in_dim3A_331, %broadcast_in_dim3A_1275, %broadcast_in_dim3A_1277, %get3A_1361] : memref<2x4x16x784xf32, #tpu.memory_space<vmem>>[vector<16xi32>, vector<16xi32>, vector<16xi32>, vector<16xi32>], vector<16xf32>,
      %swap3A_1363 = arith.constant 7 : i32
      %swap3A_1364 = arith.index_cast %select_n3A_220 : i32 to index
      %swap3A_1365 = arith.index_cast %swap3A_1363 : i32 to index
      %swap3A_1366 = arith.constant 128 : index
      %swap3A_1367 = tpu.vector_load %arg10[%swap3A_1364, %swap3A_1365, %swap3A_1366] {strides = array<i32>} : memref<2x16x196xf32, #tpu.memory_space<vmem>>, vector<16xf32>,
      tpu.vector_store %arg10[%swap3A_1364, %swap3A_1365, %swap3A_1366], %gather3A_1362 {strides = array<i32>} : memref<2x16x196xf32, #tpu.memory_space<vmem>>, vector<16xf32>,
      %get3A_1368 = arith.constant 7 : i32
      %get3A_1369 = arith.index_cast %get3A_1368 : i32 to index
      %get3A_1370 = arith.constant 144 : index
      %get3A_1371 = tpu.vector_load %arg7[%get3A_1369, %get3A_1370] {strides = array<i32>} : memref<16x196xi32, #tpu.memory_space<vmem>>, vector<16xi32>,
      %gather3A_1372 = tpu.vector_load_idx %arg9[%broadcast_in_dim3A_331, %broadcast_in_dim3A_1275, %broadcast_in_dim3A_1277, %get3A_1371] : memref<2x4x16x784xf32, #tpu.memory_space<vmem>>[vector<16xi32>, vector<16xi32>, vector<16xi32>, vector<16xi32>], vector<16xf32>,
      %swap3A_1373 = arith.constant 7 : i32
      %swap3A_1374 = arith.index_cast %select_n3A_220 : i32 to index
      %swap3A_1375 = arith.index_cast %swap3A_1373 : i32 to index
      %swap3A_1376 = arith.constant 144 : index
      %swap3A_1377 = tpu.vector_load %arg10[%swap3A_1374, %swap3A_1375, %swap3A_1376] {strides = array<i32>} : memref<2x16x196xf32, #tpu.memory_space<vmem>>, vector<16xf32>,
      tpu.vector_store %arg10[%swap3A_1374, %swap3A_1375, %swap3A_1376], %gather3A_1372 {strides = array<i32>} : memref<2x16x196xf32, #tpu.memory_space<vmem>>, vector<16xf32>,
      %get3A_1378 = arith.constant 7 : i32
      %get3A_1379 = arith.index_cast %get3A_1378 : i32 to index
      %get3A_1380 = arith.constant 160 : index
      %get3A_1381 = tpu.vector_load %arg7[%get3A_1379, %get3A_1380] {strides = array<i32>} : memref<16x196xi32, #tpu.memory_space<vmem>>, vector<16xi32>,
      %gather3A_1382 = tpu.vector_load_idx %arg9[%broadcast_in_dim3A_331, %broadcast_in_dim3A_1275, %broadcast_in_dim3A_1277, %get3A_1381] : memref<2x4x16x784xf32, #tpu.memory_space<vmem>>[vector<16xi32>, vector<16xi32>, vector<16xi32>, vector<16xi32>], vector<16xf32>,
      %swap3A_1383 = arith.constant 7 : i32
      %swap3A_1384 = arith.index_cast %select_n3A_220 : i32 to index
      %swap3A_1385 = arith.index_cast %swap3A_1383 : i32 to index
      %swap3A_1386 = arith.constant 160 : index
      %swap3A_1387 = tpu.vector_load %arg10[%swap3A_1384, %swap3A_1385, %swap3A_1386] {strides = array<i32>} : memref<2x16x196xf32, #tpu.memory_space<vmem>>, vector<16xf32>,
      tpu.vector_store %arg10[%swap3A_1384, %swap3A_1385, %swap3A_1386], %gather3A_1382 {strides = array<i32>} : memref<2x16x196xf32, #tpu.memory_space<vmem>>, vector<16xf32>,
      %get3A_1388 = arith.constant 7 : i32
      %get3A_1389 = arith.index_cast %get3A_1388 : i32 to index
      %get3A_1390 = arith.constant 176 : index
      %get3A_1391 = tpu.vector_load %arg7[%get3A_1389, %get3A_1390] {strides = array<i32>} : memref<16x196xi32, #tpu.memory_space<vmem>>, vector<16xi32>,
      %gather3A_1392 = tpu.vector_load_idx %arg9[%broadcast_in_dim3A_331, %broadcast_in_dim3A_1275, %broadcast_in_dim3A_1277, %get3A_1391] : memref<2x4x16x784xf32, #tpu.memory_space<vmem>>[vector<16xi32>, vector<16xi32>, vector<16xi32>, vector<16xi32>], vector<16xf32>,
      %swap3A_1393 = arith.constant 7 : i32
      %swap3A_1394 = arith.index_cast %select_n3A_220 : i32 to index
      %swap3A_1395 = arith.index_cast %swap3A_1393 : i32 to index
      %swap3A_1396 = arith.constant 176 : index
      %swap3A_1397 = tpu.vector_load %arg10[%swap3A_1394, %swap3A_1395, %swap3A_1396] {strides = array<i32>} : memref<2x16x196xf32, #tpu.memory_space<vmem>>, vector<16xf32>,
      tpu.vector_store %arg10[%swap3A_1394, %swap3A_1395, %swap3A_1396], %gather3A_1392 {strides = array<i32>} : memref<2x16x196xf32, #tpu.memory_space<vmem>>, vector<16xf32>,
      %get3A_1398 = arith.constant 7 : i32
      %get3A_1399 = arith.index_cast %get3A_1398 : i32 to index
      %get3A_1400 = arith.constant 180 : index
      %get3A_1401 = tpu.vector_load %arg7[%get3A_1399, %get3A_1400] {strides = array<i32>} : memref<16x196xi32, #tpu.memory_space<vmem>>, vector<16xi32>,
      %gather3A_1402 = tpu.vector_load_idx %arg9[%broadcast_in_dim3A_331, %broadcast_in_dim3A_1275, %broadcast_in_dim3A_1277, %get3A_1401] : memref<2x4x16x784xf32, #tpu.memory_space<vmem>>[vector<16xi32>, vector<16xi32>, vector<16xi32>, vector<16xi32>], vector<16xf32>,
      %swap3A_1403 = arith.constant 7 : i32
      %swap3A_1404 = arith.index_cast %select_n3A_220 : i32 to index
      %swap3A_1405 = arith.index_cast %swap3A_1403 : i32 to index
      %swap3A_1406 = arith.constant 180 : index
      %swap3A_1407 = tpu.vector_load %arg10[%swap3A_1404, %swap3A_1405, %swap3A_1406] {strides = array<i32>} : memref<2x16x196xf32, #tpu.memory_space<vmem>>, vector<16xf32>,
      tpu.vector_store %arg10[%swap3A_1404, %swap3A_1405, %swap3A_1406], %gather3A_1402 {strides = array<i32>} : memref<2x16x196xf32, #tpu.memory_space<vmem>>, vector<16xf32>,
      %slice3A_1408 = vector.extract_strided_slice %add3A_317 {offsets = [8], sizes = [1], strides = [1]} : vector<16xi32> to vector<1xi32>
      %squeeze3A_1409 = vector.extract %slice3A_1408[0] : i32 from vector<1xi32>
      %broadcast_in_dim3A_1410 = vector.broadcast %squeeze3A_1409 : i32 to vector<16xi32>
      %broadcast_in_dim3A_1411 = arith.constant 8 : i32
      %broadcast_in_dim3A_1412 = vector.broadcast %broadcast_in_dim3A_1411 : i32 to vector<16xi32>
      %get3A_1413 = arith.constant 8 : i32
      %get3A_1414 = arith.index_cast %get3A_1413 : i32 to index
      %get3A_1415 = arith.constant 0 : index
      %get3A_1416 = tpu.vector_load %arg7[%get3A_1414, %get3A_1415] {strides = array<i32>} : memref<16x196xi32, #tpu.memory_space<vmem>>, vector<16xi32>,
      %gather3A_1417 = tpu.vector_load_idx %arg9[%broadcast_in_dim3A_331, %broadcast_in_dim3A_1410, %broadcast_in_dim3A_1412, %get3A_1416] : memref<2x4x16x784xf32, #tpu.memory_space<vmem>>[vector<16xi32>, vector<16xi32>, vector<16xi32>, vector<16xi32>], vector<16xf32>,
      %swap3A_1418 = arith.constant 8 : i32
      %swap3A_1419 = arith.index_cast %select_n3A_220 : i32 to index
      %swap3A_1420 = arith.index_cast %swap3A_1418 : i32 to index
      %swap3A_1421 = arith.constant 0 : index
      %swap3A_1422 = tpu.vector_load %arg10[%swap3A_1419, %swap3A_1420, %swap3A_1421] {strides = array<i32>} : memref<2x16x196xf32, #tpu.memory_space<vmem>>, vector<16xf32>,
      tpu.vector_store %arg10[%swap3A_1419, %swap3A_1420, %swap3A_1421], %gather3A_1417 {strides = array<i32>} : memref<2x16x196xf32, #tpu.memory_space<vmem>>, vector<16xf32>,
      %get3A_1423 = arith.constant 8 : i32
      %get3A_1424 = arith.index_cast %get3A_1423 : i32 to index
      %get3A_1425 = arith.constant 16 : index
      %get3A_1426 = tpu.vector_load %arg7[%get3A_1424, %get3A_1425] {strides = array<i32>} : memref<16x196xi32, #tpu.memory_space<vmem>>, vector<16xi32>,
      %gather3A_1427 = tpu.vector_load_idx %arg9[%broadcast_in_dim3A_331, %broadcast_in_dim3A_1410, %broadcast_in_dim3A_1412, %get3A_1426] : memref<2x4x16x784xf32, #tpu.memory_space<vmem>>[vector<16xi32>, vector<16xi32>, vector<16xi32>, vector<16xi32>], vector<16xf32>,
      %swap3A_1428 = arith.constant 8 : i32
      %swap3A_1429 = arith.index_cast %select_n3A_220 : i32 to index
      %swap3A_1430 = arith.index_cast %swap3A_1428 : i32 to index
      %swap3A_1431 = arith.constant 16 : index
      %swap3A_1432 = tpu.vector_load %arg10[%swap3A_1429, %swap3A_1430, %swap3A_1431] {strides = array<i32>} : memref<2x16x196xf32, #tpu.memory_space<vmem>>, vector<16xf32>,
      tpu.vector_store %arg10[%swap3A_1429, %swap3A_1430, %swap3A_1431], %gather3A_1427 {strides = array<i32>} : memref<2x16x196xf32, #tpu.memory_space<vmem>>, vector<16xf32>,
      %get3A_1433 = arith.constant 8 : i32
      %get3A_1434 = arith.index_cast %get3A_1433 : i32 to index
      %get3A_1435 = arith.constant 32 : index
      %get3A_1436 = tpu.vector_load %arg7[%get3A_1434, %get3A_1435] {strides = array<i32>} : memref<16x196xi32, #tpu.memory_space<vmem>>, vector<16xi32>,
      %gather3A_1437 = tpu.vector_load_idx %arg9[%broadcast_in_dim3A_331, %broadcast_in_dim3A_1410, %broadcast_in_dim3A_1412, %get3A_1436] : memref<2x4x16x784xf32, #tpu.memory_space<vmem>>[vector<16xi32>, vector<16xi32>, vector<16xi32>, vector<16xi32>], vector<16xf32>,
      %swap3A_1438 = arith.constant 8 : i32
      %swap3A_1439 = arith.index_cast %select_n3A_220 : i32 to index
      %swap3A_1440 = arith.index_cast %swap3A_1438 : i32 to index
      %swap3A_1441 = arith.constant 32 : index
      %swap3A_1442 = tpu.vector_load %arg10[%swap3A_1439, %swap3A_1440, %swap3A_1441] {strides = array<i32>} : memref<2x16x196xf32, #tpu.memory_space<vmem>>, vector<16xf32>,
      tpu.vector_store %arg10[%swap3A_1439, %swap3A_1440, %swap3A_1441], %gather3A_1437 {strides = array<i32>} : memref<2x16x196xf32, #tpu.memory_space<vmem>>, vector<16xf32>,
      %get3A_1443 = arith.constant 8 : i32
      %get3A_1444 = arith.index_cast %get3A_1443 : i32 to index
      %get3A_1445 = arith.constant 48 : index
      %get3A_1446 = tpu.vector_load %arg7[%get3A_1444, %get3A_1445] {strides = array<i32>} : memref<16x196xi32, #tpu.memory_space<vmem>>, vector<16xi32>,
      %gather3A_1447 = tpu.vector_load_idx %arg9[%broadcast_in_dim3A_331, %broadcast_in_dim3A_1410, %broadcast_in_dim3A_1412, %get3A_1446] : memref<2x4x16x784xf32, #tpu.memory_space<vmem>>[vector<16xi32>, vector<16xi32>, vector<16xi32>, vector<16xi32>], vector<16xf32>,
      %swap3A_1448 = arith.constant 8 : i32
      %swap3A_1449 = arith.index_cast %select_n3A_220 : i32 to index
      %swap3A_1450 = arith.index_cast %swap3A_1448 : i32 to index
      %swap3A_1451 = arith.constant 48 : index
      %swap3A_1452 = tpu.vector_load %arg10[%swap3A_1449, %swap3A_1450, %swap3A_1451] {strides = array<i32>} : memref<2x16x196xf32, #tpu.memory_space<vmem>>, vector<16xf32>,
      tpu.vector_store %arg10[%swap3A_1449, %swap3A_1450, %swap3A_1451], %gather3A_1447 {strides = array<i32>} : memref<2x16x196xf32, #tpu.memory_space<vmem>>, vector<16xf32>,
      %get3A_1453 = arith.constant 8 : i32
      %get3A_1454 = arith.index_cast %get3A_1453 : i32 to index
      %get3A_1455 = arith.constant 64 : index
      %get3A_1456 = tpu.vector_load %arg7[%get3A_1454, %get3A_1455] {strides = array<i32>} : memref<16x196xi32, #tpu.memory_space<vmem>>, vector<16xi32>,
      %gather3A_1457 = tpu.vector_load_idx %arg9[%broadcast_in_dim3A_331, %broadcast_in_dim3A_1410, %broadcast_in_dim3A_1412, %get3A_1456] : memref<2x4x16x784xf32, #tpu.memory_space<vmem>>[vector<16xi32>, vector<16xi32>, vector<16xi32>, vector<16xi32>], vector<16xf32>,
      %swap3A_1458 = arith.constant 8 : i32
      %swap3A_1459 = arith.index_cast %select_n3A_220 : i32 to index
      %swap3A_1460 = arith.index_cast %swap3A_1458 : i32 to index
      %swap3A_1461 = arith.constant 64 : index
      %swap3A_1462 = tpu.vector_load %arg10[%swap3A_1459, %swap3A_1460, %swap3A_1461] {strides = array<i32>} : memref<2x16x196xf32, #tpu.memory_space<vmem>>, vector<16xf32>,
      tpu.vector_store %arg10[%swap3A_1459, %swap3A_1460, %swap3A_1461], %gather3A_1457 {strides = array<i32>} : memref<2x16x196xf32, #tpu.memory_space<vmem>>, vector<16xf32>,
      %get3A_1463 = arith.constant 8 : i32
      %get3A_1464 = arith.index_cast %get3A_1463 : i32 to index
      %get3A_1465 = arith.constant 80 : index
      %get3A_1466 = tpu.vector_load %arg7[%get3A_1464, %get3A_1465] {strides = array<i32>} : memref<16x196xi32, #tpu.memory_space<vmem>>, vector<16xi32>,
      %gather3A_1467 = tpu.vector_load_idx %arg9[%broadcast_in_dim3A_331, %broadcast_in_dim3A_1410, %broadcast_in_dim3A_1412, %get3A_1466] : memref<2x4x16x784xf32, #tpu.memory_space<vmem>>[vector<16xi32>, vector<16xi32>, vector<16xi32>, vector<16xi32>], vector<16xf32>,
      %swap3A_1468 = arith.constant 8 : i32
      %swap3A_1469 = arith.index_cast %select_n3A_220 : i32 to index
      %swap3A_1470 = arith.index_cast %swap3A_1468 : i32 to index
      %swap3A_1471 = arith.constant 80 : index
      %swap3A_1472 = tpu.vector_load %arg10[%swap3A_1469, %swap3A_1470, %swap3A_1471] {strides = array<i32>} : memref<2x16x196xf32, #tpu.memory_space<vmem>>, vector<16xf32>,
      tpu.vector_store %arg10[%swap3A_1469, %swap3A_1470, %swap3A_1471], %gather3A_1467 {strides = array<i32>} : memref<2x16x196xf32, #tpu.memory_space<vmem>>, vector<16xf32>,
      %get3A_1473 = arith.constant 8 : i32
      %get3A_1474 = arith.index_cast %get3A_1473 : i32 to index
      %get3A_1475 = arith.constant 96 : index
      %get3A_1476 = tpu.vector_load %arg7[%get3A_1474, %get3A_1475] {strides = array<i32>} : memref<16x196xi32, #tpu.memory_space<vmem>>, vector<16xi32>,
      %gather3A_1477 = tpu.vector_load_idx %arg9[%broadcast_in_dim3A_331, %broadcast_in_dim3A_1410, %broadcast_in_dim3A_1412, %get3A_1476] : memref<2x4x16x784xf32, #tpu.memory_space<vmem>>[vector<16xi32>, vector<16xi32>, vector<16xi32>, vector<16xi32>], vector<16xf32>,
      %swap3A_1478 = arith.constant 8 : i32
      %swap3A_1479 = arith.index_cast %select_n3A_220 : i32 to index
      %swap3A_1480 = arith.index_cast %swap3A_1478 : i32 to index
      %swap3A_1481 = arith.constant 96 : index
      %swap3A_1482 = tpu.vector_load %arg10[%swap3A_1479, %swap3A_1480, %swap3A_1481] {strides = array<i32>} : memref<2x16x196xf32, #tpu.memory_space<vmem>>, vector<16xf32>,
      tpu.vector_store %arg10[%swap3A_1479, %swap3A_1480, %swap3A_1481], %gather3A_1477 {strides = array<i32>} : memref<2x16x196xf32, #tpu.memory_space<vmem>>, vector<16xf32>,
      %get3A_1483 = arith.constant 8 : i32
      %get3A_1484 = arith.index_cast %get3A_1483 : i32 to index
      %get3A_1485 = arith.constant 112 : index
      %get3A_1486 = tpu.vector_load %arg7[%get3A_1484, %get3A_1485] {strides = array<i32>} : memref<16x196xi32, #tpu.memory_space<vmem>>, vector<16xi32>,
      %gather3A_1487 = tpu.vector_load_idx %arg9[%broadcast_in_dim3A_331, %broadcast_in_dim3A_1410, %broadcast_in_dim3A_1412, %get3A_1486] : memref<2x4x16x784xf32, #tpu.memory_space<vmem>>[vector<16xi32>, vector<16xi32>, vector<16xi32>, vector<16xi32>], vector<16xf32>,
      %swap3A_1488 = arith.constant 8 : i32
      %swap3A_1489 = arith.index_cast %select_n3A_220 : i32 to index
      %swap3A_1490 = arith.index_cast %swap3A_1488 : i32 to index
      %swap3A_1491 = arith.constant 112 : index
      %swap3A_1492 = tpu.vector_load %arg10[%swap3A_1489, %swap3A_1490, %swap3A_1491] {strides = array<i32>} : memref<2x16x196xf32, #tpu.memory_space<vmem>>, vector<16xf32>,
      tpu.vector_store %arg10[%swap3A_1489, %swap3A_1490, %swap3A_1491], %gather3A_1487 {strides = array<i32>} : memref<2x16x196xf32, #tpu.memory_space<vmem>>, vector<16xf32>,
      %get3A_1493 = arith.constant 8 : i32
      %get3A_1494 = arith.index_cast %get3A_1493 : i32 to index
      %get3A_1495 = arith.constant 128 : index
      %get3A_1496 = tpu.vector_load %arg7[%get3A_1494, %get3A_1495] {strides = array<i32>} : memref<16x196xi32, #tpu.memory_space<vmem>>, vector<16xi32>,
      %gather3A_1497 = tpu.vector_load_idx %arg9[%broadcast_in_dim3A_331, %broadcast_in_dim3A_1410, %broadcast_in_dim3A_1412, %get3A_1496] : memref<2x4x16x784xf32, #tpu.memory_space<vmem>>[vector<16xi32>, vector<16xi32>, vector<16xi32>, vector<16xi32>], vector<16xf32>,
      %swap3A_1498 = arith.constant 8 : i32
      %swap3A_1499 = arith.index_cast %select_n3A_220 : i32 to index
      %swap3A_1500 = arith.index_cast %swap3A_1498 : i32 to index
      %swap3A_1501 = arith.constant 128 : index
      %swap3A_1502 = tpu.vector_load %arg10[%swap3A_1499, %swap3A_1500, %swap3A_1501] {strides = array<i32>} : memref<2x16x196xf32, #tpu.memory_space<vmem>>, vector<16xf32>,
      tpu.vector_store %arg10[%swap3A_1499, %swap3A_1500, %swap3A_1501], %gather3A_1497 {strides = array<i32>} : memref<2x16x196xf32, #tpu.memory_space<vmem>>, vector<16xf32>,
      %get3A_1503 = arith.constant 8 : i32
      %get3A_1504 = arith.index_cast %get3A_1503 : i32 to index
      %get3A_1505 = arith.constant 144 : index
      %get3A_1506 = tpu.vector_load %arg7[%get3A_1504, %get3A_1505] {strides = array<i32>} : memref<16x196xi32, #tpu.memory_space<vmem>>, vector<16xi32>,
      %gather3A_1507 = tpu.vector_load_idx %arg9[%broadcast_in_dim3A_331, %broadcast_in_dim3A_1410, %broadcast_in_dim3A_1412, %get3A_1506] : memref<2x4x16x784xf32, #tpu.memory_space<vmem>>[vector<16xi32>, vector<16xi32>, vector<16xi32>, vector<16xi32>], vector<16xf32>,
      %swap3A_1508 = arith.constant 8 : i32
      %swap3A_1509 = arith.index_cast %select_n3A_220 : i32 to index
      %swap3A_1510 = arith.index_cast %swap3A_1508 : i32 to index
      %swap3A_1511 = arith.constant 144 : index
      %swap3A_1512 = tpu.vector_load %arg10[%swap3A_1509, %swap3A_1510, %swap3A_1511] {strides = array<i32>} : memref<2x16x196xf32, #tpu.memory_space<vmem>>, vector<16xf32>,
      tpu.vector_store %arg10[%swap3A_1509, %swap3A_1510, %swap3A_1511], %gather3A_1507 {strides = array<i32>} : memref<2x16x196xf32, #tpu.memory_space<vmem>>, vector<16xf32>,
      %get3A_1513 = arith.constant 8 : i32
      %get3A_1514 = arith.index_cast %get3A_1513 : i32 to index
      %get3A_1515 = arith.constant 160 : index
      %get3A_1516 = tpu.vector_load %arg7[%get3A_1514, %get3A_1515] {strides = array<i32>} : memref<16x196xi32, #tpu.memory_space<vmem>>, vector<16xi32>,
      %gather3A_1517 = tpu.vector_load_idx %arg9[%broadcast_in_dim3A_331, %broadcast_in_dim3A_1410, %broadcast_in_dim3A_1412, %get3A_1516] : memref<2x4x16x784xf32, #tpu.memory_space<vmem>>[vector<16xi32>, vector<16xi32>, vector<16xi32>, vector<16xi32>], vector<16xf32>,
      %swap3A_1518 = arith.constant 8 : i32
      %swap3A_1519 = arith.index_cast %select_n3A_220 : i32 to index
      %swap3A_1520 = arith.index_cast %swap3A_1518 : i32 to index
      %swap3A_1521 = arith.constant 160 : index
      %swap3A_1522 = tpu.vector_load %arg10[%swap3A_1519, %swap3A_1520, %swap3A_1521] {strides = array<i32>} : memref<2x16x196xf32, #tpu.memory_space<vmem>>, vector<16xf32>,
      tpu.vector_store %arg10[%swap3A_1519, %swap3A_1520, %swap3A_1521], %gather3A_1517 {strides = array<i32>} : memref<2x16x196xf32, #tpu.memory_space<vmem>>, vector<16xf32>,
      %get3A_1523 = arith.constant 8 : i32
      %get3A_1524 = arith.index_cast %get3A_1523 : i32 to index
      %get3A_1525 = arith.constant 176 : index
      %get3A_1526 = tpu.vector_load %arg7[%get3A_1524, %get3A_1525] {strides = array<i32>} : memref<16x196xi32, #tpu.memory_space<vmem>>, vector<16xi32>,
      %gather3A_1527 = tpu.vector_load_idx %arg9[%broadcast_in_dim3A_331, %broadcast_in_dim3A_1410, %broadcast_in_dim3A_1412, %get3A_1526] : memref<2x4x16x784xf32, #tpu.memory_space<vmem>>[vector<16xi32>, vector<16xi32>, vector<16xi32>, vector<16xi32>], vector<16xf32>,
      %swap3A_1528 = arith.constant 8 : i32
      %swap3A_1529 = arith.index_cast %select_n3A_220 : i32 to index
      %swap3A_1530 = arith.index_cast %swap3A_1528 : i32 to index
      %swap3A_1531 = arith.constant 176 : index
      %swap3A_1532 = tpu.vector_load %arg10[%swap3A_1529, %swap3A_1530, %swap3A_1531] {strides = array<i32>} : memref<2x16x196xf32, #tpu.memory_space<vmem>>, vector<16xf32>,
      tpu.vector_store %arg10[%swap3A_1529, %swap3A_1530, %swap3A_1531], %gather3A_1527 {strides = array<i32>} : memref<2x16x196xf32, #tpu.memory_space<vmem>>, vector<16xf32>,
      %get3A_1533 = arith.constant 8 : i32
      %get3A_1534 = arith.index_cast %get3A_1533 : i32 to index
      %get3A_1535 = arith.constant 180 : index
      %get3A_1536 = tpu.vector_load %arg7[%get3A_1534, %get3A_1535] {strides = array<i32>} : memref<16x196xi32, #tpu.memory_space<vmem>>, vector<16xi32>,
      %gather3A_1537 = tpu.vector_load_idx %arg9[%broadcast_in_dim3A_331, %broadcast_in_dim3A_1410, %broadcast_in_dim3A_1412, %get3A_1536] : memref<2x4x16x784xf32, #tpu.memory_space<vmem>>[vector<16xi32>, vector<16xi32>, vector<16xi32>, vector<16xi32>], vector<16xf32>,
      %swap3A_1538 = arith.constant 8 : i32
      %swap3A_1539 = arith.index_cast %select_n3A_220 : i32 to index
      %swap3A_1540 = arith.index_cast %swap3A_1538 : i32 to index
      %swap3A_1541 = arith.constant 180 : index
      %swap3A_1542 = tpu.vector_load %arg10[%swap3A_1539, %swap3A_1540, %swap3A_1541] {strides = array<i32>} : memref<2x16x196xf32, #tpu.memory_space<vmem>>, vector<16xf32>,
      tpu.vector_store %arg10[%swap3A_1539, %swap3A_1540, %swap3A_1541], %gather3A_1537 {strides = array<i32>} : memref<2x16x196xf32, #tpu.memory_space<vmem>>, vector<16xf32>,
      %slice3A_1543 = vector.extract_strided_slice %add3A_317 {offsets = [9], sizes = [1], strides = [1]} : vector<16xi32> to vector<1xi32>
      %squeeze3A_1544 = vector.extract %slice3A_1543[0] : i32 from vector<1xi32>
      %broadcast_in_dim3A_1545 = vector.broadcast %squeeze3A_1544 : i32 to vector<16xi32>
      %broadcast_in_dim3A_1546 = arith.constant 9 : i32
      %broadcast_in_dim3A_1547 = vector.broadcast %broadcast_in_dim3A_1546 : i32 to vector<16xi32>
      %get3A_1548 = arith.constant 9 : i32
      %get3A_1549 = arith.index_cast %get3A_1548 : i32 to index
      %get3A_1550 = arith.constant 0 : index
      %get3A_1551 = tpu.vector_load %arg7[%get3A_1549, %get3A_1550] {strides = array<i32>} : memref<16x196xi32, #tpu.memory_space<vmem>>, vector<16xi32>,
      %gather3A_1552 = tpu.vector_load_idx %arg9[%broadcast_in_dim3A_331, %broadcast_in_dim3A_1545, %broadcast_in_dim3A_1547, %get3A_1551] : memref<2x4x16x784xf32, #tpu.memory_space<vmem>>[vector<16xi32>, vector<16xi32>, vector<16xi32>, vector<16xi32>], vector<16xf32>,
      %swap3A_1553 = arith.constant 9 : i32
      %swap3A_1554 = arith.index_cast %select_n3A_220 : i32 to index
      %swap3A_1555 = arith.index_cast %swap3A_1553 : i32 to index
      %swap3A_1556 = arith.constant 0 : index
      %swap3A_1557 = tpu.vector_load %arg10[%swap3A_1554, %swap3A_1555, %swap3A_1556] {strides = array<i32>} : memref<2x16x196xf32, #tpu.memory_space<vmem>>, vector<16xf32>,
      tpu.vector_store %arg10[%swap3A_1554, %swap3A_1555, %swap3A_1556], %gather3A_1552 {strides = array<i32>} : memref<2x16x196xf32, #tpu.memory_space<vmem>>, vector<16xf32>,
      %get3A_1558 = arith.constant 9 : i32
      %get3A_1559 = arith.index_cast %get3A_1558 : i32 to index
      %get3A_1560 = arith.constant 16 : index
      %get3A_1561 = tpu.vector_load %arg7[%get3A_1559, %get3A_1560] {strides = array<i32>} : memref<16x196xi32, #tpu.memory_space<vmem>>, vector<16xi32>,
      %gather3A_1562 = tpu.vector_load_idx %arg9[%broadcast_in_dim3A_331, %broadcast_in_dim3A_1545, %broadcast_in_dim3A_1547, %get3A_1561] : memref<2x4x16x784xf32, #tpu.memory_space<vmem>>[vector<16xi32>, vector<16xi32>, vector<16xi32>, vector<16xi32>], vector<16xf32>,
      %swap3A_1563 = arith.constant 9 : i32
      %swap3A_1564 = arith.index_cast %select_n3A_220 : i32 to index
      %swap3A_1565 = arith.index_cast %swap3A_1563 : i32 to index
      %swap3A_1566 = arith.constant 16 : index
      %swap3A_1567 = tpu.vector_load %arg10[%swap3A_1564, %swap3A_1565, %swap3A_1566] {strides = array<i32>} : memref<2x16x196xf32, #tpu.memory_space<vmem>>, vector<16xf32>,
      tpu.vector_store %arg10[%swap3A_1564, %swap3A_1565, %swap3A_1566], %gather3A_1562 {strides = array<i32>} : memref<2x16x196xf32, #tpu.memory_space<vmem>>, vector<16xf32>,
      %get3A_1568 = arith.constant 9 : i32
      %get3A_1569 = arith.index_cast %get3A_1568 : i32 to index
      %get3A_1570 = arith.constant 32 : index
      %get3A_1571 = tpu.vector_load %arg7[%get3A_1569, %get3A_1570] {strides = array<i32>} : memref<16x196xi32, #tpu.memory_space<vmem>>, vector<16xi32>,
      %gather3A_1572 = tpu.vector_load_idx %arg9[%broadcast_in_dim3A_331, %broadcast_in_dim3A_1545, %broadcast_in_dim3A_1547, %get3A_1571] : memref<2x4x16x784xf32, #tpu.memory_space<vmem>>[vector<16xi32>, vector<16xi32>, vector<16xi32>, vector<16xi32>], vector<16xf32>,
      %swap3A_1573 = arith.constant 9 : i32
      %swap3A_1574 = arith.index_cast %select_n3A_220 : i32 to index
      %swap3A_1575 = arith.index_cast %swap3A_1573 : i32 to index
      %swap3A_1576 = arith.constant 32 : index
      %swap3A_1577 = tpu.vector_load %arg10[%swap3A_1574, %swap3A_1575, %swap3A_1576] {strides = array<i32>} : memref<2x16x196xf32, #tpu.memory_space<vmem>>, vector<16xf32>,
      tpu.vector_store %arg10[%swap3A_1574, %swap3A_1575, %swap3A_1576], %gather3A_1572 {strides = array<i32>} : memref<2x16x196xf32, #tpu.memory_space<vmem>>, vector<16xf32>,
      %get3A_1578 = arith.constant 9 : i32
      %get3A_1579 = arith.index_cast %get3A_1578 : i32 to index
      %get3A_1580 = arith.constant 48 : index
      %get3A_1581 = tpu.vector_load %arg7[%get3A_1579, %get3A_1580] {strides = array<i32>} : memref<16x196xi32, #tpu.memory_space<vmem>>, vector<16xi32>,
      %gather3A_1582 = tpu.vector_load_idx %arg9[%broadcast_in_dim3A_331, %broadcast_in_dim3A_1545, %broadcast_in_dim3A_1547, %get3A_1581] : memref<2x4x16x784xf32, #tpu.memory_space<vmem>>[vector<16xi32>, vector<16xi32>, vector<16xi32>, vector<16xi32>], vector<16xf32>,
      %swap3A_1583 = arith.constant 9 : i32
      %swap3A_1584 = arith.index_cast %select_n3A_220 : i32 to index
      %swap3A_1585 = arith.index_cast %swap3A_1583 : i32 to index
      %swap3A_1586 = arith.constant 48 : index
      %swap3A_1587 = tpu.vector_load %arg10[%swap3A_1584, %swap3A_1585, %swap3A_1586] {strides = array<i32>} : memref<2x16x196xf32, #tpu.memory_space<vmem>>, vector<16xf32>,
      tpu.vector_store %arg10[%swap3A_1584, %swap3A_1585, %swap3A_1586], %gather3A_1582 {strides = array<i32>} : memref<2x16x196xf32, #tpu.memory_space<vmem>>, vector<16xf32>,
      %get3A_1588 = arith.constant 9 : i32
      %get3A_1589 = arith.index_cast %get3A_1588 : i32 to index
      %get3A_1590 = arith.constant 64 : index
      %get3A_1591 = tpu.vector_load %arg7[%get3A_1589, %get3A_1590] {strides = array<i32>} : memref<16x196xi32, #tpu.memory_space<vmem>>, vector<16xi32>,
      %gather3A_1592 = tpu.vector_load_idx %arg9[%broadcast_in_dim3A_331, %broadcast_in_dim3A_1545, %broadcast_in_dim3A_1547, %get3A_1591] : memref<2x4x16x784xf32, #tpu.memory_space<vmem>>[vector<16xi32>, vector<16xi32>, vector<16xi32>, vector<16xi32>], vector<16xf32>,
      %swap3A_1593 = arith.constant 9 : i32
      %swap3A_1594 = arith.index_cast %select_n3A_220 : i32 to index
      %swap3A_1595 = arith.index_cast %swap3A_1593 : i32 to index
      %swap3A_1596 = arith.constant 64 : index
      %swap3A_1597 = tpu.vector_load %arg10[%swap3A_1594, %swap3A_1595, %swap3A_1596] {strides = array<i32>} : memref<2x16x196xf32, #tpu.memory_space<vmem>>, vector<16xf32>,
      tpu.vector_store %arg10[%swap3A_1594, %swap3A_1595, %swap3A_1596], %gather3A_1592 {strides = array<i32>} : memref<2x16x196xf32, #tpu.memory_space<vmem>>, vector<16xf32>,
      %get3A_1598 = arith.constant 9 : i32
      %get3A_1599 = arith.index_cast %get3A_1598 : i32 to index
      %get3A_1600 = arith.constant 80 : index
      %get3A_1601 = tpu.vector_load %arg7[%get3A_1599, %get3A_1600] {strides = array<i32>} : memref<16x196xi32, #tpu.memory_space<vmem>>, vector<16xi32>,
      %gather3A_1602 = tpu.vector_load_idx %arg9[%broadcast_in_dim3A_331, %broadcast_in_dim3A_1545, %broadcast_in_dim3A_1547, %get3A_1601] : memref<2x4x16x784xf32, #tpu.memory_space<vmem>>[vector<16xi32>, vector<16xi32>, vector<16xi32>, vector<16xi32>], vector<16xf32>,
      %swap3A_1603 = arith.constant 9 : i32
      %swap3A_1604 = arith.index_cast %select_n3A_220 : i32 to index
      %swap3A_1605 = arith.index_cast %swap3A_1603 : i32 to index
      %swap3A_1606 = arith.constant 80 : index
      %swap3A_1607 = tpu.vector_load %arg10[%swap3A_1604, %swap3A_1605, %swap3A_1606] {strides = array<i32>} : memref<2x16x196xf32, #tpu.memory_space<vmem>>, vector<16xf32>,
      tpu.vector_store %arg10[%swap3A_1604, %swap3A_1605, %swap3A_1606], %gather3A_1602 {strides = array<i32>} : memref<2x16x196xf32, #tpu.memory_space<vmem>>, vector<16xf32>,
      %get3A_1608 = arith.constant 9 : i32
      %get3A_1609 = arith.index_cast %get3A_1608 : i32 to index
      %get3A_1610 = arith.constant 96 : index
      %get3A_1611 = tpu.vector_load %arg7[%get3A_1609, %get3A_1610] {strides = array<i32>} : memref<16x196xi32, #tpu.memory_space<vmem>>, vector<16xi32>,
      %gather3A_1612 = tpu.vector_load_idx %arg9[%broadcast_in_dim3A_331, %broadcast_in_dim3A_1545, %broadcast_in_dim3A_1547, %get3A_1611] : memref<2x4x16x784xf32, #tpu.memory_space<vmem>>[vector<16xi32>, vector<16xi32>, vector<16xi32>, vector<16xi32>], vector<16xf32>,
      %swap3A_1613 = arith.constant 9 : i32
      %swap3A_1614 = arith.index_cast %select_n3A_220 : i32 to index
      %swap3A_1615 = arith.index_cast %swap3A_1613 : i32 to index
      %swap3A_1616 = arith.constant 96 : index
      %swap3A_1617 = tpu.vector_load %arg10[%swap3A_1614, %swap3A_1615, %swap3A_1616] {strides = array<i32>} : memref<2x16x196xf32, #tpu.memory_space<vmem>>, vector<16xf32>,
      tpu.vector_store %arg10[%swap3A_1614, %swap3A_1615, %swap3A_1616], %gather3A_1612 {strides = array<i32>} : memref<2x16x196xf32, #tpu.memory_space<vmem>>, vector<16xf32>,
      %get3A_1618 = arith.constant 9 : i32
      %get3A_1619 = arith.index_cast %get3A_1618 : i32 to index
      %get3A_1620 = arith.constant 112 : index
      %get3A_1621 = tpu.vector_load %arg7[%get3A_1619, %get3A_1620] {strides = array<i32>} : memref<16x196xi32, #tpu.memory_space<vmem>>, vector<16xi32>,
      %gather3A_1622 = tpu.vector_load_idx %arg9[%broadcast_in_dim3A_331, %broadcast_in_dim3A_1545, %broadcast_in_dim3A_1547, %get3A_1621] : memref<2x4x16x784xf32, #tpu.memory_space<vmem>>[vector<16xi32>, vector<16xi32>, vector<16xi32>, vector<16xi32>], vector<16xf32>,
      %swap3A_1623 = arith.constant 9 : i32
      %swap3A_1624 = arith.index_cast %select_n3A_220 : i32 to index
      %swap3A_1625 = arith.index_cast %swap3A_1623 : i32 to index
      %swap3A_1626 = arith.constant 112 : index
      %swap3A_1627 = tpu.vector_load %arg10[%swap3A_1624, %swap3A_1625, %swap3A_1626] {strides = array<i32>} : memref<2x16x196xf32, #tpu.memory_space<vmem>>, vector<16xf32>,
      tpu.vector_store %arg10[%swap3A_1624, %swap3A_1625, %swap3A_1626], %gather3A_1622 {strides = array<i32>} : memref<2x16x196xf32, #tpu.memory_space<vmem>>, vector<16xf32>,
      %get3A_1628 = arith.constant 9 : i32
      %get3A_1629 = arith.index_cast %get3A_1628 : i32 to index
      %get3A_1630 = arith.constant 128 : index
      %get3A_1631 = tpu.vector_load %arg7[%get3A_1629, %get3A_1630] {strides = array<i32>} : memref<16x196xi32, #tpu.memory_space<vmem>>, vector<16xi32>,
      %gather3A_1632 = tpu.vector_load_idx %arg9[%broadcast_in_dim3A_331, %broadcast_in_dim3A_1545, %broadcast_in_dim3A_1547, %get3A_1631] : memref<2x4x16x784xf32, #tpu.memory_space<vmem>>[vector<16xi32>, vector<16xi32>, vector<16xi32>, vector<16xi32>], vector<16xf32>,
      %swap3A_1633 = arith.constant 9 : i32
      %swap3A_1634 = arith.index_cast %select_n3A_220 : i32 to index
      %swap3A_1635 = arith.index_cast %swap3A_1633 : i32 to index
      %swap3A_1636 = arith.constant 128 : index
      %swap3A_1637 = tpu.vector_load %arg10[%swap3A_1634, %swap3A_1635, %swap3A_1636] {strides = array<i32>} : memref<2x16x196xf32, #tpu.memory_space<vmem>>, vector<16xf32>,
      tpu.vector_store %arg10[%swap3A_1634, %swap3A_1635, %swap3A_1636], %gather3A_1632 {strides = array<i32>} : memref<2x16x196xf32, #tpu.memory_space<vmem>>, vector<16xf32>,
      %get3A_1638 = arith.constant 9 : i32
      %get3A_1639 = arith.index_cast %get3A_1638 : i32 to index
      %get3A_1640 = arith.constant 144 : index
      %get3A_1641 = tpu.vector_load %arg7[%get3A_1639, %get3A_1640] {strides = array<i32>} : memref<16x196xi32, #tpu.memory_space<vmem>>, vector<16xi32>,
      %gather3A_1642 = tpu.vector_load_idx %arg9[%broadcast_in_dim3A_331, %broadcast_in_dim3A_1545, %broadcast_in_dim3A_1547, %get3A_1641] : memref<2x4x16x784xf32, #tpu.memory_space<vmem>>[vector<16xi32>, vector<16xi32>, vector<16xi32>, vector<16xi32>], vector<16xf32>,
      %swap3A_1643 = arith.constant 9 : i32
      %swap3A_1644 = arith.index_cast %select_n3A_220 : i32 to index
      %swap3A_1645 = arith.index_cast %swap3A_1643 : i32 to index
      %swap3A_1646 = arith.constant 144 : index
      %swap3A_1647 = tpu.vector_load %arg10[%swap3A_1644, %swap3A_1645, %swap3A_1646] {strides = array<i32>} : memref<2x16x196xf32, #tpu.memory_space<vmem>>, vector<16xf32>,
      tpu.vector_store %arg10[%swap3A_1644, %swap3A_1645, %swap3A_1646], %gather3A_1642 {strides = array<i32>} : memref<2x16x196xf32, #tpu.memory_space<vmem>>, vector<16xf32>,
      %get3A_1648 = arith.constant 9 : i32
      %get3A_1649 = arith.index_cast %get3A_1648 : i32 to index
      %get3A_1650 = arith.constant 160 : index
      %get3A_1651 = tpu.vector_load %arg7[%get3A_1649, %get3A_1650] {strides = array<i32>} : memref<16x196xi32, #tpu.memory_space<vmem>>, vector<16xi32>,
      %gather3A_1652 = tpu.vector_load_idx %arg9[%broadcast_in_dim3A_331, %broadcast_in_dim3A_1545, %broadcast_in_dim3A_1547, %get3A_1651] : memref<2x4x16x784xf32, #tpu.memory_space<vmem>>[vector<16xi32>, vector<16xi32>, vector<16xi32>, vector<16xi32>], vector<16xf32>,
      %swap3A_1653 = arith.constant 9 : i32
      %swap3A_1654 = arith.index_cast %select_n3A_220 : i32 to index
      %swap3A_1655 = arith.index_cast %swap3A_1653 : i32 to index
      %swap3A_1656 = arith.constant 160 : index
      %swap3A_1657 = tpu.vector_load %arg10[%swap3A_1654, %swap3A_1655, %swap3A_1656] {strides = array<i32>} : memref<2x16x196xf32, #tpu.memory_space<vmem>>, vector<16xf32>,
      tpu.vector_store %arg10[%swap3A_1654, %swap3A_1655, %swap3A_1656], %gather3A_1652 {strides = array<i32>} : memref<2x16x196xf32, #tpu.memory_space<vmem>>, vector<16xf32>,
      %get3A_1658 = arith.constant 9 : i32
      %get3A_1659 = arith.index_cast %get3A_1658 : i32 to index
      %get3A_1660 = arith.constant 176 : index
      %get3A_1661 = tpu.vector_load %arg7[%get3A_1659, %get3A_1660] {strides = array<i32>} : memref<16x196xi32, #tpu.memory_space<vmem>>, vector<16xi32>,
      %gather3A_1662 = tpu.vector_load_idx %arg9[%broadcast_in_dim3A_331, %broadcast_in_dim3A_1545, %broadcast_in_dim3A_1547, %get3A_1661] : memref<2x4x16x784xf32, #tpu.memory_space<vmem>>[vector<16xi32>, vector<16xi32>, vector<16xi32>, vector<16xi32>], vector<16xf32>,
      %swap3A_1663 = arith.constant 9 : i32
      %swap3A_1664 = arith.index_cast %select_n3A_220 : i32 to index
      %swap3A_1665 = arith.index_cast %swap3A_1663 : i32 to index
      %swap3A_1666 = arith.constant 176 : index
      %swap3A_1667 = tpu.vector_load %arg10[%swap3A_1664, %swap3A_1665, %swap3A_1666] {strides = array<i32>} : memref<2x16x196xf32, #tpu.memory_space<vmem>>, vector<16xf32>,
      tpu.vector_store %arg10[%swap3A_1664, %swap3A_1665, %swap3A_1666], %gather3A_1662 {strides = array<i32>} : memref<2x16x196xf32, #tpu.memory_space<vmem>>, vector<16xf32>,
      %get3A_1668 = arith.constant 9 : i32
      %get3A_1669 = arith.index_cast %get3A_1668 : i32 to index
      %get3A_1670 = arith.constant 180 : index
      %get3A_1671 = tpu.vector_load %arg7[%get3A_1669, %get3A_1670] {strides = array<i32>} : memref<16x196xi32, #tpu.memory_space<vmem>>, vector<16xi32>,
      %gather3A_1672 = tpu.vector_load_idx %arg9[%broadcast_in_dim3A_331, %broadcast_in_dim3A_1545, %broadcast_in_dim3A_1547, %get3A_1671] : memref<2x4x16x784xf32, #tpu.memory_space<vmem>>[vector<16xi32>, vector<16xi32>, vector<16xi32>, vector<16xi32>], vector<16xf32>,
      %swap3A_1673 = arith.constant 9 : i32
      %swap3A_1674 = arith.index_cast %select_n3A_220 : i32 to index
      %swap3A_1675 = arith.index_cast %swap3A_1673 : i32 to index
      %swap3A_1676 = arith.constant 180 : index
      %swap3A_1677 = tpu.vector_load %arg10[%swap3A_1674, %swap3A_1675, %swap3A_1676] {strides = array<i32>} : memref<2x16x196xf32, #tpu.memory_space<vmem>>, vector<16xf32>,
      tpu.vector_store %arg10[%swap3A_1674, %swap3A_1675, %swap3A_1676], %gather3A_1672 {strides = array<i32>} : memref<2x16x196xf32, #tpu.memory_space<vmem>>, vector<16xf32>,
      %slice3A_1678 = vector.extract_strided_slice %add3A_317 {offsets = [10], sizes = [1], strides = [1]} : vector<16xi32> to vector<1xi32>
      %squeeze3A_1679 = vector.extract %slice3A_1678[0] : i32 from vector<1xi32>
      %broadcast_in_dim3A_1680 = vector.broadcast %squeeze3A_1679 : i32 to vector<16xi32>
      %broadcast_in_dim3A_1681 = arith.constant 10 : i32
      %broadcast_in_dim3A_1682 = vector.broadcast %broadcast_in_dim3A_1681 : i32 to vector<16xi32>
      %get3A_1683 = arith.constant 10 : i32
      %get3A_1684 = arith.index_cast %get3A_1683 : i32 to index
      %get3A_1685 = arith.constant 0 : index
      %get3A_1686 = tpu.vector_load %arg7[%get3A_1684, %get3A_1685] {strides = array<i32>} : memref<16x196xi32, #tpu.memory_space<vmem>>, vector<16xi32>,
      %gather3A_1687 = tpu.vector_load_idx %arg9[%broadcast_in_dim3A_331, %broadcast_in_dim3A_1680, %broadcast_in_dim3A_1682, %get3A_1686] : memref<2x4x16x784xf32, #tpu.memory_space<vmem>>[vector<16xi32>, vector<16xi32>, vector<16xi32>, vector<16xi32>], vector<16xf32>,
      %swap3A_1688 = arith.constant 10 : i32
      %swap3A_1689 = arith.index_cast %select_n3A_220 : i32 to index
      %swap3A_1690 = arith.index_cast %swap3A_1688 : i32 to index
      %swap3A_1691 = arith.constant 0 : index
      %swap3A_1692 = tpu.vector_load %arg10[%swap3A_1689, %swap3A_1690, %swap3A_1691] {strides = array<i32>} : memref<2x16x196xf32, #tpu.memory_space<vmem>>, vector<16xf32>,
      tpu.vector_store %arg10[%swap3A_1689, %swap3A_1690, %swap3A_1691], %gather3A_1687 {strides = array<i32>} : memref<2x16x196xf32, #tpu.memory_space<vmem>>, vector<16xf32>,
      %get3A_1693 = arith.constant 10 : i32
      %get3A_1694 = arith.index_cast %get3A_1693 : i32 to index
      %get3A_1695 = arith.constant 16 : index
      %get3A_1696 = tpu.vector_load %arg7[%get3A_1694, %get3A_1695] {strides = array<i32>} : memref<16x196xi32, #tpu.memory_space<vmem>>, vector<16xi32>,
      %gather3A_1697 = tpu.vector_load_idx %arg9[%broadcast_in_dim3A_331, %broadcast_in_dim3A_1680, %broadcast_in_dim3A_1682, %get3A_1696] : memref<2x4x16x784xf32, #tpu.memory_space<vmem>>[vector<16xi32>, vector<16xi32>, vector<16xi32>, vector<16xi32>], vector<16xf32>,
      %swap3A_1698 = arith.constant 10 : i32
      %swap3A_1699 = arith.index_cast %select_n3A_220 : i32 to index
      %swap3A_1700 = arith.index_cast %swap3A_1698 : i32 to index
      %swap3A_1701 = arith.constant 16 : index
      %swap3A_1702 = tpu.vector_load %arg10[%swap3A_1699, %swap3A_1700, %swap3A_1701] {strides = array<i32>} : memref<2x16x196xf32, #tpu.memory_space<vmem>>, vector<16xf32>,
      tpu.vector_store %arg10[%swap3A_1699, %swap3A_1700, %swap3A_1701], %gather3A_1697 {strides = array<i32>} : memref<2x16x196xf32, #tpu.memory_space<vmem>>, vector<16xf32>,
      %get3A_1703 = arith.constant 10 : i32
      %get3A_1704 = arith.index_cast %get3A_1703 : i32 to index
      %get3A_1705 = arith.constant 32 : index
      %get3A_1706 = tpu.vector_load %arg7[%get3A_1704, %get3A_1705] {strides = array<i32>} : memref<16x196xi32, #tpu.memory_space<vmem>>, vector<16xi32>,
      %gather3A_1707 = tpu.vector_load_idx %arg9[%broadcast_in_dim3A_331, %broadcast_in_dim3A_1680, %broadcast_in_dim3A_1682, %get3A_1706] : memref<2x4x16x784xf32, #tpu.memory_space<vmem>>[vector<16xi32>, vector<16xi32>, vector<16xi32>, vector<16xi32>], vector<16xf32>,
      %swap3A_1708 = arith.constant 10 : i32
      %swap3A_1709 = arith.index_cast %select_n3A_220 : i32 to index
      %swap3A_1710 = arith.index_cast %swap3A_1708 : i32 to index
      %swap3A_1711 = arith.constant 32 : index
      %swap3A_1712 = tpu.vector_load %arg10[%swap3A_1709, %swap3A_1710, %swap3A_1711] {strides = array<i32>} : memref<2x16x196xf32, #tpu.memory_space<vmem>>, vector<16xf32>,
      tpu.vector_store %arg10[%swap3A_1709, %swap3A_1710, %swap3A_1711], %gather3A_1707 {strides = array<i32>} : memref<2x16x196xf32, #tpu.memory_space<vmem>>, vector<16xf32>,
      %get3A_1713 = arith.constant 10 : i32
      %get3A_1714 = arith.index_cast %get3A_1713 : i32 to index
      %get3A_1715 = arith.constant 48 : index
      %get3A_1716 = tpu.vector_load %arg7[%get3A_1714, %get3A_1715] {strides = array<i32>} : memref<16x196xi32, #tpu.memory_space<vmem>>, vector<16xi32>,
      %gather3A_1717 = tpu.vector_load_idx %arg9[%broadcast_in_dim3A_331, %broadcast_in_dim3A_1680, %broadcast_in_dim3A_1682, %get3A_1716] : memref<2x4x16x784xf32, #tpu.memory_space<vmem>>[vector<16xi32>, vector<16xi32>, vector<16xi32>, vector<16xi32>], vector<16xf32>,
      %swap3A_1718 = arith.constant 10 : i32
      %swap3A_1719 = arith.index_cast %select_n3A_220 : i32 to index
      %swap3A_1720 = arith.index_cast %swap3A_1718 : i32 to index
      %swap3A_1721 = arith.constant 48 : index
      %swap3A_1722 = tpu.vector_load %arg10[%swap3A_1719, %swap3A_1720, %swap3A_1721] {strides = array<i32>} : memref<2x16x196xf32, #tpu.memory_space<vmem>>, vector<16xf32>,
      tpu.vector_store %arg10[%swap3A_1719, %swap3A_1720, %swap3A_1721], %gather3A_1717 {strides = array<i32>} : memref<2x16x196xf32, #tpu.memory_space<vmem>>, vector<16xf32>,
      %get3A_1723 = arith.constant 10 : i32
      %get3A_1724 = arith.index_cast %get3A_1723 : i32 to index
      %get3A_1725 = arith.constant 64 : index
      %get3A_1726 = tpu.vector_load %arg7[%get3A_1724, %get3A_1725] {strides = array<i32>} : memref<16x196xi32, #tpu.memory_space<vmem>>, vector<16xi32>,
      %gather3A_1727 = tpu.vector_load_idx %arg9[%broadcast_in_dim3A_331, %broadcast_in_dim3A_1680, %broadcast_in_dim3A_1682, %get3A_1726] : memref<2x4x16x784xf32, #tpu.memory_space<vmem>>[vector<16xi32>, vector<16xi32>, vector<16xi32>, vector<16xi32>], vector<16xf32>,
      %swap3A_1728 = arith.constant 10 : i32
      %swap3A_1729 = arith.index_cast %select_n3A_220 : i32 to index
      %swap3A_1730 = arith.index_cast %swap3A_1728 : i32 to index
      %swap3A_1731 = arith.constant 64 : index
      %swap3A_1732 = tpu.vector_load %arg10[%swap3A_1729, %swap3A_1730, %swap3A_1731] {strides = array<i32>} : memref<2x16x196xf32, #tpu.memory_space<vmem>>, vector<16xf32>,
      tpu.vector_store %arg10[%swap3A_1729, %swap3A_1730, %swap3A_1731], %gather3A_1727 {strides = array<i32>} : memref<2x16x196xf32, #tpu.memory_space<vmem>>, vector<16xf32>,
      %get3A_1733 = arith.constant 10 : i32
      %get3A_1734 = arith.index_cast %get3A_1733 : i32 to index
      %get3A_1735 = arith.constant 80 : index
      %get3A_1736 = tpu.vector_load %arg7[%get3A_1734, %get3A_1735] {strides = array<i32>} : memref<16x196xi32, #tpu.memory_space<vmem>>, vector<16xi32>,
      %gather3A_1737 = tpu.vector_load_idx %arg9[%broadcast_in_dim3A_331, %broadcast_in_dim3A_1680, %broadcast_in_dim3A_1682, %get3A_1736] : memref<2x4x16x784xf32, #tpu.memory_space<vmem>>[vector<16xi32>, vector<16xi32>, vector<16xi32>, vector<16xi32>], vector<16xf32>,
      %swap3A_1738 = arith.constant 10 : i32
      %swap3A_1739 = arith.index_cast %select_n3A_220 : i32 to index
      %swap3A_1740 = arith.index_cast %swap3A_1738 : i32 to index
      %swap3A_1741 = arith.constant 80 : index
      %swap3A_1742 = tpu.vector_load %arg10[%swap3A_1739, %swap3A_1740, %swap3A_1741] {strides = array<i32>} : memref<2x16x196xf32, #tpu.memory_space<vmem>>, vector<16xf32>,
      tpu.vector_store %arg10[%swap3A_1739, %swap3A_1740, %swap3A_1741], %gather3A_1737 {strides = array<i32>} : memref<2x16x196xf32, #tpu.memory_space<vmem>>, vector<16xf32>,
      %get3A_1743 = arith.constant 10 : i32
      %get3A_1744 = arith.index_cast %get3A_1743 : i32 to index
      %get3A_1745 = arith.constant 96 : index
      %get3A_1746 = tpu.vector_load %arg7[%get3A_1744, %get3A_1745] {strides = array<i32>} : memref<16x196xi32, #tpu.memory_space<vmem>>, vector<16xi32>,
      %gather3A_1747 = tpu.vector_load_idx %arg9[%broadcast_in_dim3A_331, %broadcast_in_dim3A_1680, %broadcast_in_dim3A_1682, %get3A_1746] : memref<2x4x16x784xf32, #tpu.memory_space<vmem>>[vector<16xi32>, vector<16xi32>, vector<16xi32>, vector<16xi32>], vector<16xf32>,
      %swap3A_1748 = arith.constant 10 : i32
      %swap3A_1749 = arith.index_cast %select_n3A_220 : i32 to index
      %swap3A_1750 = arith.index_cast %swap3A_1748 : i32 to index
      %swap3A_1751 = arith.constant 96 : index
      %swap3A_1752 = tpu.vector_load %arg10[%swap3A_1749, %swap3A_1750, %swap3A_1751] {strides = array<i32>} : memref<2x16x196xf32, #tpu.memory_space<vmem>>, vector<16xf32>,
      tpu.vector_store %arg10[%swap3A_1749, %swap3A_1750, %swap3A_1751], %gather3A_1747 {strides = array<i32>} : memref<2x16x196xf32, #tpu.memory_space<vmem>>, vector<16xf32>,
      %get3A_1753 = arith.constant 10 : i32
      %get3A_1754 = arith.index_cast %get3A_1753 : i32 to index
      %get3A_1755 = arith.constant 112 : index
      %get3A_1756 = tpu.vector_load %arg7[%get3A_1754, %get3A_1755] {strides = array<i32>} : memref<16x196xi32, #tpu.memory_space<vmem>>, vector<16xi32>,
      %gather3A_1757 = tpu.vector_load_idx %arg9[%broadcast_in_dim3A_331, %broadcast_in_dim3A_1680, %broadcast_in_dim3A_1682, %get3A_1756] : memref<2x4x16x784xf32, #tpu.memory_space<vmem>>[vector<16xi32>, vector<16xi32>, vector<16xi32>, vector<16xi32>], vector<16xf32>,
      %swap3A_1758 = arith.constant 10 : i32
      %swap3A_1759 = arith.index_cast %select_n3A_220 : i32 to index
      %swap3A_1760 = arith.index_cast %swap3A_1758 : i32 to index
      %swap3A_1761 = arith.constant 112 : index
      %swap3A_1762 = tpu.vector_load %arg10[%swap3A_1759, %swap3A_1760, %swap3A_1761] {strides = array<i32>} : memref<2x16x196xf32, #tpu.memory_space<vmem>>, vector<16xf32>,
      tpu.vector_store %arg10[%swap3A_1759, %swap3A_1760, %swap3A_1761], %gather3A_1757 {strides = array<i32>} : memref<2x16x196xf32, #tpu.memory_space<vmem>>, vector<16xf32>,
      %get3A_1763 = arith.constant 10 : i32
      %get3A_1764 = arith.index_cast %get3A_1763 : i32 to index
      %get3A_1765 = arith.constant 128 : index
      %get3A_1766 = tpu.vector_load %arg7[%get3A_1764, %get3A_1765] {strides = array<i32>} : memref<16x196xi32, #tpu.memory_space<vmem>>, vector<16xi32>,
      %gather3A_1767 = tpu.vector_load_idx %arg9[%broadcast_in_dim3A_331, %broadcast_in_dim3A_1680, %broadcast_in_dim3A_1682, %get3A_1766] : memref<2x4x16x784xf32, #tpu.memory_space<vmem>>[vector<16xi32>, vector<16xi32>, vector<16xi32>, vector<16xi32>], vector<16xf32>,
      %swap3A_1768 = arith.constant 10 : i32
      %swap3A_1769 = arith.index_cast %select_n3A_220 : i32 to index
      %swap3A_1770 = arith.index_cast %swap3A_1768 : i32 to index
      %swap3A_1771 = arith.constant 128 : index
      %swap3A_1772 = tpu.vector_load %arg10[%swap3A_1769, %swap3A_1770, %swap3A_1771] {strides = array<i32>} : memref<2x16x196xf32, #tpu.memory_space<vmem>>, vector<16xf32>,
      tpu.vector_store %arg10[%swap3A_1769, %swap3A_1770, %swap3A_1771], %gather3A_1767 {strides = array<i32>} : memref<2x16x196xf32, #tpu.memory_space<vmem>>, vector<16xf32>,
      %get3A_1773 = arith.constant 10 : i32
      %get3A_1774 = arith.index_cast %get3A_1773 : i32 to index
      %get3A_1775 = arith.constant 144 : index
      %get3A_1776 = tpu.vector_load %arg7[%get3A_1774, %get3A_1775] {strides = array<i32>} : memref<16x196xi32, #tpu.memory_space<vmem>>, vector<16xi32>,
      %gather3A_1777 = tpu.vector_load_idx %arg9[%broadcast_in_dim3A_331, %broadcast_in_dim3A_1680, %broadcast_in_dim3A_1682, %get3A_1776] : memref<2x4x16x784xf32, #tpu.memory_space<vmem>>[vector<16xi32>, vector<16xi32>, vector<16xi32>, vector<16xi32>], vector<16xf32>,
      %swap3A_1778 = arith.constant 10 : i32
      %swap3A_1779 = arith.index_cast %select_n3A_220 : i32 to index
      %swap3A_1780 = arith.index_cast %swap3A_1778 : i32 to index
      %swap3A_1781 = arith.constant 144 : index
      %swap3A_1782 = tpu.vector_load %arg10[%swap3A_1779, %swap3A_1780, %swap3A_1781] {strides = array<i32>} : memref<2x16x196xf32, #tpu.memory_space<vmem>>, vector<16xf32>,
      tpu.vector_store %arg10[%swap3A_1779, %swap3A_1780, %swap3A_1781], %gather3A_1777 {strides = array<i32>} : memref<2x16x196xf32, #tpu.memory_space<vmem>>, vector<16xf32>,
      %get3A_1783 = arith.constant 10 : i32
      %get3A_1784 = arith.index_cast %get3A_1783 : i32 to index
      %get3A_1785 = arith.constant 160 : index
      %get3A_1786 = tpu.vector_load %arg7[%get3A_1784, %get3A_1785] {strides = array<i32>} : memref<16x196xi32, #tpu.memory_space<vmem>>, vector<16xi32>,
      %gather3A_1787 = tpu.vector_load_idx %arg9[%broadcast_in_dim3A_331, %broadcast_in_dim3A_1680, %broadcast_in_dim3A_1682, %get3A_1786] : memref<2x4x16x784xf32, #tpu.memory_space<vmem>>[vector<16xi32>, vector<16xi32>, vector<16xi32>, vector<16xi32>], vector<16xf32>,
      %swap3A_1788 = arith.constant 10 : i32
      %swap3A_1789 = arith.index_cast %select_n3A_220 : i32 to index
      %swap3A_1790 = arith.index_cast %swap3A_1788 : i32 to index
      %swap3A_1791 = arith.constant 160 : index
      %swap3A_1792 = tpu.vector_load %arg10[%swap3A_1789, %swap3A_1790, %swap3A_1791] {strides = array<i32>} : memref<2x16x196xf32, #tpu.memory_space<vmem>>, vector<16xf32>,
      tpu.vector_store %arg10[%swap3A_1789, %swap3A_1790, %swap3A_1791], %gather3A_1787 {strides = array<i32>} : memref<2x16x196xf32, #tpu.memory_space<vmem>>, vector<16xf32>,
      %get3A_1793 = arith.constant 10 : i32
      %get3A_1794 = arith.index_cast %get3A_1793 : i32 to index
      %get3A_1795 = arith.constant 176 : index
      %get3A_1796 = tpu.vector_load %arg7[%get3A_1794, %get3A_1795] {strides = array<i32>} : memref<16x196xi32, #tpu.memory_space<vmem>>, vector<16xi32>,
      %gather3A_1797 = tpu.vector_load_idx %arg9[%broadcast_in_dim3A_331, %broadcast_in_dim3A_1680, %broadcast_in_dim3A_1682, %get3A_1796] : memref<2x4x16x784xf32, #tpu.memory_space<vmem>>[vector<16xi32>, vector<16xi32>, vector<16xi32>, vector<16xi32>], vector<16xf32>,
      %swap3A_1798 = arith.constant 10 : i32
      %swap3A_1799 = arith.index_cast %select_n3A_220 : i32 to index
      %swap3A_1800 = arith.index_cast %swap3A_1798 : i32 to index
      %swap3A_1801 = arith.constant 176 : index
      %swap3A_1802 = tpu.vector_load %arg10[%swap3A_1799, %swap3A_1800, %swap3A_1801] {strides = array<i32>} : memref<2x16x196xf32, #tpu.memory_space<vmem>>, vector<16xf32>,
      tpu.vector_store %arg10[%swap3A_1799, %swap3A_1800, %swap3A_1801], %gather3A_1797 {strides = array<i32>} : memref<2x16x196xf32, #tpu.memory_space<vmem>>, vector<16xf32>,
      %get3A_1803 = arith.constant 10 : i32
      %get3A_1804 = arith.index_cast %get3A_1803 : i32 to index
      %get3A_1805 = arith.constant 180 : index
      %get3A_1806 = tpu.vector_load %arg7[%get3A_1804, %get3A_1805] {strides = array<i32>} : memref<16x196xi32, #tpu.memory_space<vmem>>, vector<16xi32>,
      %gather3A_1807 = tpu.vector_load_idx %arg9[%broadcast_in_dim3A_331, %broadcast_in_dim3A_1680, %broadcast_in_dim3A_1682, %get3A_1806] : memref<2x4x16x784xf32, #tpu.memory_space<vmem>>[vector<16xi32>, vector<16xi32>, vector<16xi32>, vector<16xi32>], vector<16xf32>,
      %swap3A_1808 = arith.constant 10 : i32
      %swap3A_1809 = arith.index_cast %select_n3A_220 : i32 to index
      %swap3A_1810 = arith.index_cast %swap3A_1808 : i32 to index
      %swap3A_1811 = arith.constant 180 : index
      %swap3A_1812 = tpu.vector_load %arg10[%swap3A_1809, %swap3A_1810, %swap3A_1811] {strides = array<i32>} : memref<2x16x196xf32, #tpu.memory_space<vmem>>, vector<16xf32>,
      tpu.vector_store %arg10[%swap3A_1809, %swap3A_1810, %swap3A_1811], %gather3A_1807 {strides = array<i32>} : memref<2x16x196xf32, #tpu.memory_space<vmem>>, vector<16xf32>,
      %slice3A_1813 = vector.extract_strided_slice %add3A_317 {offsets = [11], sizes = [1], strides = [1]} : vector<16xi32> to vector<1xi32>
      %squeeze3A_1814 = vector.extract %slice3A_1813[0] : i32 from vector<1xi32>
      %broadcast_in_dim3A_1815 = vector.broadcast %squeeze3A_1814 : i32 to vector<16xi32>
      %broadcast_in_dim3A_1816 = arith.constant 11 : i32
      %broadcast_in_dim3A_1817 = vector.broadcast %broadcast_in_dim3A_1816 : i32 to vector<16xi32>
      %get3A_1818 = arith.constant 11 : i32
      %get3A_1819 = arith.index_cast %get3A_1818 : i32 to index
      %get3A_1820 = arith.constant 0 : index
      %get3A_1821 = tpu.vector_load %arg7[%get3A_1819, %get3A_1820] {strides = array<i32>} : memref<16x196xi32, #tpu.memory_space<vmem>>, vector<16xi32>,
      %gather3A_1822 = tpu.vector_load_idx %arg9[%broadcast_in_dim3A_331, %broadcast_in_dim3A_1815, %broadcast_in_dim3A_1817, %get3A_1821] : memref<2x4x16x784xf32, #tpu.memory_space<vmem>>[vector<16xi32>, vector<16xi32>, vector<16xi32>, vector<16xi32>], vector<16xf32>,
      %swap3A_1823 = arith.constant 11 : i32
      %swap3A_1824 = arith.index_cast %select_n3A_220 : i32 to index
      %swap3A_1825 = arith.index_cast %swap3A_1823 : i32 to index
      %swap3A_1826 = arith.constant 0 : index
      %swap3A_1827 = tpu.vector_load %arg10[%swap3A_1824, %swap3A_1825, %swap3A_1826] {strides = array<i32>} : memref<2x16x196xf32, #tpu.memory_space<vmem>>, vector<16xf32>,
      tpu.vector_store %arg10[%swap3A_1824, %swap3A_1825, %swap3A_1826], %gather3A_1822 {strides = array<i32>} : memref<2x16x196xf32, #tpu.memory_space<vmem>>, vector<16xf32>,
      %get3A_1828 = arith.constant 11 : i32
      %get3A_1829 = arith.index_cast %get3A_1828 : i32 to index
      %get3A_1830 = arith.constant 16 : index
      %get3A_1831 = tpu.vector_load %arg7[%get3A_1829, %get3A_1830] {strides = array<i32>} : memref<16x196xi32, #tpu.memory_space<vmem>>, vector<16xi32>,
      %gather3A_1832 = tpu.vector_load_idx %arg9[%broadcast_in_dim3A_331, %broadcast_in_dim3A_1815, %broadcast_in_dim3A_1817, %get3A_1831] : memref<2x4x16x784xf32, #tpu.memory_space<vmem>>[vector<16xi32>, vector<16xi32>, vector<16xi32>, vector<16xi32>], vector<16xf32>,
      %swap3A_1833 = arith.constant 11 : i32
      %swap3A_1834 = arith.index_cast %select_n3A_220 : i32 to index
      %swap3A_1835 = arith.index_cast %swap3A_1833 : i32 to index
      %swap3A_1836 = arith.constant 16 : index
      %swap3A_1837 = tpu.vector_load %arg10[%swap3A_1834, %swap3A_1835, %swap3A_1836] {strides = array<i32>} : memref<2x16x196xf32, #tpu.memory_space<vmem>>, vector<16xf32>,
      tpu.vector_store %arg10[%swap3A_1834, %swap3A_1835, %swap3A_1836], %gather3A_1832 {strides = array<i32>} : memref<2x16x196xf32, #tpu.memory_space<vmem>>, vector<16xf32>,
      %get3A_1838 = arith.constant 11 : i32
      %get3A_1839 = arith.index_cast %get3A_1838 : i32 to index
      %get3A_1840 = arith.constant 32 : index
      %get3A_1841 = tpu.vector_load %arg7[%get3A_1839, %get3A_1840] {strides = array<i32>} : memref<16x196xi32, #tpu.memory_space<vmem>>, vector<16xi32>,
      %gather3A_1842 = tpu.vector_load_idx %arg9[%broadcast_in_dim3A_331, %broadcast_in_dim3A_1815, %broadcast_in_dim3A_1817, %get3A_1841] : memref<2x4x16x784xf32, #tpu.memory_space<vmem>>[vector<16xi32>, vector<16xi32>, vector<16xi32>, vector<16xi32>], vector<16xf32>,
      %swap3A_1843 = arith.constant 11 : i32
      %swap3A_1844 = arith.index_cast %select_n3A_220 : i32 to index
      %swap3A_1845 = arith.index_cast %swap3A_1843 : i32 to index
      %swap3A_1846 = arith.constant 32 : index
      %swap3A_1847 = tpu.vector_load %arg10[%swap3A_1844, %swap3A_1845, %swap3A_1846] {strides = array<i32>} : memref<2x16x196xf32, #tpu.memory_space<vmem>>, vector<16xf32>,
      tpu.vector_store %arg10[%swap3A_1844, %swap3A_1845, %swap3A_1846], %gather3A_1842 {strides = array<i32>} : memref<2x16x196xf32, #tpu.memory_space<vmem>>, vector<16xf32>,
      %get3A_1848 = arith.constant 11 : i32
      %get3A_1849 = arith.index_cast %get3A_1848 : i32 to index
      %get3A_1850 = arith.constant 48 : index
      %get3A_1851 = tpu.vector_load %arg7[%get3A_1849, %get3A_1850] {strides = array<i32>} : memref<16x196xi32, #tpu.memory_space<vmem>>, vector<16xi32>,
      %gather3A_1852 = tpu.vector_load_idx %arg9[%broadcast_in_dim3A_331, %broadcast_in_dim3A_1815, %broadcast_in_dim3A_1817, %get3A_1851] : memref<2x4x16x784xf32, #tpu.memory_space<vmem>>[vector<16xi32>, vector<16xi32>, vector<16xi32>, vector<16xi32>], vector<16xf32>,
      %swap3A_1853 = arith.constant 11 : i32
      %swap3A_1854 = arith.index_cast %select_n3A_220 : i32 to index
      %swap3A_1855 = arith.index_cast %swap3A_1853 : i32 to index
      %swap3A_1856 = arith.constant 48 : index
      %swap3A_1857 = tpu.vector_load %arg10[%swap3A_1854, %swap3A_1855, %swap3A_1856] {strides = array<i32>} : memref<2x16x196xf32, #tpu.memory_space<vmem>>, vector<16xf32>,
      tpu.vector_store %arg10[%swap3A_1854, %swap3A_1855, %swap3A_1856], %gather3A_1852 {strides = array<i32>} : memref<2x16x196xf32, #tpu.memory_space<vmem>>, vector<16xf32>,
      %get3A_1858 = arith.constant 11 : i32
      %get3A_1859 = arith.index_cast %get3A_1858 : i32 to index
      %get3A_1860 = arith.constant 64 : index
      %get3A_1861 = tpu.vector_load %arg7[%get3A_1859, %get3A_1860] {strides = array<i32>} : memref<16x196xi32, #tpu.memory_space<vmem>>, vector<16xi32>,
      %gather3A_1862 = tpu.vector_load_idx %arg9[%broadcast_in_dim3A_331, %broadcast_in_dim3A_1815, %broadcast_in_dim3A_1817, %get3A_1861] : memref<2x4x16x784xf32, #tpu.memory_space<vmem>>[vector<16xi32>, vector<16xi32>, vector<16xi32>, vector<16xi32>], vector<16xf32>,
      %swap3A_1863 = arith.constant 11 : i32
      %swap3A_1864 = arith.index_cast %select_n3A_220 : i32 to index
      %swap3A_1865 = arith.index_cast %swap3A_1863 : i32 to index
      %swap3A_1866 = arith.constant 64 : index
      %swap3A_1867 = tpu.vector_load %arg10[%swap3A_1864, %swap3A_1865, %swap3A_1866] {strides = array<i32>} : memref<2x16x196xf32, #tpu.memory_space<vmem>>, vector<16xf32>,
      tpu.vector_store %arg10[%swap3A_1864, %swap3A_1865, %swap3A_1866], %gather3A_1862 {strides = array<i32>} : memref<2x16x196xf32, #tpu.memory_space<vmem>>, vector<16xf32>,
      %get3A_1868 = arith.constant 11 : i32
      %get3A_1869 = arith.index_cast %get3A_1868 : i32 to index
      %get3A_1870 = arith.constant 80 : index
      %get3A_1871 = tpu.vector_load %arg7[%get3A_1869, %get3A_1870] {strides = array<i32>} : memref<16x196xi32, #tpu.memory_space<vmem>>, vector<16xi32>,
      %gather3A_1872 = tpu.vector_load_idx %arg9[%broadcast_in_dim3A_331, %broadcast_in_dim3A_1815, %broadcast_in_dim3A_1817, %get3A_1871] : memref<2x4x16x784xf32, #tpu.memory_space<vmem>>[vector<16xi32>, vector<16xi32>, vector<16xi32>, vector<16xi32>], vector<16xf32>,
      %swap3A_1873 = arith.constant 11 : i32
      %swap3A_1874 = arith.index_cast %select_n3A_220 : i32 to index
      %swap3A_1875 = arith.index_cast %swap3A_1873 : i32 to index
      %swap3A_1876 = arith.constant 80 : index
      %swap3A_1877 = tpu.vector_load %arg10[%swap3A_1874, %swap3A_1875, %swap3A_1876] {strides = array<i32>} : memref<2x16x196xf32, #tpu.memory_space<vmem>>, vector<16xf32>,
      tpu.vector_store %arg10[%swap3A_1874, %swap3A_1875, %swap3A_1876], %gather3A_1872 {strides = array<i32>} : memref<2x16x196xf32, #tpu.memory_space<vmem>>, vector<16xf32>,
      %get3A_1878 = arith.constant 11 : i32
      %get3A_1879 = arith.index_cast %get3A_1878 : i32 to index
      %get3A_1880 = arith.constant 96 : index
      %get3A_1881 = tpu.vector_load %arg7[%get3A_1879, %get3A_1880] {strides = array<i32>} : memref<16x196xi32, #tpu.memory_space<vmem>>, vector<16xi32>,
      %gather3A_1882 = tpu.vector_load_idx %arg9[%broadcast_in_dim3A_331, %broadcast_in_dim3A_1815, %broadcast_in_dim3A_1817, %get3A_1881] : memref<2x4x16x784xf32, #tpu.memory_space<vmem>>[vector<16xi32>, vector<16xi32>, vector<16xi32>, vector<16xi32>], vector<16xf32>,
      %swap3A_1883 = arith.constant 11 : i32
      %swap3A_1884 = arith.index_cast %select_n3A_220 : i32 to index
      %swap3A_1885 = arith.index_cast %swap3A_1883 : i32 to index
      %swap3A_1886 = arith.constant 96 : index
      %swap3A_1887 = tpu.vector_load %arg10[%swap3A_1884, %swap3A_1885, %swap3A_1886] {strides = array<i32>} : memref<2x16x196xf32, #tpu.memory_space<vmem>>, vector<16xf32>,
      tpu.vector_store %arg10[%swap3A_1884, %swap3A_1885, %swap3A_1886], %gather3A_1882 {strides = array<i32>} : memref<2x16x196xf32, #tpu.memory_space<vmem>>, vector<16xf32>,
      %get3A_1888 = arith.constant 11 : i32
      %get3A_1889 = arith.index_cast %get3A_1888 : i32 to index
      %get3A_1890 = arith.constant 112 : index
      %get3A_1891 = tpu.vector_load %arg7[%get3A_1889, %get3A_1890] {strides = array<i32>} : memref<16x196xi32, #tpu.memory_space<vmem>>, vector<16xi32>,
      %gather3A_1892 = tpu.vector_load_idx %arg9[%broadcast_in_dim3A_331, %broadcast_in_dim3A_1815, %broadcast_in_dim3A_1817, %get3A_1891] : memref<2x4x16x784xf32, #tpu.memory_space<vmem>>[vector<16xi32>, vector<16xi32>, vector<16xi32>, vector<16xi32>], vector<16xf32>,
      %swap3A_1893 = arith.constant 11 : i32
      %swap3A_1894 = arith.index_cast %select_n3A_220 : i32 to index
      %swap3A_1895 = arith.index_cast %swap3A_1893 : i32 to index
      %swap3A_1896 = arith.constant 112 : index
      %swap3A_1897 = tpu.vector_load %arg10[%swap3A_1894, %swap3A_1895, %swap3A_1896] {strides = array<i32>} : memref<2x16x196xf32, #tpu.memory_space<vmem>>, vector<16xf32>,
      tpu.vector_store %arg10[%swap3A_1894, %swap3A_1895, %swap3A_1896], %gather3A_1892 {strides = array<i32>} : memref<2x16x196xf32, #tpu.memory_space<vmem>>, vector<16xf32>,
      %get3A_1898 = arith.constant 11 : i32
      %get3A_1899 = arith.index_cast %get3A_1898 : i32 to index
      %get3A_1900 = arith.constant 128 : index
      %get3A_1901 = tpu.vector_load %arg7[%get3A_1899, %get3A_1900] {strides = array<i32>} : memref<16x196xi32, #tpu.memory_space<vmem>>, vector<16xi32>,
      %gather3A_1902 = tpu.vector_load_idx %arg9[%broadcast_in_dim3A_331, %broadcast_in_dim3A_1815, %broadcast_in_dim3A_1817, %get3A_1901] : memref<2x4x16x784xf32, #tpu.memory_space<vmem>>[vector<16xi32>, vector<16xi32>, vector<16xi32>, vector<16xi32>], vector<16xf32>,
      %swap3A_1903 = arith.constant 11 : i32
      %swap3A_1904 = arith.index_cast %select_n3A_220 : i32 to index
      %swap3A_1905 = arith.index_cast %swap3A_1903 : i32 to index
      %swap3A_1906 = arith.constant 128 : index
      %swap3A_1907 = tpu.vector_load %arg10[%swap3A_1904, %swap3A_1905, %swap3A_1906] {strides = array<i32>} : memref<2x16x196xf32, #tpu.memory_space<vmem>>, vector<16xf32>,
      tpu.vector_store %arg10[%swap3A_1904, %swap3A_1905, %swap3A_1906], %gather3A_1902 {strides = array<i32>} : memref<2x16x196xf32, #tpu.memory_space<vmem>>, vector<16xf32>,
      %get3A_1908 = arith.constant 11 : i32
      %get3A_1909 = arith.index_cast %get3A_1908 : i32 to index
      %get3A_1910 = arith.constant 144 : index
      %get3A_1911 = tpu.vector_load %arg7[%get3A_1909, %get3A_1910] {strides = array<i32>} : memref<16x196xi32, #tpu.memory_space<vmem>>, vector<16xi32>,
      %gather3A_1912 = tpu.vector_load_idx %arg9[%broadcast_in_dim3A_331, %broadcast_in_dim3A_1815, %broadcast_in_dim3A_1817, %get3A_1911] : memref<2x4x16x784xf32, #tpu.memory_space<vmem>>[vector<16xi32>, vector<16xi32>, vector<16xi32>, vector<16xi32>], vector<16xf32>,
      %swap3A_1913 = arith.constant 11 : i32
      %swap3A_1914 = arith.index_cast %select_n3A_220 : i32 to index
      %swap3A_1915 = arith.index_cast %swap3A_1913 : i32 to index
      %swap3A_1916 = arith.constant 144 : index
      %swap3A_1917 = tpu.vector_load %arg10[%swap3A_1914, %swap3A_1915, %swap3A_1916] {strides = array<i32>} : memref<2x16x196xf32, #tpu.memory_space<vmem>>, vector<16xf32>,
      tpu.vector_store %arg10[%swap3A_1914, %swap3A_1915, %swap3A_1916], %gather3A_1912 {strides = array<i32>} : memref<2x16x196xf32, #tpu.memory_space<vmem>>, vector<16xf32>,
      %get3A_1918 = arith.constant 11 : i32
      %get3A_1919 = arith.index_cast %get3A_1918 : i32 to index
      %get3A_1920 = arith.constant 160 : index
      %get3A_1921 = tpu.vector_load %arg7[%get3A_1919, %get3A_1920] {strides = array<i32>} : memref<16x196xi32, #tpu.memory_space<vmem>>, vector<16xi32>,
      %gather3A_1922 = tpu.vector_load_idx %arg9[%broadcast_in_dim3A_331, %broadcast_in_dim3A_1815, %broadcast_in_dim3A_1817, %get3A_1921] : memref<2x4x16x784xf32, #tpu.memory_space<vmem>>[vector<16xi32>, vector<16xi32>, vector<16xi32>, vector<16xi32>], vector<16xf32>,
      %swap3A_1923 = arith.constant 11 : i32
      %swap3A_1924 = arith.index_cast %select_n3A_220 : i32 to index
      %swap3A_1925 = arith.index_cast %swap3A_1923 : i32 to index
      %swap3A_1926 = arith.constant 160 : index
      %swap3A_1927 = tpu.vector_load %arg10[%swap3A_1924, %swap3A_1925, %swap3A_1926] {strides = array<i32>} : memref<2x16x196xf32, #tpu.memory_space<vmem>>, vector<16xf32>,
      tpu.vector_store %arg10[%swap3A_1924, %swap3A_1925, %swap3A_1926], %gather3A_1922 {strides = array<i32>} : memref<2x16x196xf32, #tpu.memory_space<vmem>>, vector<16xf32>,
      %get3A_1928 = arith.constant 11 : i32
      %get3A_1929 = arith.index_cast %get3A_1928 : i32 to index
      %get3A_1930 = arith.constant 176 : index
      %get3A_1931 = tpu.vector_load %arg7[%get3A_1929, %get3A_1930] {strides = array<i32>} : memref<16x196xi32, #tpu.memory_space<vmem>>, vector<16xi32>,
      %gather3A_1932 = tpu.vector_load_idx %arg9[%broadcast_in_dim3A_331, %broadcast_in_dim3A_1815, %broadcast_in_dim3A_1817, %get3A_1931] : memref<2x4x16x784xf32, #tpu.memory_space<vmem>>[vector<16xi32>, vector<16xi32>, vector<16xi32>, vector<16xi32>], vector<16xf32>,
      %swap3A_1933 = arith.constant 11 : i32
      %swap3A_1934 = arith.index_cast %select_n3A_220 : i32 to index
      %swap3A_1935 = arith.index_cast %swap3A_1933 : i32 to index
      %swap3A_1936 = arith.constant 176 : index
      %swap3A_1937 = tpu.vector_load %arg10[%swap3A_1934, %swap3A_1935, %swap3A_1936] {strides = array<i32>} : memref<2x16x196xf32, #tpu.memory_space<vmem>>, vector<16xf32>,
      tpu.vector_store %arg10[%swap3A_1934, %swap3A_1935, %swap3A_1936], %gather3A_1932 {strides = array<i32>} : memref<2x16x196xf32, #tpu.memory_space<vmem>>, vector<16xf32>,
      %get3A_1938 = arith.constant 11 : i32
      %get3A_1939 = arith.index_cast %get3A_1938 : i32 to index
      %get3A_1940 = arith.constant 180 : index
      %get3A_1941 = tpu.vector_load %arg7[%get3A_1939, %get3A_1940] {strides = array<i32>} : memref<16x196xi32, #tpu.memory_space<vmem>>, vector<16xi32>,
      %gather3A_1942 = tpu.vector_load_idx %arg9[%broadcast_in_dim3A_331, %broadcast_in_dim3A_1815, %broadcast_in_dim3A_1817, %get3A_1941] : memref<2x4x16x784xf32, #tpu.memory_space<vmem>>[vector<16xi32>, vector<16xi32>, vector<16xi32>, vector<16xi32>], vector<16xf32>,
      %swap3A_1943 = arith.constant 11 : i32
      %swap3A_1944 = arith.index_cast %select_n3A_220 : i32 to index
      %swap3A_1945 = arith.index_cast %swap3A_1943 : i32 to index
      %swap3A_1946 = arith.constant 180 : index
      %swap3A_1947 = tpu.vector_load %arg10[%swap3A_1944, %swap3A_1945, %swap3A_1946] {strides = array<i32>} : memref<2x16x196xf32, #tpu.memory_space<vmem>>, vector<16xf32>,
      tpu.vector_store %arg10[%swap3A_1944, %swap3A_1945, %swap3A_1946], %gather3A_1942 {strides = array<i32>} : memref<2x16x196xf32, #tpu.memory_space<vmem>>, vector<16xf32>,
      %slice3A_1948 = vector.extract_strided_slice %add3A_317 {offsets = [12], sizes = [1], strides = [1]} : vector<16xi32> to vector<1xi32>
      %squeeze3A_1949 = vector.extract %slice3A_1948[0] : i32 from vector<1xi32>
      %broadcast_in_dim3A_1950 = vector.broadcast %squeeze3A_1949 : i32 to vector<16xi32>
      %broadcast_in_dim3A_1951 = arith.constant 12 : i32
      %broadcast_in_dim3A_1952 = vector.broadcast %broadcast_in_dim3A_1951 : i32 to vector<16xi32>
      %get3A_1953 = arith.constant 12 : i32
      %get3A_1954 = arith.index_cast %get3A_1953 : i32 to index
      %get3A_1955 = arith.constant 0 : index
      %get3A_1956 = tpu.vector_load %arg7[%get3A_1954, %get3A_1955] {strides = array<i32>} : memref<16x196xi32, #tpu.memory_space<vmem>>, vector<16xi32>,
      %gather3A_1957 = tpu.vector_load_idx %arg9[%broadcast_in_dim3A_331, %broadcast_in_dim3A_1950, %broadcast_in_dim3A_1952, %get3A_1956] : memref<2x4x16x784xf32, #tpu.memory_space<vmem>>[vector<16xi32>, vector<16xi32>, vector<16xi32>, vector<16xi32>], vector<16xf32>,
      %swap3A_1958 = arith.constant 12 : i32
      %swap3A_1959 = arith.index_cast %select_n3A_220 : i32 to index
      %swap3A_1960 = arith.index_cast %swap3A_1958 : i32 to index
      %swap3A_1961 = arith.constant 0 : index
      %swap3A_1962 = tpu.vector_load %arg10[%swap3A_1959, %swap3A_1960, %swap3A_1961] {strides = array<i32>} : memref<2x16x196xf32, #tpu.memory_space<vmem>>, vector<16xf32>,
      tpu.vector_store %arg10[%swap3A_1959, %swap3A_1960, %swap3A_1961], %gather3A_1957 {strides = array<i32>} : memref<2x16x196xf32, #tpu.memory_space<vmem>>, vector<16xf32>,
      %get3A_1963 = arith.constant 12 : i32
      %get3A_1964 = arith.index_cast %get3A_1963 : i32 to index
      %get3A_1965 = arith.constant 16 : index
      %get3A_1966 = tpu.vector_load %arg7[%get3A_1964, %get3A_1965] {strides = array<i32>} : memref<16x196xi32, #tpu.memory_space<vmem>>, vector<16xi32>,
      %gather3A_1967 = tpu.vector_load_idx %arg9[%broadcast_in_dim3A_331, %broadcast_in_dim3A_1950, %broadcast_in_dim3A_1952, %get3A_1966] : memref<2x4x16x784xf32, #tpu.memory_space<vmem>>[vector<16xi32>, vector<16xi32>, vector<16xi32>, vector<16xi32>], vector<16xf32>,
      %swap3A_1968 = arith.constant 12 : i32
      %swap3A_1969 = arith.index_cast %select_n3A_220 : i32 to index
      %swap3A_1970 = arith.index_cast %swap3A_1968 : i32 to index
      %swap3A_1971 = arith.constant 16 : index
      %swap3A_1972 = tpu.vector_load %arg10[%swap3A_1969, %swap3A_1970, %swap3A_1971] {strides = array<i32>} : memref<2x16x196xf32, #tpu.memory_space<vmem>>, vector<16xf32>,
      tpu.vector_store %arg10[%swap3A_1969, %swap3A_1970, %swap3A_1971], %gather3A_1967 {strides = array<i32>} : memref<2x16x196xf32, #tpu.memory_space<vmem>>, vector<16xf32>,
      %get3A_1973 = arith.constant 12 : i32
      %get3A_1974 = arith.index_cast %get3A_1973 : i32 to index
      %get3A_1975 = arith.constant 32 : index
      %get3A_1976 = tpu.vector_load %arg7[%get3A_1974, %get3A_1975] {strides = array<i32>} : memref<16x196xi32, #tpu.memory_space<vmem>>, vector<16xi32>,
      %gather3A_1977 = tpu.vector_load_idx %arg9[%broadcast_in_dim3A_331, %broadcast_in_dim3A_1950, %broadcast_in_dim3A_1952, %get3A_1976] : memref<2x4x16x784xf32, #tpu.memory_space<vmem>>[vector<16xi32>, vector<16xi32>, vector<16xi32>, vector<16xi32>], vector<16xf32>,
      %swap3A_1978 = arith.constant 12 : i32
      %swap3A_1979 = arith.index_cast %select_n3A_220 : i32 to index
      %swap3A_1980 = arith.index_cast %swap3A_1978 : i32 to index
      %swap3A_1981 = arith.constant 32 : index
      %swap3A_1982 = tpu.vector_load %arg10[%swap3A_1979, %swap3A_1980, %swap3A_1981] {strides = array<i32>} : memref<2x16x196xf32, #tpu.memory_space<vmem>>, vector<16xf32>,
      tpu.vector_store %arg10[%swap3A_1979, %swap3A_1980, %swap3A_1981], %gather3A_1977 {strides = array<i32>} : memref<2x16x196xf32, #tpu.memory_space<vmem>>, vector<16xf32>,
      %get3A_1983 = arith.constant 12 : i32
      %get3A_1984 = arith.index_cast %get3A_1983 : i32 to index
      %get3A_1985 = arith.constant 48 : index
      %get3A_1986 = tpu.vector_load %arg7[%get3A_1984, %get3A_1985] {strides = array<i32>} : memref<16x196xi32, #tpu.memory_space<vmem>>, vector<16xi32>,
      %gather3A_1987 = tpu.vector_load_idx %arg9[%broadcast_in_dim3A_331, %broadcast_in_dim3A_1950, %broadcast_in_dim3A_1952, %get3A_1986] : memref<2x4x16x784xf32, #tpu.memory_space<vmem>>[vector<16xi32>, vector<16xi32>, vector<16xi32>, vector<16xi32>], vector<16xf32>,
      %swap3A_1988 = arith.constant 12 : i32
      %swap3A_1989 = arith.index_cast %select_n3A_220 : i32 to index
      %swap3A_1990 = arith.index_cast %swap3A_1988 : i32 to index
      %swap3A_1991 = arith.constant 48 : index
      %swap3A_1992 = tpu.vector_load %arg10[%swap3A_1989, %swap3A_1990, %swap3A_1991] {strides = array<i32>} : memref<2x16x196xf32, #tpu.memory_space<vmem>>, vector<16xf32>,
      tpu.vector_store %arg10[%swap3A_1989, %swap3A_1990, %swap3A_1991], %gather3A_1987 {strides = array<i32>} : memref<2x16x196xf32, #tpu.memory_space<vmem>>, vector<16xf32>,
      %get3A_1993 = arith.constant 12 : i32
      %get3A_1994 = arith.index_cast %get3A_1993 : i32 to index
      %get3A_1995 = arith.constant 64 : index
      %get3A_1996 = tpu.vector_load %arg7[%get3A_1994, %get3A_1995] {strides = array<i32>} : memref<16x196xi32, #tpu.memory_space<vmem>>, vector<16xi32>,
      %gather3A_1997 = tpu.vector_load_idx %arg9[%broadcast_in_dim3A_331, %broadcast_in_dim3A_1950, %broadcast_in_dim3A_1952, %get3A_1996] : memref<2x4x16x784xf32, #tpu.memory_space<vmem>>[vector<16xi32>, vector<16xi32>, vector<16xi32>, vector<16xi32>], vector<16xf32>,
      %swap3A_1998 = arith.constant 12 : i32
      %swap3A_1999 = arith.index_cast %select_n3A_220 : i32 to index
      %swap3A_2000 = arith.index_cast %swap3A_1998 : i32 to index
      %swap3A_2001 = arith.constant 64 : index
      %swap3A_2002 = tpu.vector_load %arg10[%swap3A_1999, %swap3A_2000, %swap3A_2001] {strides = array<i32>} : memref<2x16x196xf32, #tpu.memory_space<vmem>>, vector<16xf32>,
      tpu.vector_store %arg10[%swap3A_1999, %swap3A_2000, %swap3A_2001], %gather3A_1997 {strides = array<i32>} : memref<2x16x196xf32, #tpu.memory_space<vmem>>, vector<16xf32>,
      %get3A_2003 = arith.constant 12 : i32
      %get3A_2004 = arith.index_cast %get3A_2003 : i32 to index
      %get3A_2005 = arith.constant 80 : index
      %get3A_2006 = tpu.vector_load %arg7[%get3A_2004, %get3A_2005] {strides = array<i32>} : memref<16x196xi32, #tpu.memory_space<vmem>>, vector<16xi32>,
      %gather3A_2007 = tpu.vector_load_idx %arg9[%broadcast_in_dim3A_331, %broadcast_in_dim3A_1950, %broadcast_in_dim3A_1952, %get3A_2006] : memref<2x4x16x784xf32, #tpu.memory_space<vmem>>[vector<16xi32>, vector<16xi32>, vector<16xi32>, vector<16xi32>], vector<16xf32>,
      %swap3A_2008 = arith.constant 12 : i32
      %swap3A_2009 = arith.index_cast %select_n3A_220 : i32 to index
      %swap3A_2010 = arith.index_cast %swap3A_2008 : i32 to index
      %swap3A_2011 = arith.constant 80 : index
      %swap3A_2012 = tpu.vector_load %arg10[%swap3A_2009, %swap3A_2010, %swap3A_2011] {strides = array<i32>} : memref<2x16x196xf32, #tpu.memory_space<vmem>>, vector<16xf32>,
      tpu.vector_store %arg10[%swap3A_2009, %swap3A_2010, %swap3A_2011], %gather3A_2007 {strides = array<i32>} : memref<2x16x196xf32, #tpu.memory_space<vmem>>, vector<16xf32>,
      %get3A_2013 = arith.constant 12 : i32
      %get3A_2014 = arith.index_cast %get3A_2013 : i32 to index
      %get3A_2015 = arith.constant 96 : index
      %get3A_2016 = tpu.vector_load %arg7[%get3A_2014, %get3A_2015] {strides = array<i32>} : memref<16x196xi32, #tpu.memory_space<vmem>>, vector<16xi32>,
      %gather3A_2017 = tpu.vector_load_idx %arg9[%broadcast_in_dim3A_331, %broadcast_in_dim3A_1950, %broadcast_in_dim3A_1952, %get3A_2016] : memref<2x4x16x784xf32, #tpu.memory_space<vmem>>[vector<16xi32>, vector<16xi32>, vector<16xi32>, vector<16xi32>], vector<16xf32>,
      %swap3A_2018 = arith.constant 12 : i32
      %swap3A_2019 = arith.index_cast %select_n3A_220 : i32 to index
      %swap3A_2020 = arith.index_cast %swap3A_2018 : i32 to index
      %swap3A_2021 = arith.constant 96 : index
      %swap3A_2022 = tpu.vector_load %arg10[%swap3A_2019, %swap3A_2020, %swap3A_2021] {strides = array<i32>} : memref<2x16x196xf32, #tpu.memory_space<vmem>>, vector<16xf32>,
      tpu.vector_store %arg10[%swap3A_2019, %swap3A_2020, %swap3A_2021], %gather3A_2017 {strides = array<i32>} : memref<2x16x196xf32, #tpu.memory_space<vmem>>, vector<16xf32>,
      %get3A_2023 = arith.constant 12 : i32
      %get3A_2024 = arith.index_cast %get3A_2023 : i32 to index
      %get3A_2025 = arith.constant 112 : index
      %get3A_2026 = tpu.vector_load %arg7[%get3A_2024, %get3A_2025] {strides = array<i32>} : memref<16x196xi32, #tpu.memory_space<vmem>>, vector<16xi32>,
      %gather3A_2027 = tpu.vector_load_idx %arg9[%broadcast_in_dim3A_331, %broadcast_in_dim3A_1950, %broadcast_in_dim3A_1952, %get3A_2026] : memref<2x4x16x784xf32, #tpu.memory_space<vmem>>[vector<16xi32>, vector<16xi32>, vector<16xi32>, vector<16xi32>], vector<16xf32>,
      %swap3A_2028 = arith.constant 12 : i32
      %swap3A_2029 = arith.index_cast %select_n3A_220 : i32 to index
      %swap3A_2030 = arith.index_cast %swap3A_2028 : i32 to index
      %swap3A_2031 = arith.constant 112 : index
      %swap3A_2032 = tpu.vector_load %arg10[%swap3A_2029, %swap3A_2030, %swap3A_2031] {strides = array<i32>} : memref<2x16x196xf32, #tpu.memory_space<vmem>>, vector<16xf32>,
      tpu.vector_store %arg10[%swap3A_2029, %swap3A_2030, %swap3A_2031], %gather3A_2027 {strides = array<i32>} : memref<2x16x196xf32, #tpu.memory_space<vmem>>, vector<16xf32>,
      %get3A_2033 = arith.constant 12 : i32
      %get3A_2034 = arith.index_cast %get3A_2033 : i32 to index
      %get3A_2035 = arith.constant 128 : index
      %get3A_2036 = tpu.vector_load %arg7[%get3A_2034, %get3A_2035] {strides = array<i32>} : memref<16x196xi32, #tpu.memory_space<vmem>>, vector<16xi32>,
      %gather3A_2037 = tpu.vector_load_idx %arg9[%broadcast_in_dim3A_331, %broadcast_in_dim3A_1950, %broadcast_in_dim3A_1952, %get3A_2036] : memref<2x4x16x784xf32, #tpu.memory_space<vmem>>[vector<16xi32>, vector<16xi32>, vector<16xi32>, vector<16xi32>], vector<16xf32>,
      %swap3A_2038 = arith.constant 12 : i32
      %swap3A_2039 = arith.index_cast %select_n3A_220 : i32 to index
      %swap3A_2040 = arith.index_cast %swap3A_2038 : i32 to index
      %swap3A_2041 = arith.constant 128 : index
      %swap3A_2042 = tpu.vector_load %arg10[%swap3A_2039, %swap3A_2040, %swap3A_2041] {strides = array<i32>} : memref<2x16x196xf32, #tpu.memory_space<vmem>>, vector<16xf32>,
      tpu.vector_store %arg10[%swap3A_2039, %swap3A_2040, %swap3A_2041], %gather3A_2037 {strides = array<i32>} : memref<2x16x196xf32, #tpu.memory_space<vmem>>, vector<16xf32>,
      %get3A_2043 = arith.constant 12 : i32
      %get3A_2044 = arith.index_cast %get3A_2043 : i32 to index
      %get3A_2045 = arith.constant 144 : index
      %get3A_2046 = tpu.vector_load %arg7[%get3A_2044, %get3A_2045] {strides = array<i32>} : memref<16x196xi32, #tpu.memory_space<vmem>>, vector<16xi32>,
      %gather3A_2047 = tpu.vector_load_idx %arg9[%broadcast_in_dim3A_331, %broadcast_in_dim3A_1950, %broadcast_in_dim3A_1952, %get3A_2046] : memref<2x4x16x784xf32, #tpu.memory_space<vmem>>[vector<16xi32>, vector<16xi32>, vector<16xi32>, vector<16xi32>], vector<16xf32>,
      %swap3A_2048 = arith.constant 12 : i32
      %swap3A_2049 = arith.index_cast %select_n3A_220 : i32 to index
      %swap3A_2050 = arith.index_cast %swap3A_2048 : i32 to index
      %swap3A_2051 = arith.constant 144 : index
      %swap3A_2052 = tpu.vector_load %arg10[%swap3A_2049, %swap3A_2050, %swap3A_2051] {strides = array<i32>} : memref<2x16x196xf32, #tpu.memory_space<vmem>>, vector<16xf32>,
      tpu.vector_store %arg10[%swap3A_2049, %swap3A_2050, %swap3A_2051], %gather3A_2047 {strides = array<i32>} : memref<2x16x196xf32, #tpu.memory_space<vmem>>, vector<16xf32>,
      %get3A_2053 = arith.constant 12 : i32
      %get3A_2054 = arith.index_cast %get3A_2053 : i32 to index
      %get3A_2055 = arith.constant 160 : index
      %get3A_2056 = tpu.vector_load %arg7[%get3A_2054, %get3A_2055] {strides = array<i32>} : memref<16x196xi32, #tpu.memory_space<vmem>>, vector<16xi32>,
      %gather3A_2057 = tpu.vector_load_idx %arg9[%broadcast_in_dim3A_331, %broadcast_in_dim3A_1950, %broadcast_in_dim3A_1952, %get3A_2056] : memref<2x4x16x784xf32, #tpu.memory_space<vmem>>[vector<16xi32>, vector<16xi32>, vector<16xi32>, vector<16xi32>], vector<16xf32>,
      %swap3A_2058 = arith.constant 12 : i32
      %swap3A_2059 = arith.index_cast %select_n3A_220 : i32 to index
      %swap3A_2060 = arith.index_cast %swap3A_2058 : i32 to index
      %swap3A_2061 = arith.constant 160 : index
      %swap3A_2062 = tpu.vector_load %arg10[%swap3A_2059, %swap3A_2060, %swap3A_2061] {strides = array<i32>} : memref<2x16x196xf32, #tpu.memory_space<vmem>>, vector<16xf32>,
      tpu.vector_store %arg10[%swap3A_2059, %swap3A_2060, %swap3A_2061], %gather3A_2057 {strides = array<i32>} : memref<2x16x196xf32, #tpu.memory_space<vmem>>, vector<16xf32>,
      %get3A_2063 = arith.constant 12 : i32
      %get3A_2064 = arith.index_cast %get3A_2063 : i32 to index
      %get3A_2065 = arith.constant 176 : index
      %get3A_2066 = tpu.vector_load %arg7[%get3A_2064, %get3A_2065] {strides = array<i32>} : memref<16x196xi32, #tpu.memory_space<vmem>>, vector<16xi32>,
      %gather3A_2067 = tpu.vector_load_idx %arg9[%broadcast_in_dim3A_331, %broadcast_in_dim3A_1950, %broadcast_in_dim3A_1952, %get3A_2066] : memref<2x4x16x784xf32, #tpu.memory_space<vmem>>[vector<16xi32>, vector<16xi32>, vector<16xi32>, vector<16xi32>], vector<16xf32>,
      %swap3A_2068 = arith.constant 12 : i32
      %swap3A_2069 = arith.index_cast %select_n3A_220 : i32 to index
      %swap3A_2070 = arith.index_cast %swap3A_2068 : i32 to index
      %swap3A_2071 = arith.constant 176 : index
      %swap3A_2072 = tpu.vector_load %arg10[%swap3A_2069, %swap3A_2070, %swap3A_2071] {strides = array<i32>} : memref<2x16x196xf32, #tpu.memory_space<vmem>>, vector<16xf32>,
      tpu.vector_store %arg10[%swap3A_2069, %swap3A_2070, %swap3A_2071], %gather3A_2067 {strides = array<i32>} : memref<2x16x196xf32, #tpu.memory_space<vmem>>, vector<16xf32>,
      %get3A_2073 = arith.constant 12 : i32
      %get3A_2074 = arith.index_cast %get3A_2073 : i32 to index
      %get3A_2075 = arith.constant 180 : index
      %get3A_2076 = tpu.vector_load %arg7[%get3A_2074, %get3A_2075] {strides = array<i32>} : memref<16x196xi32, #tpu.memory_space<vmem>>, vector<16xi32>,
      %gather3A_2077 = tpu.vector_load_idx %arg9[%broadcast_in_dim3A_331, %broadcast_in_dim3A_1950, %broadcast_in_dim3A_1952, %get3A_2076] : memref<2x4x16x784xf32, #tpu.memory_space<vmem>>[vector<16xi32>, vector<16xi32>, vector<16xi32>, vector<16xi32>], vector<16xf32>,
      %swap3A_2078 = arith.constant 12 : i32
      %swap3A_2079 = arith.index_cast %select_n3A_220 : i32 to index
      %swap3A_2080 = arith.index_cast %swap3A_2078 : i32 to index
      %swap3A_2081 = arith.constant 180 : index
      %swap3A_2082 = tpu.vector_load %arg10[%swap3A_2079, %swap3A_2080, %swap3A_2081] {strides = array<i32>} : memref<2x16x196xf32, #tpu.memory_space<vmem>>, vector<16xf32>,
      tpu.vector_store %arg10[%swap3A_2079, %swap3A_2080, %swap3A_2081], %gather3A_2077 {strides = array<i32>} : memref<2x16x196xf32, #tpu.memory_space<vmem>>, vector<16xf32>,
      %slice3A_2083 = vector.extract_strided_slice %add3A_317 {offsets = [13], sizes = [1], strides = [1]} : vector<16xi32> to vector<1xi32>
      %squeeze3A_2084 = vector.extract %slice3A_2083[0] : i32 from vector<1xi32>
      %broadcast_in_dim3A_2085 = vector.broadcast %squeeze3A_2084 : i32 to vector<16xi32>
      %broadcast_in_dim3A_2086 = arith.constant 13 : i32
      %broadcast_in_dim3A_2087 = vector.broadcast %broadcast_in_dim3A_2086 : i32 to vector<16xi32>
      %get3A_2088 = arith.constant 13 : i32
      %get3A_2089 = arith.index_cast %get3A_2088 : i32 to index
      %get3A_2090 = arith.constant 0 : index
      %get3A_2091 = tpu.vector_load %arg7[%get3A_2089, %get3A_2090] {strides = array<i32>} : memref<16x196xi32, #tpu.memory_space<vmem>>, vector<16xi32>,
      %gather3A_2092 = tpu.vector_load_idx %arg9[%broadcast_in_dim3A_331, %broadcast_in_dim3A_2085, %broadcast_in_dim3A_2087, %get3A_2091] : memref<2x4x16x784xf32, #tpu.memory_space<vmem>>[vector<16xi32>, vector<16xi32>, vector<16xi32>, vector<16xi32>], vector<16xf32>,
      %swap3A_2093 = arith.constant 13 : i32
      %swap3A_2094 = arith.index_cast %select_n3A_220 : i32 to index
      %swap3A_2095 = arith.index_cast %swap3A_2093 : i32 to index
      %swap3A_2096 = arith.constant 0 : index
      %swap3A_2097 = tpu.vector_load %arg10[%swap3A_2094, %swap3A_2095, %swap3A_2096] {strides = array<i32>} : memref<2x16x196xf32, #tpu.memory_space<vmem>>, vector<16xf32>,
      tpu.vector_store %arg10[%swap3A_2094, %swap3A_2095, %swap3A_2096], %gather3A_2092 {strides = array<i32>} : memref<2x16x196xf32, #tpu.memory_space<vmem>>, vector<16xf32>,
      %get3A_2098 = arith.constant 13 : i32
      %get3A_2099 = arith.index_cast %get3A_2098 : i32 to index
      %get3A_2100 = arith.constant 16 : index
      %get3A_2101 = tpu.vector_load %arg7[%get3A_2099, %get3A_2100] {strides = array<i32>} : memref<16x196xi32, #tpu.memory_space<vmem>>, vector<16xi32>,
      %gather3A_2102 = tpu.vector_load_idx %arg9[%broadcast_in_dim3A_331, %broadcast_in_dim3A_2085, %broadcast_in_dim3A_2087, %get3A_2101] : memref<2x4x16x784xf32, #tpu.memory_space<vmem>>[vector<16xi32>, vector<16xi32>, vector<16xi32>, vector<16xi32>], vector<16xf32>,
      %swap3A_2103 = arith.constant 13 : i32
      %swap3A_2104 = arith.index_cast %select_n3A_220 : i32 to index
      %swap3A_2105 = arith.index_cast %swap3A_2103 : i32 to index
      %swap3A_2106 = arith.constant 16 : index
      %swap3A_2107 = tpu.vector_load %arg10[%swap3A_2104, %swap3A_2105, %swap3A_2106] {strides = array<i32>} : memref<2x16x196xf32, #tpu.memory_space<vmem>>, vector<16xf32>,
      tpu.vector_store %arg10[%swap3A_2104, %swap3A_2105, %swap3A_2106], %gather3A_2102 {strides = array<i32>} : memref<2x16x196xf32, #tpu.memory_space<vmem>>, vector<16xf32>,
      %get3A_2108 = arith.constant 13 : i32
      %get3A_2109 = arith.index_cast %get3A_2108 : i32 to index
      %get3A_2110 = arith.constant 32 : index
      %get3A_2111 = tpu.vector_load %arg7[%get3A_2109, %get3A_2110] {strides = array<i32>} : memref<16x196xi32, #tpu.memory_space<vmem>>, vector<16xi32>,
      %gather3A_2112 = tpu.vector_load_idx %arg9[%broadcast_in_dim3A_331, %broadcast_in_dim3A_2085, %broadcast_in_dim3A_2087, %get3A_2111] : memref<2x4x16x784xf32, #tpu.memory_space<vmem>>[vector<16xi32>, vector<16xi32>, vector<16xi32>, vector<16xi32>], vector<16xf32>,
      %swap3A_2113 = arith.constant 13 : i32
      %swap3A_2114 = arith.index_cast %select_n3A_220 : i32 to index
      %swap3A_2115 = arith.index_cast %swap3A_2113 : i32 to index
      %swap3A_2116 = arith.constant 32 : index
      %swap3A_2117 = tpu.vector_load %arg10[%swap3A_2114, %swap3A_2115, %swap3A_2116] {strides = array<i32>} : memref<2x16x196xf32, #tpu.memory_space<vmem>>, vector<16xf32>,
      tpu.vector_store %arg10[%swap3A_2114, %swap3A_2115, %swap3A_2116], %gather3A_2112 {strides = array<i32>} : memref<2x16x196xf32, #tpu.memory_space<vmem>>, vector<16xf32>,
      %get3A_2118 = arith.constant 13 : i32
      %get3A_2119 = arith.index_cast %get3A_2118 : i32 to index
      %get3A_2120 = arith.constant 48 : index
      %get3A_2121 = tpu.vector_load %arg7[%get3A_2119, %get3A_2120] {strides = array<i32>} : memref<16x196xi32, #tpu.memory_space<vmem>>, vector<16xi32>,
      %gather3A_2122 = tpu.vector_load_idx %arg9[%broadcast_in_dim3A_331, %broadcast_in_dim3A_2085, %broadcast_in_dim3A_2087, %get3A_2121] : memref<2x4x16x784xf32, #tpu.memory_space<vmem>>[vector<16xi32>, vector<16xi32>, vector<16xi32>, vector<16xi32>], vector<16xf32>,
      %swap3A_2123 = arith.constant 13 : i32
      %swap3A_2124 = arith.index_cast %select_n3A_220 : i32 to index
      %swap3A_2125 = arith.index_cast %swap3A_2123 : i32 to index
      %swap3A_2126 = arith.constant 48 : index
      %swap3A_2127 = tpu.vector_load %arg10[%swap3A_2124, %swap3A_2125, %swap3A_2126] {strides = array<i32>} : memref<2x16x196xf32, #tpu.memory_space<vmem>>, vector<16xf32>,
      tpu.vector_store %arg10[%swap3A_2124, %swap3A_2125, %swap3A_2126], %gather3A_2122 {strides = array<i32>} : memref<2x16x196xf32, #tpu.memory_space<vmem>>, vector<16xf32>,
      %get3A_2128 = arith.constant 13 : i32
      %get3A_2129 = arith.index_cast %get3A_2128 : i32 to index
      %get3A_2130 = arith.constant 64 : index
      %get3A_2131 = tpu.vector_load %arg7[%get3A_2129, %get3A_2130] {strides = array<i32>} : memref<16x196xi32, #tpu.memory_space<vmem>>, vector<16xi32>,
      %gather3A_2132 = tpu.vector_load_idx %arg9[%broadcast_in_dim3A_331, %broadcast_in_dim3A_2085, %broadcast_in_dim3A_2087, %get3A_2131] : memref<2x4x16x784xf32, #tpu.memory_space<vmem>>[vector<16xi32>, vector<16xi32>, vector<16xi32>, vector<16xi32>], vector<16xf32>,
      %swap3A_2133 = arith.constant 13 : i32
      %swap3A_2134 = arith.index_cast %select_n3A_220 : i32 to index
      %swap3A_2135 = arith.index_cast %swap3A_2133 : i32 to index
      %swap3A_2136 = arith.constant 64 : index
      %swap3A_2137 = tpu.vector_load %arg10[%swap3A_2134, %swap3A_2135, %swap3A_2136] {strides = array<i32>} : memref<2x16x196xf32, #tpu.memory_space<vmem>>, vector<16xf32>,
      tpu.vector_store %arg10[%swap3A_2134, %swap3A_2135, %swap3A_2136], %gather3A_2132 {strides = array<i32>} : memref<2x16x196xf32, #tpu.memory_space<vmem>>, vector<16xf32>,
      %get3A_2138 = arith.constant 13 : i32
      %get3A_2139 = arith.index_cast %get3A_2138 : i32 to index
      %get3A_2140 = arith.constant 80 : index
      %get3A_2141 = tpu.vector_load %arg7[%get3A_2139, %get3A_2140] {strides = array<i32>} : memref<16x196xi32, #tpu.memory_space<vmem>>, vector<16xi32>,
      %gather3A_2142 = tpu.vector_load_idx %arg9[%broadcast_in_dim3A_331, %broadcast_in_dim3A_2085, %broadcast_in_dim3A_2087, %get3A_2141] : memref<2x4x16x784xf32, #tpu.memory_space<vmem>>[vector<16xi32>, vector<16xi32>, vector<16xi32>, vector<16xi32>], vector<16xf32>,
      %swap3A_2143 = arith.constant 13 : i32
      %swap3A_2144 = arith.index_cast %select_n3A_220 : i32 to index
      %swap3A_2145 = arith.index_cast %swap3A_2143 : i32 to index
      %swap3A_2146 = arith.constant 80 : index
      %swap3A_2147 = tpu.vector_load %arg10[%swap3A_2144, %swap3A_2145, %swap3A_2146] {strides = array<i32>} : memref<2x16x196xf32, #tpu.memory_space<vmem>>, vector<16xf32>,
      tpu.vector_store %arg10[%swap3A_2144, %swap3A_2145, %swap3A_2146], %gather3A_2142 {strides = array<i32>} : memref<2x16x196xf32, #tpu.memory_space<vmem>>, vector<16xf32>,
      %get3A_2148 = arith.constant 13 : i32
      %get3A_2149 = arith.index_cast %get3A_2148 : i32 to index
      %get3A_2150 = arith.constant 96 : index
      %get3A_2151 = tpu.vector_load %arg7[%get3A_2149, %get3A_2150] {strides = array<i32>} : memref<16x196xi32, #tpu.memory_space<vmem>>, vector<16xi32>,
      %gather3A_2152 = tpu.vector_load_idx %arg9[%broadcast_in_dim3A_331, %broadcast_in_dim3A_2085, %broadcast_in_dim3A_2087, %get3A_2151] : memref<2x4x16x784xf32, #tpu.memory_space<vmem>>[vector<16xi32>, vector<16xi32>, vector<16xi32>, vector<16xi32>], vector<16xf32>,
      %swap3A_2153 = arith.constant 13 : i32
      %swap3A_2154 = arith.index_cast %select_n3A_220 : i32 to index
      %swap3A_2155 = arith.index_cast %swap3A_2153 : i32 to index
      %swap3A_2156 = arith.constant 96 : index
      %swap3A_2157 = tpu.vector_load %arg10[%swap3A_2154, %swap3A_2155, %swap3A_2156] {strides = array<i32>} : memref<2x16x196xf32, #tpu.memory_space<vmem>>, vector<16xf32>,
      tpu.vector_store %arg10[%swap3A_2154, %swap3A_2155, %swap3A_2156], %gather3A_2152 {strides = array<i32>} : memref<2x16x196xf32, #tpu.memory_space<vmem>>, vector<16xf32>,
      %get3A_2158 = arith.constant 13 : i32
      %get3A_2159 = arith.index_cast %get3A_2158 : i32 to index
      %get3A_2160 = arith.constant 112 : index
      %get3A_2161 = tpu.vector_load %arg7[%get3A_2159, %get3A_2160] {strides = array<i32>} : memref<16x196xi32, #tpu.memory_space<vmem>>, vector<16xi32>,
      %gather3A_2162 = tpu.vector_load_idx %arg9[%broadcast_in_dim3A_331, %broadcast_in_dim3A_2085, %broadcast_in_dim3A_2087, %get3A_2161] : memref<2x4x16x784xf32, #tpu.memory_space<vmem>>[vector<16xi32>, vector<16xi32>, vector<16xi32>, vector<16xi32>], vector<16xf32>,
      %swap3A_2163 = arith.constant 13 : i32
      %swap3A_2164 = arith.index_cast %select_n3A_220 : i32 to index
      %swap3A_2165 = arith.index_cast %swap3A_2163 : i32 to index
      %swap3A_2166 = arith.constant 112 : index
      %swap3A_2167 = tpu.vector_load %arg10[%swap3A_2164, %swap3A_2165, %swap3A_2166] {strides = array<i32>} : memref<2x16x196xf32, #tpu.memory_space<vmem>>, vector<16xf32>,
      tpu.vector_store %arg10[%swap3A_2164, %swap3A_2165, %swap3A_2166], %gather3A_2162 {strides = array<i32>} : memref<2x16x196xf32, #tpu.memory_space<vmem>>, vector<16xf32>,
      %get3A_2168 = arith.constant 13 : i32
      %get3A_2169 = arith.index_cast %get3A_2168 : i32 to index
      %get3A_2170 = arith.constant 128 : index
      %get3A_2171 = tpu.vector_load %arg7[%get3A_2169, %get3A_2170] {strides = array<i32>} : memref<16x196xi32, #tpu.memory_space<vmem>>, vector<16xi32>,
      %gather3A_2172 = tpu.vector_load_idx %arg9[%broadcast_in_dim3A_331, %broadcast_in_dim3A_2085, %broadcast_in_dim3A_2087, %get3A_2171] : memref<2x4x16x784xf32, #tpu.memory_space<vmem>>[vector<16xi32>, vector<16xi32>, vector<16xi32>, vector<16xi32>], vector<16xf32>,
      %swap3A_2173 = arith.constant 13 : i32
      %swap3A_2174 = arith.index_cast %select_n3A_220 : i32 to index
      %swap3A_2175 = arith.index_cast %swap3A_2173 : i32 to index
      %swap3A_2176 = arith.constant 128 : index
      %swap3A_2177 = tpu.vector_load %arg10[%swap3A_2174, %swap3A_2175, %swap3A_2176] {strides = array<i32>} : memref<2x16x196xf32, #tpu.memory_space<vmem>>, vector<16xf32>,
      tpu.vector_store %arg10[%swap3A_2174, %swap3A_2175, %swap3A_2176], %gather3A_2172 {strides = array<i32>} : memref<2x16x196xf32, #tpu.memory_space<vmem>>, vector<16xf32>,
      %get3A_2178 = arith.constant 13 : i32
      %get3A_2179 = arith.index_cast %get3A_2178 : i32 to index
      %get3A_2180 = arith.constant 144 : index
      %get3A_2181 = tpu.vector_load %arg7[%get3A_2179, %get3A_2180] {strides = array<i32>} : memref<16x196xi32, #tpu.memory_space<vmem>>, vector<16xi32>,
      %gather3A_2182 = tpu.vector_load_idx %arg9[%broadcast_in_dim3A_331, %broadcast_in_dim3A_2085, %broadcast_in_dim3A_2087, %get3A_2181] : memref<2x4x16x784xf32, #tpu.memory_space<vmem>>[vector<16xi32>, vector<16xi32>, vector<16xi32>, vector<16xi32>], vector<16xf32>,
      %swap3A_2183 = arith.constant 13 : i32
      %swap3A_2184 = arith.index_cast %select_n3A_220 : i32 to index
      %swap3A_2185 = arith.index_cast %swap3A_2183 : i32 to index
      %swap3A_2186 = arith.constant 144 : index
      %swap3A_2187 = tpu.vector_load %arg10[%swap3A_2184, %swap3A_2185, %swap3A_2186] {strides = array<i32>} : memref<2x16x196xf32, #tpu.memory_space<vmem>>, vector<16xf32>,
      tpu.vector_store %arg10[%swap3A_2184, %swap3A_2185, %swap3A_2186], %gather3A_2182 {strides = array<i32>} : memref<2x16x196xf32, #tpu.memory_space<vmem>>, vector<16xf32>,
      %get3A_2188 = arith.constant 13 : i32
      %get3A_2189 = arith.index_cast %get3A_2188 : i32 to index
      %get3A_2190 = arith.constant 160 : index
      %get3A_2191 = tpu.vector_load %arg7[%get3A_2189, %get3A_2190] {strides = array<i32>} : memref<16x196xi32, #tpu.memory_space<vmem>>, vector<16xi32>,
      %gather3A_2192 = tpu.vector_load_idx %arg9[%broadcast_in_dim3A_331, %broadcast_in_dim3A_2085, %broadcast_in_dim3A_2087, %get3A_2191] : memref<2x4x16x784xf32, #tpu.memory_space<vmem>>[vector<16xi32>, vector<16xi32>, vector<16xi32>, vector<16xi32>], vector<16xf32>,
      %swap3A_2193 = arith.constant 13 : i32
      %swap3A_2194 = arith.index_cast %select_n3A_220 : i32 to index
      %swap3A_2195 = arith.index_cast %swap3A_2193 : i32 to index
      %swap3A_2196 = arith.constant 160 : index
      %swap3A_2197 = tpu.vector_load %arg10[%swap3A_2194, %swap3A_2195, %swap3A_2196] {strides = array<i32>} : memref<2x16x196xf32, #tpu.memory_space<vmem>>, vector<16xf32>,
      tpu.vector_store %arg10[%swap3A_2194, %swap3A_2195, %swap3A_2196], %gather3A_2192 {strides = array<i32>} : memref<2x16x196xf32, #tpu.memory_space<vmem>>, vector<16xf32>,
      %get3A_2198 = arith.constant 13 : i32
      %get3A_2199 = arith.index_cast %get3A_2198 : i32 to index
      %get3A_2200 = arith.constant 176 : index
      %get3A_2201 = tpu.vector_load %arg7[%get3A_2199, %get3A_2200] {strides = array<i32>} : memref<16x196xi32, #tpu.memory_space<vmem>>, vector<16xi32>,
      %gather3A_2202 = tpu.vector_load_idx %arg9[%broadcast_in_dim3A_331, %broadcast_in_dim3A_2085, %broadcast_in_dim3A_2087, %get3A_2201] : memref<2x4x16x784xf32, #tpu.memory_space<vmem>>[vector<16xi32>, vector<16xi32>, vector<16xi32>, vector<16xi32>], vector<16xf32>,
      %swap3A_2203 = arith.constant 13 : i32
      %swap3A_2204 = arith.index_cast %select_n3A_220 : i32 to index
      %swap3A_2205 = arith.index_cast %swap3A_2203 : i32 to index
      %swap3A_2206 = arith.constant 176 : index
      %swap3A_2207 = tpu.vector_load %arg10[%swap3A_2204, %swap3A_2205, %swap3A_2206] {strides = array<i32>} : memref<2x16x196xf32, #tpu.memory_space<vmem>>, vector<16xf32>,
      tpu.vector_store %arg10[%swap3A_2204, %swap3A_2205, %swap3A_2206], %gather3A_2202 {strides = array<i32>} : memref<2x16x196xf32, #tpu.memory_space<vmem>>, vector<16xf32>,
      %get3A_2208 = arith.constant 13 : i32
      %get3A_2209 = arith.index_cast %get3A_2208 : i32 to index
      %get3A_2210 = arith.constant 180 : index
      %get3A_2211 = tpu.vector_load %arg7[%get3A_2209, %get3A_2210] {strides = array<i32>} : memref<16x196xi32, #tpu.memory_space<vmem>>, vector<16xi32>,
      %gather3A_2212 = tpu.vector_load_idx %arg9[%broadcast_in_dim3A_331, %broadcast_in_dim3A_2085, %broadcast_in_dim3A_2087, %get3A_2211] : memref<2x4x16x784xf32, #tpu.memory_space<vmem>>[vector<16xi32>, vector<16xi32>, vector<16xi32>, vector<16xi32>], vector<16xf32>,
      %swap3A_2213 = arith.constant 13 : i32
      %swap3A_2214 = arith.index_cast %select_n3A_220 : i32 to index
      %swap3A_2215 = arith.index_cast %swap3A_2213 : i32 to index
      %swap3A_2216 = arith.constant 180 : index
      %swap3A_2217 = tpu.vector_load %arg10[%swap3A_2214, %swap3A_2215, %swap3A_2216] {strides = array<i32>} : memref<2x16x196xf32, #tpu.memory_space<vmem>>, vector<16xf32>,
      tpu.vector_store %arg10[%swap3A_2214, %swap3A_2215, %swap3A_2216], %gather3A_2212 {strides = array<i32>} : memref<2x16x196xf32, #tpu.memory_space<vmem>>, vector<16xf32>,
      %slice3A_2218 = vector.extract_strided_slice %add3A_317 {offsets = [14], sizes = [1], strides = [1]} : vector<16xi32> to vector<1xi32>
      %squeeze3A_2219 = vector.extract %slice3A_2218[0] : i32 from vector<1xi32>
      %broadcast_in_dim3A_2220 = vector.broadcast %squeeze3A_2219 : i32 to vector<16xi32>
      %broadcast_in_dim3A_2221 = arith.constant 14 : i32
      %broadcast_in_dim3A_2222 = vector.broadcast %broadcast_in_dim3A_2221 : i32 to vector<16xi32>
      %get3A_2223 = arith.constant 14 : i32
      %get3A_2224 = arith.index_cast %get3A_2223 : i32 to index
      %get3A_2225 = arith.constant 0 : index
      %get3A_2226 = tpu.vector_load %arg7[%get3A_2224, %get3A_2225] {strides = array<i32>} : memref<16x196xi32, #tpu.memory_space<vmem>>, vector<16xi32>,
      %gather3A_2227 = tpu.vector_load_idx %arg9[%broadcast_in_dim3A_331, %broadcast_in_dim3A_2220, %broadcast_in_dim3A_2222, %get3A_2226] : memref<2x4x16x784xf32, #tpu.memory_space<vmem>>[vector<16xi32>, vector<16xi32>, vector<16xi32>, vector<16xi32>], vector<16xf32>,
      %swap3A_2228 = arith.constant 14 : i32
      %swap3A_2229 = arith.index_cast %select_n3A_220 : i32 to index
      %swap3A_2230 = arith.index_cast %swap3A_2228 : i32 to index
      %swap3A_2231 = arith.constant 0 : index
      %swap3A_2232 = tpu.vector_load %arg10[%swap3A_2229, %swap3A_2230, %swap3A_2231] {strides = array<i32>} : memref<2x16x196xf32, #tpu.memory_space<vmem>>, vector<16xf32>,
      tpu.vector_store %arg10[%swap3A_2229, %swap3A_2230, %swap3A_2231], %gather3A_2227 {strides = array<i32>} : memref<2x16x196xf32, #tpu.memory_space<vmem>>, vector<16xf32>,
      %get3A_2233 = arith.constant 14 : i32
      %get3A_2234 = arith.index_cast %get3A_2233 : i32 to index
      %get3A_2235 = arith.constant 16 : index
      %get3A_2236 = tpu.vector_load %arg7[%get3A_2234, %get3A_2235] {strides = array<i32>} : memref<16x196xi32, #tpu.memory_space<vmem>>, vector<16xi32>,
      %gather3A_2237 = tpu.vector_load_idx %arg9[%broadcast_in_dim3A_331, %broadcast_in_dim3A_2220, %broadcast_in_dim3A_2222, %get3A_2236] : memref<2x4x16x784xf32, #tpu.memory_space<vmem>>[vector<16xi32>, vector<16xi32>, vector<16xi32>, vector<16xi32>], vector<16xf32>,
      %swap3A_2238 = arith.constant 14 : i32
      %swap3A_2239 = arith.index_cast %select_n3A_220 : i32 to index
      %swap3A_2240 = arith.index_cast %swap3A_2238 : i32 to index
      %swap3A_2241 = arith.constant 16 : index
      %swap3A_2242 = tpu.vector_load %arg10[%swap3A_2239, %swap3A_2240, %swap3A_2241] {strides = array<i32>} : memref<2x16x196xf32, #tpu.memory_space<vmem>>, vector<16xf32>,
      tpu.vector_store %arg10[%swap3A_2239, %swap3A_2240, %swap3A_2241], %gather3A_2237 {strides = array<i32>} : memref<2x16x196xf32, #tpu.memory_space<vmem>>, vector<16xf32>,
      %get3A_2243 = arith.constant 14 : i32
      %get3A_2244 = arith.index_cast %get3A_2243 : i32 to index
      %get3A_2245 = arith.constant 32 : index
      %get3A_2246 = tpu.vector_load %arg7[%get3A_2244, %get3A_2245] {strides = array<i32>} : memref<16x196xi32, #tpu.memory_space<vmem>>, vector<16xi32>,
      %gather3A_2247 = tpu.vector_load_idx %arg9[%broadcast_in_dim3A_331, %broadcast_in_dim3A_2220, %broadcast_in_dim3A_2222, %get3A_2246] : memref<2x4x16x784xf32, #tpu.memory_space<vmem>>[vector<16xi32>, vector<16xi32>, vector<16xi32>, vector<16xi32>], vector<16xf32>,
      %swap3A_2248 = arith.constant 14 : i32
      %swap3A_2249 = arith.index_cast %select_n3A_220 : i32 to index
      %swap3A_2250 = arith.index_cast %swap3A_2248 : i32 to index
      %swap3A_2251 = arith.constant 32 : index
      %swap3A_2252 = tpu.vector_load %arg10[%swap3A_2249, %swap3A_2250, %swap3A_2251] {strides = array<i32>} : memref<2x16x196xf32, #tpu.memory_space<vmem>>, vector<16xf32>,
      tpu.vector_store %arg10[%swap3A_2249, %swap3A_2250, %swap3A_2251], %gather3A_2247 {strides = array<i32>} : memref<2x16x196xf32, #tpu.memory_space<vmem>>, vector<16xf32>,
      %get3A_2253 = arith.constant 14 : i32
      %get3A_2254 = arith.index_cast %get3A_2253 : i32 to index
      %get3A_2255 = arith.constant 48 : index
      %get3A_2256 = tpu.vector_load %arg7[%get3A_2254, %get3A_2255] {strides = array<i32>} : memref<16x196xi32, #tpu.memory_space<vmem>>, vector<16xi32>,
      %gather3A_2257 = tpu.vector_load_idx %arg9[%broadcast_in_dim3A_331, %broadcast_in_dim3A_2220, %broadcast_in_dim3A_2222, %get3A_2256] : memref<2x4x16x784xf32, #tpu.memory_space<vmem>>[vector<16xi32>, vector<16xi32>, vector<16xi32>, vector<16xi32>], vector<16xf32>,
      %swap3A_2258 = arith.constant 14 : i32
      %swap3A_2259 = arith.index_cast %select_n3A_220 : i32 to index
      %swap3A_2260 = arith.index_cast %swap3A_2258 : i32 to index
      %swap3A_2261 = arith.constant 48 : index
      %swap3A_2262 = tpu.vector_load %arg10[%swap3A_2259, %swap3A_2260, %swap3A_2261] {strides = array<i32>} : memref<2x16x196xf32, #tpu.memory_space<vmem>>, vector<16xf32>,
      tpu.vector_store %arg10[%swap3A_2259, %swap3A_2260, %swap3A_2261], %gather3A_2257 {strides = array<i32>} : memref<2x16x196xf32, #tpu.memory_space<vmem>>, vector<16xf32>,
      %get3A_2263 = arith.constant 14 : i32
      %get3A_2264 = arith.index_cast %get3A_2263 : i32 to index
      %get3A_2265 = arith.constant 64 : index
      %get3A_2266 = tpu.vector_load %arg7[%get3A_2264, %get3A_2265] {strides = array<i32>} : memref<16x196xi32, #tpu.memory_space<vmem>>, vector<16xi32>,
      %gather3A_2267 = tpu.vector_load_idx %arg9[%broadcast_in_dim3A_331, %broadcast_in_dim3A_2220, %broadcast_in_dim3A_2222, %get3A_2266] : memref<2x4x16x784xf32, #tpu.memory_space<vmem>>[vector<16xi32>, vector<16xi32>, vector<16xi32>, vector<16xi32>], vector<16xf32>,
      %swap3A_2268 = arith.constant 14 : i32
      %swap3A_2269 = arith.index_cast %select_n3A_220 : i32 to index
      %swap3A_2270 = arith.index_cast %swap3A_2268 : i32 to index
      %swap3A_2271 = arith.constant 64 : index
      %swap3A_2272 = tpu.vector_load %arg10[%swap3A_2269, %swap3A_2270, %swap3A_2271] {strides = array<i32>} : memref<2x16x196xf32, #tpu.memory_space<vmem>>, vector<16xf32>,
      tpu.vector_store %arg10[%swap3A_2269, %swap3A_2270, %swap3A_2271], %gather3A_2267 {strides = array<i32>} : memref<2x16x196xf32, #tpu.memory_space<vmem>>, vector<16xf32>,
      %get3A_2273 = arith.constant 14 : i32
      %get3A_2274 = arith.index_cast %get3A_2273 : i32 to index
      %get3A_2275 = arith.constant 80 : index
      %get3A_2276 = tpu.vector_load %arg7[%get3A_2274, %get3A_2275] {strides = array<i32>} : memref<16x196xi32, #tpu.memory_space<vmem>>, vector<16xi32>,
      %gather3A_2277 = tpu.vector_load_idx %arg9[%broadcast_in_dim3A_331, %broadcast_in_dim3A_2220, %broadcast_in_dim3A_2222, %get3A_2276] : memref<2x4x16x784xf32, #tpu.memory_space<vmem>>[vector<16xi32>, vector<16xi32>, vector<16xi32>, vector<16xi32>], vector<16xf32>,
      %swap3A_2278 = arith.constant 14 : i32
      %swap3A_2279 = arith.index_cast %select_n3A_220 : i32 to index
      %swap3A_2280 = arith.index_cast %swap3A_2278 : i32 to index
      %swap3A_2281 = arith.constant 80 : index
      %swap3A_2282 = tpu.vector_load %arg10[%swap3A_2279, %swap3A_2280, %swap3A_2281] {strides = array<i32>} : memref<2x16x196xf32, #tpu.memory_space<vmem>>, vector<16xf32>,
      tpu.vector_store %arg10[%swap3A_2279, %swap3A_2280, %swap3A_2281], %gather3A_2277 {strides = array<i32>} : memref<2x16x196xf32, #tpu.memory_space<vmem>>, vector<16xf32>,
      %get3A_2283 = arith.constant 14 : i32
      %get3A_2284 = arith.index_cast %get3A_2283 : i32 to index
      %get3A_2285 = arith.constant 96 : index
      %get3A_2286 = tpu.vector_load %arg7[%get3A_2284, %get3A_2285] {strides = array<i32>} : memref<16x196xi32, #tpu.memory_space<vmem>>, vector<16xi32>,
      %gather3A_2287 = tpu.vector_load_idx %arg9[%broadcast_in_dim3A_331, %broadcast_in_dim3A_2220, %broadcast_in_dim3A_2222, %get3A_2286] : memref<2x4x16x784xf32, #tpu.memory_space<vmem>>[vector<16xi32>, vector<16xi32>, vector<16xi32>, vector<16xi32>], vector<16xf32>,
      %swap3A_2288 = arith.constant 14 : i32
      %swap3A_2289 = arith.index_cast %select_n3A_220 : i32 to index
      %swap3A_2290 = arith.index_cast %swap3A_2288 : i32 to index
      %swap3A_2291 = arith.constant 96 : index
      %swap3A_2292 = tpu.vector_load %arg10[%swap3A_2289, %swap3A_2290, %swap3A_2291] {strides = array<i32>} : memref<2x16x196xf32, #tpu.memory_space<vmem>>, vector<16xf32>,
      tpu.vector_store %arg10[%swap3A_2289, %swap3A_2290, %swap3A_2291], %gather3A_2287 {strides = array<i32>} : memref<2x16x196xf32, #tpu.memory_space<vmem>>, vector<16xf32>,
      %get3A_2293 = arith.constant 14 : i32
      %get3A_2294 = arith.index_cast %get3A_2293 : i32 to index
      %get3A_2295 = arith.constant 112 : index
      %get3A_2296 = tpu.vector_load %arg7[%get3A_2294, %get3A_2295] {strides = array<i32>} : memref<16x196xi32, #tpu.memory_space<vmem>>, vector<16xi32>,
      %gather3A_2297 = tpu.vector_load_idx %arg9[%broadcast_in_dim3A_331, %broadcast_in_dim3A_2220, %broadcast_in_dim3A_2222, %get3A_2296] : memref<2x4x16x784xf32, #tpu.memory_space<vmem>>[vector<16xi32>, vector<16xi32>, vector<16xi32>, vector<16xi32>], vector<16xf32>,
      %swap3A_2298 = arith.constant 14 : i32
      %swap3A_2299 = arith.index_cast %select_n3A_220 : i32 to index
      %swap3A_2300 = arith.index_cast %swap3A_2298 : i32 to index
      %swap3A_2301 = arith.constant 112 : index
      %swap3A_2302 = tpu.vector_load %arg10[%swap3A_2299, %swap3A_2300, %swap3A_2301] {strides = array<i32>} : memref<2x16x196xf32, #tpu.memory_space<vmem>>, vector<16xf32>,
      tpu.vector_store %arg10[%swap3A_2299, %swap3A_2300, %swap3A_2301], %gather3A_2297 {strides = array<i32>} : memref<2x16x196xf32, #tpu.memory_space<vmem>>, vector<16xf32>,
      %get3A_2303 = arith.constant 14 : i32
      %get3A_2304 = arith.index_cast %get3A_2303 : i32 to index
      %get3A_2305 = arith.constant 128 : index
      %get3A_2306 = tpu.vector_load %arg7[%get3A_2304, %get3A_2305] {strides = array<i32>} : memref<16x196xi32, #tpu.memory_space<vmem>>, vector<16xi32>,
      %gather3A_2307 = tpu.vector_load_idx %arg9[%broadcast_in_dim3A_331, %broadcast_in_dim3A_2220, %broadcast_in_dim3A_2222, %get3A_2306] : memref<2x4x16x784xf32, #tpu.memory_space<vmem>>[vector<16xi32>, vector<16xi32>, vector<16xi32>, vector<16xi32>], vector<16xf32>,
      %swap3A_2308 = arith.constant 14 : i32
      %swap3A_2309 = arith.index_cast %select_n3A_220 : i32 to index
      %swap3A_2310 = arith.index_cast %swap3A_2308 : i32 to index
      %swap3A_2311 = arith.constant 128 : index
      %swap3A_2312 = tpu.vector_load %arg10[%swap3A_2309, %swap3A_2310, %swap3A_2311] {strides = array<i32>} : memref<2x16x196xf32, #tpu.memory_space<vmem>>, vector<16xf32>,
      tpu.vector_store %arg10[%swap3A_2309, %swap3A_2310, %swap3A_2311], %gather3A_2307 {strides = array<i32>} : memref<2x16x196xf32, #tpu.memory_space<vmem>>, vector<16xf32>,
      %get3A_2313 = arith.constant 14 : i32
      %get3A_2314 = arith.index_cast %get3A_2313 : i32 to index
      %get3A_2315 = arith.constant 144 : index
      %get3A_2316 = tpu.vector_load %arg7[%get3A_2314, %get3A_2315] {strides = array<i32>} : memref<16x196xi32, #tpu.memory_space<vmem>>, vector<16xi32>,
      %gather3A_2317 = tpu.vector_load_idx %arg9[%broadcast_in_dim3A_331, %broadcast_in_dim3A_2220, %broadcast_in_dim3A_2222, %get3A_2316] : memref<2x4x16x784xf32, #tpu.memory_space<vmem>>[vector<16xi32>, vector<16xi32>, vector<16xi32>, vector<16xi32>], vector<16xf32>,
      %swap3A_2318 = arith.constant 14 : i32
      %swap3A_2319 = arith.index_cast %select_n3A_220 : i32 to index
      %swap3A_2320 = arith.index_cast %swap3A_2318 : i32 to index
      %swap3A_2321 = arith.constant 144 : index
      %swap3A_2322 = tpu.vector_load %arg10[%swap3A_2319, %swap3A_2320, %swap3A_2321] {strides = array<i32>} : memref<2x16x196xf32, #tpu.memory_space<vmem>>, vector<16xf32>,
      tpu.vector_store %arg10[%swap3A_2319, %swap3A_2320, %swap3A_2321], %gather3A_2317 {strides = array<i32>} : memref<2x16x196xf32, #tpu.memory_space<vmem>>, vector<16xf32>,
      %get3A_2323 = arith.constant 14 : i32
      %get3A_2324 = arith.index_cast %get3A_2323 : i32 to index
      %get3A_2325 = arith.constant 160 : index
      %get3A_2326 = tpu.vector_load %arg7[%get3A_2324, %get3A_2325] {strides = array<i32>} : memref<16x196xi32, #tpu.memory_space<vmem>>, vector<16xi32>,
      %gather3A_2327 = tpu.vector_load_idx %arg9[%broadcast_in_dim3A_331, %broadcast_in_dim3A_2220, %broadcast_in_dim3A_2222, %get3A_2326] : memref<2x4x16x784xf32, #tpu.memory_space<vmem>>[vector<16xi32>, vector<16xi32>, vector<16xi32>, vector<16xi32>], vector<16xf32>,
      %swap3A_2328 = arith.constant 14 : i32
      %swap3A_2329 = arith.index_cast %select_n3A_220 : i32 to index
      %swap3A_2330 = arith.index_cast %swap3A_2328 : i32 to index
      %swap3A_2331 = arith.constant 160 : index
      %swap3A_2332 = tpu.vector_load %arg10[%swap3A_2329, %swap3A_2330, %swap3A_2331] {strides = array<i32>} : memref<2x16x196xf32, #tpu.memory_space<vmem>>, vector<16xf32>,
      tpu.vector_store %arg10[%swap3A_2329, %swap3A_2330, %swap3A_2331], %gather3A_2327 {strides = array<i32>} : memref<2x16x196xf32, #tpu.memory_space<vmem>>, vector<16xf32>,
      %get3A_2333 = arith.constant 14 : i32
      %get3A_2334 = arith.index_cast %get3A_2333 : i32 to index
      %get3A_2335 = arith.constant 176 : index
      %get3A_2336 = tpu.vector_load %arg7[%get3A_2334, %get3A_2335] {strides = array<i32>} : memref<16x196xi32, #tpu.memory_space<vmem>>, vector<16xi32>,
      %gather3A_2337 = tpu.vector_load_idx %arg9[%broadcast_in_dim3A_331, %broadcast_in_dim3A_2220, %broadcast_in_dim3A_2222, %get3A_2336] : memref<2x4x16x784xf32, #tpu.memory_space<vmem>>[vector<16xi32>, vector<16xi32>, vector<16xi32>, vector<16xi32>], vector<16xf32>,
      %swap3A_2338 = arith.constant 14 : i32
      %swap3A_2339 = arith.index_cast %select_n3A_220 : i32 to index
      %swap3A_2340 = arith.index_cast %swap3A_2338 : i32 to index
      %swap3A_2341 = arith.constant 176 : index
      %swap3A_2342 = tpu.vector_load %arg10[%swap3A_2339, %swap3A_2340, %swap3A_2341] {strides = array<i32>} : memref<2x16x196xf32, #tpu.memory_space<vmem>>, vector<16xf32>,
      tpu.vector_store %arg10[%swap3A_2339, %swap3A_2340, %swap3A_2341], %gather3A_2337 {strides = array<i32>} : memref<2x16x196xf32, #tpu.memory_space<vmem>>, vector<16xf32>,
      %get3A_2343 = arith.constant 14 : i32
      %get3A_2344 = arith.index_cast %get3A_2343 : i32 to index
      %get3A_2345 = arith.constant 180 : index
      %get3A_2346 = tpu.vector_load %arg7[%get3A_2344, %get3A_2345] {strides = array<i32>} : memref<16x196xi32, #tpu.memory_space<vmem>>, vector<16xi32>,
      %gather3A_2347 = tpu.vector_load_idx %arg9[%broadcast_in_dim3A_331, %broadcast_in_dim3A_2220, %broadcast_in_dim3A_2222, %get3A_2346] : memref<2x4x16x784xf32, #tpu.memory_space<vmem>>[vector<16xi32>, vector<16xi32>, vector<16xi32>, vector<16xi32>], vector<16xf32>,
      %swap3A_2348 = arith.constant 14 : i32
      %swap3A_2349 = arith.index_cast %select_n3A_220 : i32 to index
      %swap3A_2350 = arith.index_cast %swap3A_2348 : i32 to index
      %swap3A_2351 = arith.constant 180 : index
      %swap3A_2352 = tpu.vector_load %arg10[%swap3A_2349, %swap3A_2350, %swap3A_2351] {strides = array<i32>} : memref<2x16x196xf32, #tpu.memory_space<vmem>>, vector<16xf32>,
      tpu.vector_store %arg10[%swap3A_2349, %swap3A_2350, %swap3A_2351], %gather3A_2347 {strides = array<i32>} : memref<2x16x196xf32, #tpu.memory_space<vmem>>, vector<16xf32>,
      %slice3A_2353 = vector.extract_strided_slice %add3A_317 {offsets = [15], sizes = [1], strides = [1]} : vector<16xi32> to vector<1xi32>
      %squeeze3A_2354 = vector.extract %slice3A_2353[0] : i32 from vector<1xi32>
      %broadcast_in_dim3A_2355 = vector.broadcast %squeeze3A_2354 : i32 to vector<16xi32>
      %broadcast_in_dim3A_2356 = arith.constant 15 : i32
      %broadcast_in_dim3A_2357 = vector.broadcast %broadcast_in_dim3A_2356 : i32 to vector<16xi32>
      %get3A_2358 = arith.constant 15 : i32
      %get3A_2359 = arith.index_cast %get3A_2358 : i32 to index
      %get3A_2360 = arith.constant 0 : index
      %get3A_2361 = tpu.vector_load %arg7[%get3A_2359, %get3A_2360] {strides = array<i32>} : memref<16x196xi32, #tpu.memory_space<vmem>>, vector<16xi32>,
      %gather3A_2362 = tpu.vector_load_idx %arg9[%broadcast_in_dim3A_331, %broadcast_in_dim3A_2355, %broadcast_in_dim3A_2357, %get3A_2361] : memref<2x4x16x784xf32, #tpu.memory_space<vmem>>[vector<16xi32>, vector<16xi32>, vector<16xi32>, vector<16xi32>], vector<16xf32>,
      %swap3A_2363 = arith.constant 15 : i32
      %swap3A_2364 = arith.index_cast %select_n3A_220 : i32 to index
      %swap3A_2365 = arith.index_cast %swap3A_2363 : i32 to index
      %swap3A_2366 = arith.constant 0 : index
      %swap3A_2367 = tpu.vector_load %arg10[%swap3A_2364, %swap3A_2365, %swap3A_2366] {strides = array<i32>} : memref<2x16x196xf32, #tpu.memory_space<vmem>>, vector<16xf32>,
      tpu.vector_store %arg10[%swap3A_2364, %swap3A_2365, %swap3A_2366], %gather3A_2362 {strides = array<i32>} : memref<2x16x196xf32, #tpu.memory_space<vmem>>, vector<16xf32>,
      %get3A_2368 = arith.constant 15 : i32
      %get3A_2369 = arith.index_cast %get3A_2368 : i32 to index
      %get3A_2370 = arith.constant 16 : index
      %get3A_2371 = tpu.vector_load %arg7[%get3A_2369, %get3A_2370] {strides = array<i32>} : memref<16x196xi32, #tpu.memory_space<vmem>>, vector<16xi32>,
      %gather3A_2372 = tpu.vector_load_idx %arg9[%broadcast_in_dim3A_331, %broadcast_in_dim3A_2355, %broadcast_in_dim3A_2357, %get3A_2371] : memref<2x4x16x784xf32, #tpu.memory_space<vmem>>[vector<16xi32>, vector<16xi32>, vector<16xi32>, vector<16xi32>], vector<16xf32>,
      %swap3A_2373 = arith.constant 15 : i32
      %swap3A_2374 = arith.index_cast %select_n3A_220 : i32 to index
      %swap3A_2375 = arith.index_cast %swap3A_2373 : i32 to index
      %swap3A_2376 = arith.constant 16 : index
      %swap3A_2377 = tpu.vector_load %arg10[%swap3A_2374, %swap3A_2375, %swap3A_2376] {strides = array<i32>} : memref<2x16x196xf32, #tpu.memory_space<vmem>>, vector<16xf32>,
      tpu.vector_store %arg10[%swap3A_2374, %swap3A_2375, %swap3A_2376], %gather3A_2372 {strides = array<i32>} : memref<2x16x196xf32, #tpu.memory_space<vmem>>, vector<16xf32>,
      %get3A_2378 = arith.constant 15 : i32
      %get3A_2379 = arith.index_cast %get3A_2378 : i32 to index
      %get3A_2380 = arith.constant 32 : index
      %get3A_2381 = tpu.vector_load %arg7[%get3A_2379, %get3A_2380] {strides = array<i32>} : memref<16x196xi32, #tpu.memory_space<vmem>>, vector<16xi32>,
      %gather3A_2382 = tpu.vector_load_idx %arg9[%broadcast_in_dim3A_331, %broadcast_in_dim3A_2355, %broadcast_in_dim3A_2357, %get3A_2381] : memref<2x4x16x784xf32, #tpu.memory_space<vmem>>[vector<16xi32>, vector<16xi32>, vector<16xi32>, vector<16xi32>], vector<16xf32>,
      %swap3A_2383 = arith.constant 15 : i32
      %swap3A_2384 = arith.index_cast %select_n3A_220 : i32 to index
      %swap3A_2385 = arith.index_cast %swap3A_2383 : i32 to index
      %swap3A_2386 = arith.constant 32 : index
      %swap3A_2387 = tpu.vector_load %arg10[%swap3A_2384, %swap3A_2385, %swap3A_2386] {strides = array<i32>} : memref<2x16x196xf32, #tpu.memory_space<vmem>>, vector<16xf32>,
      tpu.vector_store %arg10[%swap3A_2384, %swap3A_2385, %swap3A_2386], %gather3A_2382 {strides = array<i32>} : memref<2x16x196xf32, #tpu.memory_space<vmem>>, vector<16xf32>,
      %get3A_2388 = arith.constant 15 : i32
      %get3A_2389 = arith.index_cast %get3A_2388 : i32 to index
      %get3A_2390 = arith.constant 48 : index
      %get3A_2391 = tpu.vector_load %arg7[%get3A_2389, %get3A_2390] {strides = array<i32>} : memref<16x196xi32, #tpu.memory_space<vmem>>, vector<16xi32>,
      %gather3A_2392 = tpu.vector_load_idx %arg9[%broadcast_in_dim3A_331, %broadcast_in_dim3A_2355, %broadcast_in_dim3A_2357, %get3A_2391] : memref<2x4x16x784xf32, #tpu.memory_space<vmem>>[vector<16xi32>, vector<16xi32>, vector<16xi32>, vector<16xi32>], vector<16xf32>,
      %swap3A_2393 = arith.constant 15 : i32
      %swap3A_2394 = arith.index_cast %select_n3A_220 : i32 to index
      %swap3A_2395 = arith.index_cast %swap3A_2393 : i32 to index
      %swap3A_2396 = arith.constant 48 : index
      %swap3A_2397 = tpu.vector_load %arg10[%swap3A_2394, %swap3A_2395, %swap3A_2396] {strides = array<i32>} : memref<2x16x196xf32, #tpu.memory_space<vmem>>, vector<16xf32>,
      tpu.vector_store %arg10[%swap3A_2394, %swap3A_2395, %swap3A_2396], %gather3A_2392 {strides = array<i32>} : memref<2x16x196xf32, #tpu.memory_space<vmem>>, vector<16xf32>,
      %get3A_2398 = arith.constant 15 : i32
      %get3A_2399 = arith.index_cast %get3A_2398 : i32 to index
      %get3A_2400 = arith.constant 64 : index
      %get3A_2401 = tpu.vector_load %arg7[%get3A_2399, %get3A_2400] {strides = array<i32>} : memref<16x196xi32, #tpu.memory_space<vmem>>, vector<16xi32>,
      %gather3A_2402 = tpu.vector_load_idx %arg9[%broadcast_in_dim3A_331, %broadcast_in_dim3A_2355, %broadcast_in_dim3A_2357, %get3A_2401] : memref<2x4x16x784xf32, #tpu.memory_space<vmem>>[vector<16xi32>, vector<16xi32>, vector<16xi32>, vector<16xi32>], vector<16xf32>,
      %swap3A_2403 = arith.constant 15 : i32
      %swap3A_2404 = arith.index_cast %select_n3A_220 : i32 to index
      %swap3A_2405 = arith.index_cast %swap3A_2403 : i32 to index
      %swap3A_2406 = arith.constant 64 : index
      %swap3A_2407 = tpu.vector_load %arg10[%swap3A_2404, %swap3A_2405, %swap3A_2406] {strides = array<i32>} : memref<2x16x196xf32, #tpu.memory_space<vmem>>, vector<16xf32>,
      tpu.vector_store %arg10[%swap3A_2404, %swap3A_2405, %swap3A_2406], %gather3A_2402 {strides = array<i32>} : memref<2x16x196xf32, #tpu.memory_space<vmem>>, vector<16xf32>,
      %get3A_2408 = arith.constant 15 : i32
      %get3A_2409 = arith.index_cast %get3A_2408 : i32 to index
      %get3A_2410 = arith.constant 80 : index
      %get3A_2411 = tpu.vector_load %arg7[%get3A_2409, %get3A_2410] {strides = array<i32>} : memref<16x196xi32, #tpu.memory_space<vmem>>, vector<16xi32>,
      %gather3A_2412 = tpu.vector_load_idx %arg9[%broadcast_in_dim3A_331, %broadcast_in_dim3A_2355, %broadcast_in_dim3A_2357, %get3A_2411] : memref<2x4x16x784xf32, #tpu.memory_space<vmem>>[vector<16xi32>, vector<16xi32>, vector<16xi32>, vector<16xi32>], vector<16xf32>,
      %swap3A_2413 = arith.constant 15 : i32
      %swap3A_2414 = arith.index_cast %select_n3A_220 : i32 to index
      %swap3A_2415 = arith.index_cast %swap3A_2413 : i32 to index
      %swap3A_2416 = arith.constant 80 : index
      %swap3A_2417 = tpu.vector_load %arg10[%swap3A_2414, %swap3A_2415, %swap3A_2416] {strides = array<i32>} : memref<2x16x196xf32, #tpu.memory_space<vmem>>, vector<16xf32>,
      tpu.vector_store %arg10[%swap3A_2414, %swap3A_2415, %swap3A_2416], %gather3A_2412 {strides = array<i32>} : memref<2x16x196xf32, #tpu.memory_space<vmem>>, vector<16xf32>,
      %get3A_2418 = arith.constant 15 : i32
      %get3A_2419 = arith.index_cast %get3A_2418 : i32 to index
      %get3A_2420 = arith.constant 96 : index
      %get3A_2421 = tpu.vector_load %arg7[%get3A_2419, %get3A_2420] {strides = array<i32>} : memref<16x196xi32, #tpu.memory_space<vmem>>, vector<16xi32>,
      %gather3A_2422 = tpu.vector_load_idx %arg9[%broadcast_in_dim3A_331, %broadcast_in_dim3A_2355, %broadcast_in_dim3A_2357, %get3A_2421] : memref<2x4x16x784xf32, #tpu.memory_space<vmem>>[vector<16xi32>, vector<16xi32>, vector<16xi32>, vector<16xi32>], vector<16xf32>,
      %swap3A_2423 = arith.constant 15 : i32
      %swap3A_2424 = arith.index_cast %select_n3A_220 : i32 to index
      %swap3A_2425 = arith.index_cast %swap3A_2423 : i32 to index
      %swap3A_2426 = arith.constant 96 : index
      %swap3A_2427 = tpu.vector_load %arg10[%swap3A_2424, %swap3A_2425, %swap3A_2426] {strides = array<i32>} : memref<2x16x196xf32, #tpu.memory_space<vmem>>, vector<16xf32>,
      tpu.vector_store %arg10[%swap3A_2424, %swap3A_2425, %swap3A_2426], %gather3A_2422 {strides = array<i32>} : memref<2x16x196xf32, #tpu.memory_space<vmem>>, vector<16xf32>,
      %get3A_2428 = arith.constant 15 : i32
      %get3A_2429 = arith.index_cast %get3A_2428 : i32 to index
      %get3A_2430 = arith.constant 112 : index
      %get3A_2431 = tpu.vector_load %arg7[%get3A_2429, %get3A_2430] {strides = array<i32>} : memref<16x196xi32, #tpu.memory_space<vmem>>, vector<16xi32>,
      %gather3A_2432 = tpu.vector_load_idx %arg9[%broadcast_in_dim3A_331, %broadcast_in_dim3A_2355, %broadcast_in_dim3A_2357, %get3A_2431] : memref<2x4x16x784xf32, #tpu.memory_space<vmem>>[vector<16xi32>, vector<16xi32>, vector<16xi32>, vector<16xi32>], vector<16xf32>,
      %swap3A_2433 = arith.constant 15 : i32
      %swap3A_2434 = arith.index_cast %select_n3A_220 : i32 to index
      %swap3A_2435 = arith.index_cast %swap3A_2433 : i32 to index
      %swap3A_2436 = arith.constant 112 : index
      %swap3A_2437 = tpu.vector_load %arg10[%swap3A_2434, %swap3A_2435, %swap3A_2436] {strides = array<i32>} : memref<2x16x196xf32, #tpu.memory_space<vmem>>, vector<16xf32>,
      tpu.vector_store %arg10[%swap3A_2434, %swap3A_2435, %swap3A_2436], %gather3A_2432 {strides = array<i32>} : memref<2x16x196xf32, #tpu.memory_space<vmem>>, vector<16xf32>,
      %get3A_2438 = arith.constant 15 : i32
      %get3A_2439 = arith.index_cast %get3A_2438 : i32 to index
      %get3A_2440 = arith.constant 128 : index
      %get3A_2441 = tpu.vector_load %arg7[%get3A_2439, %get3A_2440] {strides = array<i32>} : memref<16x196xi32, #tpu.memory_space<vmem>>, vector<16xi32>,
      %gather3A_2442 = tpu.vector_load_idx %arg9[%broadcast_in_dim3A_331, %broadcast_in_dim3A_2355, %broadcast_in_dim3A_2357, %get3A_2441] : memref<2x4x16x784xf32, #tpu.memory_space<vmem>>[vector<16xi32>, vector<16xi32>, vector<16xi32>, vector<16xi32>], vector<16xf32>,
      %swap3A_2443 = arith.constant 15 : i32
      %swap3A_2444 = arith.index_cast %select_n3A_220 : i32 to index
      %swap3A_2445 = arith.index_cast %swap3A_2443 : i32 to index
      %swap3A_2446 = arith.constant 128 : index
      %swap3A_2447 = tpu.vector_load %arg10[%swap3A_2444, %swap3A_2445, %swap3A_2446] {strides = array<i32>} : memref<2x16x196xf32, #tpu.memory_space<vmem>>, vector<16xf32>,
      tpu.vector_store %arg10[%swap3A_2444, %swap3A_2445, %swap3A_2446], %gather3A_2442 {strides = array<i32>} : memref<2x16x196xf32, #tpu.memory_space<vmem>>, vector<16xf32>,
      %get3A_2448 = arith.constant 15 : i32
      %get3A_2449 = arith.index_cast %get3A_2448 : i32 to index
      %get3A_2450 = arith.constant 144 : index
      %get3A_2451 = tpu.vector_load %arg7[%get3A_2449, %get3A_2450] {strides = array<i32>} : memref<16x196xi32, #tpu.memory_space<vmem>>, vector<16xi32>,
      %gather3A_2452 = tpu.vector_load_idx %arg9[%broadcast_in_dim3A_331, %broadcast_in_dim3A_2355, %broadcast_in_dim3A_2357, %get3A_2451] : memref<2x4x16x784xf32, #tpu.memory_space<vmem>>[vector<16xi32>, vector<16xi32>, vector<16xi32>, vector<16xi32>], vector<16xf32>,
      %swap3A_2453 = arith.constant 15 : i32
      %swap3A_2454 = arith.index_cast %select_n3A_220 : i32 to index
      %swap3A_2455 = arith.index_cast %swap3A_2453 : i32 to index
      %swap3A_2456 = arith.constant 144 : index
      %swap3A_2457 = tpu.vector_load %arg10[%swap3A_2454, %swap3A_2455, %swap3A_2456] {strides = array<i32>} : memref<2x16x196xf32, #tpu.memory_space<vmem>>, vector<16xf32>,
      tpu.vector_store %arg10[%swap3A_2454, %swap3A_2455, %swap3A_2456], %gather3A_2452 {strides = array<i32>} : memref<2x16x196xf32, #tpu.memory_space<vmem>>, vector<16xf32>,
      %get3A_2458 = arith.constant 15 : i32
      %get3A_2459 = arith.index_cast %get3A_2458 : i32 to index
      %get3A_2460 = arith.constant 160 : index
      %get3A_2461 = tpu.vector_load %arg7[%get3A_2459, %get3A_2460] {strides = array<i32>} : memref<16x196xi32, #tpu.memory_space<vmem>>, vector<16xi32>,
      %gather3A_2462 = tpu.vector_load_idx %arg9[%broadcast_in_dim3A_331, %broadcast_in_dim3A_2355, %broadcast_in_dim3A_2357, %get3A_2461] : memref<2x4x16x784xf32, #tpu.memory_space<vmem>>[vector<16xi32>, vector<16xi32>, vector<16xi32>, vector<16xi32>], vector<16xf32>,
      %swap3A_2463 = arith.constant 15 : i32
      %swap3A_2464 = arith.index_cast %select_n3A_220 : i32 to index
      %swap3A_2465 = arith.index_cast %swap3A_2463 : i32 to index
      %swap3A_2466 = arith.constant 160 : index
      %swap3A_2467 = tpu.vector_load %arg10[%swap3A_2464, %swap3A_2465, %swap3A_2466] {strides = array<i32>} : memref<2x16x196xf32, #tpu.memory_space<vmem>>, vector<16xf32>,
      tpu.vector_store %arg10[%swap3A_2464, %swap3A_2465, %swap3A_2466], %gather3A_2462 {strides = array<i32>} : memref<2x16x196xf32, #tpu.memory_space<vmem>>, vector<16xf32>,
      %get3A_2468 = arith.constant 15 : i32
      %get3A_2469 = arith.index_cast %get3A_2468 : i32 to index
      %get3A_2470 = arith.constant 176 : index
      %get3A_2471 = tpu.vector_load %arg7[%get3A_2469, %get3A_2470] {strides = array<i32>} : memref<16x196xi32, #tpu.memory_space<vmem>>, vector<16xi32>,
      %gather3A_2472 = tpu.vector_load_idx %arg9[%broadcast_in_dim3A_331, %broadcast_in_dim3A_2355, %broadcast_in_dim3A_2357, %get3A_2471] : memref<2x4x16x784xf32, #tpu.memory_space<vmem>>[vector<16xi32>, vector<16xi32>, vector<16xi32>, vector<16xi32>], vector<16xf32>,
      %swap3A_2473 = arith.constant 15 : i32
      %swap3A_2474 = arith.index_cast %select_n3A_220 : i32 to index
      %swap3A_2475 = arith.index_cast %swap3A_2473 : i32 to index
      %swap3A_2476 = arith.constant 176 : index
      %swap3A_2477 = tpu.vector_load %arg10[%swap3A_2474, %swap3A_2475, %swap3A_2476] {strides = array<i32>} : memref<2x16x196xf32, #tpu.memory_space<vmem>>, vector<16xf32>,
      tpu.vector_store %arg10[%swap3A_2474, %swap3A_2475, %swap3A_2476], %gather3A_2472 {strides = array<i32>} : memref<2x16x196xf32, #tpu.memory_space<vmem>>, vector<16xf32>,
      %get3A_2478 = arith.constant 15 : i32
      %get3A_2479 = arith.index_cast %get3A_2478 : i32 to index
      %get3A_2480 = arith.constant 180 : index
      %get3A_2481 = tpu.vector_load %arg7[%get3A_2479, %get3A_2480] {strides = array<i32>} : memref<16x196xi32, #tpu.memory_space<vmem>>, vector<16xi32>,
      %gather3A_2482 = tpu.vector_load_idx %arg9[%broadcast_in_dim3A_331, %broadcast_in_dim3A_2355, %broadcast_in_dim3A_2357, %get3A_2481] : memref<2x4x16x784xf32, #tpu.memory_space<vmem>>[vector<16xi32>, vector<16xi32>, vector<16xi32>, vector<16xi32>], vector<16xf32>,
      %swap3A_2483 = arith.constant 15 : i32
      %swap3A_2484 = arith.index_cast %select_n3A_220 : i32 to index
      %swap3A_2485 = arith.index_cast %swap3A_2483 : i32 to index
      %swap3A_2486 = arith.constant 180 : index
      %swap3A_2487 = tpu.vector_load %arg10[%swap3A_2484, %swap3A_2485, %swap3A_2486] {strides = array<i32>} : memref<2x16x196xf32, #tpu.memory_space<vmem>>, vector<16xf32>,
      tpu.vector_store %arg10[%swap3A_2484, %swap3A_2485, %swap3A_2486], %gather3A_2482 {strides = array<i32>} : memref<2x16x196xf32, #tpu.memory_space<vmem>>, vector<16xf32>,
      %convert_element_type3A_2488 = arith.extui %eq3A_204 : i1 to i32
      %cond3A_2489 = arith.constant 0 : i32
      %cond3A_2490 = arith.cmpi ne, %convert_element_type3A_2488, %cond3A_2489 : i32
      scf.if %cond3A_2490 {
        %dma_start3A_2497 = arith.constant 0 : i32
        %dma_start3A_2498 = arith.constant 0 : i32
        %dma_start3A_2499 = arith.constant 0 : i32
        %dma_start3A_2500 = tpu.memref_slice %arg10[%dma_start3A_2497, %dma_start3A_2498, %dma_start3A_2499] : memref<2x16x196xf32, #tpu.memory_space<vmem>> -> memref<1x16x196xf32, #tpu.memory_space<vmem>>
        %dma_start3A_2501 = tpu.memref_squeeze %dma_start3A_2500 : memref<1x16x196xf32, #tpu.memory_space<vmem>> -> memref<16x196xf32, #tpu.memory_space<vmem>>
        %dma_start3A_2502 = arith.constant 0 : i32
        %dma_start3A_2503 = arith.constant 0 : i32
        %dma_start3A_2504 = tpu.memref_slice %arg5[%select_n3A, %add3A_233, %dma_start3A_2502, %dma_start3A_2503] : memref<8x196x16x196xf32, #tpu.memory_space<hbm>> -> memref<1x1x16x196xf32, #tpu.memory_space<hbm>>
        %dma_start3A_2505 = tpu.memref_squeeze %dma_start3A_2504 : memref<1x1x16x196xf32, #tpu.memory_space<hbm>> -> memref<16x196xf32, #tpu.memory_space<hbm>>
        %dma_start3A_2506 = arith.constant 0 : i32
        %dma_start3A_2507 = arith.constant 0 : i32
        %dma_start3A_2508 = tpu.memref_slice %arg5[%select_n3A, %add3A_233, %dma_start3A_2506, %dma_start3A_2507] : memref<8x196x16x196xf32, #tpu.memory_space<hbm>> -> memref<1x1x16x196xf32, #tpu.memory_space<hbm>>
        %dma_start3A_2509 = tpu.memref_squeeze %dma_start3A_2508 : memref<1x1x16x196xf32, #tpu.memory_space<hbm>> -> memref<16x196xf32, #tpu.memory_space<hbm>>
        %dma_start3A_2510 = arith.constant 0 : i32
        %dma_start3A_2511 = arith.constant 0 : i32
        %dma_start3A_2512 = tpu.memref_slice %arg10[%dma_start3A_2497, %dma_start3A_2510, %dma_start3A_2511] : memref<2x16x196xf32, #tpu.memory_space<vmem>> -> memref<1x16x196xf32, #tpu.memory_space<vmem>>
        %dma_start3A_2513 = tpu.memref_squeeze %dma_start3A_2512 : memref<1x16x196xf32, #tpu.memory_space<vmem>> -> memref<16x196xf32, #tpu.memory_space<vmem>>
        tpu.enqueue_dma source(%dma_start3A_2513 : memref<16x196xf32, #tpu.memory_space<vmem>>) target(%dma_start3A_2509 : memref<16x196xf32, #tpu.memory_space<hbm>>) target_semaphore(%arg13 : memref<!tpu.dma_semaphore, #tpu.memory_space<semaphore_mem>>)
      } else {
      }
      %not3A_2491 = arith.constant true
      %not3A_2492 = arith.xori %eq3A_204, %not3A_2491 : i1
      %convert_element_type3A_2493 = arith.extui %not3A_2492 : i1 to i32
      %cond3A_2494 = arith.constant 0 : i32
      %cond3A_2495 = arith.cmpi ne, %convert_element_type3A_2493, %cond3A_2494 : i32
      scf.if %cond3A_2495 {
        %dma_start3A_2497 = arith.constant 1 : i32
        %dma_start3A_2498 = arith.constant 0 : i32
        %dma_start3A_2499 = arith.constant 0 : i32
        %dma_start3A_2500 = tpu.memref_slice %arg10[%dma_start3A_2497, %dma_start3A_2498, %dma_start3A_2499] : memref<2x16x196xf32, #tpu.memory_space<vmem>> -> memref<1x16x196xf32, #tpu.memory_space<vmem>>
        %dma_start3A_2501 = tpu.memref_squeeze %dma_start3A_2500 : memref<1x16x196xf32, #tpu.memory_space<vmem>> -> memref<16x196xf32, #tpu.memory_space<vmem>>
        %dma_start3A_2502 = arith.constant 0 : i32
        %dma_start3A_2503 = arith.constant 0 : i32
        %dma_start3A_2504 = tpu.memref_slice %arg5[%select_n3A, %add3A_233, %dma_start3A_2502, %dma_start3A_2503] : memref<8x196x16x196xf32, #tpu.memory_space<hbm>> -> memref<1x1x16x196xf32, #tpu.memory_space<hbm>>
        %dma_start3A_2505 = tpu.memref_squeeze %dma_start3A_2504 : memref<1x1x16x196xf32, #tpu.memory_space<hbm>> -> memref<16x196xf32, #tpu.memory_space<hbm>>
        %dma_start3A_2506 = arith.constant 0 : i32
        %dma_start3A_2507 = arith.constant 0 : i32
        %dma_start3A_2508 = tpu.memref_slice %arg5[%select_n3A, %add3A_233, %dma_start3A_2506, %dma_start3A_2507] : memref<8x196x16x196xf32, #tpu.memory_space<hbm>> -> memref<1x1x16x196xf32, #tpu.memory_space<hbm>>
        %dma_start3A_2509 = tpu.memref_squeeze %dma_start3A_2508 : memref<1x1x16x196xf32, #tpu.memory_space<hbm>> -> memref<16x196xf32, #tpu.memory_space<hbm>>
        %dma_start3A_2510 = arith.constant 0 : i32
        %dma_start3A_2511 = arith.constant 0 : i32
        %dma_start3A_2512 = tpu.memref_slice %arg10[%dma_start3A_2497, %dma_start3A_2510, %dma_start3A_2511] : memref<2x16x196xf32, #tpu.memory_space<vmem>> -> memref<1x16x196xf32, #tpu.memory_space<vmem>>
        %dma_start3A_2513 = tpu.memref_squeeze %dma_start3A_2512 : memref<1x16x196xf32, #tpu.memory_space<vmem>> -> memref<16x196xf32, #tpu.memory_space<vmem>>
        tpu.enqueue_dma source(%dma_start3A_2513 : memref<16x196xf32, #tpu.memory_space<vmem>>) target(%dma_start3A_2509 : memref<16x196xf32, #tpu.memory_space<hbm>>) target_semaphore(%arg14 : memref<!tpu.dma_semaphore, #tpu.memory_space<semaphore_mem>>)
      } else {
      }
      %scan3A_2496 = arith.constant 0 : i32
      scf.yield %scan3A_2496 : i32
    }
    %scan3A_149 = arith.constant 49 : i32
    %dma_wait3A = arith.constant 0 : i32
    %dma_wait3A_150 = arith.constant 0 : i32
    %dma_wait3A_151 = arith.constant 0 : i32
    %dma_wait3A_152 = arith.constant 0 : i32
    %dma_wait3A_153 = tpu.memref_slice %arg10[%dma_wait3A, %dma_wait3A_151, %dma_wait3A_152] : memref<2x16x196xf32, #tpu.memory_space<vmem>> -> memref<1x16x196xf32, #tpu.memory_space<vmem>>
    %dma_wait3A_154 = tpu.memref_squeeze %dma_wait3A_153 : memref<1x16x196xf32, #tpu.memory_space<vmem>> -> memref<16x196xf32, #tpu.memory_space<vmem>>
    %dma_wait3A_155 = arith.constant 0 : i32
    %dma_wait3A_156 = arith.constant 0 : i32
    %dma_wait3A_157 = tpu.memref_slice %arg5[%select_n3A, %dma_wait3A_150, %dma_wait3A_155, %dma_wait3A_156] : memref<8x196x16x196xf32, #tpu.memory_space<hbm>> -> memref<1x1x16x196xf32, #tpu.memory_space<hbm>>
    %dma_wait3A_158 = tpu.memref_squeeze %dma_wait3A_157 : memref<1x1x16x196xf32, #tpu.memory_space<hbm>> -> memref<16x196xf32, #tpu.memory_space<hbm>>
    %dma_wait3A_159 = arith.constant 0 : i32
    %dma_wait3A_160 = arith.constant 0 : i32
    %dma_wait3A_161 = tpu.memref_slice %arg5[%select_n3A, %dma_wait3A_150, %dma_wait3A_159, %dma_wait3A_160] : memref<8x196x16x196xf32, #tpu.memory_space<hbm>> -> memref<1x1x16x196xf32, #tpu.memory_space<hbm>>
    %dma_wait3A_162 = tpu.memref_squeeze %dma_wait3A_161 : memref<1x1x16x196xf32, #tpu.memory_space<hbm>> -> memref<16x196xf32, #tpu.memory_space<hbm>>
    %dma_wait3A_163 = arith.constant 0 : i32
    %dma_wait3A_164 = arith.constant 0 : i32
    %dma_wait3A_165 = tpu.memref_slice %arg10[%dma_wait3A, %dma_wait3A_163, %dma_wait3A_164] : memref<2x16x196xf32, #tpu.memory_space<vmem>> -> memref<1x16x196xf32, #tpu.memory_space<vmem>>
    %dma_wait3A_166 = tpu.memref_squeeze %dma_wait3A_165 : memref<1x16x196xf32, #tpu.memory_space<vmem>> -> memref<16x196xf32, #tpu.memory_space<vmem>>
    tpu.wait_dma2 semaphore(%arg13 : memref<!tpu.dma_semaphore, #tpu.memory_space<semaphore_mem>>) src(%dma_wait3A_166 : memref<16x196xf32, #tpu.memory_space<vmem>>) dst(%dma_wait3A_162 : memref<16x196xf32, #tpu.memory_space<hbm>>)
    %dma_wait3A_167 = arith.constant 1 : i32
    %dma_wait3A_168 = arith.constant 0 : i32
    %dma_wait3A_169 = arith.constant 0 : i32
    %dma_wait3A_170 = arith.constant 0 : i32
    %dma_wait3A_171 = tpu.memref_slice %arg10[%dma_wait3A_167, %dma_wait3A_169, %dma_wait3A_170] : memref<2x16x196xf32, #tpu.memory_space<vmem>> -> memref<1x16x196xf32, #tpu.memory_space<vmem>>
    %dma_wait3A_172 = tpu.memref_squeeze %dma_wait3A_171 : memref<1x16x196xf32, #tpu.memory_space<vmem>> -> memref<16x196xf32, #tpu.memory_space<vmem>>
    %dma_wait3A_173 = arith.constant 0 : i32
    %dma_wait3A_174 = arith.constant 0 : i32
    %dma_wait3A_175 = tpu.memref_slice %arg5[%select_n3A, %dma_wait3A_168, %dma_wait3A_173, %dma_wait3A_174] : memref<8x196x16x196xf32, #tpu.memory_space<hbm>> -> memref<1x1x16x196xf32, #tpu.memory_space<hbm>>
    %dma_wait3A_176 = tpu.memref_squeeze %dma_wait3A_175 : memref<1x1x16x196xf32, #tpu.memory_space<hbm>> -> memref<16x196xf32, #tpu.memory_space<hbm>>
    %dma_wait3A_177 = arith.constant 0 : i32
    %dma_wait3A_178 = arith.constant 0 : i32
    %dma_wait3A_179 = tpu.memref_slice %arg5[%select_n3A, %dma_wait3A_168, %dma_wait3A_177, %dma_wait3A_178] : memref<8x196x16x196xf32, #tpu.memory_space<hbm>> -> memref<1x1x16x196xf32, #tpu.memory_space<hbm>>
    %dma_wait3A_180 = tpu.memref_squeeze %dma_wait3A_179 : memref<1x1x16x196xf32, #tpu.memory_space<hbm>> -> memref<16x196xf32, #tpu.memory_space<hbm>>
    %dma_wait3A_181 = arith.constant 0 : i32
    %dma_wait3A_182 = arith.constant 0 : i32
    %dma_wait3A_183 = tpu.memref_slice %arg10[%dma_wait3A_167, %dma_wait3A_181, %dma_wait3A_182] : memref<2x16x196xf32, #tpu.memory_space<vmem>> -> memref<1x16x196xf32, #tpu.memory_space<vmem>>
    %dma_wait3A_184 = tpu.memref_squeeze %dma_wait3A_183 : memref<1x16x196xf32, #tpu.memory_space<vmem>> -> memref<16x196xf32, #tpu.memory_space<vmem>>
    tpu.wait_dma2 semaphore(%arg14 : memref<!tpu.dma_semaphore, #tpu.memory_space<semaphore_mem>>) src(%dma_wait3A_184 : memref<16x196xf32, #tpu.memory_space<vmem>>) dst(%dma_wait3A_180 : memref<16x196xf32, #tpu.memory_space<hbm>>)
    return
  }
}

</mosaic_0001>

<sc_bundles>
// kernel: _vdp_pool.3.cloned.1.call-start
scs
__scs_entry_jumppad:
0x0: {  	(pc) =	sbr.rel $0x88, $3  }
0x1: {  	(tag) =	ssettag $0x0;
	lr =	simm.s32 $0x1  }
0x2: {  	[smem:$0x3F9F] =	sst lr;
	_ =	strace $0xD0000000  }
0x3: {  	_ = 	snop  }
0x4: {  	_ = 	snop  }
0x5: {  	_ = 	snop  }
0x6: {  	_ = 	snop  }
0x7: {  	_ = 	snop  }
__scs_overlays_trampoline_lowered:
0x8: {  	[smem:$0x3FAE] =	sst s0  }
0x9: {  	[smem:$0x3FAF] =	sst s1  }
0xa: {  	[smem:$0x3FB0] =	sst s2  }
0xb: {  	[smem:$0x3FB1] =	sst s3  }
0xc: {  	[smem:$0x3FB2] =	sst s4  }
0xd: {  	[smem:$0x3FB3] =	sst s5  }
0xe: {  	[smem:$0x3FB4] =	sst s6  }
0xf: {  	[smem:$0x3FB5] =	sst s7  }
0x10: {  	[smem:$0x3FB6] =	sst s8  }
0x11: {  	[smem:$0x3FB7] =	sst s9;
	s0 =	simm.s32 @!p0 $0x0  }
0x12: {  	s1 =	sld [smem:$0x3F9D];
	s0 =	simm.s32 @p0 $0x1  }
0x13: {  	[smem:$0x3FB8] =	sst s0;
	s0 =	simm.s32 @!p1 $0x0  }
0x14: {  	s2 =	sld [smem:$0x3F9C];
	s0 =	simm.s32 @p1 $0x1  }
0x15: {  	[smem:$0x3FB9] =	sst s0;
	s0 =	simm.s32 @!p2 $0x0  }
0x16: {  	s3 =	sld [smem:$0x3FDB];
	s0 =	simm.s32 @p2 $0x1  }
0x17: {  	s4 =	simm.s32 $0x1BF5;
	[smem:$0x3FBB] =	sst s0  }
0x18: {  	s0 =	sld [smem:$0x3F9E];
	_ =	swait.ge [sflag:s4], $0x0  }
0x19: {  	s7 =	sld [smem:$0x3F9F]  }
0x1a: {  	s8 =	sadd.s32 $0xFFFFE003, lr  }
0x1b: {  	s9 =	sadd.s32 $0xFFFFFEF7, lr;
	s5 =	simm.s32 $0xFFFFFFFF;
	p2 =	slt.u32 s8, $0xFFFFF086  }
0x1c: {  	p1 =	slt.u32 s9, $0xF7A;
	s5 =	simm.s32 @!p2 $0x0  }
0x1d: {  	s5 =	simm.s32 @p1 $0x1;
	p0 =	seq.s32 s7, s2  }
0x1e: {  	s7 =	smul.u32 @!p0 $0xF7A, s2;
	p2 =	seq.s32 @!p0 s5, $0x0  }
0x1f: {  	s9 =	smul.u32 $0xF7A, s1;
	s8 =	simm.s32 @!p0 $0x1BF5;
	p2 =	por !p2, p0  }
0x20: {  	[sflag:s8] =	ssyncset.s32 @!p0 $0xFFFFF086;
	s6 =	sadd.s32 @!p0 s3, s7;
	s7 =	simm.s32 @!p0 $0x108  }
0x21: {  	s3 =	sadd.s32 s3, s9;
	s6 =	sadd.s32 @!p0 $0x88, s6;
	s7 =	simm.s32 @p2 $0x1082  }
0x22: {  	[simem:s7], [sflag:s8] =	dma.local @!p0 [hbm:s6], $0xF7A  }
0x23: {  	s9 =	sor.u32 $0xD0000000, s2;
	s6 =	simm.s32 $0x108;
	_ =	swait.ge @!p0 [sflag:s8], $0x0  }
0x24: {  	s3 =	sadd.s32 $0x88, s3;
	s6 =	simm.s32 @!p1 $0x1082;
	[sflag:s4] =	ssyncset.s32 $0xFFFFF086  }
0x25: {  	[simem:s6], [sflag:s4] =	dma.local [hbm:s3], $0xF7A  }
0x26: {  	[smem:$0x3F9F] =	sst s1;
	(tag) =	ssettag s2;
	_ =	strace s9  }
0x27: {  	s1 =	sld [smem:$0x3FAF]  }
0x28: {  	s2 =	sld [smem:$0x3FB0]  }
0x29: {  	s4 =	sld [smem:$0x3FB2]  }
0x2a: {  	p0 =	seq.s32 s5, $0x0;
	s5 =	sld [smem:$0x3FB3]  }
0x2b: {  	s6 =	sld [smem:$0x3FB4]  }
0x2c: {  	s7 =	sld [smem:$0x3FB5]  }
0x2d: {  	s3 =	simm.s32 $0x108;
	s8 =	sld [smem:$0x3FB6]  }
0x2e: {  	s3 =	simm.s32 @!p0 $0x1082;
	s9 =	sld [smem:$0x3FB7]  }
0x2f: {  	lr =	sadd.s32 s0, s3;
	s0 =	sld [smem:$0x3FAE]  }
0x30: {  	s3 =	sld [smem:$0x3FB1]  }
0x31: {  	[smem:$0x3FBA] =	sst s10  }
0x32: {  	s10 =	sld [smem:$0x3FB8];
	_ =	sdelay $0x3  }
0x33: {  	p0 =	seq.s32 s10, $0x1;
	s10 =	sld [smem:$0x3FBA];
	_ =	sdelay $0x3  }
0x34: {  	[smem:$0x3FBA] =	sst s10  }
0x35: {  	s10 =	sld [smem:$0x3FB9];
	_ =	sdelay $0x3  }
0x36: {  	p1 =	seq.s32 s10, $0x1;
	s10 =	sld [smem:$0x3FBA];
	_ =	sdelay $0x3  }
0x37: {  	[smem:$0x3FBA] =	sst s10  }
0x38: {  	s10 =	sld [smem:$0x3FBB]  }
0x39: {  	_ = 	snop;
	(pc) =	sbr.ind lr, $3  }
0x3a: {  	_ = 	snop  }
0x3b: {  	_ = 	snop  }
0x3c: {  	p2 =	seq.s32 s10, $0x1;
	s10 =	sld [smem:$0x3FBA]  }
0x3d: {  	_ =	shalt  }
0x3e: {  	_ =	shalt  }
0x3f: {  	_ =	shalt  }
0x40: {  	_ =	shalt  }
0x41: {  	_ =	shalt  }
0x42: {  	_ =	shalt  }
0x43: {  	_ =	shalt  }
0x44: {  	_ =	shalt  }
0x45: {  	_ =	shalt  }
0x46: {  	_ =	shalt  }
0x47: {  	_ =	shalt  }
0x48: {  	_ =	shalt  }
0x49: {  	_ =	shalt  }
0x4a: {  	_ =	shalt  }
0x4b: {  	_ =	shalt  }
0x4c: {  	_ =	shalt  }
0x4d: {  	_ =	shalt  }
0x4e: {  	_ =	shalt  }
0x4f: {  	_ =	shalt  }
0x50: {  	_ =	shalt  }
0x51: {  	_ =	shalt  }
0x52: {  	_ =	shalt  }
0x53: {  	_ =	shalt  }
0x54: {  	_ =	shalt  }
0x55: {  	_ =	shalt  }
0x56: {  	_ =	shalt  }
0x57: {  	_ =	shalt  }
0x58: {  	_ =	shalt  }
0x59: {  	_ =	shalt  }
0x5a: {  	_ =	shalt  }
0x5b: {  	_ =	shalt  }
0x5c: {  	_ =	shalt  }
0x5d: {  	_ =	shalt  }
0x5e: {  	_ =	shalt  }
0x5f: {  	_ =	shalt  }
0x60: {  	_ =	shalt  }
0x61: {  	_ =	shalt  }
0x62: {  	_ =	shalt  }
0x63: {  	_ =	shalt  }
0x64: {  	_ =	shalt  }
0x65: {  	_ =	shalt  }
0x66: {  	_ =	shalt  }
0x67: {  	_ =	shalt  }
0x68: {  	_ =	shalt  }
0x69: {  	_ =	shalt  }
0x6a: {  	_ =	shalt  }
0x6b: {  	_ =	shalt  }
0x6c: {  	_ =	shalt  }
0x6d: {  	_ =	shalt  }
0x6e: {  	_ =	shalt  }
0x6f: {  	_ =	shalt  }
0x70: {  	_ =	shalt  }
0x71: {  	_ =	shalt  }
0x72: {  	_ =	shalt  }
0x73: {  	_ =	shalt  }
0x74: {  	_ =	shalt  }
0x75: {  	_ =	shalt  }
0x76: {  	_ =	shalt  }
0x77: {  	_ =	shalt  }
0x78: {  	_ =	shalt  }
0x79: {  	_ =	shalt  }
0x7a: {  	_ =	shalt  }
0x7b: {  	_ =	shalt  }
0x7c: {  	_ =	shalt  }
0x7d: {  	_ =	shalt  }
0x7e: {  	_ =	shalt  }
0x7f: {  	_ =	shalt  }
0x80: {  	_ =	shalt  }
0x81: {  	_ =	shalt  }
0x82: {  	_ =	shalt  }
0x83: {  	_ =	shalt  }
0x84: {  	_ =	shalt  }
0x85: {  	_ =	shalt  }
0x86: {  	_ =	shalt  }
0x87: {  	_ =	shalt  }
.Lfunc_end0:
.L_simem_size_0:
called_computation_lowered:
.L_overlay_start_0:
0x88: {  	s2 =	sld [smem:$0x3FD9]  }
0x89: {  	s3 =	sld [smem:$0x3FFE];
	_ =	sdelay $0x1  }
0x8a: {  	s1 =	srdreg.scid  }
0x8b: {  	s0 =	sand.u32 $0x1, s1  }
0x8c: {  	s15 =	sshll.u32 s0, $0xA;
	s2 =	sadd.s32 s3, s2  }
0x8d: {  	s2 =	sadd.s32 s2, s15  }
0x8e: {  	[smem:$0x3FC6] =	sst s2  }
0x8f: {  	_ = 	snop  }
0x90: {  	s2 =	sld [smem:$0x3FD0];
	_ =	sdelay $0x1  }
0x91: {  	s16 =	sld [smem:$0x3FC9]  }
0x92: {  	s5 =	simm.s32 $0xA;
	s6 =	simm.s32 $0x10;
	s4 =	sld [smem:$0x3FC8]  }
0x93: {  	[smem:s6], [sflag:s5] =	dma.local [hbm:s2], $0x1  }
0x94: {  	_ =	swait.eq [sflag:s5], $0x1  }
0x95: {  	[sflag:s5] =	ssyncset.done $0x0  }
0x96: {  	s17 =	sld [smem:$0x10];
	[sflag:s5] =	ssyncadd.s32 $0xFFFFFFFF  }
0x97: {  	s18 =	sld [smem:$0x11];
	(tm) =	ssettm $0x1  }
0x98: {  	s19 =	sld [smem:$0x3FFB];
	_ =	sdelay $0x3  }
0x99: {  	_ =	strace s19  }
0x9a: {  	s6 =	sld [smem:$0x3FFC];
	_ =	sdelay $0x3  }
0x9b: {  	_ =	strace s6  }
0x9c: {  	s6 =	sld [smem:$0x3FFD];
	_ =	sdelay $0x3  }
0x9d: {  	_ =	strace s6  }
0x9e: {  	_ =	strace $0x8FFFFFFF  }
0x9f: {  	s20 =	sld [smem:$0x3FDB];
	_ =	sdelay $0x1  }
0xa0: {  	s7 =	simm.s32 $_scs_section_size  }
0xa1: {  	s8 =	simm.s32 $_size__tile_overlayer_lowered;
	s9 =	simm.s32 $_tile_overlayer_lowered  }
0xa2: {  	s23 =	simm.s32 $0x1BFF;
	s22 =	sshll.u32 s9, $0x1;
	s6 =	sadd.s32 s7, s20  }
0xa3: {  	s10 =	simm.s32 $0x0;
	s21 =	sshll.u32 s8, $0x1;
	s8 =	sadd.s32 s22, s6  }
0xa4: {  	[timem:s10], [sflag:s23] =	dma.local [hbm:s8], s21  }
0xa5: {  	_ =	swait.ge [sflag:s23], s21  }
0xa6: {  	s7 =	ssub.s32 $0x0, s21;
	[sflag:s23] =	ssyncset.done $0x0  }
0xa7: {  	[sflag:s23] =	ssyncadd.s32 s7;
	_ =	sdelay $0x1  }
0xa8: {  	s24 =	simm.s32 $0x1B8B  }
0xa9: {  	_ =	swait.ge [sflag:s24], $0x1  }
0xaa: {  	[sflag:s24] =	ssyncset.done $0x0  }
0xab: {  	s25 =	simm.s32 $0x1B8E;
	[sflag:s24] =	ssyncadd.s32 $0xFFFFFFFF  }
0xac: {  	s26 =	simm.s32 $execute0_lowered;
	[smem:$0x3FD2] =	sst s25  }
0xad: {  	s7 =	sshll.u32 s26, $0x1;
	_ =	strace $0x80000046;
	[dreg:$0x1] =	wrdreg $0xFFFFFFFF  }
0xae: {  	s28 =	simm.s32 $_size_execute0_lowered;
	s6 =	sadd.s32 s6, s7;
	[dreg:$0x0] =	wrdreg $0x0  }
0xaf: {  	s7 =	sshll.u32 s28, $0x1;
	[dreg:$0x2] =	wrdreg s6  }
0xb0: {  	[dreg:$0x3] =	wrdreg s7  }
0xb1: {  	[dreg:$0x4] =	wrdreg $0xC0  }
0xb2: {  	_ =	task [dreg:s10], $0x5FFFF  }
0xb3: {  	[dreg:$0x1] =	wrdreg $0xFFFFFFFF  }
0xb4: {  	[dreg:$0x0] =	wrdreg $0x60  }
0xb5: {  	[dreg:$0x2] =	wrdreg s16  }
0xb6: {  	[dreg:$0x3] =	wrdreg s4  }
0xb7: {  	[dreg:$0x4] =	wrdreg s17  }
0xb8: {  	[dreg:$0x5] =	wrdreg s18  }
0xb9: {  	[dreg:$0x6] =	wrdreg $0x9  }
0xba: {  	_ =	task.clear_ibuf [dreg:s10], $0x7FFFF;
	_ =	strace $0x90000046  }
0xbb: {  	s29 =	simm.s32 $0x9;
	_ =	strace $0x80000048  }
0xbc: {  	_ =	swait.ge [sflag:s29], $0x1  }
0xbd: {  	[sflag:s29] =	ssyncadd.s32 $0xFFFFFFFF  }
0xbe: {  	_ =	strace $0x90000048  }
0xbf: {  	_ =	sfence  }
0xc0: {  	s30 =	sld [smem:$0x0];
	_ =	sdelay $0x2  }
0xc1: {  	s31 =	sshll.u32 s1, $0xD;
	s1 =	sshrl.u32 s1, $0x2  }
0xc2: {  	s3 =	sand.u32 $0x4000, s31;
	s1 =	sadd.s32 s1, s30  }
0xc3: {  	s0 =	sor.u32 s3, s0;
	s1 =	sshll.u32 s1, $0x11  }
0xc4: {  	s0 =	sor.u32 s1, s0  }
0xc5: {  	s0 =	sadd.s32 $0x8F2B, s0  }
0xc6: {  	[sflag:s0] =	ssyncadd.remote.s32 $0x1  }
0xc7: {  	_ =	sfence.sel $0xFFFF  }
0xc8: {  	[dreg:$0x0] =	wrdreg $0xFFFFFFFF;
	(pc) =	sbr.abs _section_cstart, $3  }
0xc9: {  	[dreg:$0x1] =	wrdreg $0xFFFFFFFF  }
0xca: {  	_ =	task.clear_ibuf [dreg:s10], $0x2FFFF;
	_ =	strace $0x9FFFFFFF  }
0xcb: {  	(tm) =	ssettm $0x7FFFFFFF  }
tec
execute0_lowered:
.L_overlay_start_1:
0x0: {  	(tag) =	ssettag $0x1  }
0x1: {  	s2 =	stileid.u32  }
0x2: {  	s8 =	sshrl.u32 s2, $0x1  }
0x3: {  	s3 =	smul.u32 $0xAB8000, s8  }
0x4: {  	s22 =	smul.u32 $0x3100, s8  }
0x5: {  	s0 =	srdreg.scid;
	s12 =	smul.u32 $0xC40, s8  }
0x6: {  	s1 =	sshll.u32 s2, $0x1;
	s0 =	sand.u32 $0x1, s0;
	s14 =	smul.u32 $0xC4000, s8  }
0x7: {  	s15 =	sand.u32 $0x1, s2;
	s1 =	sand.u32 $0x2, s1;
	s25 =	smul.u32 $0xFFFFFCF0, s0  }
0x8: {  	s28 =	smul.u32 $0x62, s15;
	s6 =	sor.u32 s0, s1  }
0x9: {  	s4 =	smul.u32 $0x31, s6  }
0xa: {  	s19 =	rddreg [dreg:$0x0];
	s31 =	smul.u32 $0x62000, s15  }
0xb: {  	s16 =	rddreg [dreg:$0x1];
	s8 =	smul.u32 $0x31000, s0;
	s18 =	sshrl.u32 s4, $0x1  }
0xc: {  	s9 =	rddreg [dreg:$0x2];
	s21 =	simm.s32 $0x0;
	s1 =	smul.u32 $0x93, s18  }
0xd: {  	s30 =	simm.s32 $0x1;
	[smem:$0x7FF] =	sst s21;
	s6 =	smul.u32 $0x310, s6  }
0xe: {  	s13 =	ssub.s32 $0x2, s0;
	s17 =	smul.u32 $0xC4, s15;
	s5 =	sshrl.u32 s1, $0xA  }
0xf: {  	s23 =	sshrl.u32 s13, $0x1;
	s6 =	sadd.s32 s12, s6;
	s7 =	smul.u32 $0xE, s5  }
0x10: {  	s26 =	sshrl.u32 s22, $0x3;
	s18 =	smul.u32 $0xFFFFFFCF, s0;
	s6 =	sshrl.u32 s6, $0x3  }
0x11: {  	s29 =	sadd.s32 s9, s6;
	s4 =	ssub.s32 s4, s7;
	s7 =	rddreg [dreg:$0x3]  }
0x12: {  	s1 =	sadd.s32 s19, s26;
	_ =	strace $0x80000047;
	[dreg:$0x5] =	wrdreg s22  }
0x13: {  	s10 =	smul.u32 $0xC4000, s5;
	s5 =	sadd.s32 $0x10, s1;
	[dreg:$0x9] =	wrdreg s29  }
0x14: {  	v0 =	vimm.s32 $0xB80;
	vm0 =	vcmask $0x300;
	s6 =	sadd.s32 s31, s14;
	s19 =	sadd.s32 $0x30, s1;
	[dreg:$0xb] =	wrdreg s5  }
0x15: {  	vm1 =	vcmask $0x704;
	v0 =	vsel vm0, $0x0, v0;
	s26 =	sadd.s32 $0x50, s1;
	[dreg:$0xd] =	wrdreg s19;
	s22 =	smul.u32 $0x31, s0  }
0x16: {  	v0 =	vsel vm1, $0x80, v0;
	vm1 =	vcmask $0xB08;
	s18 =	ssub.s32 s18, s28;
	[dreg:$0x11] =	wrdreg s26;
	s20 =	sand.u32 $0xFF, s4  }
0x17: {  	vm2 =	vcmask $0xF0C;
	v0 =	vsel vm1, $0x100, v0;
	[dreg:$0x8] =	wrdreg s1;
	s11 =	smul.u32 $0x7000, s20;
	s28 =	sadd.s32 s22, s28  }
0x18: {  	v0 =	vsel vm2, $0x180, v0;
	vm2 =	vcmask $0x1310;
	s6 =	sadd.s32 s8, s6;
	s20 =	smul.u32 $0x62, s0;
	[dreg:$0x12] =	wrdreg s28  }
0x19: {  	vm3 =	vcmask $0x1714;
	v0 =	vsel vm2, $0x200, v0;
	s31 =	sadd.s32 $0x1, s28;
	s10 =	sadd.s32 s11, s10;
	s11 =	ssub.s32 s13, s23  }
0x1a: {  	v0 =	vsel vm3, $0x280, v0;
	vm3 =	vcmask $0x1B18;
	s23 =	sadd.s32 $0x40, s1;
	s29 =	sadd.s32 s20, s17;
	[dreg:$0x16] =	wrdreg s31  }
0x1b: {  	vm4 =	vcmask $0x1F1C;
	v0 =	vsel vm3, $0x300, v0;
	s10 =	sadd.s32 s3, s10;
	s4 =	smax.u32 s11, $0x1;
	[dreg:$0xf] =	wrdreg s23  }
0x1c: {  	v0 =	vsel vm4, $0x380, v0;
	vm4 =	vcmask $0x2320;
	s11 =	sadd.s32 $0x20, s1;
	[dreg:$0x14] =	wrdreg s29;
	s24 =	sshrl.u32 s10, $0x3  }
0x1d: {  	vm5 =	vcmask $0x2724;
	v0 =	vsel vm4, $0x800, v0;
	[dreg:$0xa] =	wrdreg s4;
	s13 =	sadd.s32 s16, s24;
	s16 =	smul.u32 $0x620, s15  }
0x1e: {  	s6 =	sshrl.u32 s6, $0x3;
	v0 =	vsel vm5, $0x880, v0;
	vm5 =	vcmask $0x2B28;
	s1 =	sadd.s32 $0x60, s1;
	[dreg:$0xc] =	wrdreg s11  }
0x1f: {  	vm6 =	vcmask $0x2F2C;
	v0 =	vsel vm5, $0x900, v0;
	[dreg:$0x13] =	wrdreg s1;
	s21 =	ssub.s32 s25, s16;
	s25 =	smul.u32 $0x2AE000, s15  }
.Ltmp0:
0x20: {  	v1 =	vimm.s32 $0xECA86420;
	v0 =	vsel vm6, $0x980, v0;
	vm6 =	vcmask $0x3330;
	s24 =	sadd.s32 s6, s7;
	[dreg:$0x6] =	wrdreg s13;
	(pc) =	sbr.rel .LBB2_1-.Ltmp0, $4  }
0x21: {  	vm7 =	vcmask $0x3734;
	v3 =	vunpack.c.l.s4.s8 v1;
	v2 =	vsel vm6, $0xA00, v0;
	s0 =	smul.u32 $0x157000, s0;
	s2 =	sadd.s32 $0xC400, s13;
	[dreg:$0x10] =	wrdreg s24  }
0x22: {  	vm8 =	vmmov $0xff;
	v4 =	vimm.s32 $0x0;
	s26 =	simm.s32 $0x700;
	v1 =	vsel vm7, $0xA80, v2;
	[dreg:$0x7] =	wrdreg s2;
	s3 =	sadd.s32 s25, s3  }
0x23: {  	vm7 =	vcmask $0x3B38;
	v2 =	vunpack.c.0.s8.s32 v3;
	v3 =	vlaneseq.u32;
	s24 =	simm.s32 $0x1A80;
	[dreg:$0xe] =	wrdreg s21;
	s0 =	sadd.s32 s0, s3  }
0x24: {  	v0 =	vimm.s32 $0x1D;
	v1 =	vsel vm7, $0xB00, v1;
	v3 =	vmul.u32 $0x2, v3;
	s3 =	simm.s32 $0x0;
	[dreg:$0x15] =	wrdreg s0;
	s0 =	simm.s32 $0x2  }
.LBB2_12:
0x25: {  	s1 =	simm.s32 $0x3  }
0x26: {  	_ =	swait.ge [sflag:s1], $0x1000  }
0x27: {  	[sflag:s1] =	ssyncset.done $0x0  }
0x28: {  	s2 =	simm.s32 $0x4;
	[sflag:s1] =	ssyncadd.s32 $0xFFFFF000  }
0x29: {  	_ =	swait.ge [sflag:s2], $0x1000  }
0x2a: {  	s3 =	rddreg [dreg:$0x17]  }
0x2b: {  	s31 =	rddreg [dreg:$0xa];
	s3 =	sadd.s32 $0x1, s3  }
0x2c: {  	p0 =	sne.s32 s3, s31  }
.Ltmp1:
0x2d: {  	_ = 	snop;
	(pc) =	sbr.rel @!p0 .LBB2_13-.Ltmp1, $3  }
0x2e: {  	_ =	sdelay $0x1  }
0x2f: {  	[sflag:s2] =	ssyncset.done $0x0  }
0x30: {  	[sflag:s2] =	ssyncadd.s32 $0xFFFFF000  }
.LBB2_1:
0x31: {  	[dreg:$0x17] =	wrdreg s3  }
0x32: {  	s2 =	rddreg [dreg:$0x6]  }
0x33: {  	s1 =	simm.s32 $0x0;
	s12 =	rddreg [dreg:$0x7]  }
0x34: {  	[tilespmem:s24], [sflag:$0x1] =	stream.linear.gather [hbm4b:s2+s1], $0x7000, $0x38;
	[tilespmem:$0x1FA80] =	vst v63  }
0x35: {  	s13 =	simm.s32 $0x8A80;
	s14 =	rddreg [dreg:$0x8]  }
0x36: {  	[tilespmem:s13], [sflag:$0x1] =	stream.linear.gather [hbm4b:s12+s1], $0x7000, $0x38;
	[tilespmem:$0x1FA80] =	vst v63  }
0x37: {  	s15 =	rddreg [dreg:$0xb]  }
0x38: {  	[tilespmem:s1], [sflag:$0x2] =	stream.linear.gather [hbm4b:s14+s1], $0x80, $0x38;
	[tilespmem:$0x1FA80] =	vst v63  }
0x39: {  	s16 =	simm.s32 $0x100;
	s17 =	rddreg [dreg:$0xc]  }
0x3a: {  	[tilespmem:s16], [sflag:$0x2] =	stream.linear.gather [hbm4b:s15+s1], $0x80, $0x38;
	[tilespmem:$0x1FA80] =	vst v63  }
0x3b: {  	s19 =	simm.s32 $0x200;
	s20 =	rddreg [dreg:$0xd]  }
0x3c: {  	[tilespmem:s19], [sflag:$0x2] =	stream.linear.gather [hbm4b:s17+s1], $0x80, $0x38;
	[tilespmem:$0x1FA80] =	vst v63  }
0x3d: {  	s21 =	simm.s32 $0x300;
	s22 =	rddreg [dreg:$0xf]  }
0x3e: {  	[tilespmem:s21], [sflag:$0x2] =	stream.linear.gather [hbm4b:s20+s1], $0x80, $0x38;
	[tilespmem:$0x1FA80] =	vst v63  }
0x3f: {  	s23 =	simm.s32 $0x400;
	s25 =	rddreg [dreg:$0x11];
	s28 =	simm.s32 $0x500  }
0x40: {  	[tilespmem:s23], [sflag:$0x2] =	stream.linear.gather [hbm4b:s22+s1], $0x80, $0x38;
	[tilespmem:$0x1FA80] =	vst v63  }
0x41: {  	s29 =	rddreg [dreg:$0x13];
	s31 =	simm.s32 $0x600;
	s14 =	simm.s32 $0x0  }
0x42: {  	[tilespmem:s28], [sflag:$0x2] =	stream.linear.gather [hbm4b:s25+s1], $0x80, $0x38;
	[tilespmem:$0x1FA80] =	vst v63  }
0x43: {  	s16 =	rddreg [dreg:$0xe];
	s17 =	simm.s32 $0x0;
	s19 =	simm.s32 $0x0  }
0x44: {  	[tilespmem:s31], [sflag:$0x2] =	stream.linear.gather [hbm4b:s29+s1], $0x80, $0x38;
	[tilespmem:$0x1FA80] =	vst v63  }
.LBB2_3:
0x45: {  	s6 =	smov.u32 s19  }
0x46: {  	s19 =	sadd.s32 $0x1, s19;
	p0 =	seq.s32 s6, $0xD  }
0x47: {  	s11 =	smul.u32 @!p0 $0x380, s19  }
0x48: {  	s1 =	rddreg [dreg:$0x5]  }
0x49: {  	s11 =	sadd.s32 @!p0 s1, s11  }
0x4a: {  	s13 =	sshll.u32 @!p0 s19, $0x7;
	s1 =	rddreg [dreg:$0x0];
	s11 =	sshrl.u32 @!p0 s11, $0x3  }
0x4b: {  	s15 =	simm.s32 @!p0 $0x0;
	s13 =	sand.u32 @!p0 $0x80, s13;
	s11 =	sadd.s32 @!p0 s1, s11  }
0x4c: {  	[tilespmem:s13], [sflag:$0x2] =	stream.linear.gather @!p0 [hbm4b:s11+s15], $0x80, $0x38;
	[tilespmem:$0x1FA80] =	vst v63  }
0x4d: {  	s22 =	simm.s32 $0x0;
	s21 =	sor.u32 @!p0 $0x100, s13;
	s20 =	sadd.s32 @!p0 $0x10, s11  }
0x4e: {  	[tilespmem:s21], [sflag:$0x2] =	stream.linear.gather @!p0 [hbm4b:s20+s15], $0x80, $0x38;
	[tilespmem:$0x1FA80] =	vst v63  }
0x4f: {  	s23 =	simm.s32 $0x380;
	s20 =	sadd.s32 @!p0 $0x20, s11;
	s21 =	sor.u32 @!p0 $0x200, s13  }
0x50: {  	[tilespmem:s21], [sflag:$0x2] =	stream.linear.gather @!p0 [hbm4b:s20+s15], $0x80, $0x38;
	[tilespmem:$0x1FA80] =	vst v63  }
0x51: {  	s25 =	simm.s32 $0x3A0;
	s20 =	sadd.s32 @!p0 $0x30, s11;
	s21 =	sor.u32 @!p0 $0x300, s13  }
0x52: {  	[tilespmem:s21], [sflag:$0x2] =	stream.linear.gather @!p0 [hbm4b:s20+s15], $0x80, $0x38;
	[tilespmem:$0x1FA80] =	vst v63  }
0x53: {  	s6 =	sshll.u32 s6, $0x7;
	s20 =	sadd.s32 @!p0 $0x40, s11;
	s21 =	sor.u32 @!p0 $0x400, s13  }
0x54: {  	[tilespmem:s21], [sflag:$0x2] =	stream.linear.gather @!p0 [hbm4b:s20+s15], $0x80, $0x38;
	[tilespmem:$0x1FA80] =	vst v63  }
0x55: {  	s6 =	sand.u32 $0x80, s6;
	s20 =	sadd.s32 @!p0 $0x50, s11;
	s21 =	sor.u32 @!p0 $0x500, s13  }
0x56: {  	[tilespmem:s21], [sflag:$0x2] =	stream.linear.gather @!p0 [hbm4b:s20+s15], $0x80, $0x38;
	[tilespmem:$0x1FA80] =	vst v63  }
0x57: {  	s29 =	simm.s32 $0x1C0;
	v5 =	vmov s6;
	s11 =	sadd.s32 @!p0 $0x60, s11;
	s13 =	sor.u32 @!p0 $0x600, s13  }
0x58: {  	[tilespmem:s13], [sflag:$0x2] =	stream.linear.gather @!p0 [hbm4b:s11+s15], $0x80, $0x38;
	[tilespmem:$0x1FA80] =	vst v63  }
0x59: {  	s28 =	simm.s32 $0x1D0;
	s20 =	sand.u32 $0x60, s29;
	_ =	swait.ge [sflag:s0], $0x380  }
0x5a: {  	s15 =	sand.u32 $0x70, s28;
	s13 =	sand.u32 $0x700, s25;
	[sflag:s0] =	ssyncset.done $0x0  }
0x5b: {  	s11 =	sand.u32 $0x700, s23;
	s13 =	sor.u32 s15, s13;
	[sflag:s0] =	ssyncadd.s32 $0xFFFFFC80  }
0x5c: {  	s31 =	sand.u32 $0x60, s22;
	s6 =	sand.u32 $0x300, s22;
	s11 =	sor.u32 s20, s11;
	v6 =	vld.idx.msk [tilespmem:v5+s13+$0x0 ss:$0x1], $0xffff  }
0x5d: {  	s6 =	sor.u32 s31, s6;
	v8 =	vld.idx.msk [tilespmem:v5+s11+$0x0 ss:$0x1], $0xffff  }
0x5e: {  	v9 =	vld.idx.msk [tilespmem:v5+s6+$0x10 ss:$0x1], $0xffff  }
0x5f: {  	v7 =	vld.idx.msk [tilespmem:v5+s6+$0x0 ss:$0x1], $0xffff;
	_ =	sdelay $0x2  }
0x60: {  	v10 =	vmov s14  }
0x61: {  	v11 =	vshll.u32 v10, $0x3;
	v10 =	vand.u32 $0x7F, v10  }
0x62: {  	v11 =	vand.u32 $0xC00, v11;
	v12 =	vmax.f32 v7, v9;
	v6 =	vmax.f32 v8, v6  }
0x63: {  	v10 =	vor.u32 v10, v11;
	v6 =	vmax.f32 v12, v6  }
0x64: {  	vm9 =	veq.f32 v8, v6;
	v8 =	vadd.s32 v1, v10  }
0x65: {  	s22 =	smov.u32 s17;
	s21 =	smov.u32 s14;
	v10 =	vmov s17;
	v11 =	vsel vm9, $0x1C, v0  }
0x66: {  	s20 =	simm.s32 $0x40;
	s15 =	smov.u32 s16;
	s6 =	simm.s32 $0x20;
	vm9 =	veq.f32 v9, v6;
	v9 =	vor.u32 $0x1, v10;
	v10 =	vadd.s32 s17, v11  }
.LBB2_4:
0x67: {  	s11 =	sadd.s32 $0x380, s20;
	s13 =	sadd.s32 $0x3A0, s20;
	vm10 =	veq.f32 v7, v6;
	v7 =	vsel vm9, v9, v10;
	s23 =	sadd.s32 s21, s18  }
0x68: {  	s10 =	sadd.s32 $0x1C0, s6;
	s8 =	sadd.s32 $0x1D0, s6;
	v7 =	vsel vm10, s22, v7;
	p0 =	sgt.u32 s23, $0x30  }
0x69: {  	s8 =	sand.u32 $0x70, s8;
	s13 =	sand.u32 $0x700, s13;
	[tilespmem:v8+s26+$0x0] =	vst.idx.msk $0xffff, v7;
	s23 =	sand.u32 @!p0 $0x3F0, s15  }
0x6a: {  	s10 =	sand.u32 $0x60, s10;
	s11 =	sand.u32 $0x700, s11;
	s8 =	sor.u32 s8, s13;
	[tilespmem:s23+$0x1700] =	vst @!p0 v6  }
0x6b: {  	s13 =	sand.u32 $0x60, s6;
	s10 =	sor.u32 s10, s11;
	s23 =	sand.u32 $0x300, s20;
	v6 =	vld.idx.msk [tilespmem:v5+s8+$0x0 ss:$0x1], $0xffff  }
0x6c: {  	s20 =	sadd.s32 $0x40, s20;
	s8 =	sor.u32 s13, s23;
	v8 =	vld.idx.msk [tilespmem:v5+s10+$0x0 ss:$0x1], $0xffff  }
0x6d: {  	p0 =	seq.s32 s20, $0x380;
	v9 =	vld.idx.msk [tilespmem:v5+s8+$0x10 ss:$0x1], $0xffff  }
0x6e: {  	v7 =	vld.idx.msk [tilespmem:v5+s8+$0x0 ss:$0x1], $0xffff;
	_ =	sdelay $0x2  }
0x6f: {  	s21 =	sadd.s32 $0x1, s21  }
0x70: {  	v10 =	vmov s21  }
0x71: {  	v11 =	vand.u32 $0x7F, v10;
	v10 =	vshll.u32 v10, $0x3  }
.Ltmp2:
0x72: {  	v10 =	vand.u32 $0xC00, v10;
	v6 =	vmax.f32 v8, v6;
	v12 =	vmax.f32 v7, v9;
	(pc) =	sbr.rel @!p0 .LBB2_4-.Ltmp2, $4  }
0x73: {  	v10 =	vor.u32 v11, v10;
	v6 =	vmax.f32 v12, v6  }
0x74: {  	s22 =	sadd.s32 $0x2, s22;
	vm9 =	veq.f32 v8, v6;
	v8 =	vadd.s32 v1, v10  }
0x75: {  	v10 =	vmov s22;
	v11 =	vsel vm9, $0x1C, v0  }
0x76: {  	s6 =	sadd.s32 $0x20, s6;
	s15 =	sadd.s32 $0x10, s15;
	vm9 =	veq.f32 v9, v6;
	v9 =	vor.u32 $0x1, v10;
	v10 =	vadd.s32 s22, v11  }
0x77: {  	_ =	sdelay $0x1  }
0x78: {  	vm10 =	veq.f32 v7, v6;
	v5 =	vsel vm9, v9, v10;
	s6 =	sadd.s32 s21, s18  }
0x79: {  	v5 =	vsel vm10, s22, v5;
	p0 =	sgt.u32 s6, $0x30  }
0x7a: {  	[tilespmem:v8+s26+$0x0] =	vst.idx.msk $0xffff, v5;
	s6 =	sand.u32 @!p0 $0x3F0, s15  }
0x7b: {  	[tilespmem:s6+$0x1700] =	vst @!p0 v6  }
0x7c: {  	p0 =	seq.s32 s19, $0xE  }
.Ltmp3:
0x7d: {  	_ = 	snop;
	(pc) =	sbr.rel @!p0 .LBB2_3-.Ltmp3, $2  }
0x7e: {  	_ =	sdelay $0x2  }
0x7f: {  	s17 =	sadd.s32 $0x38, s17;
	s16 =	sadd.s32 $0xE0, s16;
	s14 =	sadd.s32 $0xE, s14  }
0x80: {  	s17 =	simm.s32 $0x0  }
0x81: {  	s1 =	rddreg [dreg:$0x9];
	s2 =	simm.s32 $0x1700;
	s31 =	simm.s32 $0x5  }
0x82: {  	[hbm4b:s1+s17] =	stream.linear.scatter [tilespmem:s2], [sflag:$0x5], $0x310, $0x38;
	[tilespmem:$0x1FA80] =	vst v63  }
0x83: {  	_ =	swait.ge [sflag:s31], $0x310  }
.Ltmp4:
0x84: {  	s23 =	rddreg [dreg:$0x16];
	(pc) =	sbr.rel .LBB2_7-.Ltmp4, $4  }
0x85: {  	s22 =	rddreg [dreg:$0x15]  }
0x86: {  	s19 =	rddreg [dreg:$0x12]  }
0x87: {  	[sflag:s31] =	ssyncset.done $0x0;
	s21 =	rddreg [dreg:$0x14]  }
0x88: {  	s16 =	rddreg [dreg:$0x10];
	[sflag:s31] =	ssyncadd.s32 $0xFFFFFCF0  }
.LBB2_9:
0x89: {  	s2 =	simm.s32 $0xFA80  }
0x8a: {  	[tilespmem:s2], [sflag:$0x2] =	stream.linear.gather [hbm4b:s11+s1], $0x7000, $0x38;
	[tilespmem:$0x1FA80] =	vst v63  }
0x8b: {  	s31 =	simm.s32 $0x16A80  }
0x8c: {  	[tilespmem:s31], [sflag:$0x2] =	stream.linear.gather [hbm4b:s6+s1], $0x7000, $0x38;
	[tilespmem:$0x1FA80] =	vst v63  }
.LBB2_10:
0x8d: {  	_ =	swait.ge [sflag:s30], $0x7000  }
0x8e: {  	[sflag:s30] =	ssyncset.done $0x0  }
0x8f: {  	[sflag:s30] =	ssyncadd.s32 $0xFFFF9000  }
0x90: {  	_ =	swait.ge [sflag:s30], $0x7000  }
0x91: {  	[sflag:s30] =	ssyncset.done $0x0  }
0x92: {  	[sflag:s30] =	ssyncadd.s32 $0xFFFF9000  }
.LBB2_11:
0x93: {  	s1 =	rddreg [dreg:$0x12]  }
0x94: {  	s6 =	sadd.s32 s17, s1  }
0x95: {  	v5 =	vmov s6  }
0x96: {  	p0 =	seq.s32 s20, $0x0;
	v6 =	vshll.u32 v5, $0x3  }
0x97: {  	s6 =	simm.s32 @!p0 $0x2;
	v5 =	vand.u32 $0x7F, v5;
	v6 =	vand.u32 $0x7FFFFC00, v6  }
0x98: {  	_ =	swait.ge @!p0 [sflag:s6], $0x7000;
	v5 =	vor.u32 v5, v6  }
0x99: {  	[sflag:s6] =	ssyncset.done @!p0 $0x0;
	v5 =	vadd.s32 v1, v5  }
0x9a: {  	[sflag:s6] =	ssyncadd.s32 @!p0 $0xFFFF9000  }
0x9b: {  	s8 =	sshrl.u32 s19, $0x1;
	_ =	swait.ge @!p0 [sflag:s6], $0x7000  }
0x9c: {  	s8 =	smulhi.u32 $0x92492493, s8;
	[sflag:s6] =	ssyncset.done @!p0 $0x0  }
0x9d: {  	[sflag:s6] =	ssyncadd.s32 @!p0 $0xFFFF9000  }
0x9e: {  	s31 =	sshrl.u32 s8, $0x2;
	v5 =	vld.idx.msk [tilespmem:v5+s26+$0x0], $0xffff  }
0x9f: {  	s6 =	smul.u32 $0x1C, s31;
	_ =	sdelay $0x1  }
0xa0: {  	s14 =	sadd.s32 s6, s21  }
0xa1: {  	v6 =	vmov s14  }
0xa2: {  	v6 =	vsub.s32 v5, v6  }
0xa3: {  	(v2sf) =	vpush v6, $0xD;
	_ =	sdelay $0x1  }
0xa4: {  	(v2sf) =	vpush v6, $0xC;
	_ =	sdelay $0x1  }
0xa5: {  	(v2sf) =	vpush v6, $0xE  }
0xa6: {  	(v2sf) =	vpush v6, $0xF  }
0xa7: {  	(v2sf) =	vpush v6, $0x9;
	_ =	sdelay $0x1  }
0xa8: {  	(v2sf) =	vpush v6, $0x8;
	_ =	sdelay $0x1  }
0xa9: {  	(v2sf) =	vpush v6, $0xA;
	_ =	sdelay $0x1  }
0xaa: {  	(v2sf) =	vpush v6, $0xB;
	_ =	sdelay $0x1  }
0xab: {  	(v2sf) =	vpush v6, $0x1  }
0xac: {  	s1 =	spop (v2sf);
	(v2sf) =	vpush v6, $0x0  }
0xad: {  	s2 =	smulhi.u32 $0x92492493, s1;
	s10 =	sshra.s32 s1, $0x1F  }
0xae: {  	s11 =	spop (v2sf);
	s10 =	smul.u32 $0x92492493, s10  }
0xaf: {  	s29 =	smulhi.u32 $0x92492493, s11;
	s15 =	sshra.s32 s11, $0x1F  }
0xb0: {  	s13 =	spop (v2sf);
	s3 =	smul.u32 $0x92492493, s15  }
0xb1: {  	(v2sf) =	vpush v6, $0x2;
	s31 =	spop (v2sf);
	s28 =	smulhi.u32 $0x92492493, s13;
	s4 =	sshra.s32 s13, $0x1F  }
0xb2: {  	s6 =	ssub.s32 s2, s1;
	s7 =	spop (v2sf);
	s9 =	smul.u32 $0x92492493, s4  }
0xb3: {  	(v2sf) =	vpush v6, $0x3;
	s8 =	smulhi.u32 $0x92492493, s31;
	s5 =	sshra.s32 s31, $0x1F;
	s15 =	sadd.s32 s10, s6  }
0xb4: {  	s11 =	ssub.s32 s29, s11;
	s25 =	spop (v2sf);
	s1 =	smul.u32 $0x92492493, s5  }
0xb5: {  	(v2sf) =	vpush v6, $0x4;
	s10 =	smulhi.u32 $0x92492493, s7;
	s12 =	sshra.s32 s7, $0x1F;
	s11 =	sadd.s32 s3, s11  }
0xb6: {  	s13 =	ssub.s32 s28, s13;
	s2 =	spop (v2sf);
	s28 =	smul.u32 $0x92492493, s12  }
0xb7: {  	(v2sf) =	vpush v6, $0x5;
	s29 =	smulhi.u32 $0x92492493, s25;
	s5 =	sshra.s32 s25, $0x1F;
	s6 =	sadd.s32 s9, s13  }
0xb8: {  	s3 =	ssub.s32 s8, s31;
	s4 =	spop (v2sf);
	s8 =	smul.u32 $0x92492493, s5  }
0xb9: {  	(v2sf) =	vpush v6, $0x6;
	s9 =	smulhi.u32 $0x92492493, s2;
	s12 =	sshra.s32 s2, $0x1F;
	s13 =	sadd.s32 s1, s3  }
0xba: {  	s1 =	ssub.s32 s10, s7;
	s5 =	spop (v2sf);
	s3 =	smul.u32 $0x92492493, s12  }
0xbb: {  	s7 =	smulhi.u32 $0x92492493, s4;
	s10 =	sshra.s32 s4, $0x1F;
	s31 =	spop (v2sf);
	(v2sf) =	vpush v6, $0x7  }
0xbc: {  	s1 =	sadd.s32 s28, s1;
	s25 =	ssub.s32 s29, s25;
	s10 =	smul.u32 $0x92492493, s10  }
0xbd: {  	s28 =	smulhi.u32 $0x92492493, s5;
	s29 =	sshra.s32 s5, $0x1F;
	s2 =	ssub.s32 s9, s2  }
0xbe: {  	s8 =	sadd.s32 s8, s25;
	s9 =	smul.u32 $0x92492493, s29;
	s2 =	sadd.s32 s3, s2  }
0xbf: {  	s4 =	ssub.s32 s7, s4;
	s3 =	smulhi.u32 $0x92492493, s31;
	s25 =	sshra.s32 s31, $0x1F  }
0xc0: {  	s5 =	ssub.s32 s28, s5;
	s12 =	spop (v2sf);
	s7 =	smul.u32 $0x92492493, s25  }
0xc1: {  	s4 =	sadd.s32 s10, s4;
	s25 =	smulhi.u32 $0x92492493, s12;
	s28 =	sshra.s32 s12, $0x1F  }
0xc2: {  	s5 =	sadd.s32 s9, s5;
	s29 =	spop (v2sf);
	s9 =	smul.u32 $0x92492493, s28  }
0xc3: {  	s3 =	ssub.s32 s3, s31;
	s10 =	smulhi.u32 $0x92492493, s29;
	s28 =	sshra.s32 s29, $0x1F  }
0xc4: {  	s31 =	spop (v2sf);
	s3 =	sadd.s32 s7, s3;
	s7 =	smul.u32 $0x92492493, s28  }
0xc5: {  	s12 =	ssub.s32 s25, s12;
	s25 =	smulhi.u32 $0x92492493, s31;
	s28 =	sshra.s32 s31, $0x1F  }
0xc6: {  	s9 =	sadd.s32 s9, s12;
	s12 =	spop (v2sf);
	s28 =	smul.u32 $0x92492493, s28  }
0xc7: {  	v7 =	vmov s3;
	s3 =	ssub.s32 s10, s29;
	s10 =	smulhi.u32 $0x92492493, s12;
	s29 =	sshra.s32 s12, $0x1F  }
0xc8: {  	s3 =	sadd.s32 s7, s3;
	s7 =	spop (v2sf);
	v7 =	vnsel vm0, $0x0, v7;
	s29 =	smul.u32 $0x92492493, s29  }
0xc9: {  	v7 =	vsel vm1, s5, v7;
	s5 =	ssub.s32 s25, s31;
	s25 =	smulhi.u32 $0x92492493, s7;
	s31 =	sshra.s32 s7, $0x1F  }
0xca: {  	v8 =	vmov s11;
	v9 =	vmov s8;
	v7 =	vsel vm2, s9, v7;
	s5 =	sadd.s32 s28, s5;
	s8 =	smul.u32 $0x92492493, s31;
	s9 =	spop (v2sf)  }
0xcb: {  	v8 =	vsel vm1, s15, v8;
	v9 =	vsel vm1, s1, v9;
	s28 =	ssub.s32 s10, s12;
	v7 =	vsel vm3, s3, v7;
	s31 =	smulhi.u32 $0x92492493, s9;
	s11 =	sshra.s32 s9, $0x1F  }
0xcc: {  	v8 =	vsel vm2, s6, v8;
	v9 =	vsel vm2, s2, v9;
	s1 =	sadd.s32 s29, s28;
	s12 =	ssub.s32 s25, s7;
	v7 =	vsel vm4, s5, v7;
	s15 =	smul.u32 $0x92492493, s11  }
0xcd: {  	v8 =	vsel vm3, s13, v8;
	v9 =	vsel vm3, s4, v9;
	s25 =	sadd.s32 s8, s12;
	v7 =	vsel vm5, s1, v7;
	s28 =	ssub.s32 s31, s9  }
0xce: {  	v8 =	vcombine.low v9, v8;
	v7 =	vsel vm6, s25, v7;
	s29 =	sadd.s32 s15, s28  }
0xcf: {  	v7 =	vsel vm7, s29, v7  }
0xd0: {  	v8 =	vperm.xlane v8, v2;
	v7 =	vperm.xlane v7, v3;
	_ =	sdelay $0x1  }
0xd1: {  	p2 =	slt.u32 s17, $0x2;
	v7 =	vsel vm8, v7, v8  }
0xd2: {  	p0 =	sne.s32 @!p2 s20, $0x0;
	v7 =	vadd.s32 v6, v7  }
0xd3: {  	p1 =	por p0, p2;
	v58 =	vshrl.u32 v7, $0x1F;
	v7 =	vshra.s32 v7, $0x4  }
0xd4: {  	p0 =	seq.s32 s20, $0x1;
	vm9 =	vne.s32 v5, s14;
	s1 =	simm.s32 @!p1 $0x3;
	v7 =	vadd.s32 v58, v7  }
0xd5: {  	p3 =	por !p0, !p0;
	v59 =	vshra.s32 v6, $0x1F;
	v60 =	vsel vm9, $0x1, v4;
	_ =	swait.ge @!p1 [sflag:s1], $0x1000;
	v10 =	vmul.u32 $0xFFFFFFE4, v7  }
0xd6: {  	p2 =	por p2, p3;
	[sflag:s1] =	ssyncset.done @!p1 $0x0;
	v8 =	vor.u32 v60, v59;
	v6 =	vsub.s32 $0x0, v6  }
0xd7: {  	[sflag:s1] =	ssyncadd.s32 @!p1 $0xFFFFF000;
	s1 =	simm.s32 @!p2 $0x4;
	vm9 =	vne.s32 v8, $0x1;
	vm10 =	vne.s32 v10, v6  }
0xd8: {  	_ =	swait.ge @!p2 [sflag:s1], $0x1000;
	vm9 =	vmand vm10, vm9  }
0xd9: {  	[sflag:s1] =	ssyncset.done @!p2 $0x0;
	v6 =	vsel vm9, $0xFFFFFFFF, v4  }
0xda: {  	[sflag:s1] =	ssyncadd.s32 @!p2 $0xFFFFF000;
	v6 =	vadd.s32 v6, v7  }
0xdb: {  	v5 =	vand.u32 $0x1, v5;
	v7 =	vld [tilespmem:$0x700];
	v6 =	vshll.u32 v6, $0x1  }
0xdc: {  	v5 =	vor.u32 v5, v6;
	v6 =	vmov s20  }
0xdd: {  	v6 =	vmul.u32 $0xE000, v6;
	v5 =	vmul.u32 $0x3800, v5;
	_ =	sdelay $0x1  }
0xde: {  	v61 =	vadd.s32 v6, v5  }
0xdf: {  	v62 =	vshll.u32 v7, $0x3;
	v8 =	vbroadcast v61, $0x0  }
0xe0: {  	v9 =	vand.u32 $0xFFFFFC00, v62  }
0xe1: {  	v7 =	vand.u32 $0x7F, v7;
	v9 =	vadd.s32 v8, v9  }
0xe2: {  	v7 =	vor.u32 v7, v9;
	_ =	sdelay $0x4  }
0xe3: {  	v7 =	vld.idx.msk [tilespmem:v7+s24+$0x0], $0xffff;
	_ =	sdelay $0x3  }
0xe4: {  	s31 =	sshll.u32 s20, $0xC  }
0xe5: {  	[tilespmem:s31+$0x1DA80] =	vst v7  }
0xe6: {  	v7 =	vld [tilespmem:$0x710];
	_ =	sdelay $0x4  }
0xe7: {  	v63 =	vshll.u32 v7, $0x3  }
0xe8: {  	v9 =	vand.u32 $0xFFFFFC00, v63  }
0xe9: {  	v7 =	vand.u32 $0x7F, v7;
	v9 =	vadd.s32 v8, v9  }
0xea: {  	v7 =	vor.u32 v7, v9;
	_ =	sdelay $0x4  }
0xeb: {  	v7 =	vld.idx.msk [tilespmem:v7+s24+$0x0], $0xffff;
	_ =	sdelay $0x4  }
0xec: {  	[tilespmem:s31+$0x1DA90] =	vst v7  }
0xed: {  	v7 =	vld [tilespmem:$0x720];
	_ =	sdelay $0x4  }
0xee: {  	v12 =	vshll.u32 v7, $0x3  }
0xef: {  	v9 =	vand.u32 $0xFFFFFC00, v12  }
0xf0: {  	v7 =	vand.u32 $0x7F, v7;
	v9 =	vadd.s32 v8, v9  }
0xf1: {  	v7 =	vor.u32 v7, v9;
	_ =	sdelay $0x4  }
0xf2: {  	v7 =	vld.idx.msk [tilespmem:v7+s24+$0x0], $0xffff;
	_ =	sdelay $0x4  }
0xf3: {  	[tilespmem:s31+$0x1DAA0] =	vst v7  }
0xf4: {  	v7 =	vld [tilespmem:$0x730];
	_ =	sdelay $0x4  }
0xf5: {  	v13 =	vshll.u32 v7, $0x3  }
0xf6: {  	v9 =	vand.u32 $0xFFFFFC00, v13  }
0xf7: {  	v7 =	vand.u32 $0x7F, v7;
	v9 =	vadd.s32 v8, v9  }
0xf8: {  	v7 =	vor.u32 v7, v9;
	_ =	sdelay $0x4  }
0xf9: {  	v7 =	vld.idx.msk [tilespmem:v7+s24+$0x0], $0xffff;
	_ =	sdelay $0x4  }
0xfa: {  	[tilespmem:s31+$0x1DAB0] =	vst v7  }
0xfb: {  	v7 =	vld [tilespmem:$0x740];
	_ =	sdelay $0x4  }
0xfc: {  	v14 =	vshll.u32 v7, $0x3  }
0xfd: {  	v9 =	vand.u32 $0xFFFFFC00, v14  }
0xfe: {  	v7 =	vand.u32 $0x7F, v7;
	v9 =	vadd.s32 v8, v9  }
0xff: {  	v7 =	vor.u32 v7, v9;
	_ =	sdelay $0x4  }
0x100: {  	v7 =	vld.idx.msk [tilespmem:v7+s24+$0x0], $0xffff;
	_ =	sdelay $0x4  }
0x101: {  	[tilespmem:s31+$0x1DAC0] =	vst v7  }
0x102: {  	v7 =	vld [tilespmem:$0x750];
	_ =	sdelay $0x4  }
0x103: {  	v15 =	vshll.u32 v7, $0x3  }
0x104: {  	v9 =	vand.u32 $0xFFFFFC00, v15  }
0x105: {  	v7 =	vand.u32 $0x7F, v7;
	v9 =	vadd.s32 v8, v9  }
0x106: {  	v7 =	vor.u32 v7, v9;
	_ =	sdelay $0x4  }
0x107: {  	v7 =	vld.idx.msk [tilespmem:v7+s24+$0x0], $0xffff;
	_ =	sdelay $0x4  }
0x108: {  	[tilespmem:s31+$0x1DAD0] =	vst v7  }
0x109: {  	v7 =	vld [tilespmem:$0x760];
	_ =	sdelay $0x4  }
0x10a: {  	v16 =	vshll.u32 v7, $0x3  }
0x10b: {  	v9 =	vand.u32 $0xFFFFFC00, v16  }
0x10c: {  	v7 =	vand.u32 $0x7F, v7;
	v9 =	vadd.s32 v8, v9  }
0x10d: {  	v7 =	vor.u32 v7, v9;
	_ =	sdelay $0x4  }
0x10e: {  	v7 =	vld.idx.msk [tilespmem:v7+s24+$0x0], $0xffff;
	_ =	sdelay $0x4  }
0x10f: {  	[tilespmem:s31+$0x1DAE0] =	vst v7  }
0x110: {  	v7 =	vld [tilespmem:$0x770];
	_ =	sdelay $0x4  }
0x111: {  	v17 =	vshll.u32 v7, $0x3  }
0x112: {  	v9 =	vand.u32 $0xFFFFFC00, v17  }
0x113: {  	v7 =	vand.u32 $0x7F, v7;
	v9 =	vadd.s32 v8, v9  }
0x114: {  	v7 =	vor.u32 v7, v9;
	_ =	sdelay $0x4  }
0x115: {  	v7 =	vld.idx.msk [tilespmem:v7+s24+$0x0], $0xffff;
	_ =	sdelay $0x4  }
0x116: {  	[tilespmem:s31+$0x1DAF0] =	vst v7  }
0x117: {  	v7 =	vld [tilespmem:$0xB00];
	_ =	sdelay $0x4  }
0x118: {  	v18 =	vshll.u32 v7, $0x3  }
0x119: {  	v9 =	vand.u32 $0xFFFFFC00, v18  }
0x11a: {  	v7 =	vand.u32 $0x7F, v7;
	v9 =	vadd.s32 v8, v9  }
0x11b: {  	v7 =	vor.u32 v7, v9;
	_ =	sdelay $0x4  }
0x11c: {  	v7 =	vld.idx.msk [tilespmem:v7+s24+$0x0], $0xffff;
	_ =	sdelay $0x4  }
0x11d: {  	[tilespmem:s31+$0x1DE80] =	vst v7  }
0x11e: {  	v7 =	vld [tilespmem:$0xB10];
	_ =	sdelay $0x4  }
0x11f: {  	v19 =	vshll.u32 v7, $0x3  }
0x120: {  	v9 =	vand.u32 $0xFFFFFC00, v19  }
0x121: {  	v7 =	vand.u32 $0x7F, v7;
	v9 =	vadd.s32 v8, v9  }
0x122: {  	v7 =	vor.u32 v7, v9;
	_ =	sdelay $0x4  }
0x123: {  	v7 =	vld.idx.msk [tilespmem:v7+s24+$0x0], $0xffff;
	_ =	sdelay $0x4  }
0x124: {  	[tilespmem:s31+$0x1DE90] =	vst v7  }
0x125: {  	v7 =	vld [tilespmem:$0xB20];
	_ =	sdelay $0x4  }
0x126: {  	v20 =	vshll.u32 v7, $0x3  }
0x127: {  	v9 =	vand.u32 $0xFFFFFC00, v20  }
0x128: {  	v7 =	vand.u32 $0x7F, v7;
	v9 =	vadd.s32 v8, v9  }
0x129: {  	v7 =	vor.u32 v7, v9;
	_ =	sdelay $0x4  }
0x12a: {  	v7 =	vld.idx.msk [tilespmem:v7+s24+$0x0], $0xffff;
	_ =	sdelay $0x4  }
0x12b: {  	[tilespmem:s31+$0x1DEA0] =	vst v7  }
0x12c: {  	v7 =	vld [tilespmem:$0xB30];
	_ =	sdelay $0x4  }
0x12d: {  	v21 =	vshll.u32 v7, $0x3  }
0x12e: {  	v9 =	vand.u32 $0xFFFFFC00, v21  }
0x12f: {  	v7 =	vand.u32 $0x7F, v7;
	v9 =	vadd.s32 v8, v9  }
0x130: {  	v7 =	vor.u32 v7, v9;
	_ =	sdelay $0x4  }
0x131: {  	v7 =	vld.idx.msk [tilespmem:v7+s24+$0x0], $0xffff;
	_ =	sdelay $0x4  }
0x132: {  	[tilespmem:s31+$0x1DEB0] =	vst v7  }
0x133: {  	v7 =	vld [tilespmem:$0xB34];
	_ =	sdelay $0x4  }
0x134: {  	v22 =	vshll.u32 v7, $0x3  }
0x135: {  	v9 =	vand.u32 $0xFFFFFC00, v22  }
0x136: {  	v7 =	vand.u32 $0x7F, v7;
	v8 =	vadd.s32 v8, v9  }
0x137: {  	v7 =	vor.u32 v7, v8;
	_ =	sdelay $0x4  }
0x138: {  	v7 =	vld.idx.msk [tilespmem:v7+s24+$0x0], $0xffff;
	_ =	sdelay $0x4  }
0x139: {  	[tilespmem:s31+$0x1DEB4] =	vst v7  }
0x13a: {  	v7 =	vld [tilespmem:$0x780];
	_ =	sdelay $0x3  }
0x13b: {  	v6 =	vbroadcast v6, $0x0;
	v23 =	vbroadcast v5, $0x1  }
0x13c: {  	v24 =	vshll.u32 v7, $0x3  }
0x13d: {  	v8 =	vadd.s32 v6, v23;
	v9 =	vand.u32 $0xFFFFFC00, v24  }
0x13e: {  	v7 =	vand.u32 $0x7F, v7;
	v9 =	vadd.s32 v8, v9  }
0x13f: {  	v7 =	vor.u32 v7, v9  }
0x140: {  	v7 =	vor.u32 $0x80, v7;
	_ =	sdelay $0x4  }
0x141: {  	v7 =	vld.idx.msk [tilespmem:v7+s24+$0x0], $0xffff;
	_ =	sdelay $0x4  }
0x142: {  	[tilespmem:s31+$0x1DB00] =	vst v7  }
0x143: {  	v7 =	vld [tilespmem:$0x790];
	_ =	sdelay $0x4  }
0x144: {  	v25 =	vshll.u32 v7, $0x3  }
0x145: {  	v9 =	vand.u32 $0xFFFFFC00, v25  }
0x146: {  	v7 =	vand.u32 $0x7F, v7;
	v9 =	vadd.s32 v8, v9  }
0x147: {  	v7 =	vor.u32 v7, v9  }
0x148: {  	v7 =	vor.u32 $0x80, v7;
	_ =	sdelay $0x4  }
0x149: {  	v7 =	vld.idx.msk [tilespmem:v7+s24+$0x0], $0xffff;
	_ =	sdelay $0x4  }
0x14a: {  	[tilespmem:s31+$0x1DB10] =	vst v7  }
0x14b: {  	v7 =	vld [tilespmem:$0x7A0];
	_ =	sdelay $0x4  }
0x14c: {  	v26 =	vshll.u32 v7, $0x3  }
0x14d: {  	v9 =	vand.u32 $0xFFFFFC00, v26  }
0x14e: {  	v7 =	vand.u32 $0x7F, v7;
	v9 =	vadd.s32 v8, v9  }
0x14f: {  	v7 =	vor.u32 v7, v9  }
0x150: {  	v7 =	vor.u32 $0x80, v7;
	_ =	sdelay $0x4  }
0x151: {  	v7 =	vld.idx.msk [tilespmem:v7+s24+$0x0], $0xffff;
	_ =	sdelay $0x4  }
0x152: {  	[tilespmem:s31+$0x1DB20] =	vst v7  }
0x153: {  	v7 =	vld [tilespmem:$0x7B0];
	_ =	sdelay $0x4  }
0x154: {  	v27 =	vshll.u32 v7, $0x3  }
0x155: {  	v9 =	vand.u32 $0xFFFFFC00, v27  }
0x156: {  	v7 =	vand.u32 $0x7F, v7;
	v9 =	vadd.s32 v8, v9  }
0x157: {  	v7 =	vor.u32 v7, v9  }
0x158: {  	v7 =	vor.u32 $0x80, v7;
	_ =	sdelay $0x4  }
0x159: {  	v7 =	vld.idx.msk [tilespmem:v7+s24+$0x0], $0xffff;
	_ =	sdelay $0x4  }
0x15a: {  	[tilespmem:s31+$0x1DB30] =	vst v7  }
0x15b: {  	v7 =	vld [tilespmem:$0x7C0];
	_ =	sdelay $0x4  }
0x15c: {  	v28 =	vshll.u32 v7, $0x3  }
0x15d: {  	v9 =	vand.u32 $0xFFFFFC00, v28  }
0x15e: {  	v7 =	vand.u32 $0x7F, v7;
	v9 =	vadd.s32 v8, v9  }
0x15f: {  	v7 =	vor.u32 v7, v9  }
0x160: {  	v7 =	vor.u32 $0x80, v7;
	_ =	sdelay $0x4  }
0x161: {  	v7 =	vld.idx.msk [tilespmem:v7+s24+$0x0], $0xffff;
	_ =	sdelay $0x4  }
0x162: {  	[tilespmem:s31+$0x1DB40] =	vst v7  }
0x163: {  	v7 =	vld [tilespmem:$0x7D0];
	_ =	sdelay $0x4  }
0x164: {  	v29 =	vshll.u32 v7, $0x3  }
0x165: {  	v9 =	vand.u32 $0xFFFFFC00, v29  }
0x166: {  	v7 =	vand.u32 $0x7F, v7;
	v9 =	vadd.s32 v8, v9  }
0x167: {  	v7 =	vor.u32 v7, v9  }
0x168: {  	v7 =	vor.u32 $0x80, v7;
	_ =	sdelay $0x4  }
0x169: {  	v7 =	vld.idx.msk [tilespmem:v7+s24+$0x0], $0xffff;
	_ =	sdelay $0x4  }
0x16a: {  	[tilespmem:s31+$0x1DB50] =	vst v7  }
0x16b: {  	v7 =	vld [tilespmem:$0x7E0];
	_ =	sdelay $0x4  }
0x16c: {  	v30 =	vshll.u32 v7, $0x3  }
0x16d: {  	v9 =	vand.u32 $0xFFFFFC00, v30  }
0x16e: {  	v7 =	vand.u32 $0x7F, v7;
	v9 =	vadd.s32 v8, v9  }
0x16f: {  	v7 =	vor.u32 v7, v9  }
0x170: {  	v7 =	vor.u32 $0x80, v7;
	_ =	sdelay $0x4  }
0x171: {  	v7 =	vld.idx.msk [tilespmem:v7+s24+$0x0], $0xffff;
	_ =	sdelay $0x4  }
0x172: {  	[tilespmem:s31+$0x1DB60] =	vst v7  }
0x173: {  	v7 =	vld [tilespmem:$0x7F0];
	_ =	sdelay $0x4  }
0x174: {  	v31 =	vshll.u32 v7, $0x3  }
0x175: {  	v9 =	vand.u32 $0xFFFFFC00, v31  }
0x176: {  	v7 =	vand.u32 $0x7F, v7;
	v9 =	vadd.s32 v8, v9  }
0x177: {  	v7 =	vor.u32 v7, v9  }
0x178: {  	v7 =	vor.u32 $0x80, v7;
	_ =	sdelay $0x4  }
0x179: {  	v7 =	vld.idx.msk [tilespmem:v7+s24+$0x0], $0xffff;
	_ =	sdelay $0x4  }
0x17a: {  	[tilespmem:s31+$0x1DB70] =	vst v7  }
0x17b: {  	v7 =	vld [tilespmem:$0xB80];
	_ =	sdelay $0x4  }
0x17c: {  	v32 =	vshll.u32 v7, $0x3  }
0x17d: {  	v9 =	vand.u32 $0xFFFFFC00, v32  }
0x17e: {  	v7 =	vand.u32 $0x7F, v7;
	v9 =	vadd.s32 v8, v9  }
0x17f: {  	v7 =	vor.u32 v7, v9  }
0x180: {  	v7 =	vor.u32 $0x80, v7;
	_ =	sdelay $0x4  }
0x181: {  	v7 =	vld.idx.msk [tilespmem:v7+s24+$0x0], $0xffff;
	_ =	sdelay $0x4  }
0x182: {  	[tilespmem:s31+$0x1DF00] =	vst v7  }
0x183: {  	v7 =	vld [tilespmem:$0xB90];
	_ =	sdelay $0x4  }
0x184: {  	v33 =	vshll.u32 v7, $0x3  }
0x185: {  	v9 =	vand.u32 $0xFFFFFC00, v33  }
0x186: {  	v7 =	vand.u32 $0x7F, v7;
	v9 =	vadd.s32 v8, v9  }
0x187: {  	v7 =	vor.u32 v7, v9  }
0x188: {  	v7 =	vor.u32 $0x80, v7;
	_ =	sdelay $0x4  }
0x189: {  	v7 =	vld.idx.msk [tilespmem:v7+s24+$0x0], $0xffff;
	_ =	sdelay $0x4  }
0x18a: {  	[tilespmem:s31+$0x1DF10] =	vst v7  }
0x18b: {  	v7 =	vld [tilespmem:$0xBA0];
	_ =	sdelay $0x4  }
0x18c: {  	v34 =	vshll.u32 v7, $0x3  }
0x18d: {  	v9 =	vand.u32 $0xFFFFFC00, v34  }
0x18e: {  	v7 =	vand.u32 $0x7F, v7;
	v9 =	vadd.s32 v8, v9  }
0x18f: {  	v7 =	vor.u32 v7, v9  }
0x190: {  	v7 =	vor.u32 $0x80, v7;
	_ =	sdelay $0x4  }
0x191: {  	v7 =	vld.idx.msk [tilespmem:v7+s24+$0x0], $0xffff;
	_ =	sdelay $0x4  }
0x192: {  	[tilespmem:s31+$0x1DF20] =	vst v7  }
0x193: {  	v7 =	vld [tilespmem:$0xBB0];
	_ =	sdelay $0x4  }
0x194: {  	v35 =	vshll.u32 v7, $0x3  }
0x195: {  	v9 =	vand.u32 $0xFFFFFC00, v35  }
0x196: {  	v7 =	vand.u32 $0x7F, v7;
	v9 =	vadd.s32 v8, v9  }
0x197: {  	v7 =	vor.u32 v7, v9  }
0x198: {  	v7 =	vor.u32 $0x80, v7;
	_ =	sdelay $0x4  }
0x199: {  	v7 =	vld.idx.msk [tilespmem:v7+s24+$0x0], $0xffff;
	_ =	sdelay $0x4  }
0x19a: {  	[tilespmem:s31+$0x1DF30] =	vst v7  }
0x19b: {  	v7 =	vld [tilespmem:$0xBB4];
	_ =	sdelay $0x4  }
0x19c: {  	v36 =	vshll.u32 v7, $0x3  }
0x19d: {  	v9 =	vand.u32 $0xFFFFFC00, v36  }
0x19e: {  	v7 =	vand.u32 $0x7F, v7;
	v8 =	vadd.s32 v8, v9  }
0x19f: {  	v7 =	vor.u32 v7, v8  }
0x1a0: {  	v7 =	vor.u32 $0x80, v7;
	_ =	sdelay $0x4  }
0x1a1: {  	v7 =	vld.idx.msk [tilespmem:v7+s24+$0x0], $0xffff;
	_ =	sdelay $0x4  }
0x1a2: {  	[tilespmem:s31+$0x1DF34] =	vst v7  }
0x1a3: {  	v7 =	vld [tilespmem:$0x800];
	_ =	sdelay $0x3  }
0x1a4: {  	v37 =	vbroadcast v5, $0x2  }
0x1a5: {  	v38 =	vshll.u32 v7, $0x3  }
0x1a6: {  	v8 =	vadd.s32 v6, v37;
	v9 =	vand.u32 $0xFFFFFC00, v38  }
0x1a7: {  	v7 =	vand.u32 $0x7F, v7;
	v9 =	vadd.s32 v8, v9  }
0x1a8: {  	v7 =	vor.u32 v7, v9  }
0x1a9: {  	v7 =	vor.u32 $0x100, v7;
	_ =	sdelay $0x4  }
0x1aa: {  	v7 =	vld.idx.msk [tilespmem:v7+s24+$0x0], $0xffff;
	_ =	sdelay $0x4  }
0x1ab: {  	[tilespmem:s31+$0x1DB80] =	vst v7  }
0x1ac: {  	v7 =	vld [tilespmem:$0x810];
	_ =	sdelay $0x4  }
0x1ad: {  	v39 =	vshll.u32 v7, $0x3  }
0x1ae: {  	v9 =	vand.u32 $0xFFFFFC00, v39  }
0x1af: {  	v7 =	vand.u32 $0x7F, v7;
	v9 =	vadd.s32 v8, v9  }
0x1b0: {  	v7 =	vor.u32 v7, v9  }
0x1b1: {  	v7 =	vor.u32 $0x100, v7;
	_ =	sdelay $0x4  }
0x1b2: {  	v7 =	vld.idx.msk [tilespmem:v7+s24+$0x0], $0xffff;
	_ =	sdelay $0x4  }
0x1b3: {  	[tilespmem:s31+$0x1DB90] =	vst v7  }
0x1b4: {  	v7 =	vld [tilespmem:$0x820];
	_ =	sdelay $0x4  }
0x1b5: {  	v40 =	vshll.u32 v7, $0x3  }
0x1b6: {  	v9 =	vand.u32 $0xFFFFFC00, v40  }
0x1b7: {  	v7 =	vand.u32 $0x7F, v7;
	v9 =	vadd.s32 v8, v9  }
0x1b8: {  	v7 =	vor.u32 v7, v9  }
0x1b9: {  	v7 =	vor.u32 $0x100, v7;
	_ =	sdelay $0x4  }
0x1ba: {  	v7 =	vld.idx.msk [tilespmem:v7+s24+$0x0], $0xffff;
	_ =	sdelay $0x4  }
0x1bb: {  	[tilespmem:s31+$0x1DBA0] =	vst v7  }
0x1bc: {  	v7 =	vld [tilespmem:$0x830];
	_ =	sdelay $0x4  }
0x1bd: {  	v41 =	vshll.u32 v7, $0x3  }
0x1be: {  	v9 =	vand.u32 $0xFFFFFC00, v41  }
0x1bf: {  	v7 =	vand.u32 $0x7F, v7;
	v9 =	vadd.s32 v8, v9  }
0x1c0: {  	v7 =	vor.u32 v7, v9  }
0x1c1: {  	v7 =	vor.u32 $0x100, v7;
	_ =	sdelay $0x4  }
0x1c2: {  	v7 =	vld.idx.msk [tilespmem:v7+s24+$0x0], $0xffff;
	_ =	sdelay $0x4  }
0x1c3: {  	[tilespmem:s31+$0x1DBB0] =	vst v7  }
0x1c4: {  	v7 =	vld [tilespmem:$0x840];
	_ =	sdelay $0x4  }
0x1c5: {  	v42 =	vshll.u32 v7, $0x3  }
0x1c6: {  	v9 =	vand.u32 $0xFFFFFC00, v42  }
0x1c7: {  	v7 =	vand.u32 $0x7F, v7;
	v9 =	vadd.s32 v8, v9  }
0x1c8: {  	v7 =	vor.u32 v7, v9  }
0x1c9: {  	v7 =	vor.u32 $0x100, v7;
	_ =	sdelay $0x4  }
0x1ca: {  	v7 =	vld.idx.msk [tilespmem:v7+s24+$0x0], $0xffff;
	_ =	sdelay $0x4  }
0x1cb: {  	[tilespmem:s31+$0x1DBC0] =	vst v7  }
0x1cc: {  	v7 =	vld [tilespmem:$0x850];
	_ =	sdelay $0x4  }
0x1cd: {  	v43 =	vshll.u32 v7, $0x3  }
0x1ce: {  	v9 =	vand.u32 $0xFFFFFC00, v43  }
0x1cf: {  	v7 =	vand.u32 $0x7F, v7;
	v9 =	vadd.s32 v8, v9  }
0x1d0: {  	v7 =	vor.u32 v7, v9  }
0x1d1: {  	v7 =	vor.u32 $0x100, v7;
	_ =	sdelay $0x4  }
0x1d2: {  	v7 =	vld.idx.msk [tilespmem:v7+s24+$0x0], $0xffff;
	_ =	sdelay $0x4  }
0x1d3: {  	[tilespmem:s31+$0x1DBD0] =	vst v7  }
0x1d4: {  	v7 =	vld [tilespmem:$0x860];
	_ =	sdelay $0x4  }
0x1d5: {  	v44 =	vshll.u32 v7, $0x3  }
0x1d6: {  	v9 =	vand.u32 $0xFFFFFC00, v44  }
0x1d7: {  	v7 =	vand.u32 $0x7F, v7;
	v9 =	vadd.s32 v8, v9  }
0x1d8: {  	v7 =	vor.u32 v7, v9  }
0x1d9: {  	v7 =	vor.u32 $0x100, v7;
	_ =	sdelay $0x4  }
0x1da: {  	v7 =	vld.idx.msk [tilespmem:v7+s24+$0x0], $0xffff;
	_ =	sdelay $0x4  }
0x1db: {  	[tilespmem:s31+$0x1DBE0] =	vst v7  }
0x1dc: {  	v7 =	vld [tilespmem:$0x870];
	_ =	sdelay $0x4  }
0x1dd: {  	v45 =	vshll.u32 v7, $0x3  }
0x1de: {  	v9 =	vand.u32 $0xFFFFFC00, v45  }
0x1df: {  	v7 =	vand.u32 $0x7F, v7;
	v9 =	vadd.s32 v8, v9  }
0x1e0: {  	v7 =	vor.u32 v7, v9  }
0x1e1: {  	v7 =	vor.u32 $0x100, v7;
	_ =	sdelay $0x4  }
0x1e2: {  	v7 =	vld.idx.msk [tilespmem:v7+s24+$0x0], $0xffff;
	_ =	sdelay $0x4  }
0x1e3: {  	[tilespmem:s31+$0x1DBF0] =	vst v7  }
0x1e4: {  	v7 =	vld [tilespmem:$0xC00];
	_ =	sdelay $0x4  }
0x1e5: {  	v46 =	vshll.u32 v7, $0x3  }
0x1e6: {  	v9 =	vand.u32 $0xFFFFFC00, v46  }
0x1e7: {  	v7 =	vand.u32 $0x7F, v7;
	v9 =	vadd.s32 v8, v9  }
0x1e8: {  	v7 =	vor.u32 v7, v9  }
0x1e9: {  	v7 =	vor.u32 $0x100, v7;
	_ =	sdelay $0x4  }
0x1ea: {  	v7 =	vld.idx.msk [tilespmem:v7+s24+$0x0], $0xffff;
	_ =	sdelay $0x4  }
0x1eb: {  	[tilespmem:s31+$0x1DF80] =	vst v7  }
0x1ec: {  	v7 =	vld [tilespmem:$0xC10];
	_ =	sdelay $0x4  }
0x1ed: {  	v47 =	vshll.u32 v7, $0x3  }
0x1ee: {  	v9 =	vand.u32 $0xFFFFFC00, v47  }
0x1ef: {  	v7 =	vand.u32 $0x7F, v7;
	v9 =	vadd.s32 v8, v9  }
0x1f0: {  	v7 =	vor.u32 v7, v9  }
0x1f1: {  	v7 =	vor.u32 $0x100, v7;
	_ =	sdelay $0x4  }
0x1f2: {  	v7 =	vld.idx.msk [tilespmem:v7+s24+$0x0], $0xffff;
	_ =	sdelay $0x4  }
0x1f3: {  	[tilespmem:s31+$0x1DF90] =	vst v7  }
0x1f4: {  	v7 =	vld [tilespmem:$0xC20];
	_ =	sdelay $0x4  }
0x1f5: {  	v48 =	vshll.u32 v7, $0x3  }
0x1f6: {  	v9 =	vand.u32 $0xFFFFFC00, v48  }
0x1f7: {  	v7 =	vand.u32 $0x7F, v7;
	v9 =	vadd.s32 v8, v9  }
0x1f8: {  	v7 =	vor.u32 v7, v9  }
0x1f9: {  	v7 =	vor.u32 $0x100, v7;
	_ =	sdelay $0x4  }
0x1fa: {  	v7 =	vld.idx.msk [tilespmem:v7+s24+$0x0], $0xffff;
	_ =	sdelay $0x4  }
0x1fb: {  	[tilespmem:s31+$0x1DFA0] =	vst v7  }
0x1fc: {  	v7 =	vld [tilespmem:$0xC30];
	_ =	sdelay $0x4  }
0x1fd: {  	v49 =	vshll.u32 v7, $0x3  }
0x1fe: {  	v9 =	vand.u32 $0xFFFFFC00, v49  }
0x1ff: {  	v7 =	vand.u32 $0x7F, v7;
	v9 =	vadd.s32 v8, v9  }
0x200: {  	v7 =	vor.u32 v7, v9  }
0x201: {  	v7 =	vor.u32 $0x100, v7;
	_ =	sdelay $0x4  }
0x202: {  	v7 =	vld.idx.msk [tilespmem:v7+s24+$0x0], $0xffff;
	_ =	sdelay $0x4  }
0x203: {  	[tilespmem:s31+$0x1DFB0] =	vst v7  }
0x204: {  	v7 =	vld [tilespmem:$0xC34];
	_ =	sdelay $0x4  }
0x205: {  	v50 =	vshll.u32 v7, $0x3  }
0x206: {  	v9 =	vand.u32 $0xFFFFFC00, v50  }
0x207: {  	v7 =	vand.u32 $0x7F, v7;
	v8 =	vadd.s32 v8, v9  }
0x208: {  	v7 =	vor.u32 v7, v8  }
0x209: {  	v7 =	vor.u32 $0x100, v7;
	_ =	sdelay $0x4  }
0x20a: {  	v7 =	vld.idx.msk [tilespmem:v7+s24+$0x0], $0xffff;
	_ =	sdelay $0x4  }
0x20b: {  	[tilespmem:s31+$0x1DFB4] =	vst v7  }
0x20c: {  	v7 =	vld [tilespmem:$0x880];
	_ =	sdelay $0x3  }
0x20d: {  	v51 =	vbroadcast v5, $0x3  }
0x20e: {  	v52 =	vshll.u32 v7, $0x3  }
0x20f: {  	v8 =	vadd.s32 v6, v51;
	v9 =	vand.u32 $0xFFFFFC00, v52  }
0x210: {  	v7 =	vand.u32 $0x7F, v7;
	v9 =	vadd.s32 v8, v9  }
0x211: {  	v7 =	vor.u32 v7, v9  }
0x212: {  	v7 =	vor.u32 $0x180, v7;
	_ =	sdelay $0x4  }
0x213: {  	v7 =	vld.idx.msk [tilespmem:v7+s24+$0x0], $0xffff;
	_ =	sdelay $0x4  }
0x214: {  	[tilespmem:s31+$0x1DC00] =	vst v7  }
0x215: {  	v7 =	vld [tilespmem:$0x890];
	_ =	sdelay $0x4  }
0x216: {  	v53 =	vshll.u32 v7, $0x3  }
0x217: {  	v9 =	vand.u32 $0xFFFFFC00, v53  }
0x218: {  	v7 =	vand.u32 $0x7F, v7;
	v9 =	vadd.s32 v8, v9  }
0x219: {  	v7 =	vor.u32 v7, v9  }
0x21a: {  	v7 =	vor.u32 $0x180, v7;
	_ =	sdelay $0x4  }
0x21b: {  	v7 =	vld.idx.msk [tilespmem:v7+s24+$0x0], $0xffff;
	_ =	sdelay $0x4  }
0x21c: {  	[tilespmem:s31+$0x1DC10] =	vst v7  }
0x21d: {  	v7 =	vld [tilespmem:$0x8A0];
	_ =	sdelay $0x4  }
0x21e: {  	v54 =	vshll.u32 v7, $0x3  }
0x21f: {  	v9 =	vand.u32 $0xFFFFFC00, v54  }
0x220: {  	v7 =	vand.u32 $0x7F, v7;
	v9 =	vadd.s32 v8, v9  }
0x221: {  	v7 =	vor.u32 v7, v9  }
0x222: {  	v7 =	vor.u32 $0x180, v7;
	_ =	sdelay $0x4  }
0x223: {  	v7 =	vld.idx.msk [tilespmem:v7+s24+$0x0], $0xffff;
	_ =	sdelay $0x4  }
0x224: {  	[tilespmem:s31+$0x1DC20] =	vst v7  }
0x225: {  	v7 =	vld [tilespmem:$0x8B0];
	_ =	sdelay $0x4  }
0x226: {  	v55 =	vshll.u32 v7, $0x3  }
0x227: {  	v9 =	vand.u32 $0xFFFFFC00, v55  }
0x228: {  	v7 =	vand.u32 $0x7F, v7;
	v9 =	vadd.s32 v8, v9  }
0x229: {  	v7 =	vor.u32 v7, v9  }
0x22a: {  	v7 =	vor.u32 $0x180, v7;
	_ =	sdelay $0x4  }
0x22b: {  	v7 =	vld.idx.msk [tilespmem:v7+s24+$0x0], $0xffff;
	_ =	sdelay $0x4  }
0x22c: {  	[tilespmem:s31+$0x1DC30] =	vst v7  }
0x22d: {  	v7 =	vld [tilespmem:$0x8C0];
	_ =	sdelay $0x4  }
0x22e: {  	v56 =	vshll.u32 v7, $0x3  }
0x22f: {  	v9 =	vand.u32 $0xFFFFFC00, v56  }
0x230: {  	v7 =	vand.u32 $0x7F, v7;
	v9 =	vadd.s32 v8, v9  }
0x231: {  	v7 =	vor.u32 v7, v9  }
0x232: {  	v7 =	vor.u32 $0x180, v7;
	_ =	sdelay $0x4  }
0x233: {  	v7 =	vld.idx.msk [tilespmem:v7+s24+$0x0], $0xffff;
	_ =	sdelay $0x4  }
0x234: {  	[tilespmem:s31+$0x1DC40] =	vst v7  }
0x235: {  	v7 =	vld [tilespmem:$0x8D0];
	_ =	sdelay $0x4  }
0x236: {  	v57 =	vshll.u32 v7, $0x3  }
0x237: {  	v9 =	vand.u32 $0xFFFFFC00, v57  }
0x238: {  	v7 =	vand.u32 $0x7F, v7;
	v9 =	vadd.s32 v8, v9  }
0x239: {  	v7 =	vor.u32 v7, v9  }
0x23a: {  	v7 =	vor.u32 $0x180, v7;
	_ =	sdelay $0x4  }
0x23b: {  	v7 =	vld.idx.msk [tilespmem:v7+s24+$0x0], $0xffff;
	_ =	sdelay $0x4  }
0x23c: {  	[tilespmem:s31+$0x1DC50] =	vst v7  }
0x23d: {  	v7 =	vld [tilespmem:$0x8E0];
	_ =	sdelay $0x4  }
0x23e: {  	v58 =	vshll.u32 v7, $0x3  }
0x23f: {  	v9 =	vand.u32 $0xFFFFFC00, v58  }
0x240: {  	v7 =	vand.u32 $0x7F, v7;
	v9 =	vadd.s32 v8, v9  }
0x241: {  	v7 =	vor.u32 v7, v9  }
0x242: {  	v7 =	vor.u32 $0x180, v7;
	_ =	sdelay $0x4  }
0x243: {  	v7 =	vld.idx.msk [tilespmem:v7+s24+$0x0], $0xffff;
	_ =	sdelay $0x4  }
0x244: {  	[tilespmem:s31+$0x1DC60] =	vst v7  }
0x245: {  	v7 =	vld [tilespmem:$0x8F0];
	_ =	sdelay $0x4  }
0x246: {  	v59 =	vshll.u32 v7, $0x3  }
0x247: {  	v9 =	vand.u32 $0xFFFFFC00, v59  }
0x248: {  	v7 =	vand.u32 $0x7F, v7;
	v9 =	vadd.s32 v8, v9  }
0x249: {  	v7 =	vor.u32 v7, v9  }
0x24a: {  	v7 =	vor.u32 $0x180, v7;
	_ =	sdelay $0x4  }
0x24b: {  	v7 =	vld.idx.msk [tilespmem:v7+s24+$0x0], $0xffff;
	_ =	sdelay $0x4  }
0x24c: {  	[tilespmem:s31+$0x1DC70] =	vst v7  }
0x24d: {  	v7 =	vld [tilespmem:$0xC80];
	_ =	sdelay $0x4  }
0x24e: {  	v60 =	vshll.u32 v7, $0x3  }
0x24f: {  	v9 =	vand.u32 $0xFFFFFC00, v60  }
0x250: {  	v7 =	vand.u32 $0x7F, v7;
	v9 =	vadd.s32 v8, v9  }
0x251: {  	v7 =	vor.u32 v7, v9  }
0x252: {  	v7 =	vor.u32 $0x180, v7;
	_ =	sdelay $0x4  }
0x253: {  	v7 =	vld.idx.msk [tilespmem:v7+s24+$0x0], $0xffff;
	_ =	sdelay $0x4  }
0x254: {  	[tilespmem:s31+$0x1E000] =	vst v7  }
0x255: {  	v7 =	vld [tilespmem:$0xC90];
	_ =	sdelay $0x4  }
0x256: {  	v61 =	vshll.u32 v7, $0x3  }
0x257: {  	v9 =	vand.u32 $0xFFFFFC00, v61  }
0x258: {  	v7 =	vand.u32 $0x7F, v7;
	v9 =	vadd.s32 v8, v9  }
0x259: {  	v7 =	vor.u32 v7, v9  }
0x25a: {  	v7 =	vor.u32 $0x180, v7;
	_ =	sdelay $0x4  }
0x25b: {  	v7 =	vld.idx.msk [tilespmem:v7+s24+$0x0], $0xffff;
	_ =	sdelay $0x4  }
0x25c: {  	[tilespmem:s31+$0x1E010] =	vst v7  }
0x25d: {  	v7 =	vld [tilespmem:$0xCA0];
	_ =	sdelay $0x4  }
0x25e: {  	v62 =	vshll.u32 v7, $0x3  }
0x25f: {  	v9 =	vand.u32 $0xFFFFFC00, v62  }
0x260: {  	v7 =	vand.u32 $0x7F, v7;
	v9 =	vadd.s32 v8, v9  }
0x261: {  	v7 =	vor.u32 v7, v9  }
0x262: {  	v7 =	vor.u32 $0x180, v7;
	_ =	sdelay $0x4  }
0x263: {  	v7 =	vld.idx.msk [tilespmem:v7+s24+$0x0], $0xffff;
	_ =	sdelay $0x4  }
0x264: {  	[tilespmem:s31+$0x1E020] =	vst v7  }
0x265: {  	v7 =	vld [tilespmem:$0xCB0];
	_ =	sdelay $0x4  }
0x266: {  	v63 =	vshll.u32 v7, $0x3  }
0x267: {  	v9 =	vand.u32 $0xFFFFFC00, v63  }
0x268: {  	v7 =	vand.u32 $0x7F, v7;
	v9 =	vadd.s32 v8, v9  }
0x269: {  	v7 =	vor.u32 v7, v9  }
0x26a: {  	v7 =	vor.u32 $0x180, v7;
	_ =	sdelay $0x4  }
0x26b: {  	v7 =	vld.idx.msk [tilespmem:v7+s24+$0x0], $0xffff;
	_ =	sdelay $0x4  }
0x26c: {  	[tilespmem:s31+$0x1E030] =	vst v7  }
0x26d: {  	v7 =	vld [tilespmem:$0xCB4];
	_ =	sdelay $0x4  }
0x26e: {  	v12 =	vshll.u32 v7, $0x3  }
0x26f: {  	v9 =	vand.u32 $0xFFFFFC00, v12  }
0x270: {  	v7 =	vand.u32 $0x7F, v7;
	v8 =	vadd.s32 v8, v9  }
0x271: {  	v7 =	vor.u32 v7, v8  }
0x272: {  	v7 =	vor.u32 $0x180, v7;
	_ =	sdelay $0x4  }
0x273: {  	v7 =	vld.idx.msk [tilespmem:v7+s24+$0x0], $0xffff;
	_ =	sdelay $0x4  }
0x274: {  	[tilespmem:s31+$0x1E034] =	vst v7  }
0x275: {  	v7 =	vld [tilespmem:$0x900];
	_ =	sdelay $0x3  }
0x276: {  	v13 =	vbroadcast v5, $0x4  }
0x277: {  	v14 =	vshll.u32 v7, $0x3  }
0x278: {  	v8 =	vadd.s32 v6, v13;
	v9 =	vand.u32 $0xFFFFFC00, v14  }
0x279: {  	v7 =	vand.u32 $0x7F, v7;
	v9 =	vadd.s32 v8, v9  }
0x27a: {  	v7 =	vor.u32 v7, v9  }
0x27b: {  	v7 =	vor.u32 $0x200, v7;
	_ =	sdelay $0x4  }
0x27c: {  	v7 =	vld.idx.msk [tilespmem:v7+s24+$0x0], $0xffff;
	_ =	sdelay $0x4  }
0x27d: {  	[tilespmem:s31+$0x1DC80] =	vst v7  }
0x27e: {  	v7 =	vld [tilespmem:$0x910];
	_ =	sdelay $0x4  }
0x27f: {  	v15 =	vshll.u32 v7, $0x3  }
0x280: {  	v9 =	vand.u32 $0xFFFFFC00, v15  }
0x281: {  	v7 =	vand.u32 $0x7F, v7;
	v9 =	vadd.s32 v8, v9  }
0x282: {  	v7 =	vor.u32 v7, v9  }
0x283: {  	v7 =	vor.u32 $0x200, v7;
	_ =	sdelay $0x4  }
0x284: {  	v7 =	vld.idx.msk [tilespmem:v7+s24+$0x0], $0xffff;
	_ =	sdelay $0x4  }
0x285: {  	[tilespmem:s31+$0x1DC90] =	vst v7  }
0x286: {  	v7 =	vld [tilespmem:$0x920];
	_ =	sdelay $0x4  }
0x287: {  	v16 =	vshll.u32 v7, $0x3  }
0x288: {  	v9 =	vand.u32 $0xFFFFFC00, v16  }
0x289: {  	v7 =	vand.u32 $0x7F, v7;
	v9 =	vadd.s32 v8, v9  }
0x28a: {  	v7 =	vor.u32 v7, v9  }
0x28b: {  	v7 =	vor.u32 $0x200, v7;
	_ =	sdelay $0x4  }
0x28c: {  	v7 =	vld.idx.msk [tilespmem:v7+s24+$0x0], $0xffff;
	_ =	sdelay $0x4  }
0x28d: {  	[tilespmem:s31+$0x1DCA0] =	vst v7  }
0x28e: {  	v7 =	vld [tilespmem:$0x930];
	_ =	sdelay $0x4  }
0x28f: {  	v17 =	vshll.u32 v7, $0x3  }
0x290: {  	v9 =	vand.u32 $0xFFFFFC00, v17  }
0x291: {  	v7 =	vand.u32 $0x7F, v7;
	v9 =	vadd.s32 v8, v9  }
0x292: {  	v7 =	vor.u32 v7, v9  }
0x293: {  	v7 =	vor.u32 $0x200, v7;
	_ =	sdelay $0x4  }
0x294: {  	v7 =	vld.idx.msk [tilespmem:v7+s24+$0x0], $0xffff;
	_ =	sdelay $0x4  }
0x295: {  	[tilespmem:s31+$0x1DCB0] =	vst v7  }
0x296: {  	v7 =	vld [tilespmem:$0x940];
	_ =	sdelay $0x4  }
0x297: {  	v18 =	vshll.u32 v7, $0x3  }
0x298: {  	v9 =	vand.u32 $0xFFFFFC00, v18  }
0x299: {  	v7 =	vand.u32 $0x7F, v7;
	v9 =	vadd.s32 v8, v9  }
0x29a: {  	v7 =	vor.u32 v7, v9  }
0x29b: {  	v7 =	vor.u32 $0x200, v7;
	_ =	sdelay $0x4  }
0x29c: {  	v7 =	vld.idx.msk [tilespmem:v7+s24+$0x0], $0xffff;
	_ =	sdelay $0x4  }
0x29d: {  	[tilespmem:s31+$0x1DCC0] =	vst v7  }
0x29e: {  	v7 =	vld [tilespmem:$0x950];
	_ =	sdelay $0x4  }
0x29f: {  	v19 =	vshll.u32 v7, $0x3  }
0x2a0: {  	v9 =	vand.u32 $0xFFFFFC00, v19  }
0x2a1: {  	v7 =	vand.u32 $0x7F, v7;
	v9 =	vadd.s32 v8, v9  }
0x2a2: {  	v7 =	vor.u32 v7, v9  }
0x2a3: {  	v7 =	vor.u32 $0x200, v7;
	_ =	sdelay $0x4  }
0x2a4: {  	v7 =	vld.idx.msk [tilespmem:v7+s24+$0x0], $0xffff;
	_ =	sdelay $0x4  }
0x2a5: {  	[tilespmem:s31+$0x1DCD0] =	vst v7  }
0x2a6: {  	v7 =	vld [tilespmem:$0x960];
	_ =	sdelay $0x4  }
0x2a7: {  	v20 =	vshll.u32 v7, $0x3  }
0x2a8: {  	v9 =	vand.u32 $0xFFFFFC00, v20  }
0x2a9: {  	v7 =	vand.u32 $0x7F, v7;
	v9 =	vadd.s32 v8, v9  }
0x2aa: {  	v7 =	vor.u32 v7, v9  }
0x2ab: {  	v7 =	vor.u32 $0x200, v7;
	_ =	sdelay $0x4  }
0x2ac: {  	v7 =	vld.idx.msk [tilespmem:v7+s24+$0x0], $0xffff;
	_ =	sdelay $0x4  }
0x2ad: {  	[tilespmem:s31+$0x1DCE0] =	vst v7  }
0x2ae: {  	v7 =	vld [tilespmem:$0x970];
	_ =	sdelay $0x4  }
0x2af: {  	v21 =	vshll.u32 v7, $0x3  }
0x2b0: {  	v9 =	vand.u32 $0xFFFFFC00, v21  }
0x2b1: {  	v7 =	vand.u32 $0x7F, v7;
	v9 =	vadd.s32 v8, v9  }
0x2b2: {  	v7 =	vor.u32 v7, v9  }
0x2b3: {  	v7 =	vor.u32 $0x200, v7;
	_ =	sdelay $0x4  }
0x2b4: {  	v7 =	vld.idx.msk [tilespmem:v7+s24+$0x0], $0xffff;
	_ =	sdelay $0x4  }
0x2b5: {  	[tilespmem:s31+$0x1DCF0] =	vst v7  }
0x2b6: {  	v7 =	vld [tilespmem:$0xD00];
	_ =	sdelay $0x4  }
0x2b7: {  	v22 =	vshll.u32 v7, $0x3  }
0x2b8: {  	v9 =	vand.u32 $0xFFFFFC00, v22  }
0x2b9: {  	v7 =	vand.u32 $0x7F, v7;
	v9 =	vadd.s32 v8, v9  }
0x2ba: {  	v7 =	vor.u32 v7, v9  }
0x2bb: {  	v7 =	vor.u32 $0x200, v7;
	_ =	sdelay $0x4  }
0x2bc: {  	v7 =	vld.idx.msk [tilespmem:v7+s24+$0x0], $0xffff;
	_ =	sdelay $0x4  }
0x2bd: {  	[tilespmem:s31+$0x1E080] =	vst v7  }
0x2be: {  	v7 =	vld [tilespmem:$0xD10];
	_ =	sdelay $0x4  }
0x2bf: {  	v23 =	vshll.u32 v7, $0x3  }
0x2c0: {  	v9 =	vand.u32 $0xFFFFFC00, v23  }
0x2c1: {  	v7 =	vand.u32 $0x7F, v7;
	v9 =	vadd.s32 v8, v9  }
0x2c2: {  	v7 =	vor.u32 v7, v9  }
0x2c3: {  	v7 =	vor.u32 $0x200, v7;
	_ =	sdelay $0x4  }
0x2c4: {  	v7 =	vld.idx.msk [tilespmem:v7+s24+$0x0], $0xffff;
	_ =	sdelay $0x4  }
0x2c5: {  	[tilespmem:s31+$0x1E090] =	vst v7  }
0x2c6: {  	v7 =	vld [tilespmem:$0xD20];
	_ =	sdelay $0x4  }
0x2c7: {  	v24 =	vshll.u32 v7, $0x3  }
0x2c8: {  	v9 =	vand.u32 $0xFFFFFC00, v24  }
0x2c9: {  	v7 =	vand.u32 $0x7F, v7;
	v9 =	vadd.s32 v8, v9  }
0x2ca: {  	v7 =	vor.u32 v7, v9  }
0x2cb: {  	v7 =	vor.u32 $0x200, v7;
	_ =	sdelay $0x4  }
0x2cc: {  	v7 =	vld.idx.msk [tilespmem:v7+s24+$0x0], $0xffff;
	_ =	sdelay $0x4  }
0x2cd: {  	[tilespmem:s31+$0x1E0A0] =	vst v7  }
0x2ce: {  	v7 =	vld [tilespmem:$0xD30];
	_ =	sdelay $0x4  }
0x2cf: {  	v25 =	vshll.u32 v7, $0x3  }
0x2d0: {  	v9 =	vand.u32 $0xFFFFFC00, v25  }
0x2d1: {  	v7 =	vand.u32 $0x7F, v7;
	v9 =	vadd.s32 v8, v9  }
0x2d2: {  	v7 =	vor.u32 v7, v9  }
0x2d3: {  	v7 =	vor.u32 $0x200, v7;
	_ =	sdelay $0x4  }
0x2d4: {  	v7 =	vld.idx.msk [tilespmem:v7+s24+$0x0], $0xffff;
	_ =	sdelay $0x4  }
0x2d5: {  	[tilespmem:s31+$0x1E0B0] =	vst v7  }
0x2d6: {  	v7 =	vld [tilespmem:$0xD34];
	_ =	sdelay $0x4  }
0x2d7: {  	v26 =	vshll.u32 v7, $0x3  }
0x2d8: {  	v9 =	vand.u32 $0xFFFFFC00, v26  }
0x2d9: {  	v7 =	vand.u32 $0x7F, v7;
	v8 =	vadd.s32 v8, v9  }
0x2da: {  	v7 =	vor.u32 v7, v8  }
0x2db: {  	v7 =	vor.u32 $0x200, v7;
	_ =	sdelay $0x4  }
0x2dc: {  	v7 =	vld.idx.msk [tilespmem:v7+s24+$0x0], $0xffff;
	_ =	sdelay $0x4  }
0x2dd: {  	[tilespmem:s31+$0x1E0B4] =	vst v7  }
0x2de: {  	v7 =	vld [tilespmem:$0x980];
	_ =	sdelay $0x3  }
0x2df: {  	v27 =	vbroadcast v5, $0x5  }
0x2e0: {  	v28 =	vshll.u32 v7, $0x3  }
0x2e1: {  	v8 =	vadd.s32 v6, v27;
	v9 =	vand.u32 $0xFFFFFC00, v28  }
0x2e2: {  	v7 =	vand.u32 $0x7F, v7;
	v9 =	vadd.s32 v8, v9  }
0x2e3: {  	v7 =	vor.u32 v7, v9  }
0x2e4: {  	v7 =	vor.u32 $0x280, v7;
	_ =	sdelay $0x4  }
0x2e5: {  	v7 =	vld.idx.msk [tilespmem:v7+s24+$0x0], $0xffff;
	_ =	sdelay $0x4  }
0x2e6: {  	[tilespmem:s31+$0x1DD00] =	vst v7  }
0x2e7: {  	v7 =	vld [tilespmem:$0x990];
	_ =	sdelay $0x4  }
0x2e8: {  	v29 =	vshll.u32 v7, $0x3  }
0x2e9: {  	v9 =	vand.u32 $0xFFFFFC00, v29  }
0x2ea: {  	v7 =	vand.u32 $0x7F, v7;
	v9 =	vadd.s32 v8, v9  }
0x2eb: {  	v7 =	vor.u32 v7, v9  }
0x2ec: {  	v7 =	vor.u32 $0x280, v7;
	_ =	sdelay $0x4  }
0x2ed: {  	v7 =	vld.idx.msk [tilespmem:v7+s24+$0x0], $0xffff;
	_ =	sdelay $0x4  }
0x2ee: {  	[tilespmem:s31+$0x1DD10] =	vst v7  }
0x2ef: {  	v7 =	vld [tilespmem:$0x9A0];
	_ =	sdelay $0x4  }
0x2f0: {  	v30 =	vshll.u32 v7, $0x3  }
0x2f1: {  	v9 =	vand.u32 $0xFFFFFC00, v30  }
0x2f2: {  	v7 =	vand.u32 $0x7F, v7;
	v9 =	vadd.s32 v8, v9  }
0x2f3: {  	v7 =	vor.u32 v7, v9  }
0x2f4: {  	v7 =	vor.u32 $0x280, v7;
	_ =	sdelay $0x4  }
0x2f5: {  	v7 =	vld.idx.msk [tilespmem:v7+s24+$0x0], $0xffff;
	_ =	sdelay $0x4  }
0x2f6: {  	[tilespmem:s31+$0x1DD20] =	vst v7  }
0x2f7: {  	v7 =	vld [tilespmem:$0x9B0];
	_ =	sdelay $0x4  }
0x2f8: {  	v31 =	vshll.u32 v7, $0x3  }
0x2f9: {  	v9 =	vand.u32 $0xFFFFFC00, v31  }
0x2fa: {  	v7 =	vand.u32 $0x7F, v7;
	v9 =	vadd.s32 v8, v9  }
0x2fb: {  	v7 =	vor.u32 v7, v9  }
0x2fc: {  	v7 =	vor.u32 $0x280, v7;
	_ =	sdelay $0x4  }
0x2fd: {  	v7 =	vld.idx.msk [tilespmem:v7+s24+$0x0], $0xffff;
	_ =	sdelay $0x4  }
0x2fe: {  	[tilespmem:s31+$0x1DD30] =	vst v7  }
0x2ff: {  	v7 =	vld [tilespmem:$0x9C0];
	_ =	sdelay $0x4  }
0x300: {  	v32 =	vshll.u32 v7, $0x3  }
0x301: {  	v9 =	vand.u32 $0xFFFFFC00, v32  }
0x302: {  	v7 =	vand.u32 $0x7F, v7;
	v9 =	vadd.s32 v8, v9  }
0x303: {  	v7 =	vor.u32 v7, v9  }
0x304: {  	v7 =	vor.u32 $0x280, v7;
	_ =	sdelay $0x4  }
0x305: {  	v7 =	vld.idx.msk [tilespmem:v7+s24+$0x0], $0xffff;
	_ =	sdelay $0x4  }
0x306: {  	[tilespmem:s31+$0x1DD40] =	vst v7  }
0x307: {  	v7 =	vld [tilespmem:$0x9D0];
	_ =	sdelay $0x4  }
0x308: {  	v33 =	vshll.u32 v7, $0x3  }
0x309: {  	v9 =	vand.u32 $0xFFFFFC00, v33  }
0x30a: {  	v7 =	vand.u32 $0x7F, v7;
	v9 =	vadd.s32 v8, v9  }
0x30b: {  	v7 =	vor.u32 v7, v9  }
0x30c: {  	v7 =	vor.u32 $0x280, v7;
	_ =	sdelay $0x4  }
0x30d: {  	v7 =	vld.idx.msk [tilespmem:v7+s24+$0x0], $0xffff;
	_ =	sdelay $0x4  }
0x30e: {  	[tilespmem:s31+$0x1DD50] =	vst v7  }
0x30f: {  	v7 =	vld [tilespmem:$0x9E0];
	_ =	sdelay $0x4  }
0x310: {  	v34 =	vshll.u32 v7, $0x3  }
0x311: {  	v9 =	vand.u32 $0xFFFFFC00, v34  }
0x312: {  	v7 =	vand.u32 $0x7F, v7;
	v9 =	vadd.s32 v8, v9  }
0x313: {  	v7 =	vor.u32 v7, v9  }
0x314: {  	v7 =	vor.u32 $0x280, v7;
	_ =	sdelay $0x4  }
0x315: {  	v7 =	vld.idx.msk [tilespmem:v7+s24+$0x0], $0xffff;
	_ =	sdelay $0x4  }
0x316: {  	[tilespmem:s31+$0x1DD60] =	vst v7  }
0x317: {  	v7 =	vld [tilespmem:$0x9F0];
	_ =	sdelay $0x4  }
0x318: {  	v35 =	vshll.u32 v7, $0x3  }
0x319: {  	v9 =	vand.u32 $0xFFFFFC00, v35  }
0x31a: {  	v7 =	vand.u32 $0x7F, v7;
	v9 =	vadd.s32 v8, v9  }
0x31b: {  	v7 =	vor.u32 v7, v9  }
0x31c: {  	v7 =	vor.u32 $0x280, v7;
	_ =	sdelay $0x4  }
0x31d: {  	v7 =	vld.idx.msk [tilespmem:v7+s24+$0x0], $0xffff;
	_ =	sdelay $0x4  }
0x31e: {  	[tilespmem:s31+$0x1DD70] =	vst v7  }
0x31f: {  	v7 =	vld [tilespmem:$0xD80];
	_ =	sdelay $0x4  }
0x320: {  	v36 =	vshll.u32 v7, $0x3  }
0x321: {  	v9 =	vand.u32 $0xFFFFFC00, v36  }
0x322: {  	v7 =	vand.u32 $0x7F, v7;
	v9 =	vadd.s32 v8, v9  }
0x323: {  	v7 =	vor.u32 v7, v9  }
0x324: {  	v7 =	vor.u32 $0x280, v7;
	_ =	sdelay $0x4  }
0x325: {  	v7 =	vld.idx.msk [tilespmem:v7+s24+$0x0], $0xffff;
	_ =	sdelay $0x4  }
0x326: {  	[tilespmem:s31+$0x1E100] =	vst v7  }
0x327: {  	v7 =	vld [tilespmem:$0xD90];
	_ =	sdelay $0x4  }
0x328: {  	v37 =	vshll.u32 v7, $0x3  }
0x329: {  	v9 =	vand.u32 $0xFFFFFC00, v37  }
0x32a: {  	v7 =	vand.u32 $0x7F, v7;
	v9 =	vadd.s32 v8, v9  }
0x32b: {  	v7 =	vor.u32 v7, v9  }
0x32c: {  	v7 =	vor.u32 $0x280, v7;
	_ =	sdelay $0x4  }
0x32d: {  	v7 =	vld.idx.msk [tilespmem:v7+s24+$0x0], $0xffff;
	_ =	sdelay $0x4  }
0x32e: {  	[tilespmem:s31+$0x1E110] =	vst v7  }
0x32f: {  	v7 =	vld [tilespmem:$0xDA0];
	_ =	sdelay $0x4  }
0x330: {  	v38 =	vshll.u32 v7, $0x3  }
0x331: {  	v9 =	vand.u32 $0xFFFFFC00, v38  }
0x332: {  	v7 =	vand.u32 $0x7F, v7;
	v9 =	vadd.s32 v8, v9  }
0x333: {  	v7 =	vor.u32 v7, v9  }
0x334: {  	v7 =	vor.u32 $0x280, v7;
	_ =	sdelay $0x4  }
0x335: {  	v7 =	vld.idx.msk [tilespmem:v7+s24+$0x0], $0xffff;
	_ =	sdelay $0x4  }
0x336: {  	[tilespmem:s31+$0x1E120] =	vst v7  }
0x337: {  	v7 =	vld [tilespmem:$0xDB0];
	_ =	sdelay $0x4  }
0x338: {  	v39 =	vshll.u32 v7, $0x3  }
0x339: {  	v9 =	vand.u32 $0xFFFFFC00, v39  }
0x33a: {  	v7 =	vand.u32 $0x7F, v7;
	v9 =	vadd.s32 v8, v9  }
0x33b: {  	v7 =	vor.u32 v7, v9  }
0x33c: {  	v7 =	vor.u32 $0x280, v7;
	_ =	sdelay $0x4  }
0x33d: {  	v7 =	vld.idx.msk [tilespmem:v7+s24+$0x0], $0xffff;
	_ =	sdelay $0x4  }
0x33e: {  	[tilespmem:s31+$0x1E130] =	vst v7  }
0x33f: {  	v7 =	vld [tilespmem:$0xDB4];
	_ =	sdelay $0x4  }
0x340: {  	v40 =	vshll.u32 v7, $0x3  }
0x341: {  	v9 =	vand.u32 $0xFFFFFC00, v40  }
0x342: {  	v7 =	vand.u32 $0x7F, v7;
	v8 =	vadd.s32 v8, v9  }
0x343: {  	v7 =	vor.u32 v7, v8  }
0x344: {  	v7 =	vor.u32 $0x280, v7;
	_ =	sdelay $0x4  }
0x345: {  	v7 =	vld.idx.msk [tilespmem:v7+s24+$0x0], $0xffff;
	_ =	sdelay $0x4  }
0x346: {  	[tilespmem:s31+$0x1E134] =	vst v7  }
0x347: {  	v7 =	vld [tilespmem:$0xA00];
	_ =	sdelay $0x3  }
0x348: {  	v41 =	vbroadcast v5, $0x6  }
0x349: {  	v42 =	vshll.u32 v7, $0x3  }
0x34a: {  	v8 =	vadd.s32 v6, v41;
	v9 =	vand.u32 $0xFFFFFC00, v42  }
0x34b: {  	v7 =	vand.u32 $0x7F, v7;
	v9 =	vadd.s32 v8, v9  }
0x34c: {  	v7 =	vor.u32 v7, v9  }
0x34d: {  	v7 =	vor.u32 $0x300, v7;
	_ =	sdelay $0x4  }
0x34e: {  	v7 =	vld.idx.msk [tilespmem:v7+s24+$0x0], $0xffff;
	_ =	sdelay $0x4  }
0x34f: {  	[tilespmem:s31+$0x1DD80] =	vst v7  }
0x350: {  	v7 =	vld [tilespmem:$0xA10];
	_ =	sdelay $0x4  }
0x351: {  	v43 =	vshll.u32 v7, $0x3  }
0x352: {  	v9 =	vand.u32 $0xFFFFFC00, v43  }
0x353: {  	v7 =	vand.u32 $0x7F, v7;
	v9 =	vadd.s32 v8, v9  }
0x354: {  	v7 =	vor.u32 v7, v9  }
0x355: {  	v7 =	vor.u32 $0x300, v7;
	_ =	sdelay $0x4  }
0x356: {  	v7 =	vld.idx.msk [tilespmem:v7+s24+$0x0], $0xffff;
	_ =	sdelay $0x4  }
0x357: {  	[tilespmem:s31+$0x1DD90] =	vst v7  }
0x358: {  	v7 =	vld [tilespmem:$0xA20];
	_ =	sdelay $0x4  }
0x359: {  	v44 =	vshll.u32 v7, $0x3  }
0x35a: {  	v9 =	vand.u32 $0xFFFFFC00, v44  }
0x35b: {  	v7 =	vand.u32 $0x7F, v7;
	v9 =	vadd.s32 v8, v9  }
0x35c: {  	v7 =	vor.u32 v7, v9  }
0x35d: {  	v7 =	vor.u32 $0x300, v7;
	_ =	sdelay $0x4  }
0x35e: {  	v7 =	vld.idx.msk [tilespmem:v7+s24+$0x0], $0xffff;
	_ =	sdelay $0x4  }
0x35f: {  	[tilespmem:s31+$0x1DDA0] =	vst v7  }
0x360: {  	v7 =	vld [tilespmem:$0xA30];
	_ =	sdelay $0x4  }
0x361: {  	v45 =	vshll.u32 v7, $0x3  }
0x362: {  	v9 =	vand.u32 $0xFFFFFC00, v45  }
0x363: {  	v7 =	vand.u32 $0x7F, v7;
	v9 =	vadd.s32 v8, v9  }
0x364: {  	v7 =	vor.u32 v7, v9  }
0x365: {  	v7 =	vor.u32 $0x300, v7;
	_ =	sdelay $0x4  }
0x366: {  	v7 =	vld.idx.msk [tilespmem:v7+s24+$0x0], $0xffff;
	_ =	sdelay $0x4  }
0x367: {  	[tilespmem:s31+$0x1DDB0] =	vst v7  }
0x368: {  	v7 =	vld [tilespmem:$0xA40];
	_ =	sdelay $0x4  }
0x369: {  	v46 =	vshll.u32 v7, $0x3  }
0x36a: {  	v9 =	vand.u32 $0xFFFFFC00, v46  }
0x36b: {  	v7 =	vand.u32 $0x7F, v7;
	v9 =	vadd.s32 v8, v9  }
0x36c: {  	v7 =	vor.u32 v7, v9  }
0x36d: {  	v7 =	vor.u32 $0x300, v7;
	_ =	sdelay $0x4  }
0x36e: {  	v7 =	vld.idx.msk [tilespmem:v7+s24+$0x0], $0xffff;
	_ =	sdelay $0x4  }
0x36f: {  	[tilespmem:s31+$0x1DDC0] =	vst v7  }
0x370: {  	v7 =	vld [tilespmem:$0xA50];
	_ =	sdelay $0x4  }
0x371: {  	v47 =	vshll.u32 v7, $0x3  }
0x372: {  	v9 =	vand.u32 $0xFFFFFC00, v47  }
0x373: {  	v7 =	vand.u32 $0x7F, v7;
	v9 =	vadd.s32 v8, v9  }
0x374: {  	v7 =	vor.u32 v7, v9  }
0x375: {  	v7 =	vor.u32 $0x300, v7;
	_ =	sdelay $0x4  }
0x376: {  	v7 =	vld.idx.msk [tilespmem:v7+s24+$0x0], $0xffff;
	_ =	sdelay $0x4  }
0x377: {  	[tilespmem:s31+$0x1DDD0] =	vst v7  }
0x378: {  	v7 =	vld [tilespmem:$0xA60];
	_ =	sdelay $0x4  }
0x379: {  	v48 =	vshll.u32 v7, $0x3  }
0x37a: {  	v9 =	vand.u32 $0xFFFFFC00, v48  }
0x37b: {  	v7 =	vand.u32 $0x7F, v7;
	v9 =	vadd.s32 v8, v9  }
0x37c: {  	v7 =	vor.u32 v7, v9  }
0x37d: {  	v7 =	vor.u32 $0x300, v7;
	_ =	sdelay $0x4  }
0x37e: {  	v7 =	vld.idx.msk [tilespmem:v7+s24+$0x0], $0xffff;
	_ =	sdelay $0x4  }
0x37f: {  	[tilespmem:s31+$0x1DDE0] =	vst v7  }
0x380: {  	v7 =	vld [tilespmem:$0xA70];
	_ =	sdelay $0x4  }
0x381: {  	v49 =	vshll.u32 v7, $0x3  }
0x382: {  	v9 =	vand.u32 $0xFFFFFC00, v49  }
0x383: {  	v7 =	vand.u32 $0x7F, v7;
	v9 =	vadd.s32 v8, v9  }
0x384: {  	v7 =	vor.u32 v7, v9  }
0x385: {  	v7 =	vor.u32 $0x300, v7;
	_ =	sdelay $0x4  }
0x386: {  	v7 =	vld.idx.msk [tilespmem:v7+s24+$0x0], $0xffff;
	_ =	sdelay $0x4  }
0x387: {  	[tilespmem:s31+$0x1DDF0] =	vst v7  }
0x388: {  	v7 =	vld [tilespmem:$0xE00];
	_ =	sdelay $0x4  }
0x389: {  	v50 =	vshll.u32 v7, $0x3  }
0x38a: {  	v9 =	vand.u32 $0xFFFFFC00, v50  }
0x38b: {  	v7 =	vand.u32 $0x7F, v7;
	v9 =	vadd.s32 v8, v9  }
0x38c: {  	v7 =	vor.u32 v7, v9  }
0x38d: {  	v7 =	vor.u32 $0x300, v7;
	_ =	sdelay $0x4  }
0x38e: {  	v7 =	vld.idx.msk [tilespmem:v7+s24+$0x0], $0xffff;
	_ =	sdelay $0x4  }
0x38f: {  	[tilespmem:s31+$0x1E180] =	vst v7  }
0x390: {  	v7 =	vld [tilespmem:$0xE10];
	_ =	sdelay $0x4  }
0x391: {  	v51 =	vshll.u32 v7, $0x3  }
0x392: {  	v9 =	vand.u32 $0xFFFFFC00, v51  }
0x393: {  	v7 =	vand.u32 $0x7F, v7;
	v9 =	vadd.s32 v8, v9  }
0x394: {  	v7 =	vor.u32 v7, v9  }
0x395: {  	v7 =	vor.u32 $0x300, v7;
	_ =	sdelay $0x4  }
0x396: {  	v7 =	vld.idx.msk [tilespmem:v7+s24+$0x0], $0xffff;
	_ =	sdelay $0x4  }
0x397: {  	[tilespmem:s31+$0x1E190] =	vst v7  }
0x398: {  	v7 =	vld [tilespmem:$0xE20];
	_ =	sdelay $0x4  }
0x399: {  	v52 =	vshll.u32 v7, $0x3  }
0x39a: {  	v9 =	vand.u32 $0xFFFFFC00, v52  }
0x39b: {  	v7 =	vand.u32 $0x7F, v7;
	v9 =	vadd.s32 v8, v9  }
0x39c: {  	v7 =	vor.u32 v7, v9  }
0x39d: {  	v7 =	vor.u32 $0x300, v7;
	_ =	sdelay $0x4  }
0x39e: {  	v7 =	vld.idx.msk [tilespmem:v7+s24+$0x0], $0xffff;
	_ =	sdelay $0x4  }
0x39f: {  	[tilespmem:s31+$0x1E1A0] =	vst v7  }
0x3a0: {  	v7 =	vld [tilespmem:$0xE30];
	_ =	sdelay $0x4  }
0x3a1: {  	v53 =	vshll.u32 v7, $0x3  }
0x3a2: {  	v9 =	vand.u32 $0xFFFFFC00, v53  }
0x3a3: {  	v7 =	vand.u32 $0x7F, v7;
	v9 =	vadd.s32 v8, v9  }
0x3a4: {  	v7 =	vor.u32 v7, v9  }
0x3a5: {  	v7 =	vor.u32 $0x300, v7;
	_ =	sdelay $0x4  }
0x3a6: {  	v7 =	vld.idx.msk [tilespmem:v7+s24+$0x0], $0xffff;
	_ =	sdelay $0x4  }
0x3a7: {  	[tilespmem:s31+$0x1E1B0] =	vst v7  }
0x3a8: {  	v7 =	vld [tilespmem:$0xE34];
	_ =	sdelay $0x4  }
0x3a9: {  	v54 =	vshll.u32 v7, $0x3  }
0x3aa: {  	v9 =	vand.u32 $0xFFFFFC00, v54  }
0x3ab: {  	v7 =	vand.u32 $0x7F, v7;
	v8 =	vadd.s32 v8, v9  }
0x3ac: {  	v7 =	vor.u32 v7, v8  }
0x3ad: {  	v7 =	vor.u32 $0x300, v7;
	_ =	sdelay $0x4  }
0x3ae: {  	v7 =	vld.idx.msk [tilespmem:v7+s24+$0x0], $0xffff;
	_ =	sdelay $0x4  }
0x3af: {  	[tilespmem:s31+$0x1E1B4] =	vst v7  }
0x3b0: {  	v7 =	vld [tilespmem:$0xA80];
	_ =	sdelay $0x3  }
0x3b1: {  	v55 =	vbroadcast v5, $0x7  }
0x3b2: {  	v56 =	vshll.u32 v7, $0x3  }
0x3b3: {  	v8 =	vadd.s32 v6, v55;
	v9 =	vand.u32 $0xFFFFFC00, v56  }
0x3b4: {  	v7 =	vand.u32 $0x7F, v7;
	v9 =	vadd.s32 v8, v9  }
0x3b5: {  	v7 =	vor.u32 v7, v9  }
0x3b6: {  	v7 =	vor.u32 $0x380, v7;
	_ =	sdelay $0x4  }
0x3b7: {  	v7 =	vld.idx.msk [tilespmem:v7+s24+$0x0], $0xffff;
	_ =	sdelay $0x4  }
0x3b8: {  	[tilespmem:s31+$0x1DE00] =	vst v7  }
0x3b9: {  	v7 =	vld [tilespmem:$0xA90];
	_ =	sdelay $0x4  }
0x3ba: {  	v57 =	vshll.u32 v7, $0x3  }
0x3bb: {  	v9 =	vand.u32 $0xFFFFFC00, v57  }
0x3bc: {  	v7 =	vand.u32 $0x7F, v7;
	v9 =	vadd.s32 v8, v9  }
0x3bd: {  	v7 =	vor.u32 v7, v9  }
0x3be: {  	v7 =	vor.u32 $0x380, v7;
	_ =	sdelay $0x4  }
0x3bf: {  	v7 =	vld.idx.msk [tilespmem:v7+s24+$0x0], $0xffff;
	_ =	sdelay $0x4  }
0x3c0: {  	[tilespmem:s31+$0x1DE10] =	vst v7  }
0x3c1: {  	v7 =	vld [tilespmem:$0xAA0];
	_ =	sdelay $0x4  }
0x3c2: {  	v58 =	vshll.u32 v7, $0x3  }
0x3c3: {  	v9 =	vand.u32 $0xFFFFFC00, v58  }
0x3c4: {  	v7 =	vand.u32 $0x7F, v7;
	v9 =	vadd.s32 v8, v9  }
0x3c5: {  	v7 =	vor.u32 v7, v9  }
0x3c6: {  	v7 =	vor.u32 $0x380, v7;
	_ =	sdelay $0x4  }
0x3c7: {  	v7 =	vld.idx.msk [tilespmem:v7+s24+$0x0], $0xffff;
	_ =	sdelay $0x4  }
0x3c8: {  	[tilespmem:s31+$0x1DE20] =	vst v7  }
0x3c9: {  	v7 =	vld [tilespmem:$0xAB0];
	_ =	sdelay $0x4  }
0x3ca: {  	v59 =	vshll.u32 v7, $0x3  }
0x3cb: {  	v9 =	vand.u32 $0xFFFFFC00, v59  }
0x3cc: {  	v7 =	vand.u32 $0x7F, v7;
	v9 =	vadd.s32 v8, v9  }
0x3cd: {  	v7 =	vor.u32 v7, v9  }
0x3ce: {  	v7 =	vor.u32 $0x380, v7;
	_ =	sdelay $0x4  }
0x3cf: {  	v7 =	vld.idx.msk [tilespmem:v7+s24+$0x0], $0xffff;
	_ =	sdelay $0x4  }
0x3d0: {  	[tilespmem:s31+$0x1DE30] =	vst v7  }
0x3d1: {  	v7 =	vld [tilespmem:$0xAC0];
	_ =	sdelay $0x4  }
0x3d2: {  	v60 =	vshll.u32 v7, $0x3  }
0x3d3: {  	v9 =	vand.u32 $0xFFFFFC00, v60  }
0x3d4: {  	v7 =	vand.u32 $0x7F, v7;
	v9 =	vadd.s32 v8, v9  }
0x3d5: {  	v7 =	vor.u32 v7, v9  }
0x3d6: {  	v7 =	vor.u32 $0x380, v7;
	_ =	sdelay $0x4  }
0x3d7: {  	v7 =	vld.idx.msk [tilespmem:v7+s24+$0x0], $0xffff;
	_ =	sdelay $0x4  }
0x3d8: {  	[tilespmem:s31+$0x1DE40] =	vst v7  }
0x3d9: {  	v7 =	vld [tilespmem:$0xAD0];
	_ =	sdelay $0x4  }
0x3da: {  	v61 =	vshll.u32 v7, $0x3  }
0x3db: {  	v9 =	vand.u32 $0xFFFFFC00, v61  }
0x3dc: {  	v7 =	vand.u32 $0x7F, v7;
	v9 =	vadd.s32 v8, v9  }
0x3dd: {  	v7 =	vor.u32 v7, v9  }
0x3de: {  	v7 =	vor.u32 $0x380, v7;
	_ =	sdelay $0x4  }
0x3df: {  	v7 =	vld.idx.msk [tilespmem:v7+s24+$0x0], $0xffff;
	_ =	sdelay $0x4  }
0x3e0: {  	[tilespmem:s31+$0x1DE50] =	vst v7  }
0x3e1: {  	v7 =	vld [tilespmem:$0xAE0];
	_ =	sdelay $0x4  }
0x3e2: {  	v62 =	vshll.u32 v7, $0x3  }
0x3e3: {  	v9 =	vand.u32 $0xFFFFFC00, v62  }
0x3e4: {  	v7 =	vand.u32 $0x7F, v7;
	v9 =	vadd.s32 v8, v9  }
0x3e5: {  	v7 =	vor.u32 v7, v9  }
0x3e6: {  	v7 =	vor.u32 $0x380, v7;
	_ =	sdelay $0x4  }
0x3e7: {  	v7 =	vld.idx.msk [tilespmem:v7+s24+$0x0], $0xffff;
	_ =	sdelay $0x4  }
0x3e8: {  	[tilespmem:s31+$0x1DE60] =	vst v7  }
0x3e9: {  	v7 =	vld [tilespmem:$0xAF0];
	_ =	sdelay $0x4  }
0x3ea: {  	v63 =	vshll.u32 v7, $0x3  }
0x3eb: {  	v9 =	vand.u32 $0xFFFFFC00, v63  }
0x3ec: {  	v7 =	vand.u32 $0x7F, v7;
	v9 =	vadd.s32 v8, v9  }
0x3ed: {  	v7 =	vor.u32 v7, v9  }
0x3ee: {  	v7 =	vor.u32 $0x380, v7;
	_ =	sdelay $0x4  }
0x3ef: {  	v7 =	vld.idx.msk [tilespmem:v7+s24+$0x0], $0xffff;
	_ =	sdelay $0x4  }
0x3f0: {  	[tilespmem:s31+$0x1DE70] =	vst v7  }
0x3f1: {  	v7 =	vld [tilespmem:$0xE80];
	_ =	sdelay $0x4  }
0x3f2: {  	v12 =	vshll.u32 v7, $0x3  }
0x3f3: {  	v9 =	vand.u32 $0xFFFFFC00, v12  }
0x3f4: {  	v7 =	vand.u32 $0x7F, v7;
	v9 =	vadd.s32 v8, v9  }
0x3f5: {  	v7 =	vor.u32 v7, v9  }
0x3f6: {  	v7 =	vor.u32 $0x380, v7;
	_ =	sdelay $0x4  }
0x3f7: {  	v7 =	vld.idx.msk [tilespmem:v7+s24+$0x0], $0xffff;
	_ =	sdelay $0x4  }
0x3f8: {  	[tilespmem:s31+$0x1E200] =	vst v7  }
0x3f9: {  	v7 =	vld [tilespmem:$0xE90];
	_ =	sdelay $0x4  }
0x3fa: {  	v13 =	vshll.u32 v7, $0x3  }
0x3fb: {  	v9 =	vand.u32 $0xFFFFFC00, v13  }
0x3fc: {  	v7 =	vand.u32 $0x7F, v7;
	v9 =	vadd.s32 v8, v9  }
0x3fd: {  	v7 =	vor.u32 v7, v9  }
0x3fe: {  	v7 =	vor.u32 $0x380, v7;
	_ =	sdelay $0x4  }
0x3ff: {  	v7 =	vld.idx.msk [tilespmem:v7+s24+$0x0], $0xffff;
	_ =	sdelay $0x4  }
0x400: {  	[tilespmem:s31+$0x1E210] =	vst v7  }
0x401: {  	v7 =	vld [tilespmem:$0xEA0];
	_ =	sdelay $0x4  }
0x402: {  	v14 =	vshll.u32 v7, $0x3  }
0x403: {  	v9 =	vand.u32 $0xFFFFFC00, v14  }
0x404: {  	v7 =	vand.u32 $0x7F, v7;
	v9 =	vadd.s32 v8, v9  }
0x405: {  	v7 =	vor.u32 v7, v9  }
0x406: {  	v7 =	vor.u32 $0x380, v7;
	_ =	sdelay $0x4  }
0x407: {  	v7 =	vld.idx.msk [tilespmem:v7+s24+$0x0], $0xffff;
	_ =	sdelay $0x4  }
0x408: {  	[tilespmem:s31+$0x1E220] =	vst v7  }
0x409: {  	v7 =	vld [tilespmem:$0xEB0];
	_ =	sdelay $0x4  }
0x40a: {  	v15 =	vshll.u32 v7, $0x3  }
0x40b: {  	v9 =	vand.u32 $0xFFFFFC00, v15  }
0x40c: {  	v7 =	vand.u32 $0x7F, v7;
	v9 =	vadd.s32 v8, v9  }
0x40d: {  	v7 =	vor.u32 v7, v9  }
0x40e: {  	v7 =	vor.u32 $0x380, v7;
	_ =	sdelay $0x4  }
0x40f: {  	v7 =	vld.idx.msk [tilespmem:v7+s24+$0x0], $0xffff;
	_ =	sdelay $0x4  }
0x410: {  	[tilespmem:s31+$0x1E230] =	vst v7  }
0x411: {  	v7 =	vld [tilespmem:$0xEB4];
	_ =	sdelay $0x4  }
0x412: {  	v16 =	vshll.u32 v7, $0x3  }
0x413: {  	v9 =	vand.u32 $0xFFFFFC00, v16  }
0x414: {  	v7 =	vand.u32 $0x7F, v7;
	v8 =	vadd.s32 v8, v9  }
0x415: {  	v7 =	vor.u32 v7, v8  }
0x416: {  	v7 =	vor.u32 $0x380, v7;
	_ =	sdelay $0x4  }
0x417: {  	v7 =	vld.idx.msk [tilespmem:v7+s24+$0x0], $0xffff;
	_ =	sdelay $0x4  }
0x418: {  	[tilespmem:s31+$0x1E234] =	vst v7  }
0x419: {  	v7 =	vld [tilespmem:$0xF00];
	_ =	sdelay $0x3  }
0x41a: {  	v17 =	vbroadcast v5, $0x8  }
0x41b: {  	v6 =	vor.u32 $0x1C00, v6;
	v18 =	vshll.u32 v7, $0x3  }
0x41c: {  	v8 =	vadd.s32 v17, v6;
	v9 =	vand.u32 $0xFFFFFC00, v18  }
0x41d: {  	v7 =	vand.u32 $0x7F, v7;
	v9 =	vadd.s32 v8, v9  }
0x41e: {  	v7 =	vor.u32 v7, v9;
	_ =	sdelay $0x4  }
0x41f: {  	v7 =	vld.idx.msk [tilespmem:v7+s24+$0x0], $0xffff;
	_ =	sdelay $0x4  }
0x420: {  	[tilespmem:s31+$0x1E280] =	vst v7  }
0x421: {  	v7 =	vld [tilespmem:$0xF10];
	_ =	sdelay $0x4  }
0x422: {  	v19 =	vshll.u32 v7, $0x3  }
0x423: {  	v9 =	vand.u32 $0xFFFFFC00, v19  }
0x424: {  	v7 =	vand.u32 $0x7F, v7;
	v9 =	vadd.s32 v8, v9  }
0x425: {  	v7 =	vor.u32 v7, v9;
	_ =	sdelay $0x4  }
0x426: {  	v7 =	vld.idx.msk [tilespmem:v7+s24+$0x0], $0xffff;
	_ =	sdelay $0x4  }
0x427: {  	[tilespmem:s31+$0x1E290] =	vst v7  }
0x428: {  	v7 =	vld [tilespmem:$0xF20];
	_ =	sdelay $0x4  }
0x429: {  	v20 =	vshll.u32 v7, $0x3  }
0x42a: {  	v9 =	vand.u32 $0xFFFFFC00, v20  }
0x42b: {  	v7 =	vand.u32 $0x7F, v7;
	v9 =	vadd.s32 v8, v9  }
0x42c: {  	v7 =	vor.u32 v7, v9;
	_ =	sdelay $0x4  }
0x42d: {  	v7 =	vld.idx.msk [tilespmem:v7+s24+$0x0], $0xffff;
	_ =	sdelay $0x4  }
0x42e: {  	[tilespmem:s31+$0x1E2A0] =	vst v7  }
0x42f: {  	v7 =	vld [tilespmem:$0xF30];
	_ =	sdelay $0x4  }
0x430: {  	v21 =	vshll.u32 v7, $0x3  }
0x431: {  	v9 =	vand.u32 $0xFFFFFC00, v21  }
0x432: {  	v7 =	vand.u32 $0x7F, v7;
	v9 =	vadd.s32 v8, v9  }
0x433: {  	v7 =	vor.u32 v7, v9;
	_ =	sdelay $0x4  }
0x434: {  	v7 =	vld.idx.msk [tilespmem:v7+s24+$0x0], $0xffff;
	_ =	sdelay $0x4  }
0x435: {  	[tilespmem:s31+$0x1E2B0] =	vst v7  }
0x436: {  	v7 =	vld [tilespmem:$0xF40];
	_ =	sdelay $0x4  }
0x437: {  	v22 =	vshll.u32 v7, $0x3  }
0x438: {  	v9 =	vand.u32 $0xFFFFFC00, v22  }
0x439: {  	v7 =	vand.u32 $0x7F, v7;
	v9 =	vadd.s32 v8, v9  }
0x43a: {  	v7 =	vor.u32 v7, v9;
	_ =	sdelay $0x4  }
0x43b: {  	v7 =	vld.idx.msk [tilespmem:v7+s24+$0x0], $0xffff;
	_ =	sdelay $0x4  }
0x43c: {  	[tilespmem:s31+$0x1E2C0] =	vst v7  }
0x43d: {  	v7 =	vld [tilespmem:$0xF50];
	_ =	sdelay $0x4  }
0x43e: {  	v23 =	vshll.u32 v7, $0x3  }
0x43f: {  	v9 =	vand.u32 $0xFFFFFC00, v23  }
0x440: {  	v7 =	vand.u32 $0x7F, v7;
	v9 =	vadd.s32 v8, v9  }
0x441: {  	v7 =	vor.u32 v7, v9;
	_ =	sdelay $0x4  }
0x442: {  	v7 =	vld.idx.msk [tilespmem:v7+s24+$0x0], $0xffff;
	_ =	sdelay $0x4  }
0x443: {  	[tilespmem:s31+$0x1E2D0] =	vst v7  }
0x444: {  	v7 =	vld [tilespmem:$0xF60];
	_ =	sdelay $0x4  }
0x445: {  	v24 =	vshll.u32 v7, $0x3  }
0x446: {  	v9 =	vand.u32 $0xFFFFFC00, v24  }
0x447: {  	v7 =	vand.u32 $0x7F, v7;
	v9 =	vadd.s32 v8, v9  }
0x448: {  	v7 =	vor.u32 v7, v9;
	_ =	sdelay $0x4  }
0x449: {  	v7 =	vld.idx.msk [tilespmem:v7+s24+$0x0], $0xffff;
	_ =	sdelay $0x4  }
0x44a: {  	[tilespmem:s31+$0x1E2E0] =	vst v7  }
0x44b: {  	v7 =	vld [tilespmem:$0xF70];
	_ =	sdelay $0x4  }
0x44c: {  	v25 =	vshll.u32 v7, $0x3  }
0x44d: {  	v9 =	vand.u32 $0xFFFFFC00, v25  }
0x44e: {  	v7 =	vand.u32 $0x7F, v7;
	v9 =	vadd.s32 v8, v9  }
0x44f: {  	v7 =	vor.u32 v7, v9;
	_ =	sdelay $0x4  }
0x450: {  	v7 =	vld.idx.msk [tilespmem:v7+s24+$0x0], $0xffff;
	_ =	sdelay $0x4  }
0x451: {  	[tilespmem:s31+$0x1E2F0] =	vst v7  }
0x452: {  	v7 =	vld [tilespmem:$0x1300];
	_ =	sdelay $0x4  }
0x453: {  	v26 =	vshll.u32 v7, $0x3  }
0x454: {  	v9 =	vand.u32 $0xFFFFFC00, v26  }
0x455: {  	v7 =	vand.u32 $0x7F, v7;
	v9 =	vadd.s32 v8, v9  }
0x456: {  	v7 =	vor.u32 v7, v9;
	_ =	sdelay $0x4  }
0x457: {  	v7 =	vld.idx.msk [tilespmem:v7+s24+$0x0], $0xffff;
	_ =	sdelay $0x4  }
0x458: {  	[tilespmem:s31+$0x1E680] =	vst v7  }
0x459: {  	v7 =	vld [tilespmem:$0x1310];
	_ =	sdelay $0x4  }
0x45a: {  	v27 =	vshll.u32 v7, $0x3  }
0x45b: {  	v9 =	vand.u32 $0xFFFFFC00, v27  }
0x45c: {  	v7 =	vand.u32 $0x7F, v7;
	v9 =	vadd.s32 v8, v9  }
0x45d: {  	v7 =	vor.u32 v7, v9;
	_ =	sdelay $0x4  }
0x45e: {  	v7 =	vld.idx.msk [tilespmem:v7+s24+$0x0], $0xffff;
	_ =	sdelay $0x4  }
0x45f: {  	[tilespmem:s31+$0x1E690] =	vst v7  }
0x460: {  	v7 =	vld [tilespmem:$0x1320];
	_ =	sdelay $0x4  }
0x461: {  	v28 =	vshll.u32 v7, $0x3  }
0x462: {  	v9 =	vand.u32 $0xFFFFFC00, v28  }
0x463: {  	v7 =	vand.u32 $0x7F, v7;
	v9 =	vadd.s32 v8, v9  }
0x464: {  	v7 =	vor.u32 v7, v9;
	_ =	sdelay $0x4  }
0x465: {  	v7 =	vld.idx.msk [tilespmem:v7+s24+$0x0], $0xffff;
	_ =	sdelay $0x4  }
0x466: {  	[tilespmem:s31+$0x1E6A0] =	vst v7  }
0x467: {  	v7 =	vld [tilespmem:$0x1330];
	_ =	sdelay $0x4  }
0x468: {  	v29 =	vshll.u32 v7, $0x3  }
0x469: {  	v9 =	vand.u32 $0xFFFFFC00, v29  }
0x46a: {  	v7 =	vand.u32 $0x7F, v7;
	v9 =	vadd.s32 v8, v9  }
0x46b: {  	v7 =	vor.u32 v7, v9;
	_ =	sdelay $0x4  }
0x46c: {  	v7 =	vld.idx.msk [tilespmem:v7+s24+$0x0], $0xffff;
	_ =	sdelay $0x4  }
0x46d: {  	[tilespmem:s31+$0x1E6B0] =	vst v7  }
0x46e: {  	v7 =	vld [tilespmem:$0x1334];
	_ =	sdelay $0x4  }
0x46f: {  	v30 =	vshll.u32 v7, $0x3  }
0x470: {  	v9 =	vand.u32 $0xFFFFFC00, v30  }
0x471: {  	v7 =	vand.u32 $0x7F, v7;
	v8 =	vadd.s32 v8, v9  }
0x472: {  	v7 =	vor.u32 v7, v8;
	_ =	sdelay $0x4  }
0x473: {  	v7 =	vld.idx.msk [tilespmem:v7+s24+$0x0], $0xffff;
	_ =	sdelay $0x4  }
0x474: {  	[tilespmem:s31+$0x1E6B4] =	vst v7  }
0x475: {  	v7 =	vld [tilespmem:$0xF80];
	_ =	sdelay $0x3  }
0x476: {  	v31 =	vbroadcast v5, $0x9  }
0x477: {  	v32 =	vshll.u32 v7, $0x3  }
0x478: {  	v8 =	vadd.s32 v31, v6;
	v9 =	vand.u32 $0xFFFFFC00, v32  }
0x479: {  	v7 =	vand.u32 $0x7F, v7;
	v9 =	vadd.s32 v8, v9  }
0x47a: {  	v7 =	vor.u32 v7, v9  }
0x47b: {  	v7 =	vor.u32 $0x80, v7;
	_ =	sdelay $0x4  }
0x47c: {  	v7 =	vld.idx.msk [tilespmem:v7+s24+$0x0], $0xffff;
	_ =	sdelay $0x4  }
0x47d: {  	[tilespmem:s31+$0x1E300] =	vst v7  }
0x47e: {  	v7 =	vld [tilespmem:$0xF90];
	_ =	sdelay $0x4  }
0x47f: {  	v33 =	vshll.u32 v7, $0x3  }
0x480: {  	v9 =	vand.u32 $0xFFFFFC00, v33  }
0x481: {  	v7 =	vand.u32 $0x7F, v7;
	v9 =	vadd.s32 v8, v9  }
0x482: {  	v7 =	vor.u32 v7, v9  }
0x483: {  	v7 =	vor.u32 $0x80, v7;
	_ =	sdelay $0x4  }
0x484: {  	v7 =	vld.idx.msk [tilespmem:v7+s24+$0x0], $0xffff;
	_ =	sdelay $0x4  }
0x485: {  	[tilespmem:s31+$0x1E310] =	vst v7  }
0x486: {  	v7 =	vld [tilespmem:$0xFA0];
	_ =	sdelay $0x4  }
0x487: {  	v34 =	vshll.u32 v7, $0x3  }
0x488: {  	v9 =	vand.u32 $0xFFFFFC00, v34  }
0x489: {  	v7 =	vand.u32 $0x7F, v7;
	v9 =	vadd.s32 v8, v9  }
0x48a: {  	v7 =	vor.u32 v7, v9  }
0x48b: {  	v7 =	vor.u32 $0x80, v7;
	_ =	sdelay $0x4  }
0x48c: {  	v7 =	vld.idx.msk [tilespmem:v7+s24+$0x0], $0xffff;
	_ =	sdelay $0x4  }
0x48d: {  	[tilespmem:s31+$0x1E320] =	vst v7  }
0x48e: {  	v7 =	vld [tilespmem:$0xFB0];
	_ =	sdelay $0x4  }
0x48f: {  	v35 =	vshll.u32 v7, $0x3  }
0x490: {  	v9 =	vand.u32 $0xFFFFFC00, v35  }
0x491: {  	v7 =	vand.u32 $0x7F, v7;
	v9 =	vadd.s32 v8, v9  }
0x492: {  	v7 =	vor.u32 v7, v9  }
0x493: {  	v7 =	vor.u32 $0x80, v7;
	_ =	sdelay $0x4  }
0x494: {  	v7 =	vld.idx.msk [tilespmem:v7+s24+$0x0], $0xffff;
	_ =	sdelay $0x4  }
0x495: {  	[tilespmem:s31+$0x1E330] =	vst v7  }
0x496: {  	v7 =	vld [tilespmem:$0xFC0];
	_ =	sdelay $0x4  }
0x497: {  	v36 =	vshll.u32 v7, $0x3  }
0x498: {  	v9 =	vand.u32 $0xFFFFFC00, v36  }
0x499: {  	v7 =	vand.u32 $0x7F, v7;
	v9 =	vadd.s32 v8, v9  }
0x49a: {  	v7 =	vor.u32 v7, v9  }
0x49b: {  	v7 =	vor.u32 $0x80, v7;
	_ =	sdelay $0x4  }
0x49c: {  	v7 =	vld.idx.msk [tilespmem:v7+s24+$0x0], $0xffff;
	_ =	sdelay $0x4  }
0x49d: {  	[tilespmem:s31+$0x1E340] =	vst v7  }
0x49e: {  	v7 =	vld [tilespmem:$0xFD0];
	_ =	sdelay $0x4  }
0x49f: {  	v37 =	vshll.u32 v7, $0x3  }
0x4a0: {  	v9 =	vand.u32 $0xFFFFFC00, v37  }
0x4a1: {  	v7 =	vand.u32 $0x7F, v7;
	v9 =	vadd.s32 v8, v9  }
0x4a2: {  	v7 =	vor.u32 v7, v9  }
0x4a3: {  	v7 =	vor.u32 $0x80, v7;
	_ =	sdelay $0x4  }
0x4a4: {  	v7 =	vld.idx.msk [tilespmem:v7+s24+$0x0], $0xffff;
	_ =	sdelay $0x4  }
0x4a5: {  	[tilespmem:s31+$0x1E350] =	vst v7  }
0x4a6: {  	v7 =	vld [tilespmem:$0xFE0];
	_ =	sdelay $0x4  }
0x4a7: {  	v38 =	vshll.u32 v7, $0x3  }
0x4a8: {  	v9 =	vand.u32 $0xFFFFFC00, v38  }
0x4a9: {  	v7 =	vand.u32 $0x7F, v7;
	v9 =	vadd.s32 v8, v9  }
0x4aa: {  	v7 =	vor.u32 v7, v9  }
0x4ab: {  	v7 =	vor.u32 $0x80, v7;
	_ =	sdelay $0x4  }
0x4ac: {  	v7 =	vld.idx.msk [tilespmem:v7+s24+$0x0], $0xffff;
	_ =	sdelay $0x4  }
0x4ad: {  	[tilespmem:s31+$0x1E360] =	vst v7  }
0x4ae: {  	v7 =	vld [tilespmem:$0xFF0];
	_ =	sdelay $0x4  }
0x4af: {  	v39 =	vshll.u32 v7, $0x3  }
0x4b0: {  	v9 =	vand.u32 $0xFFFFFC00, v39  }
0x4b1: {  	v7 =	vand.u32 $0x7F, v7;
	v9 =	vadd.s32 v8, v9  }
0x4b2: {  	v7 =	vor.u32 v7, v9  }
0x4b3: {  	v7 =	vor.u32 $0x80, v7;
	_ =	sdelay $0x4  }
0x4b4: {  	v7 =	vld.idx.msk [tilespmem:v7+s24+$0x0], $0xffff;
	_ =	sdelay $0x4  }
0x4b5: {  	[tilespmem:s31+$0x1E370] =	vst v7  }
0x4b6: {  	v7 =	vld [tilespmem:$0x1380];
	_ =	sdelay $0x4  }
0x4b7: {  	v40 =	vshll.u32 v7, $0x3  }
0x4b8: {  	v9 =	vand.u32 $0xFFFFFC00, v40  }
0x4b9: {  	v7 =	vand.u32 $0x7F, v7;
	v9 =	vadd.s32 v8, v9  }
0x4ba: {  	v7 =	vor.u32 v7, v9  }
0x4bb: {  	v7 =	vor.u32 $0x80, v7;
	_ =	sdelay $0x4  }
0x4bc: {  	v7 =	vld.idx.msk [tilespmem:v7+s24+$0x0], $0xffff;
	_ =	sdelay $0x4  }
0x4bd: {  	[tilespmem:s31+$0x1E700] =	vst v7  }
0x4be: {  	v7 =	vld [tilespmem:$0x1390];
	_ =	sdelay $0x4  }
0x4bf: {  	v41 =	vshll.u32 v7, $0x3  }
0x4c0: {  	v9 =	vand.u32 $0xFFFFFC00, v41  }
0x4c1: {  	v7 =	vand.u32 $0x7F, v7;
	v9 =	vadd.s32 v8, v9  }
0x4c2: {  	v7 =	vor.u32 v7, v9  }
0x4c3: {  	v7 =	vor.u32 $0x80, v7;
	_ =	sdelay $0x4  }
0x4c4: {  	v7 =	vld.idx.msk [tilespmem:v7+s24+$0x0], $0xffff;
	_ =	sdelay $0x4  }
0x4c5: {  	[tilespmem:s31+$0x1E710] =	vst v7  }
0x4c6: {  	v7 =	vld [tilespmem:$0x13A0];
	_ =	sdelay $0x4  }
0x4c7: {  	v42 =	vshll.u32 v7, $0x3  }
0x4c8: {  	v9 =	vand.u32 $0xFFFFFC00, v42  }
0x4c9: {  	v7 =	vand.u32 $0x7F, v7;
	v9 =	vadd.s32 v8, v9  }
0x4ca: {  	v7 =	vor.u32 v7, v9  }
0x4cb: {  	v7 =	vor.u32 $0x80, v7;
	_ =	sdelay $0x4  }
0x4cc: {  	v7 =	vld.idx.msk [tilespmem:v7+s24+$0x0], $0xffff;
	_ =	sdelay $0x4  }
0x4cd: {  	[tilespmem:s31+$0x1E720] =	vst v7  }
0x4ce: {  	v7 =	vld [tilespmem:$0x13B0];
	_ =	sdelay $0x4  }
0x4cf: {  	v43 =	vshll.u32 v7, $0x3  }
0x4d0: {  	v9 =	vand.u32 $0xFFFFFC00, v43  }
0x4d1: {  	v7 =	vand.u32 $0x7F, v7;
	v9 =	vadd.s32 v8, v9  }
0x4d2: {  	v7 =	vor.u32 v7, v9  }
0x4d3: {  	v7 =	vor.u32 $0x80, v7;
	_ =	sdelay $0x4  }
0x4d4: {  	v7 =	vld.idx.msk [tilespmem:v7+s24+$0x0], $0xffff;
	_ =	sdelay $0x4  }
0x4d5: {  	[tilespmem:s31+$0x1E730] =	vst v7  }
0x4d6: {  	v7 =	vld [tilespmem:$0x13B4];
	_ =	sdelay $0x4  }
0x4d7: {  	v44 =	vshll.u32 v7, $0x3  }
0x4d8: {  	v9 =	vand.u32 $0xFFFFFC00, v44  }
0x4d9: {  	v7 =	vand.u32 $0x7F, v7;
	v8 =	vadd.s32 v8, v9  }
0x4da: {  	v7 =	vor.u32 v7, v8  }
0x4db: {  	v7 =	vor.u32 $0x80, v7;
	_ =	sdelay $0x4  }
0x4dc: {  	v7 =	vld.idx.msk [tilespmem:v7+s24+$0x0], $0xffff;
	_ =	sdelay $0x4  }
0x4dd: {  	[tilespmem:s31+$0x1E734] =	vst v7  }
0x4de: {  	v7 =	vld [tilespmem:$0x1000];
	_ =	sdelay $0x3  }
0x4df: {  	v45 =	vbroadcast v5, $0xA  }
0x4e0: {  	v46 =	vshll.u32 v7, $0x3  }
0x4e1: {  	v8 =	vadd.s32 v45, v6;
	v9 =	vand.u32 $0xFFFFFC00, v46  }
0x4e2: {  	v7 =	vand.u32 $0x7F, v7;
	v9 =	vadd.s32 v8, v9  }
0x4e3: {  	v7 =	vor.u32 v7, v9  }
0x4e4: {  	v7 =	vor.u32 $0x100, v7;
	_ =	sdelay $0x4  }
0x4e5: {  	v7 =	vld.idx.msk [tilespmem:v7+s24+$0x0], $0xffff;
	_ =	sdelay $0x4  }
0x4e6: {  	[tilespmem:s31+$0x1E380] =	vst v7  }
0x4e7: {  	v7 =	vld [tilespmem:$0x1010];
	_ =	sdelay $0x4  }
0x4e8: {  	v47 =	vshll.u32 v7, $0x3  }
0x4e9: {  	v9 =	vand.u32 $0xFFFFFC00, v47  }
0x4ea: {  	v7 =	vand.u32 $0x7F, v7;
	v9 =	vadd.s32 v8, v9  }
0x4eb: {  	v7 =	vor.u32 v7, v9  }
0x4ec: {  	v7 =	vor.u32 $0x100, v7;
	_ =	sdelay $0x4  }
0x4ed: {  	v7 =	vld.idx.msk [tilespmem:v7+s24+$0x0], $0xffff;
	_ =	sdelay $0x4  }
0x4ee: {  	[tilespmem:s31+$0x1E390] =	vst v7  }
0x4ef: {  	v7 =	vld [tilespmem:$0x1020];
	_ =	sdelay $0x4  }
0x4f0: {  	v48 =	vshll.u32 v7, $0x3  }
0x4f1: {  	v9 =	vand.u32 $0xFFFFFC00, v48  }
0x4f2: {  	v7 =	vand.u32 $0x7F, v7;
	v9 =	vadd.s32 v8, v9  }
0x4f3: {  	v7 =	vor.u32 v7, v9  }
0x4f4: {  	v7 =	vor.u32 $0x100, v7;
	_ =	sdelay $0x4  }
0x4f5: {  	v7 =	vld.idx.msk [tilespmem:v7+s24+$0x0], $0xffff;
	_ =	sdelay $0x4  }
0x4f6: {  	[tilespmem:s31+$0x1E3A0] =	vst v7  }
0x4f7: {  	v7 =	vld [tilespmem:$0x1030];
	_ =	sdelay $0x4  }
0x4f8: {  	v49 =	vshll.u32 v7, $0x3  }
0x4f9: {  	v9 =	vand.u32 $0xFFFFFC00, v49  }
0x4fa: {  	v7 =	vand.u32 $0x7F, v7;
	v9 =	vadd.s32 v8, v9  }
0x4fb: {  	v7 =	vor.u32 v7, v9  }
0x4fc: {  	v7 =	vor.u32 $0x100, v7;
	_ =	sdelay $0x4  }
0x4fd: {  	v7 =	vld.idx.msk [tilespmem:v7+s24+$0x0], $0xffff;
	_ =	sdelay $0x4  }
0x4fe: {  	[tilespmem:s31+$0x1E3B0] =	vst v7  }
0x4ff: {  	v7 =	vld [tilespmem:$0x1040];
	_ =	sdelay $0x4  }
0x500: {  	v50 =	vshll.u32 v7, $0x3  }
0x501: {  	v9 =	vand.u32 $0xFFFFFC00, v50  }
0x502: {  	v7 =	vand.u32 $0x7F, v7;
	v9 =	vadd.s32 v8, v9  }
0x503: {  	v7 =	vor.u32 v7, v9  }
0x504: {  	v7 =	vor.u32 $0x100, v7;
	_ =	sdelay $0x4  }
0x505: {  	v7 =	vld.idx.msk [tilespmem:v7+s24+$0x0], $0xffff;
	_ =	sdelay $0x4  }
0x506: {  	[tilespmem:s31+$0x1E3C0] =	vst v7  }
0x507: {  	v7 =	vld [tilespmem:$0x1050];
	_ =	sdelay $0x4  }
0x508: {  	v51 =	vshll.u32 v7, $0x3  }
0x509: {  	v9 =	vand.u32 $0xFFFFFC00, v51  }
0x50a: {  	v7 =	vand.u32 $0x7F, v7;
	v9 =	vadd.s32 v8, v9  }
0x50b: {  	v7 =	vor.u32 v7, v9  }
0x50c: {  	v7 =	vor.u32 $0x100, v7;
	_ =	sdelay $0x4  }
0x50d: {  	v7 =	vld.idx.msk [tilespmem:v7+s24+$0x0], $0xffff;
	_ =	sdelay $0x4  }
0x50e: {  	[tilespmem:s31+$0x1E3D0] =	vst v7  }
0x50f: {  	v7 =	vld [tilespmem:$0x1060];
	_ =	sdelay $0x4  }
0x510: {  	v52 =	vshll.u32 v7, $0x3  }
0x511: {  	v9 =	vand.u32 $0xFFFFFC00, v52  }
0x512: {  	v7 =	vand.u32 $0x7F, v7;
	v9 =	vadd.s32 v8, v9  }
0x513: {  	v7 =	vor.u32 v7, v9  }
0x514: {  	v7 =	vor.u32 $0x100, v7;
	_ =	sdelay $0x4  }
0x515: {  	v7 =	vld.idx.msk [tilespmem:v7+s24+$0x0], $0xffff;
	_ =	sdelay $0x4  }
0x516: {  	[tilespmem:s31+$0x1E3E0] =	vst v7  }
0x517: {  	v7 =	vld [tilespmem:$0x1070];
	_ =	sdelay $0x4  }
0x518: {  	v53 =	vshll.u32 v7, $0x3  }
0x519: {  	v9 =	vand.u32 $0xFFFFFC00, v53  }
0x51a: {  	v7 =	vand.u32 $0x7F, v7;
	v9 =	vadd.s32 v8, v9  }
0x51b: {  	v7 =	vor.u32 v7, v9  }
0x51c: {  	v7 =	vor.u32 $0x100, v7;
	_ =	sdelay $0x4  }
0x51d: {  	v7 =	vld.idx.msk [tilespmem:v7+s24+$0x0], $0xffff;
	_ =	sdelay $0x4  }
0x51e: {  	[tilespmem:s31+$0x1E3F0] =	vst v7  }
0x51f: {  	v7 =	vld [tilespmem:$0x1400];
	_ =	sdelay $0x4  }
0x520: {  	v54 =	vshll.u32 v7, $0x3  }
0x521: {  	v9 =	vand.u32 $0xFFFFFC00, v54  }
0x522: {  	v7 =	vand.u32 $0x7F, v7;
	v9 =	vadd.s32 v8, v9  }
0x523: {  	v7 =	vor.u32 v7, v9  }
0x524: {  	v7 =	vor.u32 $0x100, v7;
	_ =	sdelay $0x4  }
0x525: {  	v7 =	vld.idx.msk [tilespmem:v7+s24+$0x0], $0xffff;
	_ =	sdelay $0x4  }
0x526: {  	[tilespmem:s31+$0x1E780] =	vst v7  }
0x527: {  	v7 =	vld [tilespmem:$0x1410];
	_ =	sdelay $0x4  }
0x528: {  	v55 =	vshll.u32 v7, $0x3  }
0x529: {  	v9 =	vand.u32 $0xFFFFFC00, v55  }
0x52a: {  	v7 =	vand.u32 $0x7F, v7;
	v9 =	vadd.s32 v8, v9  }
0x52b: {  	v7 =	vor.u32 v7, v9  }
0x52c: {  	v7 =	vor.u32 $0x100, v7;
	_ =	sdelay $0x4  }
0x52d: {  	v7 =	vld.idx.msk [tilespmem:v7+s24+$0x0], $0xffff;
	_ =	sdelay $0x4  }
0x52e: {  	[tilespmem:s31+$0x1E790] =	vst v7  }
0x52f: {  	v7 =	vld [tilespmem:$0x1420];
	_ =	sdelay $0x4  }
0x530: {  	v56 =	vshll.u32 v7, $0x3  }
0x531: {  	v9 =	vand.u32 $0xFFFFFC00, v56  }
0x532: {  	v7 =	vand.u32 $0x7F, v7;
	v9 =	vadd.s32 v8, v9  }
0x533: {  	v7 =	vor.u32 v7, v9  }
0x534: {  	v7 =	vor.u32 $0x100, v7;
	_ =	sdelay $0x4  }
0x535: {  	v7 =	vld.idx.msk [tilespmem:v7+s24+$0x0], $0xffff;
	_ =	sdelay $0x4  }
0x536: {  	[tilespmem:s31+$0x1E7A0] =	vst v7  }
0x537: {  	v7 =	vld [tilespmem:$0x1430];
	_ =	sdelay $0x4  }
0x538: {  	v57 =	vshll.u32 v7, $0x3  }
0x539: {  	v9 =	vand.u32 $0xFFFFFC00, v57  }
0x53a: {  	v7 =	vand.u32 $0x7F, v7;
	v9 =	vadd.s32 v8, v9  }
0x53b: {  	v7 =	vor.u32 v7, v9  }
0x53c: {  	v7 =	vor.u32 $0x100, v7;
	_ =	sdelay $0x4  }
0x53d: {  	v7 =	vld.idx.msk [tilespmem:v7+s24+$0x0], $0xffff;
	_ =	sdelay $0x4  }
0x53e: {  	[tilespmem:s31+$0x1E7B0] =	vst v7  }
0x53f: {  	v7 =	vld [tilespmem:$0x1434];
	_ =	sdelay $0x4  }
0x540: {  	v58 =	vshll.u32 v7, $0x3  }
0x541: {  	v9 =	vand.u32 $0xFFFFFC00, v58  }
0x542: {  	v7 =	vand.u32 $0x7F, v7;
	v8 =	vadd.s32 v8, v9  }
0x543: {  	v7 =	vor.u32 v7, v8  }
0x544: {  	v7 =	vor.u32 $0x100, v7;
	_ =	sdelay $0x4  }
0x545: {  	v7 =	vld.idx.msk [tilespmem:v7+s24+$0x0], $0xffff;
	_ =	sdelay $0x4  }
0x546: {  	[tilespmem:s31+$0x1E7B4] =	vst v7  }
0x547: {  	v7 =	vld [tilespmem:$0x1080];
	_ =	sdelay $0x3  }
0x548: {  	v59 =	vbroadcast v5, $0xB  }
0x549: {  	v60 =	vshll.u32 v7, $0x3  }
0x54a: {  	v8 =	vadd.s32 v59, v6;
	v9 =	vand.u32 $0xFFFFFC00, v60  }
0x54b: {  	v7 =	vand.u32 $0x7F, v7;
	v9 =	vadd.s32 v8, v9  }
0x54c: {  	v7 =	vor.u32 v7, v9  }
0x54d: {  	v7 =	vor.u32 $0x180, v7;
	_ =	sdelay $0x4  }
0x54e: {  	v7 =	vld.idx.msk [tilespmem:v7+s24+$0x0], $0xffff;
	_ =	sdelay $0x4  }
0x54f: {  	[tilespmem:s31+$0x1E400] =	vst v7  }
0x550: {  	v7 =	vld [tilespmem:$0x1090];
	_ =	sdelay $0x4  }
0x551: {  	v61 =	vshll.u32 v7, $0x3  }
0x552: {  	v9 =	vand.u32 $0xFFFFFC00, v61  }
0x553: {  	v7 =	vand.u32 $0x7F, v7;
	v9 =	vadd.s32 v8, v9  }
0x554: {  	v7 =	vor.u32 v7, v9  }
0x555: {  	v7 =	vor.u32 $0x180, v7;
	_ =	sdelay $0x4  }
0x556: {  	v7 =	vld.idx.msk [tilespmem:v7+s24+$0x0], $0xffff;
	_ =	sdelay $0x4  }
0x557: {  	[tilespmem:s31+$0x1E410] =	vst v7  }
0x558: {  	v7 =	vld [tilespmem:$0x10A0];
	_ =	sdelay $0x4  }
0x559: {  	v62 =	vshll.u32 v7, $0x3  }
0x55a: {  	v9 =	vand.u32 $0xFFFFFC00, v62  }
0x55b: {  	v7 =	vand.u32 $0x7F, v7;
	v9 =	vadd.s32 v8, v9  }
0x55c: {  	v7 =	vor.u32 v7, v9  }
0x55d: {  	v7 =	vor.u32 $0x180, v7;
	_ =	sdelay $0x4  }
0x55e: {  	v7 =	vld.idx.msk [tilespmem:v7+s24+$0x0], $0xffff;
	_ =	sdelay $0x4  }
0x55f: {  	[tilespmem:s31+$0x1E420] =	vst v7  }
0x560: {  	v7 =	vld [tilespmem:$0x10B0];
	_ =	sdelay $0x4  }
0x561: {  	v63 =	vshll.u32 v7, $0x3  }
0x562: {  	v9 =	vand.u32 $0xFFFFFC00, v63  }
0x563: {  	v7 =	vand.u32 $0x7F, v7;
	v9 =	vadd.s32 v8, v9  }
0x564: {  	v7 =	vor.u32 v7, v9  }
0x565: {  	v7 =	vor.u32 $0x180, v7;
	_ =	sdelay $0x4  }
0x566: {  	v7 =	vld.idx.msk [tilespmem:v7+s24+$0x0], $0xffff;
	_ =	sdelay $0x4  }
0x567: {  	[tilespmem:s31+$0x1E430] =	vst v7  }
0x568: {  	v7 =	vld [tilespmem:$0x10C0];
	_ =	sdelay $0x4  }
0x569: {  	v12 =	vshll.u32 v7, $0x3  }
0x56a: {  	v9 =	vand.u32 $0xFFFFFC00, v12  }
0x56b: {  	v7 =	vand.u32 $0x7F, v7;
	v9 =	vadd.s32 v8, v9  }
0x56c: {  	v7 =	vor.u32 v7, v9  }
0x56d: {  	v7 =	vor.u32 $0x180, v7;
	_ =	sdelay $0x4  }
0x56e: {  	v7 =	vld.idx.msk [tilespmem:v7+s24+$0x0], $0xffff;
	_ =	sdelay $0x4  }
0x56f: {  	[tilespmem:s31+$0x1E440] =	vst v7  }
0x570: {  	v7 =	vld [tilespmem:$0x10D0];
	_ =	sdelay $0x4  }
0x571: {  	v13 =	vshll.u32 v7, $0x3  }
0x572: {  	v9 =	vand.u32 $0xFFFFFC00, v13  }
0x573: {  	v7 =	vand.u32 $0x7F, v7;
	v9 =	vadd.s32 v8, v9  }
0x574: {  	v7 =	vor.u32 v7, v9  }
0x575: {  	v7 =	vor.u32 $0x180, v7;
	_ =	sdelay $0x4  }
0x576: {  	v7 =	vld.idx.msk [tilespmem:v7+s24+$0x0], $0xffff;
	_ =	sdelay $0x4  }
0x577: {  	[tilespmem:s31+$0x1E450] =	vst v7  }
0x578: {  	v7 =	vld [tilespmem:$0x10E0];
	_ =	sdelay $0x4  }
0x579: {  	v14 =	vshll.u32 v7, $0x3  }
0x57a: {  	v9 =	vand.u32 $0xFFFFFC00, v14  }
0x57b: {  	v7 =	vand.u32 $0x7F, v7;
	v9 =	vadd.s32 v8, v9  }
0x57c: {  	v7 =	vor.u32 v7, v9  }
0x57d: {  	v7 =	vor.u32 $0x180, v7;
	_ =	sdelay $0x4  }
0x57e: {  	v7 =	vld.idx.msk [tilespmem:v7+s24+$0x0], $0xffff;
	_ =	sdelay $0x4  }
0x57f: {  	[tilespmem:s31+$0x1E460] =	vst v7  }
0x580: {  	v7 =	vld [tilespmem:$0x10F0];
	_ =	sdelay $0x4  }
0x581: {  	v15 =	vshll.u32 v7, $0x3  }
0x582: {  	v9 =	vand.u32 $0xFFFFFC00, v15  }
0x583: {  	v7 =	vand.u32 $0x7F, v7;
	v9 =	vadd.s32 v8, v9  }
0x584: {  	v7 =	vor.u32 v7, v9  }
0x585: {  	v7 =	vor.u32 $0x180, v7;
	_ =	sdelay $0x4  }
0x586: {  	v7 =	vld.idx.msk [tilespmem:v7+s24+$0x0], $0xffff;
	_ =	sdelay $0x4  }
0x587: {  	[tilespmem:s31+$0x1E470] =	vst v7  }
0x588: {  	v7 =	vld [tilespmem:$0x1480];
	_ =	sdelay $0x4  }
0x589: {  	v16 =	vshll.u32 v7, $0x3  }
0x58a: {  	v9 =	vand.u32 $0xFFFFFC00, v16  }
0x58b: {  	v7 =	vand.u32 $0x7F, v7;
	v9 =	vadd.s32 v8, v9  }
0x58c: {  	v7 =	vor.u32 v7, v9  }
0x58d: {  	v7 =	vor.u32 $0x180, v7;
	_ =	sdelay $0x4  }
0x58e: {  	v7 =	vld.idx.msk [tilespmem:v7+s24+$0x0], $0xffff;
	_ =	sdelay $0x4  }
0x58f: {  	[tilespmem:s31+$0x1E800] =	vst v7  }
0x590: {  	v7 =	vld [tilespmem:$0x1490];
	_ =	sdelay $0x4  }
0x591: {  	v17 =	vshll.u32 v7, $0x3  }
0x592: {  	v9 =	vand.u32 $0xFFFFFC00, v17  }
0x593: {  	v7 =	vand.u32 $0x7F, v7;
	v9 =	vadd.s32 v8, v9  }
0x594: {  	v7 =	vor.u32 v7, v9  }
0x595: {  	v7 =	vor.u32 $0x180, v7;
	_ =	sdelay $0x4  }
0x596: {  	v7 =	vld.idx.msk [tilespmem:v7+s24+$0x0], $0xffff;
	_ =	sdelay $0x4  }
0x597: {  	[tilespmem:s31+$0x1E810] =	vst v7  }
0x598: {  	v7 =	vld [tilespmem:$0x14A0];
	_ =	sdelay $0x4  }
0x599: {  	v18 =	vshll.u32 v7, $0x3  }
0x59a: {  	v9 =	vand.u32 $0xFFFFFC00, v18  }
0x59b: {  	v7 =	vand.u32 $0x7F, v7;
	v9 =	vadd.s32 v8, v9  }
0x59c: {  	v7 =	vor.u32 v7, v9  }
0x59d: {  	v7 =	vor.u32 $0x180, v7;
	_ =	sdelay $0x4  }
0x59e: {  	v7 =	vld.idx.msk [tilespmem:v7+s24+$0x0], $0xffff;
	_ =	sdelay $0x4  }
0x59f: {  	[tilespmem:s31+$0x1E820] =	vst v7  }
0x5a0: {  	v7 =	vld [tilespmem:$0x14B0];
	_ =	sdelay $0x4  }
0x5a1: {  	v19 =	vshll.u32 v7, $0x3  }
0x5a2: {  	v9 =	vand.u32 $0xFFFFFC00, v19  }
0x5a3: {  	v7 =	vand.u32 $0x7F, v7;
	v9 =	vadd.s32 v8, v9  }
0x5a4: {  	v7 =	vor.u32 v7, v9  }
0x5a5: {  	v7 =	vor.u32 $0x180, v7;
	_ =	sdelay $0x4  }
0x5a6: {  	v7 =	vld.idx.msk [tilespmem:v7+s24+$0x0], $0xffff;
	_ =	sdelay $0x4  }
0x5a7: {  	[tilespmem:s31+$0x1E830] =	vst v7  }
0x5a8: {  	v7 =	vld [tilespmem:$0x14B4];
	_ =	sdelay $0x4  }
0x5a9: {  	v20 =	vshll.u32 v7, $0x3  }
0x5aa: {  	v9 =	vand.u32 $0xFFFFFC00, v20  }
0x5ab: {  	v7 =	vand.u32 $0x7F, v7;
	v8 =	vadd.s32 v8, v9  }
0x5ac: {  	v7 =	vor.u32 v7, v8  }
0x5ad: {  	v7 =	vor.u32 $0x180, v7;
	_ =	sdelay $0x4  }
0x5ae: {  	v7 =	vld.idx.msk [tilespmem:v7+s24+$0x0], $0xffff;
	_ =	sdelay $0x4  }
0x5af: {  	[tilespmem:s31+$0x1E834] =	vst v7  }
0x5b0: {  	v7 =	vld [tilespmem:$0x1100];
	_ =	sdelay $0x3  }
0x5b1: {  	v21 =	vbroadcast v5, $0xC  }
0x5b2: {  	v22 =	vshll.u32 v7, $0x3  }
0x5b3: {  	v8 =	vadd.s32 v21, v6;
	v9 =	vand.u32 $0xFFFFFC00, v22  }
0x5b4: {  	v7 =	vand.u32 $0x7F, v7;
	v9 =	vadd.s32 v8, v9  }
0x5b5: {  	v7 =	vor.u32 v7, v9  }
0x5b6: {  	v7 =	vor.u32 $0x200, v7;
	_ =	sdelay $0x4  }
0x5b7: {  	v7 =	vld.idx.msk [tilespmem:v7+s24+$0x0], $0xffff;
	_ =	sdelay $0x4  }
0x5b8: {  	[tilespmem:s31+$0x1E480] =	vst v7  }
0x5b9: {  	v7 =	vld [tilespmem:$0x1110];
	_ =	sdelay $0x4  }
0x5ba: {  	v23 =	vshll.u32 v7, $0x3  }
0x5bb: {  	v9 =	vand.u32 $0xFFFFFC00, v23  }
0x5bc: {  	v7 =	vand.u32 $0x7F, v7;
	v9 =	vadd.s32 v8, v9  }
0x5bd: {  	v7 =	vor.u32 v7, v9  }
0x5be: {  	v7 =	vor.u32 $0x200, v7;
	_ =	sdelay $0x4  }
0x5bf: {  	v7 =	vld.idx.msk [tilespmem:v7+s24+$0x0], $0xffff;
	_ =	sdelay $0x4  }
0x5c0: {  	[tilespmem:s31+$0x1E490] =	vst v7  }
0x5c1: {  	v7 =	vld [tilespmem:$0x1120];
	_ =	sdelay $0x4  }
0x5c2: {  	v24 =	vshll.u32 v7, $0x3  }
0x5c3: {  	v9 =	vand.u32 $0xFFFFFC00, v24  }
0x5c4: {  	v7 =	vand.u32 $0x7F, v7;
	v9 =	vadd.s32 v8, v9  }
0x5c5: {  	v7 =	vor.u32 v7, v9  }
0x5c6: {  	v7 =	vor.u32 $0x200, v7;
	_ =	sdelay $0x4  }
0x5c7: {  	v7 =	vld.idx.msk [tilespmem:v7+s24+$0x0], $0xffff;
	_ =	sdelay $0x4  }
0x5c8: {  	[tilespmem:s31+$0x1E4A0] =	vst v7  }
0x5c9: {  	v7 =	vld [tilespmem:$0x1130];
	_ =	sdelay $0x4  }
0x5ca: {  	v25 =	vshll.u32 v7, $0x3  }
0x5cb: {  	v9 =	vand.u32 $0xFFFFFC00, v25  }
0x5cc: {  	v7 =	vand.u32 $0x7F, v7;
	v9 =	vadd.s32 v8, v9  }
0x5cd: {  	v7 =	vor.u32 v7, v9  }
0x5ce: {  	v7 =	vor.u32 $0x200, v7;
	_ =	sdelay $0x4  }
0x5cf: {  	v7 =	vld.idx.msk [tilespmem:v7+s24+$0x0], $0xffff;
	_ =	sdelay $0x4  }
0x5d0: {  	[tilespmem:s31+$0x1E4B0] =	vst v7  }
0x5d1: {  	v7 =	vld [tilespmem:$0x1140];
	_ =	sdelay $0x4  }
0x5d2: {  	v26 =	vshll.u32 v7, $0x3  }
0x5d3: {  	v9 =	vand.u32 $0xFFFFFC00, v26  }
0x5d4: {  	v7 =	vand.u32 $0x7F, v7;
	v9 =	vadd.s32 v8, v9  }
0x5d5: {  	v7 =	vor.u32 v7, v9  }
0x5d6: {  	v7 =	vor.u32 $0x200, v7;
	_ =	sdelay $0x4  }
0x5d7: {  	v7 =	vld.idx.msk [tilespmem:v7+s24+$0x0], $0xffff;
	_ =	sdelay $0x4  }
0x5d8: {  	[tilespmem:s31+$0x1E4C0] =	vst v7  }
0x5d9: {  	v7 =	vld [tilespmem:$0x1150];
	_ =	sdelay $0x4  }
0x5da: {  	v27 =	vshll.u32 v7, $0x3  }
0x5db: {  	v9 =	vand.u32 $0xFFFFFC00, v27  }
0x5dc: {  	v7 =	vand.u32 $0x7F, v7;
	v9 =	vadd.s32 v8, v9  }
0x5dd: {  	v7 =	vor.u32 v7, v9  }
0x5de: {  	v7 =	vor.u32 $0x200, v7;
	_ =	sdelay $0x4  }
0x5df: {  	v7 =	vld.idx.msk [tilespmem:v7+s24+$0x0], $0xffff;
	_ =	sdelay $0x4  }
0x5e0: {  	[tilespmem:s31+$0x1E4D0] =	vst v7  }
0x5e1: {  	v7 =	vld [tilespmem:$0x1160];
	_ =	sdelay $0x4  }
0x5e2: {  	v28 =	vshll.u32 v7, $0x3  }
0x5e3: {  	v9 =	vand.u32 $0xFFFFFC00, v28  }
0x5e4: {  	v7 =	vand.u32 $0x7F, v7;
	v9 =	vadd.s32 v8, v9  }
0x5e5: {  	v7 =	vor.u32 v7, v9  }
0x5e6: {  	v7 =	vor.u32 $0x200, v7;
	_ =	sdelay $0x4  }
0x5e7: {  	v7 =	vld.idx.msk [tilespmem:v7+s24+$0x0], $0xffff;
	_ =	sdelay $0x4  }
0x5e8: {  	[tilespmem:s31+$0x1E4E0] =	vst v7  }
0x5e9: {  	v7 =	vld [tilespmem:$0x1170];
	_ =	sdelay $0x4  }
0x5ea: {  	v29 =	vshll.u32 v7, $0x3  }
0x5eb: {  	v9 =	vand.u32 $0xFFFFFC00, v29  }
0x5ec: {  	v7 =	vand.u32 $0x7F, v7;
	v9 =	vadd.s32 v8, v9  }
0x5ed: {  	v7 =	vor.u32 v7, v9  }
0x5ee: {  	v7 =	vor.u32 $0x200, v7;
	_ =	sdelay $0x4  }
0x5ef: {  	v7 =	vld.idx.msk [tilespmem:v7+s24+$0x0], $0xffff;
	_ =	sdelay $0x4  }
0x5f0: {  	[tilespmem:s31+$0x1E4F0] =	vst v7  }
0x5f1: {  	v7 =	vld [tilespmem:$0x1500];
	_ =	sdelay $0x4  }
0x5f2: {  	v30 =	vshll.u32 v7, $0x3  }
0x5f3: {  	v9 =	vand.u32 $0xFFFFFC00, v30  }
0x5f4: {  	v7 =	vand.u32 $0x7F, v7;
	v9 =	vadd.s32 v8, v9  }
0x5f5: {  	v7 =	vor.u32 v7, v9  }
0x5f6: {  	v7 =	vor.u32 $0x200, v7;
	_ =	sdelay $0x4  }
0x5f7: {  	v7 =	vld.idx.msk [tilespmem:v7+s24+$0x0], $0xffff;
	_ =	sdelay $0x4  }
0x5f8: {  	[tilespmem:s31+$0x1E880] =	vst v7  }
0x5f9: {  	v7 =	vld [tilespmem:$0x1510];
	_ =	sdelay $0x4  }
0x5fa: {  	v31 =	vshll.u32 v7, $0x3  }
0x5fb: {  	v9 =	vand.u32 $0xFFFFFC00, v31  }
0x5fc: {  	v7 =	vand.u32 $0x7F, v7;
	v9 =	vadd.s32 v8, v9  }
0x5fd: {  	v7 =	vor.u32 v7, v9  }
0x5fe: {  	v7 =	vor.u32 $0x200, v7;
	_ =	sdelay $0x4  }
0x5ff: {  	v7 =	vld.idx.msk [tilespmem:v7+s24+$0x0], $0xffff;
	_ =	sdelay $0x4  }
0x600: {  	[tilespmem:s31+$0x1E890] =	vst v7  }
0x601: {  	v7 =	vld [tilespmem:$0x1520];
	_ =	sdelay $0x4  }
0x602: {  	v32 =	vshll.u32 v7, $0x3  }
0x603: {  	v9 =	vand.u32 $0xFFFFFC00, v32  }
0x604: {  	v7 =	vand.u32 $0x7F, v7;
	v9 =	vadd.s32 v8, v9  }
0x605: {  	v7 =	vor.u32 v7, v9  }
0x606: {  	v7 =	vor.u32 $0x200, v7;
	_ =	sdelay $0x4  }
0x607: {  	v7 =	vld.idx.msk [tilespmem:v7+s24+$0x0], $0xffff;
	_ =	sdelay $0x4  }
0x608: {  	[tilespmem:s31+$0x1E8A0] =	vst v7  }
0x609: {  	v7 =	vld [tilespmem:$0x1530];
	_ =	sdelay $0x4  }
0x60a: {  	v33 =	vshll.u32 v7, $0x3  }
0x60b: {  	v9 =	vand.u32 $0xFFFFFC00, v33  }
0x60c: {  	v7 =	vand.u32 $0x7F, v7;
	v9 =	vadd.s32 v8, v9  }
0x60d: {  	v7 =	vor.u32 v7, v9  }
0x60e: {  	v7 =	vor.u32 $0x200, v7;
	_ =	sdelay $0x4  }
0x60f: {  	v7 =	vld.idx.msk [tilespmem:v7+s24+$0x0], $0xffff;
	_ =	sdelay $0x4  }
0x610: {  	[tilespmem:s31+$0x1E8B0] =	vst v7  }
0x611: {  	v7 =	vld [tilespmem:$0x1534];
	_ =	sdelay $0x4  }
0x612: {  	v34 =	vshll.u32 v7, $0x3  }
0x613: {  	v9 =	vand.u32 $0xFFFFFC00, v34  }
0x614: {  	v7 =	vand.u32 $0x7F, v7;
	v8 =	vadd.s32 v8, v9  }
0x615: {  	v7 =	vor.u32 v7, v8  }
0x616: {  	v7 =	vor.u32 $0x200, v7;
	_ =	sdelay $0x4  }
0x617: {  	v7 =	vld.idx.msk [tilespmem:v7+s24+$0x0], $0xffff;
	_ =	sdelay $0x4  }
0x618: {  	[tilespmem:s31+$0x1E8B4] =	vst v7  }
0x619: {  	v7 =	vld [tilespmem:$0x1180];
	_ =	sdelay $0x3  }
0x61a: {  	v35 =	vbroadcast v5, $0xD  }
0x61b: {  	v36 =	vshll.u32 v7, $0x3  }
0x61c: {  	v8 =	vadd.s32 v35, v6;
	v9 =	vand.u32 $0xFFFFFC00, v36  }
0x61d: {  	v7 =	vand.u32 $0x7F, v7;
	v9 =	vadd.s32 v8, v9  }
0x61e: {  	v7 =	vor.u32 v7, v9  }
0x61f: {  	v7 =	vor.u32 $0x280, v7;
	_ =	sdelay $0x4  }
0x620: {  	v7 =	vld.idx.msk [tilespmem:v7+s24+$0x0], $0xffff;
	_ =	sdelay $0x4  }
0x621: {  	[tilespmem:s31+$0x1E500] =	vst v7  }
0x622: {  	v7 =	vld [tilespmem:$0x1190];
	_ =	sdelay $0x4  }
0x623: {  	v37 =	vshll.u32 v7, $0x3  }
0x624: {  	v9 =	vand.u32 $0xFFFFFC00, v37  }
0x625: {  	v7 =	vand.u32 $0x7F, v7;
	v9 =	vadd.s32 v8, v9  }
0x626: {  	v7 =	vor.u32 v7, v9  }
0x627: {  	v7 =	vor.u32 $0x280, v7;
	_ =	sdelay $0x4  }
0x628: {  	v7 =	vld.idx.msk [tilespmem:v7+s24+$0x0], $0xffff;
	_ =	sdelay $0x4  }
0x629: {  	[tilespmem:s31+$0x1E510] =	vst v7  }
0x62a: {  	v7 =	vld [tilespmem:$0x11A0];
	_ =	sdelay $0x4  }
0x62b: {  	v38 =	vshll.u32 v7, $0x3  }
0x62c: {  	v9 =	vand.u32 $0xFFFFFC00, v38  }
0x62d: {  	v7 =	vand.u32 $0x7F, v7;
	v9 =	vadd.s32 v8, v9  }
0x62e: {  	v7 =	vor.u32 v7, v9  }
0x62f: {  	v7 =	vor.u32 $0x280, v7;
	_ =	sdelay $0x4  }
0x630: {  	v7 =	vld.idx.msk [tilespmem:v7+s24+$0x0], $0xffff;
	_ =	sdelay $0x4  }
0x631: {  	[tilespmem:s31+$0x1E520] =	vst v7  }
0x632: {  	v7 =	vld [tilespmem:$0x11B0];
	_ =	sdelay $0x4  }
0x633: {  	v39 =	vshll.u32 v7, $0x3  }
0x634: {  	v9 =	vand.u32 $0xFFFFFC00, v39  }
0x635: {  	v7 =	vand.u32 $0x7F, v7;
	v9 =	vadd.s32 v8, v9  }
0x636: {  	v7 =	vor.u32 v7, v9  }
0x637: {  	v7 =	vor.u32 $0x280, v7;
	_ =	sdelay $0x4  }
0x638: {  	v7 =	vld.idx.msk [tilespmem:v7+s24+$0x0], $0xffff;
	_ =	sdelay $0x4  }
0x639: {  	[tilespmem:s31+$0x1E530] =	vst v7  }
0x63a: {  	v7 =	vld [tilespmem:$0x11C0];
	_ =	sdelay $0x4  }
0x63b: {  	v40 =	vshll.u32 v7, $0x3  }
0x63c: {  	v9 =	vand.u32 $0xFFFFFC00, v40  }
0x63d: {  	v7 =	vand.u32 $0x7F, v7;
	v9 =	vadd.s32 v8, v9  }
0x63e: {  	v7 =	vor.u32 v7, v9  }
0x63f: {  	v7 =	vor.u32 $0x280, v7;
	_ =	sdelay $0x4  }
0x640: {  	v7 =	vld.idx.msk [tilespmem:v7+s24+$0x0], $0xffff;
	_ =	sdelay $0x4  }
0x641: {  	[tilespmem:s31+$0x1E540] =	vst v7  }
0x642: {  	v7 =	vld [tilespmem:$0x11D0];
	_ =	sdelay $0x4  }
0x643: {  	v41 =	vshll.u32 v7, $0x3  }
0x644: {  	v9 =	vand.u32 $0xFFFFFC00, v41  }
0x645: {  	v7 =	vand.u32 $0x7F, v7;
	v9 =	vadd.s32 v8, v9  }
0x646: {  	v7 =	vor.u32 v7, v9  }
0x647: {  	v7 =	vor.u32 $0x280, v7;
	_ =	sdelay $0x4  }
0x648: {  	v7 =	vld.idx.msk [tilespmem:v7+s24+$0x0], $0xffff;
	_ =	sdelay $0x4  }
0x649: {  	[tilespmem:s31+$0x1E550] =	vst v7  }
0x64a: {  	v7 =	vld [tilespmem:$0x11E0];
	_ =	sdelay $0x4  }
0x64b: {  	v42 =	vshll.u32 v7, $0x3  }
0x64c: {  	v9 =	vand.u32 $0xFFFFFC00, v42  }
0x64d: {  	v7 =	vand.u32 $0x7F, v7;
	v9 =	vadd.s32 v8, v9  }
0x64e: {  	v7 =	vor.u32 v7, v9  }
0x64f: {  	v7 =	vor.u32 $0x280, v7;
	_ =	sdelay $0x4  }
0x650: {  	v7 =	vld.idx.msk [tilespmem:v7+s24+$0x0], $0xffff;
	_ =	sdelay $0x4  }
0x651: {  	[tilespmem:s31+$0x1E560] =	vst v7  }
0x652: {  	v7 =	vld [tilespmem:$0x11F0];
	_ =	sdelay $0x4  }
0x653: {  	v43 =	vshll.u32 v7, $0x3  }
0x654: {  	v9 =	vand.u32 $0xFFFFFC00, v43  }
0x655: {  	v7 =	vand.u32 $0x7F, v7;
	v9 =	vadd.s32 v8, v9  }
0x656: {  	v7 =	vor.u32 v7, v9  }
0x657: {  	v7 =	vor.u32 $0x280, v7;
	_ =	sdelay $0x4  }
0x658: {  	v7 =	vld.idx.msk [tilespmem:v7+s24+$0x0], $0xffff;
	_ =	sdelay $0x4  }
0x659: {  	[tilespmem:s31+$0x1E570] =	vst v7  }
0x65a: {  	v7 =	vld [tilespmem:$0x1580];
	_ =	sdelay $0x4  }
0x65b: {  	v44 =	vshll.u32 v7, $0x3  }
0x65c: {  	v9 =	vand.u32 $0xFFFFFC00, v44  }
0x65d: {  	v7 =	vand.u32 $0x7F, v7;
	v9 =	vadd.s32 v8, v9  }
0x65e: {  	v7 =	vor.u32 v7, v9  }
0x65f: {  	v7 =	vor.u32 $0x280, v7;
	_ =	sdelay $0x4  }
0x660: {  	v7 =	vld.idx.msk [tilespmem:v7+s24+$0x0], $0xffff;
	_ =	sdelay $0x4  }
0x661: {  	[tilespmem:s31+$0x1E900] =	vst v7  }
0x662: {  	v7 =	vld [tilespmem:$0x1590];
	_ =	sdelay $0x4  }
0x663: {  	v45 =	vshll.u32 v7, $0x3  }
0x664: {  	v9 =	vand.u32 $0xFFFFFC00, v45  }
0x665: {  	v7 =	vand.u32 $0x7F, v7;
	v9 =	vadd.s32 v8, v9  }
0x666: {  	v7 =	vor.u32 v7, v9  }
0x667: {  	v7 =	vor.u32 $0x280, v7;
	_ =	sdelay $0x4  }
0x668: {  	v7 =	vld.idx.msk [tilespmem:v7+s24+$0x0], $0xffff;
	_ =	sdelay $0x4  }
0x669: {  	[tilespmem:s31+$0x1E910] =	vst v7  }
0x66a: {  	v7 =	vld [tilespmem:$0x15A0];
	_ =	sdelay $0x4  }
0x66b: {  	v46 =	vshll.u32 v7, $0x3  }
0x66c: {  	v9 =	vand.u32 $0xFFFFFC00, v46  }
0x66d: {  	v7 =	vand.u32 $0x7F, v7;
	v9 =	vadd.s32 v8, v9  }
0x66e: {  	v7 =	vor.u32 v7, v9  }
0x66f: {  	v7 =	vor.u32 $0x280, v7;
	_ =	sdelay $0x4  }
0x670: {  	v7 =	vld.idx.msk [tilespmem:v7+s24+$0x0], $0xffff;
	_ =	sdelay $0x4  }
0x671: {  	[tilespmem:s31+$0x1E920] =	vst v7  }
0x672: {  	v7 =	vld [tilespmem:$0x15B0];
	_ =	sdelay $0x4  }
0x673: {  	v47 =	vshll.u32 v7, $0x3  }
0x674: {  	v9 =	vand.u32 $0xFFFFFC00, v47  }
0x675: {  	v7 =	vand.u32 $0x7F, v7;
	v9 =	vadd.s32 v8, v9  }
0x676: {  	v7 =	vor.u32 v7, v9  }
0x677: {  	v7 =	vor.u32 $0x280, v7;
	_ =	sdelay $0x4  }
0x678: {  	v7 =	vld.idx.msk [tilespmem:v7+s24+$0x0], $0xffff;
	_ =	sdelay $0x4  }
0x679: {  	[tilespmem:s31+$0x1E930] =	vst v7  }
0x67a: {  	v7 =	vld [tilespmem:$0x15B4];
	_ =	sdelay $0x4  }
0x67b: {  	v48 =	vshll.u32 v7, $0x3  }
0x67c: {  	v9 =	vand.u32 $0xFFFFFC00, v48  }
0x67d: {  	v7 =	vand.u32 $0x7F, v7;
	v8 =	vadd.s32 v8, v9  }
0x67e: {  	v7 =	vor.u32 v7, v8  }
0x67f: {  	v7 =	vor.u32 $0x280, v7;
	_ =	sdelay $0x4  }
0x680: {  	v7 =	vld.idx.msk [tilespmem:v7+s24+$0x0], $0xffff;
	_ =	sdelay $0x4  }
0x681: {  	[tilespmem:s31+$0x1E934] =	vst v7  }
0x682: {  	v7 =	vld [tilespmem:$0x1200];
	_ =	sdelay $0x3  }
0x683: {  	v49 =	vbroadcast v5, $0xE  }
0x684: {  	v50 =	vshll.u32 v7, $0x3  }
0x685: {  	v8 =	vadd.s32 v49, v6;
	v9 =	vand.u32 $0xFFFFFC00, v50  }
0x686: {  	v7 =	vand.u32 $0x7F, v7;
	v9 =	vadd.s32 v8, v9  }
0x687: {  	v7 =	vor.u32 v7, v9  }
0x688: {  	v7 =	vor.u32 $0x300, v7;
	_ =	sdelay $0x4  }
0x689: {  	v7 =	vld.idx.msk [tilespmem:v7+s24+$0x0], $0xffff;
	_ =	sdelay $0x4  }
0x68a: {  	[tilespmem:s31+$0x1E580] =	vst v7  }
0x68b: {  	v7 =	vld [tilespmem:$0x1210];
	_ =	sdelay $0x4  }
0x68c: {  	v51 =	vshll.u32 v7, $0x3  }
0x68d: {  	v9 =	vand.u32 $0xFFFFFC00, v51  }
0x68e: {  	v7 =	vand.u32 $0x7F, v7;
	v9 =	vadd.s32 v8, v9  }
0x68f: {  	v7 =	vor.u32 v7, v9  }
0x690: {  	v7 =	vor.u32 $0x300, v7;
	_ =	sdelay $0x4  }
0x691: {  	v7 =	vld.idx.msk [tilespmem:v7+s24+$0x0], $0xffff;
	_ =	sdelay $0x4  }
0x692: {  	[tilespmem:s31+$0x1E590] =	vst v7  }
0x693: {  	v7 =	vld [tilespmem:$0x1220];
	_ =	sdelay $0x4  }
0x694: {  	v52 =	vshll.u32 v7, $0x3  }
0x695: {  	v9 =	vand.u32 $0xFFFFFC00, v52  }
0x696: {  	v7 =	vand.u32 $0x7F, v7;
	v9 =	vadd.s32 v8, v9  }
0x697: {  	v7 =	vor.u32 v7, v9  }
0x698: {  	v7 =	vor.u32 $0x300, v7;
	_ =	sdelay $0x4  }
0x699: {  	v7 =	vld.idx.msk [tilespmem:v7+s24+$0x0], $0xffff;
	_ =	sdelay $0x4  }
0x69a: {  	[tilespmem:s31+$0x1E5A0] =	vst v7  }
0x69b: {  	v7 =	vld [tilespmem:$0x1230];
	_ =	sdelay $0x4  }
0x69c: {  	v53 =	vshll.u32 v7, $0x3  }
0x69d: {  	v9 =	vand.u32 $0xFFFFFC00, v53  }
0x69e: {  	v7 =	vand.u32 $0x7F, v7;
	v9 =	vadd.s32 v8, v9  }
0x69f: {  	v7 =	vor.u32 v7, v9  }
0x6a0: {  	v7 =	vor.u32 $0x300, v7;
	_ =	sdelay $0x4  }
0x6a1: {  	v7 =	vld.idx.msk [tilespmem:v7+s24+$0x0], $0xffff;
	_ =	sdelay $0x4  }
0x6a2: {  	[tilespmem:s31+$0x1E5B0] =	vst v7  }
0x6a3: {  	v7 =	vld [tilespmem:$0x1240];
	_ =	sdelay $0x4  }
0x6a4: {  	v54 =	vshll.u32 v7, $0x3  }
0x6a5: {  	v9 =	vand.u32 $0xFFFFFC00, v54  }
0x6a6: {  	v7 =	vand.u32 $0x7F, v7;
	v9 =	vadd.s32 v8, v9  }
0x6a7: {  	v7 =	vor.u32 v7, v9  }
0x6a8: {  	v7 =	vor.u32 $0x300, v7;
	_ =	sdelay $0x4  }
0x6a9: {  	v7 =	vld.idx.msk [tilespmem:v7+s24+$0x0], $0xffff;
	_ =	sdelay $0x4  }
0x6aa: {  	[tilespmem:s31+$0x1E5C0] =	vst v7  }
0x6ab: {  	v7 =	vld [tilespmem:$0x1250];
	_ =	sdelay $0x4  }
0x6ac: {  	v55 =	vshll.u32 v7, $0x3  }
0x6ad: {  	v9 =	vand.u32 $0xFFFFFC00, v55  }
0x6ae: {  	v7 =	vand.u32 $0x7F, v7;
	v9 =	vadd.s32 v8, v9  }
0x6af: {  	v7 =	vor.u32 v7, v9  }
0x6b0: {  	v7 =	vor.u32 $0x300, v7;
	_ =	sdelay $0x4  }
0x6b1: {  	v7 =	vld.idx.msk [tilespmem:v7+s24+$0x0], $0xffff;
	_ =	sdelay $0x4  }
0x6b2: {  	[tilespmem:s31+$0x1E5D0] =	vst v7  }
0x6b3: {  	v7 =	vld [tilespmem:$0x1260];
	_ =	sdelay $0x4  }
0x6b4: {  	v56 =	vshll.u32 v7, $0x3  }
0x6b5: {  	v9 =	vand.u32 $0xFFFFFC00, v56  }
0x6b6: {  	v7 =	vand.u32 $0x7F, v7;
	v9 =	vadd.s32 v8, v9  }
0x6b7: {  	v7 =	vor.u32 v7, v9  }
0x6b8: {  	v7 =	vor.u32 $0x300, v7;
	_ =	sdelay $0x4  }
0x6b9: {  	v7 =	vld.idx.msk [tilespmem:v7+s24+$0x0], $0xffff;
	_ =	sdelay $0x4  }
0x6ba: {  	[tilespmem:s31+$0x1E5E0] =	vst v7  }
0x6bb: {  	v7 =	vld [tilespmem:$0x1270];
	_ =	sdelay $0x4  }
0x6bc: {  	v57 =	vshll.u32 v7, $0x3  }
0x6bd: {  	v9 =	vand.u32 $0xFFFFFC00, v57  }
0x6be: {  	v7 =	vand.u32 $0x7F, v7;
	v9 =	vadd.s32 v8, v9  }
0x6bf: {  	v7 =	vor.u32 v7, v9  }
0x6c0: {  	v7 =	vor.u32 $0x300, v7;
	_ =	sdelay $0x4  }
0x6c1: {  	v7 =	vld.idx.msk [tilespmem:v7+s24+$0x0], $0xffff;
	_ =	sdelay $0x4  }
0x6c2: {  	[tilespmem:s31+$0x1E5F0] =	vst v7  }
0x6c3: {  	v7 =	vld [tilespmem:$0x1600];
	_ =	sdelay $0x4  }
0x6c4: {  	v58 =	vshll.u32 v7, $0x3  }
0x6c5: {  	v9 =	vand.u32 $0xFFFFFC00, v58  }
0x6c6: {  	v7 =	vand.u32 $0x7F, v7;
	v9 =	vadd.s32 v8, v9  }
0x6c7: {  	v7 =	vor.u32 v7, v9  }
0x6c8: {  	v7 =	vor.u32 $0x300, v7;
	_ =	sdelay $0x4  }
0x6c9: {  	v7 =	vld.idx.msk [tilespmem:v7+s24+$0x0], $0xffff;
	_ =	sdelay $0x4  }
0x6ca: {  	[tilespmem:s31+$0x1E980] =	vst v7  }
0x6cb: {  	v7 =	vld [tilespmem:$0x1610];
	_ =	sdelay $0x4  }
0x6cc: {  	v59 =	vshll.u32 v7, $0x3  }
0x6cd: {  	v9 =	vand.u32 $0xFFFFFC00, v59  }
0x6ce: {  	v7 =	vand.u32 $0x7F, v7;
	v9 =	vadd.s32 v8, v9  }
0x6cf: {  	v7 =	vor.u32 v7, v9  }
0x6d0: {  	v7 =	vor.u32 $0x300, v7;
	_ =	sdelay $0x4  }
0x6d1: {  	v7 =	vld.idx.msk [tilespmem:v7+s24+$0x0], $0xffff;
	_ =	sdelay $0x4  }
0x6d2: {  	[tilespmem:s31+$0x1E990] =	vst v7  }
0x6d3: {  	v7 =	vld [tilespmem:$0x1620];
	_ =	sdelay $0x4  }
0x6d4: {  	v60 =	vshll.u32 v7, $0x3  }
0x6d5: {  	v9 =	vand.u32 $0xFFFFFC00, v60  }
0x6d6: {  	v7 =	vand.u32 $0x7F, v7;
	v9 =	vadd.s32 v8, v9  }
0x6d7: {  	v7 =	vor.u32 v7, v9  }
0x6d8: {  	v7 =	vor.u32 $0x300, v7;
	_ =	sdelay $0x4  }
0x6d9: {  	v7 =	vld.idx.msk [tilespmem:v7+s24+$0x0], $0xffff;
	_ =	sdelay $0x4  }
0x6da: {  	[tilespmem:s31+$0x1E9A0] =	vst v7  }
0x6db: {  	v7 =	vld [tilespmem:$0x1630];
	_ =	sdelay $0x4  }
0x6dc: {  	v61 =	vshll.u32 v7, $0x3  }
0x6dd: {  	v9 =	vand.u32 $0xFFFFFC00, v61  }
0x6de: {  	v7 =	vand.u32 $0x7F, v7;
	v9 =	vadd.s32 v8, v9  }
0x6df: {  	v7 =	vor.u32 v7, v9  }
0x6e0: {  	v7 =	vor.u32 $0x300, v7;
	_ =	sdelay $0x4  }
0x6e1: {  	v7 =	vld.idx.msk [tilespmem:v7+s24+$0x0], $0xffff;
	_ =	sdelay $0x4  }
0x6e2: {  	[tilespmem:s31+$0x1E9B0] =	vst v7  }
0x6e3: {  	v7 =	vld [tilespmem:$0x1634];
	_ =	sdelay $0x4  }
0x6e4: {  	v62 =	vshll.u32 v7, $0x3  }
0x6e5: {  	v9 =	vand.u32 $0xFFFFFC00, v62  }
0x6e6: {  	v7 =	vand.u32 $0x7F, v7;
	v8 =	vadd.s32 v8, v9  }
0x6e7: {  	v7 =	vor.u32 v7, v8  }
0x6e8: {  	v7 =	vor.u32 $0x300, v7;
	_ =	sdelay $0x4  }
0x6e9: {  	v7 =	vld.idx.msk [tilespmem:v7+s24+$0x0], $0xffff;
	_ =	sdelay $0x4  }
0x6ea: {  	[tilespmem:s31+$0x1E9B4] =	vst v7  }
0x6eb: {  	v7 =	vld [tilespmem:$0x1280];
	_ =	sdelay $0x3  }
0x6ec: {  	v5 =	vbroadcast v5, $0xF  }
0x6ed: {  	v63 =	vshll.u32 v7, $0x3  }
0x6ee: {  	v5 =	vadd.s32 v5, v6;
	v6 =	vand.u32 $0xFFFFFC00, v63  }
0x6ef: {  	v7 =	vand.u32 $0x7F, v7;
	v6 =	vadd.s32 v5, v6  }
0x6f0: {  	v6 =	vor.u32 v7, v6  }
0x6f1: {  	v6 =	vor.u32 $0x380, v6;
	_ =	sdelay $0x4  }
0x6f2: {  	v6 =	vld.idx.msk [tilespmem:v6+s24+$0x0], $0xffff;
	_ =	sdelay $0x4  }
0x6f3: {  	[tilespmem:s31+$0x1E600] =	vst v6  }
0x6f4: {  	v6 =	vld [tilespmem:$0x1290];
	_ =	sdelay $0x4  }
0x6f5: {  	v7 =	vshll.u32 v6, $0x3  }
0x6f6: {  	v7 =	vand.u32 $0xFFFFFC00, v7  }
0x6f7: {  	v6 =	vand.u32 $0x7F, v6;
	v7 =	vadd.s32 v5, v7  }
0x6f8: {  	v6 =	vor.u32 v6, v7  }
0x6f9: {  	v6 =	vor.u32 $0x380, v6;
	_ =	sdelay $0x4  }
0x6fa: {  	v6 =	vld.idx.msk [tilespmem:v6+s24+$0x0], $0xffff;
	_ =	sdelay $0x4  }
0x6fb: {  	[tilespmem:s31+$0x1E610] =	vst v6  }
0x6fc: {  	v6 =	vld [tilespmem:$0x12A0];
	_ =	sdelay $0x4  }
0x6fd: {  	v7 =	vshll.u32 v6, $0x3  }
0x6fe: {  	v7 =	vand.u32 $0xFFFFFC00, v7  }
0x6ff: {  	v6 =	vand.u32 $0x7F, v6;
	v7 =	vadd.s32 v5, v7  }
0x700: {  	v6 =	vor.u32 v6, v7  }
0x701: {  	v6 =	vor.u32 $0x380, v6;
	_ =	sdelay $0x4  }
0x702: {  	v6 =	vld.idx.msk [tilespmem:v6+s24+$0x0], $0xffff;
	_ =	sdelay $0x4  }
0x703: {  	[tilespmem:s31+$0x1E620] =	vst v6  }
0x704: {  	v6 =	vld [tilespmem:$0x12B0];
	_ =	sdelay $0x4  }
0x705: {  	v7 =	vshll.u32 v6, $0x3  }
0x706: {  	v7 =	vand.u32 $0xFFFFFC00, v7  }
0x707: {  	v6 =	vand.u32 $0x7F, v6;
	v7 =	vadd.s32 v5, v7  }
0x708: {  	v6 =	vor.u32 v6, v7  }
0x709: {  	v6 =	vor.u32 $0x380, v6;
	_ =	sdelay $0x4  }
0x70a: {  	v6 =	vld.idx.msk [tilespmem:v6+s24+$0x0], $0xffff;
	_ =	sdelay $0x4  }
0x70b: {  	[tilespmem:s31+$0x1E630] =	vst v6  }
0x70c: {  	v6 =	vld [tilespmem:$0x12C0];
	_ =	sdelay $0x4  }
0x70d: {  	v7 =	vshll.u32 v6, $0x3  }
0x70e: {  	v7 =	vand.u32 $0xFFFFFC00, v7  }
0x70f: {  	v6 =	vand.u32 $0x7F, v6;
	v7 =	vadd.s32 v5, v7  }
0x710: {  	v6 =	vor.u32 v6, v7  }
0x711: {  	v6 =	vor.u32 $0x380, v6;
	_ =	sdelay $0x4  }
0x712: {  	v6 =	vld.idx.msk [tilespmem:v6+s24+$0x0], $0xffff;
	_ =	sdelay $0x4  }
0x713: {  	[tilespmem:s31+$0x1E640] =	vst v6  }
0x714: {  	v6 =	vld [tilespmem:$0x12D0];
	_ =	sdelay $0x4  }
0x715: {  	v7 =	vshll.u32 v6, $0x3  }
0x716: {  	v7 =	vand.u32 $0xFFFFFC00, v7  }
0x717: {  	v6 =	vand.u32 $0x7F, v6;
	v7 =	vadd.s32 v5, v7  }
0x718: {  	v6 =	vor.u32 v6, v7  }
0x719: {  	v6 =	vor.u32 $0x380, v6;
	_ =	sdelay $0x4  }
0x71a: {  	v6 =	vld.idx.msk [tilespmem:v6+s24+$0x0], $0xffff;
	_ =	sdelay $0x4  }
0x71b: {  	[tilespmem:s31+$0x1E650] =	vst v6  }
0x71c: {  	v6 =	vld [tilespmem:$0x12E0];
	_ =	sdelay $0x4  }
0x71d: {  	v7 =	vshll.u32 v6, $0x3  }
0x71e: {  	v7 =	vand.u32 $0xFFFFFC00, v7  }
0x71f: {  	v6 =	vand.u32 $0x7F, v6;
	v7 =	vadd.s32 v5, v7  }
0x720: {  	v6 =	vor.u32 v6, v7  }
0x721: {  	v6 =	vor.u32 $0x380, v6;
	_ =	sdelay $0x4  }
0x722: {  	v6 =	vld.idx.msk [tilespmem:v6+s24+$0x0], $0xffff;
	_ =	sdelay $0x4  }
0x723: {  	[tilespmem:s31+$0x1E660] =	vst v6  }
0x724: {  	v6 =	vld [tilespmem:$0x12F0];
	_ =	sdelay $0x4  }
0x725: {  	v7 =	vshll.u32 v6, $0x3  }
0x726: {  	v7 =	vand.u32 $0xFFFFFC00, v7  }
0x727: {  	v6 =	vand.u32 $0x7F, v6;
	v7 =	vadd.s32 v5, v7  }
0x728: {  	v6 =	vor.u32 v6, v7  }
0x729: {  	v6 =	vor.u32 $0x380, v6;
	_ =	sdelay $0x4  }
0x72a: {  	v6 =	vld.idx.msk [tilespmem:v6+s24+$0x0], $0xffff;
	_ =	sdelay $0x4  }
0x72b: {  	[tilespmem:s31+$0x1E670] =	vst v6  }
0x72c: {  	v6 =	vld [tilespmem:$0x1680];
	_ =	sdelay $0x4  }
0x72d: {  	v7 =	vshll.u32 v6, $0x3  }
0x72e: {  	v7 =	vand.u32 $0xFFFFFC00, v7  }
0x72f: {  	v6 =	vand.u32 $0x7F, v6;
	v7 =	vadd.s32 v5, v7  }
0x730: {  	v6 =	vor.u32 v6, v7  }
0x731: {  	v6 =	vor.u32 $0x380, v6;
	_ =	sdelay $0x4  }
0x732: {  	v6 =	vld.idx.msk [tilespmem:v6+s24+$0x0], $0xffff;
	_ =	sdelay $0x4  }
0x733: {  	[tilespmem:s31+$0x1EA00] =	vst v6  }
0x734: {  	v6 =	vld [tilespmem:$0x1690];
	_ =	sdelay $0x4  }
0x735: {  	v7 =	vshll.u32 v6, $0x3  }
0x736: {  	v7 =	vand.u32 $0xFFFFFC00, v7  }
0x737: {  	v6 =	vand.u32 $0x7F, v6;
	v7 =	vadd.s32 v5, v7  }
0x738: {  	v6 =	vor.u32 v6, v7  }
0x739: {  	v6 =	vor.u32 $0x380, v6;
	_ =	sdelay $0x4  }
0x73a: {  	v6 =	vld.idx.msk [tilespmem:v6+s24+$0x0], $0xffff;
	_ =	sdelay $0x4  }
0x73b: {  	[tilespmem:s31+$0x1EA10] =	vst v6  }
0x73c: {  	v6 =	vld [tilespmem:$0x16A0];
	_ =	sdelay $0x4  }
0x73d: {  	v7 =	vshll.u32 v6, $0x3  }
0x73e: {  	v7 =	vand.u32 $0xFFFFFC00, v7  }
0x73f: {  	v6 =	vand.u32 $0x7F, v6;
	v7 =	vadd.s32 v5, v7  }
0x740: {  	v6 =	vor.u32 v6, v7  }
0x741: {  	v6 =	vor.u32 $0x380, v6;
	_ =	sdelay $0x4  }
0x742: {  	v6 =	vld.idx.msk [tilespmem:v6+s24+$0x0], $0xffff;
	_ =	sdelay $0x4  }
0x743: {  	[tilespmem:s31+$0x1EA20] =	vst v6  }
0x744: {  	v6 =	vld [tilespmem:$0x16B0];
	_ =	sdelay $0x4  }
0x745: {  	v7 =	vshll.u32 v6, $0x3  }
0x746: {  	v7 =	vand.u32 $0xFFFFFC00, v7  }
0x747: {  	v6 =	vand.u32 $0x7F, v6;
	v7 =	vadd.s32 v5, v7  }
0x748: {  	v6 =	vor.u32 v6, v7  }
0x749: {  	v6 =	vor.u32 $0x380, v6;
	_ =	sdelay $0x4  }
0x74a: {  	v6 =	vld.idx.msk [tilespmem:v6+s24+$0x0], $0xffff;
	_ =	sdelay $0x4  }
0x74b: {  	[tilespmem:s31+$0x1EA30] =	vst v6  }
0x74c: {  	v6 =	vld [tilespmem:$0x16B4];
	_ =	sdelay $0x4  }
0x74d: {  	v7 =	vshll.u32 v6, $0x3  }
0x74e: {  	v7 =	vand.u32 $0xFFFFFC00, v7  }
0x74f: {  	v6 =	vand.u32 $0x7F, v6;
	v5 =	vadd.s32 v5, v7  }
0x750: {  	v5 =	vor.u32 v6, v5  }
0x751: {  	v5 =	vor.u32 $0x380, v5;
	_ =	sdelay $0x4  }
0x752: {  	v5 =	vld.idx.msk [tilespmem:v5+s24+$0x0], $0xffff;
	_ =	sdelay $0x3  }
0x753: {  	p1 =	sne.s32 s20, $0x0  }
0x754: {  	s2 =	simm.s32 @!p1 $0x1DA80;
	s1 =	simm.s32 @!p1 $0x0;
	[tilespmem:s31+$0x1EA34] =	vst v5  }
0x755: {  	[hbm4b:s16+s1] =	stream.linear.scatter @!p1 [tilespmem:s2], [sflag:$0x3], $0x1000, $0x38;
	[tilespmem:$0x1FA80] =	vst v63  }
0x756: {  	s17 =	sadd.s32 $0x1, s17;
	s1 =	simm.s32 @p0 $0x0;
	s2 =	simm.s32 @p0 $0x1EA80  }
0x757: {  	[hbm4b:s16+s1] =	stream.linear.scatter @p0 [tilespmem:s2], [sflag:$0x4], $0x1000, $0x38;
	[tilespmem:$0x1FA80] =	vst v63  }
0x758: {  	p0 =	sne.s32 s17, $0x31  }
.Ltmp5:
0x759: {  	_ = 	snop;
	(pc) =	sbr.rel @!p0 .LBB2_12-.Ltmp5, $3  }
0x75a: {  	_ =	sdelay $0x1  }
0x75b: {  	s19 =	sadd.s32 $0x1, s19;
	s22 =	sadd.s32 $0x7000, s22  }
0x75c: {  	s23 =	sadd.s32 $0x1, s23;
	s21 =	sadd.s32 $0x2, s21;
	s16 =	sadd.s32 $0x200, s16  }
.LBB2_7:
0x75d: {  	p0 =	seq.s32 s17, $0x30  }
.Ltmp6:
0x75e: {  	_ = 	snop;
	(pc) =	sbr.rel @p0 .LBB2_10-.Ltmp6, $2  }
0x75f: {  	_ =	sdelay $0x2  }
0x760: {  	s20 =	sand.u32 $0x1, s17  }
0x761: {  	s6 =	sshrl.u32 s23, $0x1  }
0x762: {  	s6 =	smulhi.u32 $0x92492493, s6;
	_ =	sdelay $0x1  }
0x763: {  	s6 =	sshrl.u32 s6, $0x2  }
0x764: {  	p0 =	sne.s32 s20, $0x0;
	s6 =	smul.u32 $0x62000, s6  }
.Ltmp7:
0x765: {  	_ = 	snop;
	(pc) =	sbr.rel @!p0 .LBB2_9-.Ltmp7, $4  }
0x766: {  	s6 =	sadd.s32 s6, s22  }
0x767: {  	s8 =	sadd.s32 $0x7000, s6;
	s6 =	sadd.s32 $0x69000, s6  }
0x768: {  	s1 =	rddreg [dreg:$0x1];
	s8 =	sshrl.u32 s8, $0x3;
	s6 =	sshrl.u32 s6, $0x3  }
0x769: {  	s11 =	sadd.s32 s1, s8;
	s6 =	sadd.s32 s1, s6;
	s1 =	simm.s32 $0x0  }
.Ltmp8:
0x76a: {  	(pc) =	sbr.rel .LBB2_11-.Ltmp8, $4  }
0x76b: {  	_ = 	snop  }
0x76c: {  	[tilespmem:s24], [sflag:$0x1] =	stream.linear.gather [hbm4b:s11+s1], $0x7000, $0x38;
	[tilespmem:$0x1FA80] =	vst v63  }
0x76d: {  	s2 =	simm.s32 $0x8A80  }
0x76e: {  	[tilespmem:s2], [sflag:$0x1] =	stream.linear.gather [hbm4b:s6+s1], $0x7000, $0x38;
	[tilespmem:$0x1FA80] =	vst v63  }
.LBB2_13:
0x76f: {  	_ =	sfence.sel $0x180000  }
0x770: {  	[bflag:$0x0] =	sbarrier.arrive $0xFFFF  }
0x771: {  	_ =	strace $0x90000047  }
0x772: {  	s0 =	stileid.u32;
	[bflag:$0x2] =	sbarrier.arrive $0xFFFF  }
0x773: {  	p0 =	sne.s32 s0, $0x0;
	s0 =	rddreg [dreg:$0x4]  }
0x774: {  	s0 =	sadd.s32 @!p0 $0x100000, s0  }
0x775: {  	[sflag:s0] =	ssyncadd.tile.s32 @!p0 $0x1;
	_ =	shalt  }
.Lfunc_end2:
_tile_overlayer_lowered:
.L_overlay_start_2:
0x776: {  	(tag) =	ssettag $0x2  }
0x777: {  	s0 =	rddreg [dreg:$0x0];
	s2 =	stileid.u32  }
0x778: {  	s1 =	rddreg [dreg:$0x1];
	p0 =	sne.s32 s2, $0x0  }
0x779: {  	s3 =	rddreg [dreg:$0x2];
	[bflag:$0x3] =	sbarrier.arrive $0xFFFF;
	s2 =	simm.s32 @!p0 $0x1C05  }
0x77a: {  	[timem:s3], [sflag:s2] =	dma.local @!p0 [hbm:s0], s1  }
0x77b: {  	s0 =	simm.s32 @!p0 $0x5  }
0x77c: {  	_ =	swait.ge @!p0 [sflag:s0], s1  }
0x77d: {  	s1 =	ssub.s32 @!p0 $0x0, s1;
	[sflag:s0] =	ssyncset.done @!p0 $0x0  }
0x77e: {  	[sflag:s0] =	ssyncadd.s32 @!p0 s1  }
0x77f: {  	[bflag:$0x3] =	sbarrier.arrive $0xFFFF  }
0x780: {  	_ =	shalt  }

</sc_bundles>
